<compile_context>
chip_gen: v7x
topology: tpu7x:2x2x1
jax: 0.10.2.dev20260603
libtpu: 0.0.44.dev20260713+nightly
codegen_flags: <defaults>
</compile_context>

<pallas_src>
import jax
import jax.numpy as jnp
from jax import lax
from jax.experimental import pallas as pl
from jax.experimental.pallas import tpu as pltpu
from jax.experimental.pallas import tpu_sc as plsc

N = 4096
E = 65536
RAW = 16
H = 128
OUT = 128
NEXP = 8
NGRAPH = 8

NC = 2
NS = 16
NW = NC * NS
EW = E // NW
CH = 128
CHS = 128
NCH = EW // CHS
RB = 512


def _enc_body(x_ref, w_ref, b_ref, o_ref):
    w_pad = jnp.concatenate(
        [jnp.zeros((4, H), jnp.float32), w_ref[...],
         jnp.zeros((RAW - 10, H), jnp.float32)], axis=0)
    h = jnp.dot(x_ref[...], w_pad, preferred_element_type=jnp.float32)
    o_ref[...] = jnp.maximum(h + b_ref[...], 0.0)


def _encoder(x, w_enc, b):
    return pl.pallas_call(
        _enc_body,
        out_shape=jax.ShapeDtypeStruct((N, H), jnp.float32),
    )(x, w_enc, b)


NB = 3
AH = 3


def _stream_pipeline(units, gather_of, scatter_of, rows, sg, ss):
    nu = len(units)
    g = [None] * nu
    sc = [None] * nu
    waited = [False] * nu
    for k in range(min(AH, nu)):
        g[k] = gather_of(units[k], rows[k % NB], sg[k % NB])
    for k in range(nu):
        b = k % NB
        g[k].wait()
        sc[k] = scatter_of(units[k], rows[b], ss[b])
        nxt = k + AH
        if nxt < nu:
            prev = nxt - NB
            if prev >= 0:
                sc[prev].wait()
                waited[prev] = True
            g[nxt] = gather_of(units[nxt], rows[nxt % NB], sg[nxt % NB])
    for k in range(nu):
        if not waited[k]:
            sc[k].wait()


def _sc_agg_body(h_hbm, src_hbm, dst_hbm, zer_hbm, out_hbm,
                 src_v, dst_v, r0, r1, r2,
                 acc_sh, g0, g1, g2, s0, s1, s2):
    c = lax.axis_index("c")
    s = lax.axis_index("s")
    w = c * NS + s
    rpt = N // NS
    for r in range(rpt // CHS):
        pltpu.sync_copy(zer_hbm, acc_sh.at[pl.ds(s * rpt + r * CHS, CHS)])
    pltpu.sync_copy(src_hbm.at[w], src_v)
    pltpu.sync_copy(dst_hbm.at[w], dst_v)
    plsc.subcore_barrier()
    _stream_pipeline(
        list(range(NCH)),
        lambda t, buf, sem: pltpu.async_copy(h_hbm.at[src_v.at[t]], buf, sem),
        lambda t, buf, sem: pltpu.async_copy(buf, acc_sh.at[dst_v.at[t]], sem,
                                             add=True),
        (r0, r1, r2),
        (g0, g1, g2),
        (s0, s1, s2))
    plsc.subcore_barrier()
    pltpu.sync_copy(acc_sh.at[pl.ds(s * rpt, rpt)],
                    out_hbm.at[pl.ds(c * N + s * rpt, rpt)])


def _sc_agg(h, src, dst):
    zer = jnp.zeros((CHS, H), jnp.float32)
    src3 = src.reshape(NW, NCH, CHS)
    dst3 = dst.reshape(NW, NCH, CHS)
    mesh = plsc.VectorSubcoreMesh(core_axis_name="c", subcore_axis_name="s")
    out = pl.kernel(
        _sc_agg_body,
        out_type=jax.ShapeDtypeStruct((NC * N, H), jnp.float32),
        mesh=mesh,
        scratch_types=[
            pltpu.VMEM((NCH, CHS), jnp.int32),
            pltpu.VMEM((NCH, CHS), jnp.int32),
        ] + [pltpu.VMEM((CHS, H), jnp.float32)] * NB
          + [pltpu.VMEM_SHARED((N, H), jnp.float32)]
          + [pltpu.SemaphoreType.DMA] * (2 * NB),
    )(h, src3, dst3, zer)
    return out.reshape(NC, N, H)


NHI = N // CH


DC = 8192


def _sizefeat_body(dr_ref, batch2_ref, sf1_ref, sf2_ref):
    hi_iota = lax.broadcasted_iota(jnp.int32, (NHI, DC), 0)
    lo_iota = lax.broadcasted_iota(jnp.int32, (CH, DC), 0)
    deg_t = jnp.zeros((CH, NHI), jnp.float32)
    for cix in range(E // DC):
        row = dr_ref[0:1, cix * DC:(cix + 1) * DC]
        a = (row // CH == hi_iota).astype(jnp.bfloat16)
        bt = (row % CH == lo_iota).astype(jnp.bfloat16)
        deg_t = deg_t + lax.dot_general(
            bt, a, (((1,), (1,)), ((), ())),
            preferred_element_type=jnp.float32)
    deg = jnp.transpose(deg_t)
    b2 = batch2_ref[...]
    gs = jnp.zeros((NHI, CH), jnp.float32)
    for g in range(NGRAPH):
        m = (b2 == g)
        cnt = jnp.sum(m.astype(jnp.float32))
        gs = gs + jnp.where(m, cnt, 0.0)
    sf1_ref[...] = jnp.log(1.0 + gs)
    sf2_ref[...] = jnp.log(1.0 + deg)


def _sizefeat(dst, batch):
    return pl.pallas_call(
        _sizefeat_body,
        out_shape=[jax.ShapeDtypeStruct((NHI, CH), jnp.float32)] * 2,
    )(dst.reshape(1, E), batch.reshape(NHI, CH))


def _router_body(h_ref, sf1_ref, sf2_ref,
                 wqh_ref, wqs_ref, bq_ref,
                 wkh_ref, wks_ref, bk_ref,
                 wvh_ref, wvs_ref, bv_ref,
                 wo_ref, bo_ref,
                 e2_ref, g2_ref,
                 k_s, v_s):
    i = pl.program_id(0)

    @pl.when(i == 0)
    def _init():
        sf1 = sf1_ref[...]
        sf2 = sf2_ref[...]
        h = h_ref[...]
        k_s[...] = (jnp.dot(h, wkh_ref[...], preferred_element_type=jnp.float32)
                    + sf1 * wks_ref[0:1, :] + sf2 * wks_ref[1:2, :] + bk_ref[...])
        v_s[...] = (jnp.dot(h, wvh_ref[...], preferred_element_type=jnp.float32)
                    + sf1 * wvs_ref[0:1, :] + sf2 * wvs_ref[1:2, :] + bv_ref[...])

    rows = pl.ds(i * RB, RB)
    hq = h_ref[rows, :]
    q = (jnp.dot(hq, wqh_ref[...], preferred_element_type=jnp.float32)
         + sf1_ref[rows, :] * wqs_ref[0:1, :]
         + sf2_ref[rows, :] * wqs_ref[1:2, :] + bq_ref[...])
    scores = lax.dot_general(q, k_s[...], (((1,), (1,)), ((), ())),
                             preferred_element_type=jnp.float32)
    ex = jnp.exp(scores / jnp.sqrt(jnp.float32(H + 2)))
    ssum = jnp.sum(ex, axis=1, keepdims=True)
    fused = jnp.dot(ex, v_s[...], preferred_element_type=jnp.float32) / ssum
    logits = jnp.dot(fused, wo_ref[...], preferred_element_type=jnp.float32) + bo_ref[...]
    lm = jnp.max(logits, axis=1, keepdims=True)
    probs = jnp.exp(logits - lm)

    j = lax.broadcasted_iota(jnp.int32, (RB, NEXP), 1)
    m1 = jnp.max(probs, axis=1, keepdims=True)
    a1 = jnp.min(jnp.where(probs == m1, j, NEXP), axis=1, keepdims=True)
    masked = jnp.where(j == a1, -1.0, probs)
    m2 = jnp.max(masked, axis=1, keepdims=True)
    a2 = jnp.min(jnp.where(masked == m2, j, NEXP), axis=1, keepdims=True)
    den = m1 + m2 + 1e-9
    g1 = m1 / den
    g2 = m2 / den
    code = a1 * 16 + a2
    e2_ref[...] = jnp.where(j == 0, a1, jnp.where(j == 1, a2,
                            jnp.where(j == 2, code, 0)))
    g2_ref[...] = jnp.where(j == 0, g1, jnp.where(j == 1, g2, 0.0))


def _router(h, sf1, sf2, wqh, wqs, bq, wkh, wks, bk, wvh, wvs, bv, wo, bo):
    full = lambda shape: pl.BlockSpec(shape, lambda i: tuple(0 for _ in shape))
    return pl.pallas_call(
        _router_body,
        grid=(N // RB,),
        in_specs=[
            full((N, H)),
            full((N, 1)),
            full((N, 1)),
            full((H, H)), full((2, H)), full((1, H)),
            full((H, H)), full((2, H)), full((1, H)),
            full((H, H)), full((2, H)), full((1, H)),
            full((H, NEXP)), full((1, NEXP)),
        ],
        out_specs=[
            pl.BlockSpec((RB, NEXP), lambda i: (i, 0)),
            pl.BlockSpec((RB, NEXP), lambda i: (i, 0)),
        ],
        out_shape=[
            jax.ShapeDtypeStruct((N, NEXP), jnp.int32),
            jax.ShapeDtypeStruct((N, NEXP), jnp.float32),
        ],
        scratch_shapes=[
            pltpu.VMEM((N, H), jnp.float32),
            pltpu.VMEM((N, H), jnp.float32),
        ],
    )(h, sf1, sf2, wqh, wqs, bq, wkh, wks, bk, wvh, wvs, bv, wo, bo)


def _experts_body(h_ref, aggh_ref, we1_ref, be1_ref, we2_ref, be2_ref,
                  e2_ref, g2_ref, u_ref, self_ref, t_s):
    e = pl.program_id(0)

    @pl.when(e == 0)
    def _init():
        t_s[...] = h_ref[...] + aggh_ref[0] + aggh_ref[1]
        self_ref[...] = jnp.zeros((N, OUT), jnp.float32)

    he = jnp.dot(t_s[...], we1_ref[0], preferred_element_type=jnp.float32)
    he = jnp.maximum(he + be1_ref[0], 0.0)
    u = jnp.dot(he, we2_ref[0], preferred_element_type=jnp.float32)
    u_ref[0] = u
    coef = (jnp.where(e2_ref[:, 0:1] == e, g2_ref[:, 0:1], 0.0)
            + jnp.where(e2_ref[:, 1:2] == e, g2_ref[:, 1:2], 0.0))
    self_ref[...] += coef * (u + be2_ref[0])


def _experts(h, aggh, we1, be1, we2, be2, e2, g2):
    full = lambda shape: pl.BlockSpec(shape, lambda e: tuple(0 for _ in shape))
    return pl.pallas_call(
        _experts_body,
        grid=(NEXP,),
        in_specs=[
            full((N, H)),
            full((2, N, H)),
            pl.BlockSpec((1, H, H), lambda e: (e, 0, 0)),
            pl.BlockSpec((1, 1, H), lambda e: (e, 0, 0)),
            pl.BlockSpec((1, H, OUT), lambda e: (e, 0, 0)),
            pl.BlockSpec((1, 1, OUT), lambda e: (e, 0, 0)),
            full((N, NEXP)),
            full((N, NEXP)),
        ],
        out_specs=[
            pl.BlockSpec((1, N, OUT), lambda e: (e, 0, 0)),
            pl.BlockSpec((N, OUT), lambda e: (0, 0)),
        ],
        out_shape=[
            jax.ShapeDtypeStruct((NEXP, N, OUT), jnp.float32),
            jax.ShapeDtypeStruct((N, OUT), jnp.float32),
        ],
        scratch_shapes=[pltpu.VMEM((N, H), jnp.float32)],
    )(h, aggh, we1, be1, we2, be2, e2, g2)


EB = E // CH


def _edgeprep_body(code_ref, src_ref, dst_ref, i1_ref, i2_ref, db_ref):
    dstv = dst_ref[...]
    srcv = src_ref[...]
    hi = dstv // CH
    lo = dstv % CH
    code = jnp.zeros((EB, CH), jnp.int32)
    for r in range(N // CH):
        row = jnp.broadcast_to(code_ref[0:1, r * CH:(r + 1) * CH], (EB, CH))
        gr = jnp.take_along_axis(row, lo, axis=1)
        code = jnp.where(hi == r, gr, code)
    e1v = code // 16
    e2v = code % 16
    i1_ref[...] = e1v * N + srcv
    i2_ref[...] = e2v * N + srcv
    db_ref[...] = dstv + N


def _edgeprep(code_row, src2, dst2):
    return pl.pallas_call(
        _edgeprep_body,
        out_shape=[jax.ShapeDtypeStruct((EB, CH), jnp.int32)] * 3,
    )(code_row, src2, dst2)


def _sc_disp_body(u_hbm, idx1_hbm, idx2_hbm, dst_hbm, dst2_hbm, zer_hbm,
                  out_hbm, idx1_v, idx2_v, dst_v, dst2_v,
                  r0, r1, r2,
                  acc_sh, g0, g1, g2, s0, s1, s2):
    c = lax.axis_index("c")
    s = lax.axis_index("s")
    w = c * NS + s
    rpt = 2 * N // NS
    for r in range(rpt // CHS):
        pltpu.sync_copy(zer_hbm, acc_sh.at[pl.ds(s * rpt + r * CHS, CHS)])
    pltpu.sync_copy(idx1_hbm.at[w], idx1_v)
    pltpu.sync_copy(idx2_hbm.at[w], idx2_v)
    pltpu.sync_copy(dst_hbm.at[w], dst_v)
    pltpu.sync_copy(dst2_hbm.at[w], dst2_v)
    plsc.subcore_barrier()
    units = []
    for t in range(NCH):
        units.append((idx1_v, dst_v, t))
        units.append((idx2_v, dst2_v, t))
    _stream_pipeline(
        units,
        lambda u, buf, sem: pltpu.async_copy(u_hbm.at[u[0].at[u[2]]], buf, sem),
        lambda u, buf, sem: pltpu.async_copy(buf, acc_sh.at[u[1].at[u[2]]], sem,
                                             add=True),
        (r0, r1, r2),
        (g0, g1, g2),
        (s0, s1, s2))
    plsc.subcore_barrier()
    pltpu.sync_copy(acc_sh.at[pl.ds(s * rpt, rpt)],
                    out_hbm.at[pl.ds(c * 2 * N + s * rpt, rpt)])


def _sc_dispatch(u_flat, idx1, idx2, dst, dstb):
    zer = jnp.zeros((CHS, OUT), jnp.float32)
    mesh = plsc.VectorSubcoreMesh(core_axis_name="c", subcore_axis_name="s")
    out = pl.kernel(
        _sc_disp_body,
        out_type=jax.ShapeDtypeStruct((NC * 2 * N, OUT), jnp.float32),
        mesh=mesh,
        scratch_types=[
            pltpu.VMEM((NCH, CHS), jnp.int32),
            pltpu.VMEM((NCH, CHS), jnp.int32),
            pltpu.VMEM((NCH, CHS), jnp.int32),
            pltpu.VMEM((NCH, CHS), jnp.int32),
        ] + [pltpu.VMEM((CHS, OUT), jnp.float32)] * NB
          + [pltpu.VMEM_SHARED((2 * N, OUT), jnp.float32)]
          + [pltpu.SemaphoreType.DMA] * (2 * NB),
    )(u_flat,
      idx1.reshape(NW, NCH, CHS), idx2.reshape(NW, NCH, CHS),
      dst.reshape(NW, NCH, CHS), dstb.reshape(NW, NCH, CHS), zer)
    return out.reshape(NC, 2 * N, OUT)


def _combine_body(self_ref, acc_ref, g2_ref, o_ref):
    a1 = acc_ref[0, :N, :] + acc_ref[1, :N, :]
    a2 = acc_ref[0, N:, :] + acc_ref[1, N:, :]
    o_ref[...] = (self_ref[...]
                  + g2_ref[:, 0:1] * a1 + g2_ref[:, 1:2] * a2)


def _combine(selfp, acc, g2):
    return pl.pallas_call(
        _combine_body,
        out_shape=jax.ShapeDtypeStruct((N, OUT), jnp.float32),
    )(selfp, acc, g2)


def kernel(x, edge_index, batch, W_enc, b_enc, Wq, bq, Wk, bk, Wv, bv, Wo, bo,
           We1, be1, We2, be2):
    src = edge_index[0]
    dst = edge_index[1]

    h = _encoder(x, W_enc, b_enc.reshape(1, H))
    aggh = _sc_agg(h, src, dst)
    sf1, sf2 = _sizefeat(dst, batch)

    e2g, g2g = _router(
        h, sf1.reshape(N, 1), sf2.reshape(N, 1),
        Wq[:H], Wq[H:], bq.reshape(1, H),
        Wk[:H], Wk[H:], bk.reshape(1, H),
        Wv[:H], Wv[H:], bv.reshape(1, H),
        Wo, bo.reshape(1, NEXP))

    u, selfp = _experts(h, aggh, We1, be1.reshape(NEXP, 1, H),
                        We2, be2.reshape(NEXP, 1, OUT), e2g, g2g)

    code_row = e2g[:, 2].reshape(1, N)
    eidx1, eidx2, edstb = _edgeprep(code_row, src.reshape(EB, CH),
                                    dst.reshape(EB, CH))
    acc = _sc_dispatch(u.reshape(NEXP * N, OUT), eidx1, eidx2, dst, edstb)
    return _combine(selfp, acc, g2g)

# --- scband reference (transcript-rebuilt; emitter-appended) ---
"""Pipeline reference for scband-graph-mo-eattention-router-10101763080593 (READ-ONLY COPY).

The authoritative reference and input builder live on the scoring server;
editing this copy changes nothing except your own understanding.
"""

import jax, jax.numpy as jnp
import numpy as np

N = 4096
E_EDGES = 65536
RAW = 16
XS, XE = 4, 10
IN_DIM = XE - XS
H = 128
OUT = 128
NEXP = 8
TOPK = 2
NGRAPH = 8


def _w(k, shape, scale=0.05):
    return jax.random.normal(k, shape, dtype=jnp.float32) * scale


def setup_inputs(seed: int = 0) -> dict:
    key = jax.random.key(seed)
    ks = jax.random.split(key, 16)
    inp = {}
    inp['x'] = jax.random.normal(ks[0], (N, RAW), dtype=jnp.float32)
    inp['edge_index'] = jax.random.randint(ks[1], (2, E_EDGES), 0, N, dtype=jnp.int32)
    inp['batch'] = jnp.sort(jax.random.randint(ks[2], (N,), 0, NGRAPH, dtype=jnp.int32))
    # SharedBusEncoder params
    inp['W_enc'] = _w(ks[3], (IN_DIM, H), 0.2)
    inp['b_enc'] = jnp.zeros((H,), dtype=jnp.float32)
    # attention router params (input dim H+2 from size features)
    inp['Wq'] = _w(ks[4], (H + 2, H))
    inp['bq'] = jnp.zeros((H,), dtype=jnp.float32)
    inp['Wk'] = _w(ks[5], (H + 2, H))
    inp['bk'] = jnp.zeros((H,), dtype=jnp.float32)
    inp['Wv'] = _w(ks[6], (H + 2, H))
    inp['bv'] = jnp.zeros((H,), dtype=jnp.float32)
    inp['Wo'] = _w(ks[7], (H, NEXP))
    inp['bo'] = jnp.zeros((NEXP,), dtype=jnp.float32)
    # per-expert 2-layer graph conv params (stacked over experts)
    inp['We1'] = _w(ks[8], (NEXP, H, H))
    inp['be1'] = jnp.zeros((NEXP, H), dtype=jnp.float32)
    inp['We2'] = _w(ks[9], (NEXP, H, OUT))
    inp['be2'] = jnp.zeros((NEXP, OUT), dtype=jnp.float32)
    return inp


def reference(x, edge_index, batch, W_enc, b_enc, Wq, bq, Wk, bk, Wv, bv, Wo, bo, We1, be1, We2, be2):
    # extract_bus_inputs: slice bus feature columns
    xs = x[:, XS:XE]
    # SharedBusEncoder
    h = jax.nn.relu(xs @ W_enc + b_enc)
    # graph_size_features: per-node graph size and in-degree
    nodes_per_graph = jnp.bincount(batch, length=NGRAPH)
    gsize = nodes_per_graph[batch].astype(jnp.float32)
    deg = jnp.bincount(edge_index[1], length=N).astype(jnp.float32)
    size_feat = jnp.stack([jnp.log1p(gsize), jnp.log1p(deg)], axis=-1)
    z = jnp.concatenate([h, size_feat], axis=-1)
    # self-attentive router
    q = z @ Wq + bq
    k_ = z @ Wk + bk
    v = z @ Wv + bv
    attn = jax.nn.softmax((q @ k_.T) / jnp.sqrt(jnp.float32(z.shape[-1])), axis=-1)
    fused = attn @ v
    logits = fused @ Wo + bo
    # sparse_routing: softmax + top-k renormalized sparse gates
    probs = jax.nn.softmax(logits, axis=-1)
    vals, idx = jax.lax.top_k(probs, TOPK)
    sparse = jnp.zeros_like(probs).at[jnp.arange(N)[:, None], idx].set(vals)
    sparse = sparse / (jnp.sum(sparse, axis=-1, keepdims=True) + 1e-9)
    # GraphConvExperts: n_layers=2 message-passing layers each
    src = edge_index[0]
    dst = edge_index[1]
    ys = []
    for e in range(NEXP):
        he = h
        agg = jax.ops.segment_sum(he[src], dst, num_segments=N)
        he = jax.nn.relu((he + agg) @ We1[e] + be1[e])
        agg = jax.ops.segment_sum(he[src], dst, num_segments=N)
        he = (he + agg) @ We2[e] + be2[e]
        ys.append(he)
    y = jnp.stack(ys, axis=1)  # [N, NEXP, OUT]
    return jnp.sum(y * sparse[:, :, None], axis=1)

if __name__ == "__main__":
    import jax
    _d = setup_inputs()
    print(jax.jit(kernel)(*tuple(_d.values())))

</pallas_src>

<mosaic_0001>
#map = affine_map<(d0, d1) -> (0, 0)>
#map1 = affine_map<(d0, d1) -> (0, 0, 0)>
module attributes {stable_mosaic.version = 14 : i64} {
  func.func @_sc_agg_body(%arg0: i32, %arg1: i32, %arg2: memref<4096x128xf32, #tpu.memory_space<hbm>>, %arg3: memref<32x16x128xi32, #tpu.memory_space<hbm>>, %arg4: memref<32x16x128xi32, #tpu.memory_space<hbm>>, %arg5: memref<128x128xf32, #tpu.memory_space<hbm>>, %arg6: memref<8192x128xf32, #tpu.memory_space<hbm>>, %arg7: memref<16x128xi32, #tpu.memory_space<vmem>>, %arg8: memref<16x128xi32, #tpu.memory_space<vmem>>, %arg9: memref<128x128xf32, #tpu.memory_space<vmem>>, %arg10: memref<128x128xf32, #tpu.memory_space<vmem>>, %arg11: memref<128x128xf32, #tpu.memory_space<vmem>>, %arg12: memref<4096x128xf32, #tpu.memory_space<vmem_shared>>, %arg13: memref<!tpu.dma_semaphore, #tpu.memory_space<semaphore_mem>>, %arg14: memref<!tpu.dma_semaphore, #tpu.memory_space<semaphore_mem>>, %arg15: memref<!tpu.dma_semaphore, #tpu.memory_space<semaphore_mem>>, %arg16: memref<!tpu.dma_semaphore, #tpu.memory_space<semaphore_mem>>, %arg17: memref<!tpu.dma_semaphore, #tpu.memory_space<semaphore_mem>>, %arg18: memref<!tpu.dma_semaphore, #tpu.memory_space<semaphore_mem>>) attributes {dimension_semantics = [#tpu.dimension_semantics<core_parallel>, #tpu.dimension_semantics<subcore_parallel>], iteration_bounds = array<i64: 2, 16>, scalar_prefetch = 0 : i64, scratch_operands = 12 : i64, tpu.core_type = #tpu.core_type<sc_vector_subcore>, window_params = [{transform_indices = #map}, {transform_indices = #map1}, {transform_indices = #map1}, {transform_indices = #map}, {transform_indices = #map}]} {
    %mul3A = arith.constant 16 : i32
    %mul3A_0 = arith.muli %arg0, %mul3A : i32
    %add3A = arith.addi %mul3A_0, %arg1 : i32
    %mul3A_1 = arith.constant 256 : i32
    %mul3A_2 = arith.muli %arg1, %mul3A_1 : i32
    %add3A_3 = arith.constant 0 : i32
    %add3A_4 = arith.addi %mul3A_2, %add3A_3 : i32
    "tpu.region"() ({
      %run_scoped3A = tpu.sem_alloc : memref<!tpu.dma_semaphore, #tpu.memory_space<semaphore_mem>>
      %dma_start3A_463 = arith.constant 0 : i32
      %dma_start3A_464 = tpu.memref_slice %arg12[%add3A_4, %dma_start3A_463] : memref<4096x128xf32, #tpu.memory_space<vmem_shared>> -> memref<128x128xf32, #tpu.memory_space<vmem_shared>>
      tpu.enqueue_dma source(%arg5 : memref<128x128xf32, #tpu.memory_space<hbm>>) target(%dma_start3A_464 : memref<128x128xf32, #tpu.memory_space<vmem_shared>>) target_semaphore(%run_scoped3A : memref<!tpu.dma_semaphore, #tpu.memory_space<semaphore_mem>>)
      %dma_wait3A_465 = arith.constant 0 : i32
      %dma_wait3A_466 = tpu.memref_slice %arg12[%add3A_4, %dma_wait3A_465] : memref<4096x128xf32, #tpu.memory_space<vmem_shared>> -> memref<128x128xf32, #tpu.memory_space<vmem_shared>>
      tpu.wait_dma2 semaphore(%run_scoped3A : memref<!tpu.dma_semaphore, #tpu.memory_space<semaphore_mem>>) src(%arg5 : memref<128x128xf32, #tpu.memory_space<hbm>>) dst(%dma_wait3A_466 : memref<128x128xf32, #tpu.memory_space<vmem_shared>>)
      tpu.yield
    }) : () -> ()
    %mul3A_5 = arith.constant 256 : i32
    %mul3A_6 = arith.muli %arg1, %mul3A_5 : i32
    %add3A_7 = arith.constant 128 : i32
    %add3A_8 = arith.addi %mul3A_6, %add3A_7 : i32
    "tpu.region"() ({
      %run_scoped3A = tpu.sem_alloc : memref<!tpu.dma_semaphore, #tpu.memory_space<semaphore_mem>>
      %dma_start3A_463 = arith.constant 0 : i32
      %dma_start3A_464 = tpu.memref_slice %arg12[%add3A_8, %dma_start3A_463] : memref<4096x128xf32, #tpu.memory_space<vmem_shared>> -> memref<128x128xf32, #tpu.memory_space<vmem_shared>>
      tpu.enqueue_dma source(%arg5 : memref<128x128xf32, #tpu.memory_space<hbm>>) target(%dma_start3A_464 : memref<128x128xf32, #tpu.memory_space<vmem_shared>>) target_semaphore(%run_scoped3A : memref<!tpu.dma_semaphore, #tpu.memory_space<semaphore_mem>>)
      %dma_wait3A_465 = arith.constant 0 : i32
      %dma_wait3A_466 = tpu.memref_slice %arg12[%add3A_8, %dma_wait3A_465] : memref<4096x128xf32, #tpu.memory_space<vmem_shared>> -> memref<128x128xf32, #tpu.memory_space<vmem_shared>>
      tpu.wait_dma2 semaphore(%run_scoped3A : memref<!tpu.dma_semaphore, #tpu.memory_space<semaphore_mem>>) src(%arg5 : memref<128x128xf32, #tpu.memory_space<hbm>>) dst(%dma_wait3A_466 : memref<128x128xf32, #tpu.memory_space<vmem_shared>>)
      tpu.yield
    }) : () -> ()
    "tpu.region"() ({
      %run_scoped3A = tpu.sem_alloc : memref<!tpu.dma_semaphore, #tpu.memory_space<semaphore_mem>>
      %dma_start3A_463 = arith.constant 0 : i32
      %dma_start3A_464 = arith.constant 0 : i32
      %dma_start3A_465 = tpu.memref_slice %arg3[%add3A, %dma_start3A_463, %dma_start3A_464] : memref<32x16x128xi32, #tpu.memory_space<hbm>> -> memref<1x16x128xi32, #tpu.memory_space<hbm>>
      %dma_start3A_466 = tpu.memref_squeeze %dma_start3A_465 : memref<1x16x128xi32, #tpu.memory_space<hbm>> -> memref<16x128xi32, #tpu.memory_space<hbm>>
      %dma_start3A_467 = arith.constant 0 : i32
      %dma_start3A_468 = arith.constant 0 : i32
      %dma_start3A_469 = tpu.memref_slice %arg3[%add3A, %dma_start3A_467, %dma_start3A_468] : memref<32x16x128xi32, #tpu.memory_space<hbm>> -> memref<1x16x128xi32, #tpu.memory_space<hbm>>
      %dma_start3A_470 = tpu.memref_squeeze %dma_start3A_469 : memref<1x16x128xi32, #tpu.memory_space<hbm>> -> memref<16x128xi32, #tpu.memory_space<hbm>>
      tpu.enqueue_dma source(%dma_start3A_470 : memref<16x128xi32, #tpu.memory_space<hbm>>) target(%arg7 : memref<16x128xi32, #tpu.memory_space<vmem>>) target_semaphore(%run_scoped3A : memref<!tpu.dma_semaphore, #tpu.memory_space<semaphore_mem>>)
      %dma_wait3A_471 = arith.constant 0 : i32
      %dma_wait3A_472 = arith.constant 0 : i32
      %dma_wait3A_473 = tpu.memref_slice %arg3[%add3A, %dma_wait3A_471, %dma_wait3A_472] : memref<32x16x128xi32, #tpu.memory_space<hbm>> -> memref<1x16x128xi32, #tpu.memory_space<hbm>>
      %dma_wait3A_474 = tpu.memref_squeeze %dma_wait3A_473 : memref<1x16x128xi32, #tpu.memory_space<hbm>> -> memref<16x128xi32, #tpu.memory_space<hbm>>
      %dma_wait3A_475 = arith.constant 0 : i32
      %dma_wait3A_476 = arith.constant 0 : i32
      %dma_wait3A_477 = tpu.memref_slice %arg3[%add3A, %dma_wait3A_475, %dma_wait3A_476] : memref<32x16x128xi32, #tpu.memory_space<hbm>> -> memref<1x16x128xi32, #tpu.memory_space<hbm>>
      %dma_wait3A_478 = tpu.memref_squeeze %dma_wait3A_477 : memref<1x16x128xi32, #tpu.memory_space<hbm>> -> memref<16x128xi32, #tpu.memory_space<hbm>>
      tpu.wait_dma2 semaphore(%run_scoped3A : memref<!tpu.dma_semaphore, #tpu.memory_space<semaphore_mem>>) src(%dma_wait3A_478 : memref<16x128xi32, #tpu.memory_space<hbm>>) dst(%arg7 : memref<16x128xi32, #tpu.memory_space<vmem>>)
      tpu.yield
    }) : () -> ()
    "tpu.region"() ({
      %run_scoped3A = tpu.sem_alloc : memref<!tpu.dma_semaphore, #tpu.memory_space<semaphore_mem>>
      %dma_start3A_463 = arith.constant 0 : i32
      %dma_start3A_464 = arith.constant 0 : i32
      %dma_start3A_465 = tpu.memref_slice %arg4[%add3A, %dma_start3A_463, %dma_start3A_464] : memref<32x16x128xi32, #tpu.memory_space<hbm>> -> memref<1x16x128xi32, #tpu.memory_space<hbm>>
      %dma_start3A_466 = tpu.memref_squeeze %dma_start3A_465 : memref<1x16x128xi32, #tpu.memory_space<hbm>> -> memref<16x128xi32, #tpu.memory_space<hbm>>
      %dma_start3A_467 = arith.constant 0 : i32
      %dma_start3A_468 = arith.constant 0 : i32
      %dma_start3A_469 = tpu.memref_slice %arg4[%add3A, %dma_start3A_467, %dma_start3A_468] : memref<32x16x128xi32, #tpu.memory_space<hbm>> -> memref<1x16x128xi32, #tpu.memory_space<hbm>>
      %dma_start3A_470 = tpu.memref_squeeze %dma_start3A_469 : memref<1x16x128xi32, #tpu.memory_space<hbm>> -> memref<16x128xi32, #tpu.memory_space<hbm>>
      tpu.enqueue_dma source(%dma_start3A_470 : memref<16x128xi32, #tpu.memory_space<hbm>>) target(%arg8 : memref<16x128xi32, #tpu.memory_space<vmem>>) target_semaphore(%run_scoped3A : memref<!tpu.dma_semaphore, #tpu.memory_space<semaphore_mem>>)
      %dma_wait3A_471 = arith.constant 0 : i32
      %dma_wait3A_472 = arith.constant 0 : i32
      %dma_wait3A_473 = tpu.memref_slice %arg4[%add3A, %dma_wait3A_471, %dma_wait3A_472] : memref<32x16x128xi32, #tpu.memory_space<hbm>> -> memref<1x16x128xi32, #tpu.memory_space<hbm>>
      %dma_wait3A_474 = tpu.memref_squeeze %dma_wait3A_473 : memref<1x16x128xi32, #tpu.memory_space<hbm>> -> memref<16x128xi32, #tpu.memory_space<hbm>>
      %dma_wait3A_475 = arith.constant 0 : i32
      %dma_wait3A_476 = arith.constant 0 : i32
      %dma_wait3A_477 = tpu.memref_slice %arg4[%add3A, %dma_wait3A_475, %dma_wait3A_476] : memref<32x16x128xi32, #tpu.memory_space<hbm>> -> memref<1x16x128xi32, #tpu.memory_space<hbm>>
      %dma_wait3A_478 = tpu.memref_squeeze %dma_wait3A_477 : memref<1x16x128xi32, #tpu.memory_space<hbm>> -> memref<16x128xi32, #tpu.memory_space<hbm>>
      tpu.wait_dma2 semaphore(%run_scoped3A : memref<!tpu.dma_semaphore, #tpu.memory_space<semaphore_mem>>) src(%dma_wait3A_478 : memref<16x128xi32, #tpu.memory_space<hbm>>) dst(%arg8 : memref<16x128xi32, #tpu.memory_space<vmem>>)
      tpu.yield
    }) : () -> ()
    %barrier3A = arith.constant 0 : index
    tpu.barrier barrier_id(%barrier3A)
    %dma_start3A = arith.constant 0 : i32
    %dma_start3A_9 = arith.constant 0 : i32
    %dma_start3A_10 = tpu.memref_slice %arg7[%dma_start3A, %dma_start3A_9] : memref<16x128xi32, #tpu.memory_space<vmem>> -> memref<1x128xi32, #tpu.memory_space<vmem>>
    %dma_start3A_11 = tpu.memref_squeeze %dma_start3A_10 : memref<1x128xi32, #tpu.memory_space<vmem>> -> memref<128xi32, #tpu.memory_space<vmem>>
    %dma_start3A_12 = arith.constant 0 : i32
    %dma_start3A_13 = arith.constant 0 : i32
    %dma_start3A_14 = tpu.memref_slice %arg2[%dma_start3A_12, %dma_start3A_13] : memref<4096x128xf32, #tpu.memory_space<hbm>> -> memref<4096x128xf32, #tpu.memory_space<hbm>>
    tpu.enqueue_indirect_dma source(%dma_start3A_14 : memref<4096x128xf32, #tpu.memory_space<hbm>>) target(%arg9 : memref<128x128xf32, #tpu.memory_space<vmem>>) offsets(%dma_start3A_11 : memref<128xi32, #tpu.memory_space<vmem>>) semaphore(%arg13 : memref<!tpu.dma_semaphore, #tpu.memory_space<semaphore_mem>>)
    %dma_start3A_15 = arith.constant 1 : i32
    %dma_start3A_16 = arith.constant 0 : i32
    %dma_start3A_17 = tpu.memref_slice %arg7[%dma_start3A_15, %dma_start3A_16] : memref<16x128xi32, #tpu.memory_space<vmem>> -> memref<1x128xi32, #tpu.memory_space<vmem>>
    %dma_start3A_18 = tpu.memref_squeeze %dma_start3A_17 : memref<1x128xi32, #tpu.memory_space<vmem>> -> memref<128xi32, #tpu.memory_space<vmem>>
    %dma_start3A_19 = arith.constant 0 : i32
    %dma_start3A_20 = arith.constant 0 : i32
    %dma_start3A_21 = tpu.memref_slice %arg2[%dma_start3A_19, %dma_start3A_20] : memref<4096x128xf32, #tpu.memory_space<hbm>> -> memref<4096x128xf32, #tpu.memory_space<hbm>>
    tpu.enqueue_indirect_dma source(%dma_start3A_21 : memref<4096x128xf32, #tpu.memory_space<hbm>>) target(%arg10 : memref<128x128xf32, #tpu.memory_space<vmem>>) offsets(%dma_start3A_18 : memref<128xi32, #tpu.memory_space<vmem>>) semaphore(%arg14 : memref<!tpu.dma_semaphore, #tpu.memory_space<semaphore_mem>>)
    %dma_start3A_22 = arith.constant 2 : i32
    %dma_start3A_23 = arith.constant 0 : i32
    %dma_start3A_24 = tpu.memref_slice %arg7[%dma_start3A_22, %dma_start3A_23] : memref<16x128xi32, #tpu.memory_space<vmem>> -> memref<1x128xi32, #tpu.memory_space<vmem>>
    %dma_start3A_25 = tpu.memref_squeeze %dma_start3A_24 : memref<1x128xi32, #tpu.memory_space<vmem>> -> memref<128xi32, #tpu.memory_space<vmem>>
    %dma_start3A_26 = arith.constant 0 : i32
    %dma_start3A_27 = arith.constant 0 : i32
    %dma_start3A_28 = tpu.memref_slice %arg2[%dma_start3A_26, %dma_start3A_27] : memref<4096x128xf32, #tpu.memory_space<hbm>> -> memref<4096x128xf32, #tpu.memory_space<hbm>>
    tpu.enqueue_indirect_dma source(%dma_start3A_28 : memref<4096x128xf32, #tpu.memory_space<hbm>>) target(%arg11 : memref<128x128xf32, #tpu.memory_space<vmem>>) offsets(%dma_start3A_25 : memref<128xi32, #tpu.memory_space<vmem>>) semaphore(%arg15 : memref<!tpu.dma_semaphore, #tpu.memory_space<semaphore_mem>>)
    %dma_wait3A = arith.constant 0 : i32
    %dma_wait3A_29 = arith.constant 0 : i32
    %dma_wait3A_30 = tpu.memref_slice %arg7[%dma_wait3A, %dma_wait3A_29] : memref<16x128xi32, #tpu.memory_space<vmem>> -> memref<1x128xi32, #tpu.memory_space<vmem>>
    %dma_wait3A_31 = tpu.memref_squeeze %dma_wait3A_30 : memref<1x128xi32, #tpu.memory_space<vmem>> -> memref<128xi32, #tpu.memory_space<vmem>>
    %dma_wait3A_32 = arith.constant 0 : i32
    %dma_wait3A_33 = arith.constant 0 : i32
    %dma_wait3A_34 = tpu.memref_slice %arg2[%dma_wait3A_32, %dma_wait3A_33] : memref<4096x128xf32, #tpu.memory_space<hbm>> -> memref<4096x128xf32, #tpu.memory_space<hbm>>
    tpu.wait_indirect_dma semaphore(%arg13 : memref<!tpu.dma_semaphore, #tpu.memory_space<semaphore_mem>>) src(%dma_wait3A_34 : memref<4096x128xf32, #tpu.memory_space<hbm>>) dst(%arg9 : memref<128x128xf32, #tpu.memory_space<vmem>>)
    %dma_start3A_35 = arith.constant 0 : i32
    %dma_start3A_36 = arith.constant 0 : i32
    %dma_start3A_37 = tpu.memref_slice %arg8[%dma_start3A_35, %dma_start3A_36] : memref<16x128xi32, #tpu.memory_space<vmem>> -> memref<1x128xi32, #tpu.memory_space<vmem>>
    %dma_start3A_38 = tpu.memref_squeeze %dma_start3A_37 : memref<1x128xi32, #tpu.memory_space<vmem>> -> memref<128xi32, #tpu.memory_space<vmem>>
    %dma_start3A_39 = arith.constant 0 : i32
    %dma_start3A_40 = arith.constant 0 : i32
    %dma_start3A_41 = tpu.memref_slice %arg12[%dma_start3A_39, %dma_start3A_40] : memref<4096x128xf32, #tpu.memory_space<vmem_shared>> -> memref<4096x128xf32, #tpu.memory_space<vmem_shared>>
    tpu.enqueue_indirect_dma source(%arg9 : memref<128x128xf32, #tpu.memory_space<vmem>>) target(%dma_start3A_41 : memref<4096x128xf32, #tpu.memory_space<vmem_shared>>) offsets(%dma_start3A_38 : memref<128xi32, #tpu.memory_space<vmem>>) semaphore(%arg16 : memref<!tpu.dma_semaphore, #tpu.memory_space<semaphore_mem>>) {add = true}
    %dma_wait3A_42 = arith.constant 0 : i32
    %dma_wait3A_43 = arith.constant 0 : i32
    %dma_wait3A_44 = tpu.memref_slice %arg8[%dma_wait3A_42, %dma_wait3A_43] : memref<16x128xi32, #tpu.memory_space<vmem>> -> memref<1x128xi32, #tpu.memory_space<vmem>>
    %dma_wait3A_45 = tpu.memref_squeeze %dma_wait3A_44 : memref<1x128xi32, #tpu.memory_space<vmem>> -> memref<128xi32, #tpu.memory_space<vmem>>
    %dma_wait3A_46 = arith.constant 0 : i32
    %dma_wait3A_47 = arith.constant 0 : i32
    %dma_wait3A_48 = tpu.memref_slice %arg12[%dma_wait3A_46, %dma_wait3A_47] : memref<4096x128xf32, #tpu.memory_space<vmem_shared>> -> memref<4096x128xf32, #tpu.memory_space<vmem_shared>>
    tpu.wait_indirect_dma semaphore(%arg16 : memref<!tpu.dma_semaphore, #tpu.memory_space<semaphore_mem>>) src(%arg9 : memref<128x128xf32, #tpu.memory_space<vmem>>) dst(%dma_wait3A_48 : memref<4096x128xf32, #tpu.memory_space<vmem_shared>>)
    %dma_start3A_49 = arith.constant 3 : i32
    %dma_start3A_50 = arith.constant 0 : i32
    %dma_start3A_51 = tpu.memref_slice %arg7[%dma_start3A_49, %dma_start3A_50] : memref<16x128xi32, #tpu.memory_space<vmem>> -> memref<1x128xi32, #tpu.memory_space<vmem>>
    %dma_start3A_52 = tpu.memref_squeeze %dma_start3A_51 : memref<1x128xi32, #tpu.memory_space<vmem>> -> memref<128xi32, #tpu.memory_space<vmem>>
    %dma_start3A_53 = arith.constant 0 : i32
    %dma_start3A_54 = arith.constant 0 : i32
    %dma_start3A_55 = tpu.memref_slice %arg2[%dma_start3A_53, %dma_start3A_54] : memref<4096x128xf32, #tpu.memory_space<hbm>> -> memref<4096x128xf32, #tpu.memory_space<hbm>>
    tpu.enqueue_indirect_dma source(%dma_start3A_55 : memref<4096x128xf32, #tpu.memory_space<hbm>>) target(%arg9 : memref<128x128xf32, #tpu.memory_space<vmem>>) offsets(%dma_start3A_52 : memref<128xi32, #tpu.memory_space<vmem>>) semaphore(%arg13 : memref<!tpu.dma_semaphore, #tpu.memory_space<semaphore_mem>>)
    %dma_wait3A_56 = arith.constant 1 : i32
    %dma_wait3A_57 = arith.constant 0 : i32
    %dma_wait3A_58 = tpu.memref_slice %arg7[%dma_wait3A_56, %dma_wait3A_57] : memref<16x128xi32, #tpu.memory_space<vmem>> -> memref<1x128xi32, #tpu.memory_space<vmem>>
    %dma_wait3A_59 = tpu.memref_squeeze %dma_wait3A_58 : memref<1x128xi32, #tpu.memory_space<vmem>> -> memref<128xi32, #tpu.memory_space<vmem>>
    %dma_wait3A_60 = arith.constant 0 : i32
    %dma_wait3A_61 = arith.constant 0 : i32
    %dma_wait3A_62 = tpu.memref_slice %arg2[%dma_wait3A_60, %dma_wait3A_61] : memref<4096x128xf32, #tpu.memory_space<hbm>> -> memref<4096x128xf32, #tpu.memory_space<hbm>>
    tpu.wait_indirect_dma semaphore(%arg14 : memref<!tpu.dma_semaphore, #tpu.memory_space<semaphore_mem>>) src(%dma_wait3A_62 : memref<4096x128xf32, #tpu.memory_space<hbm>>) dst(%arg10 : memref<128x128xf32, #tpu.memory_space<vmem>>)
    %dma_start3A_63 = arith.constant 1 : i32
    %dma_start3A_64 = arith.constant 0 : i32
    %dma_start3A_65 = tpu.memref_slice %arg8[%dma_start3A_63, %dma_start3A_64] : memref<16x128xi32, #tpu.memory_space<vmem>> -> memref<1x128xi32, #tpu.memory_space<vmem>>
    %dma_start3A_66 = tpu.memref_squeeze %dma_start3A_65 : memref<1x128xi32, #tpu.memory_space<vmem>> -> memref<128xi32, #tpu.memory_space<vmem>>
    %dma_start3A_67 = arith.constant 0 : i32
    %dma_start3A_68 = arith.constant 0 : i32
    %dma_start3A_69 = tpu.memref_slice %arg12[%dma_start3A_67, %dma_start3A_68] : memref<4096x128xf32, #tpu.memory_space<vmem_shared>> -> memref<4096x128xf32, #tpu.memory_space<vmem_shared>>
    tpu.enqueue_indirect_dma source(%arg10 : memref<128x128xf32, #tpu.memory_space<vmem>>) target(%dma_start3A_69 : memref<4096x128xf32, #tpu.memory_space<vmem_shared>>) offsets(%dma_start3A_66 : memref<128xi32, #tpu.memory_space<vmem>>) semaphore(%arg17 : memref<!tpu.dma_semaphore, #tpu.memory_space<semaphore_mem>>) {add = true}
    %dma_wait3A_70 = arith.constant 1 : i32
    %dma_wait3A_71 = arith.constant 0 : i32
    %dma_wait3A_72 = tpu.memref_slice %arg8[%dma_wait3A_70, %dma_wait3A_71] : memref<16x128xi32, #tpu.memory_space<vmem>> -> memref<1x128xi32, #tpu.memory_space<vmem>>
    %dma_wait3A_73 = tpu.memref_squeeze %dma_wait3A_72 : memref<1x128xi32, #tpu.memory_space<vmem>> -> memref<128xi32, #tpu.memory_space<vmem>>
    %dma_wait3A_74 = arith.constant 0 : i32
    %dma_wait3A_75 = arith.constant 0 : i32
    %dma_wait3A_76 = tpu.memref_slice %arg12[%dma_wait3A_74, %dma_wait3A_75] : memref<4096x128xf32, #tpu.memory_space<vmem_shared>> -> memref<4096x128xf32, #tpu.memory_space<vmem_shared>>
    tpu.wait_indirect_dma semaphore(%arg17 : memref<!tpu.dma_semaphore, #tpu.memory_space<semaphore_mem>>) src(%arg10 : memref<128x128xf32, #tpu.memory_space<vmem>>) dst(%dma_wait3A_76 : memref<4096x128xf32, #tpu.memory_space<vmem_shared>>)
    %dma_start3A_77 = arith.constant 4 : i32
    %dma_start3A_78 = arith.constant 0 : i32
    %dma_start3A_79 = tpu.memref_slice %arg7[%dma_start3A_77, %dma_start3A_78] : memref<16x128xi32, #tpu.memory_space<vmem>> -> memref<1x128xi32, #tpu.memory_space<vmem>>
    %dma_start3A_80 = tpu.memref_squeeze %dma_start3A_79 : memref<1x128xi32, #tpu.memory_space<vmem>> -> memref<128xi32, #tpu.memory_space<vmem>>
    %dma_start3A_81 = arith.constant 0 : i32
    %dma_start3A_82 = arith.constant 0 : i32
    %dma_start3A_83 = tpu.memref_slice %arg2[%dma_start3A_81, %dma_start3A_82] : memref<4096x128xf32, #tpu.memory_space<hbm>> -> memref<4096x128xf32, #tpu.memory_space<hbm>>
    tpu.enqueue_indirect_dma source(%dma_start3A_83 : memref<4096x128xf32, #tpu.memory_space<hbm>>) target(%arg10 : memref<128x128xf32, #tpu.memory_space<vmem>>) offsets(%dma_start3A_80 : memref<128xi32, #tpu.memory_space<vmem>>) semaphore(%arg14 : memref<!tpu.dma_semaphore, #tpu.memory_space<semaphore_mem>>)
    %dma_wait3A_84 = arith.constant 2 : i32
    %dma_wait3A_85 = arith.constant 0 : i32
    %dma_wait3A_86 = tpu.memref_slice %arg7[%dma_wait3A_84, %dma_wait3A_85] : memref<16x128xi32, #tpu.memory_space<vmem>> -> memref<1x128xi32, #tpu.memory_space<vmem>>
    %dma_wait3A_87 = tpu.memref_squeeze %dma_wait3A_86 : memref<1x128xi32, #tpu.memory_space<vmem>> -> memref<128xi32, #tpu.memory_space<vmem>>
    %dma_wait3A_88 = arith.constant 0 : i32
    %dma_wait3A_89 = arith.constant 0 : i32
    %dma_wait3A_90 = tpu.memref_slice %arg2[%dma_wait3A_88, %dma_wait3A_89] : memref<4096x128xf32, #tpu.memory_space<hbm>> -> memref<4096x128xf32, #tpu.memory_space<hbm>>
    tpu.wait_indirect_dma semaphore(%arg15 : memref<!tpu.dma_semaphore, #tpu.memory_space<semaphore_mem>>) src(%dma_wait3A_90 : memref<4096x128xf32, #tpu.memory_space<hbm>>) dst(%arg11 : memref<128x128xf32, #tpu.memory_space<vmem>>)
    %dma_start3A_91 = arith.constant 2 : i32
    %dma_start3A_92 = arith.constant 0 : i32
    %dma_start3A_93 = tpu.memref_slice %arg8[%dma_start3A_91, %dma_start3A_92] : memref<16x128xi32, #tpu.memory_space<vmem>> -> memref<1x128xi32, #tpu.memory_space<vmem>>
    %dma_start3A_94 = tpu.memref_squeeze %dma_start3A_93 : memref<1x128xi32, #tpu.memory_space<vmem>> -> memref<128xi32, #tpu.memory_space<vmem>>
    %dma_start3A_95 = arith.constant 0 : i32
    %dma_start3A_96 = arith.constant 0 : i32
    %dma_start3A_97 = tpu.memref_slice %arg12[%dma_start3A_95, %dma_start3A_96] : memref<4096x128xf32, #tpu.memory_space<vmem_shared>> -> memref<4096x128xf32, #tpu.memory_space<vmem_shared>>
    tpu.enqueue_indirect_dma source(%arg11 : memref<128x128xf32, #tpu.memory_space<vmem>>) target(%dma_start3A_97 : memref<4096x128xf32, #tpu.memory_space<vmem_shared>>) offsets(%dma_start3A_94 : memref<128xi32, #tpu.memory_space<vmem>>) semaphore(%arg18 : memref<!tpu.dma_semaphore, #tpu.memory_space<semaphore_mem>>) {add = true}
    %dma_wait3A_98 = arith.constant 2 : i32
    %dma_wait3A_99 = arith.constant 0 : i32
    %dma_wait3A_100 = tpu.memref_slice %arg8[%dma_wait3A_98, %dma_wait3A_99] : memref<16x128xi32, #tpu.memory_space<vmem>> -> memref<1x128xi32, #tpu.memory_space<vmem>>
    %dma_wait3A_101 = tpu.memref_squeeze %dma_wait3A_100 : memref<1x128xi32, #tpu.memory_space<vmem>> -> memref<128xi32, #tpu.memory_space<vmem>>
    %dma_wait3A_102 = arith.constant 0 : i32
    %dma_wait3A_103 = arith.constant 0 : i32
    %dma_wait3A_104 = tpu.memref_slice %arg12[%dma_wait3A_102, %dma_wait3A_103] : memref<4096x128xf32, #tpu.memory_space<vmem_shared>> -> memref<4096x128xf32, #tpu.memory_space<vmem_shared>>
    tpu.wait_indirect_dma semaphore(%arg18 : memref<!tpu.dma_semaphore, #tpu.memory_space<semaphore_mem>>) src(%arg11 : memref<128x128xf32, #tpu.memory_space<vmem>>) dst(%dma_wait3A_104 : memref<4096x128xf32, #tpu.memory_space<vmem_shared>>)
    %dma_start3A_105 = arith.constant 5 : i32
    %dma_start3A_106 = arith.constant 0 : i32
    %dma_start3A_107 = tpu.memref_slice %arg7[%dma_start3A_105, %dma_start3A_106] : memref<16x128xi32, #tpu.memory_space<vmem>> -> memref<1x128xi32, #tpu.memory_space<vmem>>
    %dma_start3A_108 = tpu.memref_squeeze %dma_start3A_107 : memref<1x128xi32, #tpu.memory_space<vmem>> -> memref<128xi32, #tpu.memory_space<vmem>>
    %dma_start3A_109 = arith.constant 0 : i32
    %dma_start3A_110 = arith.constant 0 : i32
    %dma_start3A_111 = tpu.memref_slice %arg2[%dma_start3A_109, %dma_start3A_110] : memref<4096x128xf32, #tpu.memory_space<hbm>> -> memref<4096x128xf32, #tpu.memory_space<hbm>>
    tpu.enqueue_indirect_dma source(%dma_start3A_111 : memref<4096x128xf32, #tpu.memory_space<hbm>>) target(%arg11 : memref<128x128xf32, #tpu.memory_space<vmem>>) offsets(%dma_start3A_108 : memref<128xi32, #tpu.memory_space<vmem>>) semaphore(%arg15 : memref<!tpu.dma_semaphore, #tpu.memory_space<semaphore_mem>>)
    %dma_wait3A_112 = arith.constant 3 : i32
    %dma_wait3A_113 = arith.constant 0 : i32
    %dma_wait3A_114 = tpu.memref_slice %arg7[%dma_wait3A_112, %dma_wait3A_113] : memref<16x128xi32, #tpu.memory_space<vmem>> -> memref<1x128xi32, #tpu.memory_space<vmem>>
    %dma_wait3A_115 = tpu.memref_squeeze %dma_wait3A_114 : memref<1x128xi32, #tpu.memory_space<vmem>> -> memref<128xi32, #tpu.memory_space<vmem>>
    %dma_wait3A_116 = arith.constant 0 : i32
    %dma_wait3A_117 = arith.constant 0 : i32
    %dma_wait3A_118 = tpu.memref_slice %arg2[%dma_wait3A_116, %dma_wait3A_117] : memref<4096x128xf32, #tpu.memory_space<hbm>> -> memref<4096x128xf32, #tpu.memory_space<hbm>>
    tpu.wait_indirect_dma semaphore(%arg13 : memref<!tpu.dma_semaphore, #tpu.memory_space<semaphore_mem>>) src(%dma_wait3A_118 : memref<4096x128xf32, #tpu.memory_space<hbm>>) dst(%arg9 : memref<128x128xf32, #tpu.memory_space<vmem>>)
    %dma_start3A_119 = arith.constant 3 : i32
    %dma_start3A_120 = arith.constant 0 : i32
    %dma_start3A_121 = tpu.memref_slice %arg8[%dma_start3A_119, %dma_start3A_120] : memref<16x128xi32, #tpu.memory_space<vmem>> -> memref<1x128xi32, #tpu.memory_space<vmem>>
    %dma_start3A_122 = tpu.memref_squeeze %dma_start3A_121 : memref<1x128xi32, #tpu.memory_space<vmem>> -> memref<128xi32, #tpu.memory_space<vmem>>
    %dma_start3A_123 = arith.constant 0 : i32
    %dma_start3A_124 = arith.constant 0 : i32
    %dma_start3A_125 = tpu.memref_slice %arg12[%dma_start3A_123, %dma_start3A_124] : memref<4096x128xf32, #tpu.memory_space<vmem_shared>> -> memref<4096x128xf32, #tpu.memory_space<vmem_shared>>
    tpu.enqueue_indirect_dma source(%arg9 : memref<128x128xf32, #tpu.memory_space<vmem>>) target(%dma_start3A_125 : memref<4096x128xf32, #tpu.memory_space<vmem_shared>>) offsets(%dma_start3A_122 : memref<128xi32, #tpu.memory_space<vmem>>) semaphore(%arg16 : memref<!tpu.dma_semaphore, #tpu.memory_space<semaphore_mem>>) {add = true}
    %dma_wait3A_126 = arith.constant 3 : i32
    %dma_wait3A_127 = arith.constant 0 : i32
    %dma_wait3A_128 = tpu.memref_slice %arg8[%dma_wait3A_126, %dma_wait3A_127] : memref<16x128xi32, #tpu.memory_space<vmem>> -> memref<1x128xi32, #tpu.memory_space<vmem>>
    %dma_wait3A_129 = tpu.memref_squeeze %dma_wait3A_128 : memref<1x128xi32, #tpu.memory_space<vmem>> -> memref<128xi32, #tpu.memory_space<vmem>>
    %dma_wait3A_130 = arith.constant 0 : i32
    %dma_wait3A_131 = arith.constant 0 : i32
    %dma_wait3A_132 = tpu.memref_slice %arg12[%dma_wait3A_130, %dma_wait3A_131] : memref<4096x128xf32, #tpu.memory_space<vmem_shared>> -> memref<4096x128xf32, #tpu.memory_space<vmem_shared>>
    tpu.wait_indirect_dma semaphore(%arg16 : memref<!tpu.dma_semaphore, #tpu.memory_space<semaphore_mem>>) src(%arg9 : memref<128x128xf32, #tpu.memory_space<vmem>>) dst(%dma_wait3A_132 : memref<4096x128xf32, #tpu.memory_space<vmem_shared>>)
    %dma_start3A_133 = arith.constant 6 : i32
    %dma_start3A_134 = arith.constant 0 : i32
    %dma_start3A_135 = tpu.memref_slice %arg7[%dma_start3A_133, %dma_start3A_134] : memref<16x128xi32, #tpu.memory_space<vmem>> -> memref<1x128xi32, #tpu.memory_space<vmem>>
    %dma_start3A_136 = tpu.memref_squeeze %dma_start3A_135 : memref<1x128xi32, #tpu.memory_space<vmem>> -> memref<128xi32, #tpu.memory_space<vmem>>
    %dma_start3A_137 = arith.constant 0 : i32
    %dma_start3A_138 = arith.constant 0 : i32
    %dma_start3A_139 = tpu.memref_slice %arg2[%dma_start3A_137, %dma_start3A_138] : memref<4096x128xf32, #tpu.memory_space<hbm>> -> memref<4096x128xf32, #tpu.memory_space<hbm>>
    tpu.enqueue_indirect_dma source(%dma_start3A_139 : memref<4096x128xf32, #tpu.memory_space<hbm>>) target(%arg9 : memref<128x128xf32, #tpu.memory_space<vmem>>) offsets(%dma_start3A_136 : memref<128xi32, #tpu.memory_space<vmem>>) semaphore(%arg13 : memref<!tpu.dma_semaphore, #tpu.memory_space<semaphore_mem>>)
    %dma_wait3A_140 = arith.constant 4 : i32
    %dma_wait3A_141 = arith.constant 0 : i32
    %dma_wait3A_142 = tpu.memref_slice %arg7[%dma_wait3A_140, %dma_wait3A_141] : memref<16x128xi32, #tpu.memory_space<vmem>> -> memref<1x128xi32, #tpu.memory_space<vmem>>
    %dma_wait3A_143 = tpu.memref_squeeze %dma_wait3A_142 : memref<1x128xi32, #tpu.memory_space<vmem>> -> memref<128xi32, #tpu.memory_space<vmem>>
    %dma_wait3A_144 = arith.constant 0 : i32
    %dma_wait3A_145 = arith.constant 0 : i32
    %dma_wait3A_146 = tpu.memref_slice %arg2[%dma_wait3A_144, %dma_wait3A_145] : memref<4096x128xf32, #tpu.memory_space<hbm>> -> memref<4096x128xf32, #tpu.memory_space<hbm>>
    tpu.wait_indirect_dma semaphore(%arg14 : memref<!tpu.dma_semaphore, #tpu.memory_space<semaphore_mem>>) src(%dma_wait3A_146 : memref<4096x128xf32, #tpu.memory_space<hbm>>) dst(%arg10 : memref<128x128xf32, #tpu.memory_space<vmem>>)
    %dma_start3A_147 = arith.constant 4 : i32
    %dma_start3A_148 = arith.constant 0 : i32
    %dma_start3A_149 = tpu.memref_slice %arg8[%dma_start3A_147, %dma_start3A_148] : memref<16x128xi32, #tpu.memory_space<vmem>> -> memref<1x128xi32, #tpu.memory_space<vmem>>
    %dma_start3A_150 = tpu.memref_squeeze %dma_start3A_149 : memref<1x128xi32, #tpu.memory_space<vmem>> -> memref<128xi32, #tpu.memory_space<vmem>>
    %dma_start3A_151 = arith.constant 0 : i32
    %dma_start3A_152 = arith.constant 0 : i32
    %dma_start3A_153 = tpu.memref_slice %arg12[%dma_start3A_151, %dma_start3A_152] : memref<4096x128xf32, #tpu.memory_space<vmem_shared>> -> memref<4096x128xf32, #tpu.memory_space<vmem_shared>>
    tpu.enqueue_indirect_dma source(%arg10 : memref<128x128xf32, #tpu.memory_space<vmem>>) target(%dma_start3A_153 : memref<4096x128xf32, #tpu.memory_space<vmem_shared>>) offsets(%dma_start3A_150 : memref<128xi32, #tpu.memory_space<vmem>>) semaphore(%arg17 : memref<!tpu.dma_semaphore, #tpu.memory_space<semaphore_mem>>) {add = true}
    %dma_wait3A_154 = arith.constant 4 : i32
    %dma_wait3A_155 = arith.constant 0 : i32
    %dma_wait3A_156 = tpu.memref_slice %arg8[%dma_wait3A_154, %dma_wait3A_155] : memref<16x128xi32, #tpu.memory_space<vmem>> -> memref<1x128xi32, #tpu.memory_space<vmem>>
    %dma_wait3A_157 = tpu.memref_squeeze %dma_wait3A_156 : memref<1x128xi32, #tpu.memory_space<vmem>> -> memref<128xi32, #tpu.memory_space<vmem>>
    %dma_wait3A_158 = arith.constant 0 : i32
    %dma_wait3A_159 = arith.constant 0 : i32
    %dma_wait3A_160 = tpu.memref_slice %arg12[%dma_wait3A_158, %dma_wait3A_159] : memref<4096x128xf32, #tpu.memory_space<vmem_shared>> -> memref<4096x128xf32, #tpu.memory_space<vmem_shared>>
    tpu.wait_indirect_dma semaphore(%arg17 : memref<!tpu.dma_semaphore, #tpu.memory_space<semaphore_mem>>) src(%arg10 : memref<128x128xf32, #tpu.memory_space<vmem>>) dst(%dma_wait3A_160 : memref<4096x128xf32, #tpu.memory_space<vmem_shared>>)
    %dma_start3A_161 = arith.constant 7 : i32
    %dma_start3A_162 = arith.constant 0 : i32
    %dma_start3A_163 = tpu.memref_slice %arg7[%dma_start3A_161, %dma_start3A_162] : memref<16x128xi32, #tpu.memory_space<vmem>> -> memref<1x128xi32, #tpu.memory_space<vmem>>
    %dma_start3A_164 = tpu.memref_squeeze %dma_start3A_163 : memref<1x128xi32, #tpu.memory_space<vmem>> -> memref<128xi32, #tpu.memory_space<vmem>>
    %dma_start3A_165 = arith.constant 0 : i32
    %dma_start3A_166 = arith.constant 0 : i32
    %dma_start3A_167 = tpu.memref_slice %arg2[%dma_start3A_165, %dma_start3A_166] : memref<4096x128xf32, #tpu.memory_space<hbm>> -> memref<4096x128xf32, #tpu.memory_space<hbm>>
    tpu.enqueue_indirect_dma source(%dma_start3A_167 : memref<4096x128xf32, #tpu.memory_space<hbm>>) target(%arg10 : memref<128x128xf32, #tpu.memory_space<vmem>>) offsets(%dma_start3A_164 : memref<128xi32, #tpu.memory_space<vmem>>) semaphore(%arg14 : memref<!tpu.dma_semaphore, #tpu.memory_space<semaphore_mem>>)
    %dma_wait3A_168 = arith.constant 5 : i32
    %dma_wait3A_169 = arith.constant 0 : i32
    %dma_wait3A_170 = tpu.memref_slice %arg7[%dma_wait3A_168, %dma_wait3A_169] : memref<16x128xi32, #tpu.memory_space<vmem>> -> memref<1x128xi32, #tpu.memory_space<vmem>>
    %dma_wait3A_171 = tpu.memref_squeeze %dma_wait3A_170 : memref<1x128xi32, #tpu.memory_space<vmem>> -> memref<128xi32, #tpu.memory_space<vmem>>
    %dma_wait3A_172 = arith.constant 0 : i32
    %dma_wait3A_173 = arith.constant 0 : i32
    %dma_wait3A_174 = tpu.memref_slice %arg2[%dma_wait3A_172, %dma_wait3A_173] : memref<4096x128xf32, #tpu.memory_space<hbm>> -> memref<4096x128xf32, #tpu.memory_space<hbm>>
    tpu.wait_indirect_dma semaphore(%arg15 : memref<!tpu.dma_semaphore, #tpu.memory_space<semaphore_mem>>) src(%dma_wait3A_174 : memref<4096x128xf32, #tpu.memory_space<hbm>>) dst(%arg11 : memref<128x128xf32, #tpu.memory_space<vmem>>)
    %dma_start3A_175 = arith.constant 5 : i32
    %dma_start3A_176 = arith.constant 0 : i32
    %dma_start3A_177 = tpu.memref_slice %arg8[%dma_start3A_175, %dma_start3A_176] : memref<16x128xi32, #tpu.memory_space<vmem>> -> memref<1x128xi32, #tpu.memory_space<vmem>>
    %dma_start3A_178 = tpu.memref_squeeze %dma_start3A_177 : memref<1x128xi32, #tpu.memory_space<vmem>> -> memref<128xi32, #tpu.memory_space<vmem>>
    %dma_start3A_179 = arith.constant 0 : i32
    %dma_start3A_180 = arith.constant 0 : i32
    %dma_start3A_181 = tpu.memref_slice %arg12[%dma_start3A_179, %dma_start3A_180] : memref<4096x128xf32, #tpu.memory_space<vmem_shared>> -> memref<4096x128xf32, #tpu.memory_space<vmem_shared>>
    tpu.enqueue_indirect_dma source(%arg11 : memref<128x128xf32, #tpu.memory_space<vmem>>) target(%dma_start3A_181 : memref<4096x128xf32, #tpu.memory_space<vmem_shared>>) offsets(%dma_start3A_178 : memref<128xi32, #tpu.memory_space<vmem>>) semaphore(%arg18 : memref<!tpu.dma_semaphore, #tpu.memory_space<semaphore_mem>>) {add = true}
    %dma_wait3A_182 = arith.constant 5 : i32
    %dma_wait3A_183 = arith.constant 0 : i32
    %dma_wait3A_184 = tpu.memref_slice %arg8[%dma_wait3A_182, %dma_wait3A_183] : memref<16x128xi32, #tpu.memory_space<vmem>> -> memref<1x128xi32, #tpu.memory_space<vmem>>
    %dma_wait3A_185 = tpu.memref_squeeze %dma_wait3A_184 : memref<1x128xi32, #tpu.memory_space<vmem>> -> memref<128xi32, #tpu.memory_space<vmem>>
    %dma_wait3A_186 = arith.constant 0 : i32
    %dma_wait3A_187 = arith.constant 0 : i32
    %dma_wait3A_188 = tpu.memref_slice %arg12[%dma_wait3A_186, %dma_wait3A_187] : memref<4096x128xf32, #tpu.memory_space<vmem_shared>> -> memref<4096x128xf32, #tpu.memory_space<vmem_shared>>
    tpu.wait_indirect_dma semaphore(%arg18 : memref<!tpu.dma_semaphore, #tpu.memory_space<semaphore_mem>>) src(%arg11 : memref<128x128xf32, #tpu.memory_space<vmem>>) dst(%dma_wait3A_188 : memref<4096x128xf32, #tpu.memory_space<vmem_shared>>)
    %dma_start3A_189 = arith.constant 8 : i32
    %dma_start3A_190 = arith.constant 0 : i32
    %dma_start3A_191 = tpu.memref_slice %arg7[%dma_start3A_189, %dma_start3A_190] : memref<16x128xi32, #tpu.memory_space<vmem>> -> memref<1x128xi32, #tpu.memory_space<vmem>>
    %dma_start3A_192 = tpu.memref_squeeze %dma_start3A_191 : memref<1x128xi32, #tpu.memory_space<vmem>> -> memref<128xi32, #tpu.memory_space<vmem>>
    %dma_start3A_193 = arith.constant 0 : i32
    %dma_start3A_194 = arith.constant 0 : i32
    %dma_start3A_195 = tpu.memref_slice %arg2[%dma_start3A_193, %dma_start3A_194] : memref<4096x128xf32, #tpu.memory_space<hbm>> -> memref<4096x128xf32, #tpu.memory_space<hbm>>
    tpu.enqueue_indirect_dma source(%dma_start3A_195 : memref<4096x128xf32, #tpu.memory_space<hbm>>) target(%arg11 : memref<128x128xf32, #tpu.memory_space<vmem>>) offsets(%dma_start3A_192 : memref<128xi32, #tpu.memory_space<vmem>>) semaphore(%arg15 : memref<!tpu.dma_semaphore, #tpu.memory_space<semaphore_mem>>)
    %dma_wait3A_196 = arith.constant 6 : i32
    %dma_wait3A_197 = arith.constant 0 : i32
    %dma_wait3A_198 = tpu.memref_slice %arg7[%dma_wait3A_196, %dma_wait3A_197] : memref<16x128xi32, #tpu.memory_space<vmem>> -> memref<1x128xi32, #tpu.memory_space<vmem>>
    %dma_wait3A_199 = tpu.memref_squeeze %dma_wait3A_198 : memref<1x128xi32, #tpu.memory_space<vmem>> -> memref<128xi32, #tpu.memory_space<vmem>>
    %dma_wait3A_200 = arith.constant 0 : i32
    %dma_wait3A_201 = arith.constant 0 : i32
    %dma_wait3A_202 = tpu.memref_slice %arg2[%dma_wait3A_200, %dma_wait3A_201] : memref<4096x128xf32, #tpu.memory_space<hbm>> -> memref<4096x128xf32, #tpu.memory_space<hbm>>
    tpu.wait_indirect_dma semaphore(%arg13 : memref<!tpu.dma_semaphore, #tpu.memory_space<semaphore_mem>>) src(%dma_wait3A_202 : memref<4096x128xf32, #tpu.memory_space<hbm>>) dst(%arg9 : memref<128x128xf32, #tpu.memory_space<vmem>>)
    %dma_start3A_203 = arith.constant 6 : i32
    %dma_start3A_204 = arith.constant 0 : i32
    %dma_start3A_205 = tpu.memref_slice %arg8[%dma_start3A_203, %dma_start3A_204] : memref<16x128xi32, #tpu.memory_space<vmem>> -> memref<1x128xi32, #tpu.memory_space<vmem>>
    %dma_start3A_206 = tpu.memref_squeeze %dma_start3A_205 : memref<1x128xi32, #tpu.memory_space<vmem>> -> memref<128xi32, #tpu.memory_space<vmem>>
    %dma_start3A_207 = arith.constant 0 : i32
    %dma_start3A_208 = arith.constant 0 : i32
    %dma_start3A_209 = tpu.memref_slice %arg12[%dma_start3A_207, %dma_start3A_208] : memref<4096x128xf32, #tpu.memory_space<vmem_shared>> -> memref<4096x128xf32, #tpu.memory_space<vmem_shared>>
    tpu.enqueue_indirect_dma source(%arg9 : memref<128x128xf32, #tpu.memory_space<vmem>>) target(%dma_start3A_209 : memref<4096x128xf32, #tpu.memory_space<vmem_shared>>) offsets(%dma_start3A_206 : memref<128xi32, #tpu.memory_space<vmem>>) semaphore(%arg16 : memref<!tpu.dma_semaphore, #tpu.memory_space<semaphore_mem>>) {add = true}
    %dma_wait3A_210 = arith.constant 6 : i32
    %dma_wait3A_211 = arith.constant 0 : i32
    %dma_wait3A_212 = tpu.memref_slice %arg8[%dma_wait3A_210, %dma_wait3A_211] : memref<16x128xi32, #tpu.memory_space<vmem>> -> memref<1x128xi32, #tpu.memory_space<vmem>>
    %dma_wait3A_213 = tpu.memref_squeeze %dma_wait3A_212 : memref<1x128xi32, #tpu.memory_space<vmem>> -> memref<128xi32, #tpu.memory_space<vmem>>
    %dma_wait3A_214 = arith.constant 0 : i32
    %dma_wait3A_215 = arith.constant 0 : i32
    %dma_wait3A_216 = tpu.memref_slice %arg12[%dma_wait3A_214, %dma_wait3A_215] : memref<4096x128xf32, #tpu.memory_space<vmem_shared>> -> memref<4096x128xf32, #tpu.memory_space<vmem_shared>>
    tpu.wait_indirect_dma semaphore(%arg16 : memref<!tpu.dma_semaphore, #tpu.memory_space<semaphore_mem>>) src(%arg9 : memref<128x128xf32, #tpu.memory_space<vmem>>) dst(%dma_wait3A_216 : memref<4096x128xf32, #tpu.memory_space<vmem_shared>>)
    %dma_start3A_217 = arith.constant 9 : i32
    %dma_start3A_218 = arith.constant 0 : i32
    %dma_start3A_219 = tpu.memref_slice %arg7[%dma_start3A_217, %dma_start3A_218] : memref<16x128xi32, #tpu.memory_space<vmem>> -> memref<1x128xi32, #tpu.memory_space<vmem>>
    %dma_start3A_220 = tpu.memref_squeeze %dma_start3A_219 : memref<1x128xi32, #tpu.memory_space<vmem>> -> memref<128xi32, #tpu.memory_space<vmem>>
    %dma_start3A_221 = arith.constant 0 : i32
    %dma_start3A_222 = arith.constant 0 : i32
    %dma_start3A_223 = tpu.memref_slice %arg2[%dma_start3A_221, %dma_start3A_222] : memref<4096x128xf32, #tpu.memory_space<hbm>> -> memref<4096x128xf32, #tpu.memory_space<hbm>>
    tpu.enqueue_indirect_dma source(%dma_start3A_223 : memref<4096x128xf32, #tpu.memory_space<hbm>>) target(%arg9 : memref<128x128xf32, #tpu.memory_space<vmem>>) offsets(%dma_start3A_220 : memref<128xi32, #tpu.memory_space<vmem>>) semaphore(%arg13 : memref<!tpu.dma_semaphore, #tpu.memory_space<semaphore_mem>>)
    %dma_wait3A_224 = arith.constant 7 : i32
    %dma_wait3A_225 = arith.constant 0 : i32
    %dma_wait3A_226 = tpu.memref_slice %arg7[%dma_wait3A_224, %dma_wait3A_225] : memref<16x128xi32, #tpu.memory_space<vmem>> -> memref<1x128xi32, #tpu.memory_space<vmem>>
    %dma_wait3A_227 = tpu.memref_squeeze %dma_wait3A_226 : memref<1x128xi32, #tpu.memory_space<vmem>> -> memref<128xi32, #tpu.memory_space<vmem>>
    %dma_wait3A_228 = arith.constant 0 : i32
    %dma_wait3A_229 = arith.constant 0 : i32
    %dma_wait3A_230 = tpu.memref_slice %arg2[%dma_wait3A_228, %dma_wait3A_229] : memref<4096x128xf32, #tpu.memory_space<hbm>> -> memref<4096x128xf32, #tpu.memory_space<hbm>>
    tpu.wait_indirect_dma semaphore(%arg14 : memref<!tpu.dma_semaphore, #tpu.memory_space<semaphore_mem>>) src(%dma_wait3A_230 : memref<4096x128xf32, #tpu.memory_space<hbm>>) dst(%arg10 : memref<128x128xf32, #tpu.memory_space<vmem>>)
    %dma_start3A_231 = arith.constant 7 : i32
    %dma_start3A_232 = arith.constant 0 : i32
    %dma_start3A_233 = tpu.memref_slice %arg8[%dma_start3A_231, %dma_start3A_232] : memref<16x128xi32, #tpu.memory_space<vmem>> -> memref<1x128xi32, #tpu.memory_space<vmem>>
    %dma_start3A_234 = tpu.memref_squeeze %dma_start3A_233 : memref<1x128xi32, #tpu.memory_space<vmem>> -> memref<128xi32, #tpu.memory_space<vmem>>
    %dma_start3A_235 = arith.constant 0 : i32
    %dma_start3A_236 = arith.constant 0 : i32
    %dma_start3A_237 = tpu.memref_slice %arg12[%dma_start3A_235, %dma_start3A_236] : memref<4096x128xf32, #tpu.memory_space<vmem_shared>> -> memref<4096x128xf32, #tpu.memory_space<vmem_shared>>
    tpu.enqueue_indirect_dma source(%arg10 : memref<128x128xf32, #tpu.memory_space<vmem>>) target(%dma_start3A_237 : memref<4096x128xf32, #tpu.memory_space<vmem_shared>>) offsets(%dma_start3A_234 : memref<128xi32, #tpu.memory_space<vmem>>) semaphore(%arg17 : memref<!tpu.dma_semaphore, #tpu.memory_space<semaphore_mem>>) {add = true}
    %dma_wait3A_238 = arith.constant 7 : i32
    %dma_wait3A_239 = arith.constant 0 : i32
    %dma_wait3A_240 = tpu.memref_slice %arg8[%dma_wait3A_238, %dma_wait3A_239] : memref<16x128xi32, #tpu.memory_space<vmem>> -> memref<1x128xi32, #tpu.memory_space<vmem>>
    %dma_wait3A_241 = tpu.memref_squeeze %dma_wait3A_240 : memref<1x128xi32, #tpu.memory_space<vmem>> -> memref<128xi32, #tpu.memory_space<vmem>>
    %dma_wait3A_242 = arith.constant 0 : i32
    %dma_wait3A_243 = arith.constant 0 : i32
    %dma_wait3A_244 = tpu.memref_slice %arg12[%dma_wait3A_242, %dma_wait3A_243] : memref<4096x128xf32, #tpu.memory_space<vmem_shared>> -> memref<4096x128xf32, #tpu.memory_space<vmem_shared>>
    tpu.wait_indirect_dma semaphore(%arg17 : memref<!tpu.dma_semaphore, #tpu.memory_space<semaphore_mem>>) src(%arg10 : memref<128x128xf32, #tpu.memory_space<vmem>>) dst(%dma_wait3A_244 : memref<4096x128xf32, #tpu.memory_space<vmem_shared>>)
    %dma_start3A_245 = arith.constant 10 : i32
    %dma_start3A_246 = arith.constant 0 : i32
    %dma_start3A_247 = tpu.memref_slice %arg7[%dma_start3A_245, %dma_start3A_246] : memref<16x128xi32, #tpu.memory_space<vmem>> -> memref<1x128xi32, #tpu.memory_space<vmem>>
    %dma_start3A_248 = tpu.memref_squeeze %dma_start3A_247 : memref<1x128xi32, #tpu.memory_space<vmem>> -> memref<128xi32, #tpu.memory_space<vmem>>
    %dma_start3A_249 = arith.constant 0 : i32
    %dma_start3A_250 = arith.constant 0 : i32
    %dma_start3A_251 = tpu.memref_slice %arg2[%dma_start3A_249, %dma_start3A_250] : memref<4096x128xf32, #tpu.memory_space<hbm>> -> memref<4096x128xf32, #tpu.memory_space<hbm>>
    tpu.enqueue_indirect_dma source(%dma_start3A_251 : memref<4096x128xf32, #tpu.memory_space<hbm>>) target(%arg10 : memref<128x128xf32, #tpu.memory_space<vmem>>) offsets(%dma_start3A_248 : memref<128xi32, #tpu.memory_space<vmem>>) semaphore(%arg14 : memref<!tpu.dma_semaphore, #tpu.memory_space<semaphore_mem>>)
    %dma_wait3A_252 = arith.constant 8 : i32
    %dma_wait3A_253 = arith.constant 0 : i32
    %dma_wait3A_254 = tpu.memref_slice %arg7[%dma_wait3A_252, %dma_wait3A_253] : memref<16x128xi32, #tpu.memory_space<vmem>> -> memref<1x128xi32, #tpu.memory_space<vmem>>
    %dma_wait3A_255 = tpu.memref_squeeze %dma_wait3A_254 : memref<1x128xi32, #tpu.memory_space<vmem>> -> memref<128xi32, #tpu.memory_space<vmem>>
    %dma_wait3A_256 = arith.constant 0 : i32
    %dma_wait3A_257 = arith.constant 0 : i32
    %dma_wait3A_258 = tpu.memref_slice %arg2[%dma_wait3A_256, %dma_wait3A_257] : memref<4096x128xf32, #tpu.memory_space<hbm>> -> memref<4096x128xf32, #tpu.memory_space<hbm>>
    tpu.wait_indirect_dma semaphore(%arg15 : memref<!tpu.dma_semaphore, #tpu.memory_space<semaphore_mem>>) src(%dma_wait3A_258 : memref<4096x128xf32, #tpu.memory_space<hbm>>) dst(%arg11 : memref<128x128xf32, #tpu.memory_space<vmem>>)
    %dma_start3A_259 = arith.constant 8 : i32
    %dma_start3A_260 = arith.constant 0 : i32
    %dma_start3A_261 = tpu.memref_slice %arg8[%dma_start3A_259, %dma_start3A_260] : memref<16x128xi32, #tpu.memory_space<vmem>> -> memref<1x128xi32, #tpu.memory_space<vmem>>
    %dma_start3A_262 = tpu.memref_squeeze %dma_start3A_261 : memref<1x128xi32, #tpu.memory_space<vmem>> -> memref<128xi32, #tpu.memory_space<vmem>>
    %dma_start3A_263 = arith.constant 0 : i32
    %dma_start3A_264 = arith.constant 0 : i32
    %dma_start3A_265 = tpu.memref_slice %arg12[%dma_start3A_263, %dma_start3A_264] : memref<4096x128xf32, #tpu.memory_space<vmem_shared>> -> memref<4096x128xf32, #tpu.memory_space<vmem_shared>>
    tpu.enqueue_indirect_dma source(%arg11 : memref<128x128xf32, #tpu.memory_space<vmem>>) target(%dma_start3A_265 : memref<4096x128xf32, #tpu.memory_space<vmem_shared>>) offsets(%dma_start3A_262 : memref<128xi32, #tpu.memory_space<vmem>>) semaphore(%arg18 : memref<!tpu.dma_semaphore, #tpu.memory_space<semaphore_mem>>) {add = true}
    %dma_wait3A_266 = arith.constant 8 : i32
    %dma_wait3A_267 = arith.constant 0 : i32
    %dma_wait3A_268 = tpu.memref_slice %arg8[%dma_wait3A_266, %dma_wait3A_267] : memref<16x128xi32, #tpu.memory_space<vmem>> -> memref<1x128xi32, #tpu.memory_space<vmem>>
    %dma_wait3A_269 = tpu.memref_squeeze %dma_wait3A_268 : memref<1x128xi32, #tpu.memory_space<vmem>> -> memref<128xi32, #tpu.memory_space<vmem>>
    %dma_wait3A_270 = arith.constant 0 : i32
    %dma_wait3A_271 = arith.constant 0 : i32
    %dma_wait3A_272 = tpu.memref_slice %arg12[%dma_wait3A_270, %dma_wait3A_271] : memref<4096x128xf32, #tpu.memory_space<vmem_shared>> -> memref<4096x128xf32, #tpu.memory_space<vmem_shared>>
    tpu.wait_indirect_dma semaphore(%arg18 : memref<!tpu.dma_semaphore, #tpu.memory_space<semaphore_mem>>) src(%arg11 : memref<128x128xf32, #tpu.memory_space<vmem>>) dst(%dma_wait3A_272 : memref<4096x128xf32, #tpu.memory_space<vmem_shared>>)
    %dma_start3A_273 = arith.constant 11 : i32
    %dma_start3A_274 = arith.constant 0 : i32
    %dma_start3A_275 = tpu.memref_slice %arg7[%dma_start3A_273, %dma_start3A_274] : memref<16x128xi32, #tpu.memory_space<vmem>> -> memref<1x128xi32, #tpu.memory_space<vmem>>
    %dma_start3A_276 = tpu.memref_squeeze %dma_start3A_275 : memref<1x128xi32, #tpu.memory_space<vmem>> -> memref<128xi32, #tpu.memory_space<vmem>>
    %dma_start3A_277 = arith.constant 0 : i32
    %dma_start3A_278 = arith.constant 0 : i32
    %dma_start3A_279 = tpu.memref_slice %arg2[%dma_start3A_277, %dma_start3A_278] : memref<4096x128xf32, #tpu.memory_space<hbm>> -> memref<4096x128xf32, #tpu.memory_space<hbm>>
    tpu.enqueue_indirect_dma source(%dma_start3A_279 : memref<4096x128xf32, #tpu.memory_space<hbm>>) target(%arg11 : memref<128x128xf32, #tpu.memory_space<vmem>>) offsets(%dma_start3A_276 : memref<128xi32, #tpu.memory_space<vmem>>) semaphore(%arg15 : memref<!tpu.dma_semaphore, #tpu.memory_space<semaphore_mem>>)
    %dma_wait3A_280 = arith.constant 9 : i32
    %dma_wait3A_281 = arith.constant 0 : i32
    %dma_wait3A_282 = tpu.memref_slice %arg7[%dma_wait3A_280, %dma_wait3A_281] : memref<16x128xi32, #tpu.memory_space<vmem>> -> memref<1x128xi32, #tpu.memory_space<vmem>>
    %dma_wait3A_283 = tpu.memref_squeeze %dma_wait3A_282 : memref<1x128xi32, #tpu.memory_space<vmem>> -> memref<128xi32, #tpu.memory_space<vmem>>
    %dma_wait3A_284 = arith.constant 0 : i32
    %dma_wait3A_285 = arith.constant 0 : i32
    %dma_wait3A_286 = tpu.memref_slice %arg2[%dma_wait3A_284, %dma_wait3A_285] : memref<4096x128xf32, #tpu.memory_space<hbm>> -> memref<4096x128xf32, #tpu.memory_space<hbm>>
    tpu.wait_indirect_dma semaphore(%arg13 : memref<!tpu.dma_semaphore, #tpu.memory_space<semaphore_mem>>) src(%dma_wait3A_286 : memref<4096x128xf32, #tpu.memory_space<hbm>>) dst(%arg9 : memref<128x128xf32, #tpu.memory_space<vmem>>)
    %dma_start3A_287 = arith.constant 9 : i32
    %dma_start3A_288 = arith.constant 0 : i32
    %dma_start3A_289 = tpu.memref_slice %arg8[%dma_start3A_287, %dma_start3A_288] : memref<16x128xi32, #tpu.memory_space<vmem>> -> memref<1x128xi32, #tpu.memory_space<vmem>>
    %dma_start3A_290 = tpu.memref_squeeze %dma_start3A_289 : memref<1x128xi32, #tpu.memory_space<vmem>> -> memref<128xi32, #tpu.memory_space<vmem>>
    %dma_start3A_291 = arith.constant 0 : i32
    %dma_start3A_292 = arith.constant 0 : i32
    %dma_start3A_293 = tpu.memref_slice %arg12[%dma_start3A_291, %dma_start3A_292] : memref<4096x128xf32, #tpu.memory_space<vmem_shared>> -> memref<4096x128xf32, #tpu.memory_space<vmem_shared>>
    tpu.enqueue_indirect_dma source(%arg9 : memref<128x128xf32, #tpu.memory_space<vmem>>) target(%dma_start3A_293 : memref<4096x128xf32, #tpu.memory_space<vmem_shared>>) offsets(%dma_start3A_290 : memref<128xi32, #tpu.memory_space<vmem>>) semaphore(%arg16 : memref<!tpu.dma_semaphore, #tpu.memory_space<semaphore_mem>>) {add = true}
    %dma_wait3A_294 = arith.constant 9 : i32
    %dma_wait3A_295 = arith.constant 0 : i32
    %dma_wait3A_296 = tpu.memref_slice %arg8[%dma_wait3A_294, %dma_wait3A_295] : memref<16x128xi32, #tpu.memory_space<vmem>> -> memref<1x128xi32, #tpu.memory_space<vmem>>
    %dma_wait3A_297 = tpu.memref_squeeze %dma_wait3A_296 : memref<1x128xi32, #tpu.memory_space<vmem>> -> memref<128xi32, #tpu.memory_space<vmem>>
    %dma_wait3A_298 = arith.constant 0 : i32
    %dma_wait3A_299 = arith.constant 0 : i32
    %dma_wait3A_300 = tpu.memref_slice %arg12[%dma_wait3A_298, %dma_wait3A_299] : memref<4096x128xf32, #tpu.memory_space<vmem_shared>> -> memref<4096x128xf32, #tpu.memory_space<vmem_shared>>
    tpu.wait_indirect_dma semaphore(%arg16 : memref<!tpu.dma_semaphore, #tpu.memory_space<semaphore_mem>>) src(%arg9 : memref<128x128xf32, #tpu.memory_space<vmem>>) dst(%dma_wait3A_300 : memref<4096x128xf32, #tpu.memory_space<vmem_shared>>)
    %dma_start3A_301 = arith.constant 12 : i32
    %dma_start3A_302 = arith.constant 0 : i32
    %dma_start3A_303 = tpu.memref_slice %arg7[%dma_start3A_301, %dma_start3A_302] : memref<16x128xi32, #tpu.memory_space<vmem>> -> memref<1x128xi32, #tpu.memory_space<vmem>>
    %dma_start3A_304 = tpu.memref_squeeze %dma_start3A_303 : memref<1x128xi32, #tpu.memory_space<vmem>> -> memref<128xi32, #tpu.memory_space<vmem>>
    %dma_start3A_305 = arith.constant 0 : i32
    %dma_start3A_306 = arith.constant 0 : i32
    %dma_start3A_307 = tpu.memref_slice %arg2[%dma_start3A_305, %dma_start3A_306] : memref<4096x128xf32, #tpu.memory_space<hbm>> -> memref<4096x128xf32, #tpu.memory_space<hbm>>
    tpu.enqueue_indirect_dma source(%dma_start3A_307 : memref<4096x128xf32, #tpu.memory_space<hbm>>) target(%arg9 : memref<128x128xf32, #tpu.memory_space<vmem>>) offsets(%dma_start3A_304 : memref<128xi32, #tpu.memory_space<vmem>>) semaphore(%arg13 : memref<!tpu.dma_semaphore, #tpu.memory_space<semaphore_mem>>)
    %dma_wait3A_308 = arith.constant 10 : i32
    %dma_wait3A_309 = arith.constant 0 : i32
    %dma_wait3A_310 = tpu.memref_slice %arg7[%dma_wait3A_308, %dma_wait3A_309] : memref<16x128xi32, #tpu.memory_space<vmem>> -> memref<1x128xi32, #tpu.memory_space<vmem>>
    %dma_wait3A_311 = tpu.memref_squeeze %dma_wait3A_310 : memref<1x128xi32, #tpu.memory_space<vmem>> -> memref<128xi32, #tpu.memory_space<vmem>>
    %dma_wait3A_312 = arith.constant 0 : i32
    %dma_wait3A_313 = arith.constant 0 : i32
    %dma_wait3A_314 = tpu.memref_slice %arg2[%dma_wait3A_312, %dma_wait3A_313] : memref<4096x128xf32, #tpu.memory_space<hbm>> -> memref<4096x128xf32, #tpu.memory_space<hbm>>
    tpu.wait_indirect_dma semaphore(%arg14 : memref<!tpu.dma_semaphore, #tpu.memory_space<semaphore_mem>>) src(%dma_wait3A_314 : memref<4096x128xf32, #tpu.memory_space<hbm>>) dst(%arg10 : memref<128x128xf32, #tpu.memory_space<vmem>>)
    %dma_start3A_315 = arith.constant 10 : i32
    %dma_start3A_316 = arith.constant 0 : i32
    %dma_start3A_317 = tpu.memref_slice %arg8[%dma_start3A_315, %dma_start3A_316] : memref<16x128xi32, #tpu.memory_space<vmem>> -> memref<1x128xi32, #tpu.memory_space<vmem>>
    %dma_start3A_318 = tpu.memref_squeeze %dma_start3A_317 : memref<1x128xi32, #tpu.memory_space<vmem>> -> memref<128xi32, #tpu.memory_space<vmem>>
    %dma_start3A_319 = arith.constant 0 : i32
    %dma_start3A_320 = arith.constant 0 : i32
    %dma_start3A_321 = tpu.memref_slice %arg12[%dma_start3A_319, %dma_start3A_320] : memref<4096x128xf32, #tpu.memory_space<vmem_shared>> -> memref<4096x128xf32, #tpu.memory_space<vmem_shared>>
    tpu.enqueue_indirect_dma source(%arg10 : memref<128x128xf32, #tpu.memory_space<vmem>>) target(%dma_start3A_321 : memref<4096x128xf32, #tpu.memory_space<vmem_shared>>) offsets(%dma_start3A_318 : memref<128xi32, #tpu.memory_space<vmem>>) semaphore(%arg17 : memref<!tpu.dma_semaphore, #tpu.memory_space<semaphore_mem>>) {add = true}
    %dma_wait3A_322 = arith.constant 10 : i32
    %dma_wait3A_323 = arith.constant 0 : i32
    %dma_wait3A_324 = tpu.memref_slice %arg8[%dma_wait3A_322, %dma_wait3A_323] : memref<16x128xi32, #tpu.memory_space<vmem>> -> memref<1x128xi32, #tpu.memory_space<vmem>>
    %dma_wait3A_325 = tpu.memref_squeeze %dma_wait3A_324 : memref<1x128xi32, #tpu.memory_space<vmem>> -> memref<128xi32, #tpu.memory_space<vmem>>
    %dma_wait3A_326 = arith.constant 0 : i32
    %dma_wait3A_327 = arith.constant 0 : i32
    %dma_wait3A_328 = tpu.memref_slice %arg12[%dma_wait3A_326, %dma_wait3A_327] : memref<4096x128xf32, #tpu.memory_space<vmem_shared>> -> memref<4096x128xf32, #tpu.memory_space<vmem_shared>>
    tpu.wait_indirect_dma semaphore(%arg17 : memref<!tpu.dma_semaphore, #tpu.memory_space<semaphore_mem>>) src(%arg10 : memref<128x128xf32, #tpu.memory_space<vmem>>) dst(%dma_wait3A_328 : memref<4096x128xf32, #tpu.memory_space<vmem_shared>>)
    %dma_start3A_329 = arith.constant 13 : i32
    %dma_start3A_330 = arith.constant 0 : i32
    %dma_start3A_331 = tpu.memref_slice %arg7[%dma_start3A_329, %dma_start3A_330] : memref<16x128xi32, #tpu.memory_space<vmem>> -> memref<1x128xi32, #tpu.memory_space<vmem>>
    %dma_start3A_332 = tpu.memref_squeeze %dma_start3A_331 : memref<1x128xi32, #tpu.memory_space<vmem>> -> memref<128xi32, #tpu.memory_space<vmem>>
    %dma_start3A_333 = arith.constant 0 : i32
    %dma_start3A_334 = arith.constant 0 : i32
    %dma_start3A_335 = tpu.memref_slice %arg2[%dma_start3A_333, %dma_start3A_334] : memref<4096x128xf32, #tpu.memory_space<hbm>> -> memref<4096x128xf32, #tpu.memory_space<hbm>>
    tpu.enqueue_indirect_dma source(%dma_start3A_335 : memref<4096x128xf32, #tpu.memory_space<hbm>>) target(%arg10 : memref<128x128xf32, #tpu.memory_space<vmem>>) offsets(%dma_start3A_332 : memref<128xi32, #tpu.memory_space<vmem>>) semaphore(%arg14 : memref<!tpu.dma_semaphore, #tpu.memory_space<semaphore_mem>>)
    %dma_wait3A_336 = arith.constant 11 : i32
    %dma_wait3A_337 = arith.constant 0 : i32
    %dma_wait3A_338 = tpu.memref_slice %arg7[%dma_wait3A_336, %dma_wait3A_337] : memref<16x128xi32, #tpu.memory_space<vmem>> -> memref<1x128xi32, #tpu.memory_space<vmem>>
    %dma_wait3A_339 = tpu.memref_squeeze %dma_wait3A_338 : memref<1x128xi32, #tpu.memory_space<vmem>> -> memref<128xi32, #tpu.memory_space<vmem>>
    %dma_wait3A_340 = arith.constant 0 : i32
    %dma_wait3A_341 = arith.constant 0 : i32
    %dma_wait3A_342 = tpu.memref_slice %arg2[%dma_wait3A_340, %dma_wait3A_341] : memref<4096x128xf32, #tpu.memory_space<hbm>> -> memref<4096x128xf32, #tpu.memory_space<hbm>>
    tpu.wait_indirect_dma semaphore(%arg15 : memref<!tpu.dma_semaphore, #tpu.memory_space<semaphore_mem>>) src(%dma_wait3A_342 : memref<4096x128xf32, #tpu.memory_space<hbm>>) dst(%arg11 : memref<128x128xf32, #tpu.memory_space<vmem>>)
    %dma_start3A_343 = arith.constant 11 : i32
    %dma_start3A_344 = arith.constant 0 : i32
    %dma_start3A_345 = tpu.memref_slice %arg8[%dma_start3A_343, %dma_start3A_344] : memref<16x128xi32, #tpu.memory_space<vmem>> -> memref<1x128xi32, #tpu.memory_space<vmem>>
    %dma_start3A_346 = tpu.memref_squeeze %dma_start3A_345 : memref<1x128xi32, #tpu.memory_space<vmem>> -> memref<128xi32, #tpu.memory_space<vmem>>
    %dma_start3A_347 = arith.constant 0 : i32
    %dma_start3A_348 = arith.constant 0 : i32
    %dma_start3A_349 = tpu.memref_slice %arg12[%dma_start3A_347, %dma_start3A_348] : memref<4096x128xf32, #tpu.memory_space<vmem_shared>> -> memref<4096x128xf32, #tpu.memory_space<vmem_shared>>
    tpu.enqueue_indirect_dma source(%arg11 : memref<128x128xf32, #tpu.memory_space<vmem>>) target(%dma_start3A_349 : memref<4096x128xf32, #tpu.memory_space<vmem_shared>>) offsets(%dma_start3A_346 : memref<128xi32, #tpu.memory_space<vmem>>) semaphore(%arg18 : memref<!tpu.dma_semaphore, #tpu.memory_space<semaphore_mem>>) {add = true}
    %dma_wait3A_350 = arith.constant 11 : i32
    %dma_wait3A_351 = arith.constant 0 : i32
    %dma_wait3A_352 = tpu.memref_slice %arg8[%dma_wait3A_350, %dma_wait3A_351] : memref<16x128xi32, #tpu.memory_space<vmem>> -> memref<1x128xi32, #tpu.memory_space<vmem>>
    %dma_wait3A_353 = tpu.memref_squeeze %dma_wait3A_352 : memref<1x128xi32, #tpu.memory_space<vmem>> -> memref<128xi32, #tpu.memory_space<vmem>>
    %dma_wait3A_354 = arith.constant 0 : i32
    %dma_wait3A_355 = arith.constant 0 : i32
    %dma_wait3A_356 = tpu.memref_slice %arg12[%dma_wait3A_354, %dma_wait3A_355] : memref<4096x128xf32, #tpu.memory_space<vmem_shared>> -> memref<4096x128xf32, #tpu.memory_space<vmem_shared>>
    tpu.wait_indirect_dma semaphore(%arg18 : memref<!tpu.dma_semaphore, #tpu.memory_space<semaphore_mem>>) src(%arg11 : memref<128x128xf32, #tpu.memory_space<vmem>>) dst(%dma_wait3A_356 : memref<4096x128xf32, #tpu.memory_space<vmem_shared>>)
    %dma_start3A_357 = arith.constant 14 : i32
    %dma_start3A_358 = arith.constant 0 : i32
    %dma_start3A_359 = tpu.memref_slice %arg7[%dma_start3A_357, %dma_start3A_358] : memref<16x128xi32, #tpu.memory_space<vmem>> -> memref<1x128xi32, #tpu.memory_space<vmem>>
    %dma_start3A_360 = tpu.memref_squeeze %dma_start3A_359 : memref<1x128xi32, #tpu.memory_space<vmem>> -> memref<128xi32, #tpu.memory_space<vmem>>
    %dma_start3A_361 = arith.constant 0 : i32
    %dma_start3A_362 = arith.constant 0 : i32
    %dma_start3A_363 = tpu.memref_slice %arg2[%dma_start3A_361, %dma_start3A_362] : memref<4096x128xf32, #tpu.memory_space<hbm>> -> memref<4096x128xf32, #tpu.memory_space<hbm>>
    tpu.enqueue_indirect_dma source(%dma_start3A_363 : memref<4096x128xf32, #tpu.memory_space<hbm>>) target(%arg11 : memref<128x128xf32, #tpu.memory_space<vmem>>) offsets(%dma_start3A_360 : memref<128xi32, #tpu.memory_space<vmem>>) semaphore(%arg15 : memref<!tpu.dma_semaphore, #tpu.memory_space<semaphore_mem>>)
    %dma_wait3A_364 = arith.constant 12 : i32
    %dma_wait3A_365 = arith.constant 0 : i32
    %dma_wait3A_366 = tpu.memref_slice %arg7[%dma_wait3A_364, %dma_wait3A_365] : memref<16x128xi32, #tpu.memory_space<vmem>> -> memref<1x128xi32, #tpu.memory_space<vmem>>
    %dma_wait3A_367 = tpu.memref_squeeze %dma_wait3A_366 : memref<1x128xi32, #tpu.memory_space<vmem>> -> memref<128xi32, #tpu.memory_space<vmem>>
    %dma_wait3A_368 = arith.constant 0 : i32
    %dma_wait3A_369 = arith.constant 0 : i32
    %dma_wait3A_370 = tpu.memref_slice %arg2[%dma_wait3A_368, %dma_wait3A_369] : memref<4096x128xf32, #tpu.memory_space<hbm>> -> memref<4096x128xf32, #tpu.memory_space<hbm>>
    tpu.wait_indirect_dma semaphore(%arg13 : memref<!tpu.dma_semaphore, #tpu.memory_space<semaphore_mem>>) src(%dma_wait3A_370 : memref<4096x128xf32, #tpu.memory_space<hbm>>) dst(%arg9 : memref<128x128xf32, #tpu.memory_space<vmem>>)
    %dma_start3A_371 = arith.constant 12 : i32
    %dma_start3A_372 = arith.constant 0 : i32
    %dma_start3A_373 = tpu.memref_slice %arg8[%dma_start3A_371, %dma_start3A_372] : memref<16x128xi32, #tpu.memory_space<vmem>> -> memref<1x128xi32, #tpu.memory_space<vmem>>
    %dma_start3A_374 = tpu.memref_squeeze %dma_start3A_373 : memref<1x128xi32, #tpu.memory_space<vmem>> -> memref<128xi32, #tpu.memory_space<vmem>>
    %dma_start3A_375 = arith.constant 0 : i32
    %dma_start3A_376 = arith.constant 0 : i32
    %dma_start3A_377 = tpu.memref_slice %arg12[%dma_start3A_375, %dma_start3A_376] : memref<4096x128xf32, #tpu.memory_space<vmem_shared>> -> memref<4096x128xf32, #tpu.memory_space<vmem_shared>>
    tpu.enqueue_indirect_dma source(%arg9 : memref<128x128xf32, #tpu.memory_space<vmem>>) target(%dma_start3A_377 : memref<4096x128xf32, #tpu.memory_space<vmem_shared>>) offsets(%dma_start3A_374 : memref<128xi32, #tpu.memory_space<vmem>>) semaphore(%arg16 : memref<!tpu.dma_semaphore, #tpu.memory_space<semaphore_mem>>) {add = true}
    %dma_wait3A_378 = arith.constant 12 : i32
    %dma_wait3A_379 = arith.constant 0 : i32
    %dma_wait3A_380 = tpu.memref_slice %arg8[%dma_wait3A_378, %dma_wait3A_379] : memref<16x128xi32, #tpu.memory_space<vmem>> -> memref<1x128xi32, #tpu.memory_space<vmem>>
    %dma_wait3A_381 = tpu.memref_squeeze %dma_wait3A_380 : memref<1x128xi32, #tpu.memory_space<vmem>> -> memref<128xi32, #tpu.memory_space<vmem>>
    %dma_wait3A_382 = arith.constant 0 : i32
    %dma_wait3A_383 = arith.constant 0 : i32
    %dma_wait3A_384 = tpu.memref_slice %arg12[%dma_wait3A_382, %dma_wait3A_383] : memref<4096x128xf32, #tpu.memory_space<vmem_shared>> -> memref<4096x128xf32, #tpu.memory_space<vmem_shared>>
    tpu.wait_indirect_dma semaphore(%arg16 : memref<!tpu.dma_semaphore, #tpu.memory_space<semaphore_mem>>) src(%arg9 : memref<128x128xf32, #tpu.memory_space<vmem>>) dst(%dma_wait3A_384 : memref<4096x128xf32, #tpu.memory_space<vmem_shared>>)
    %dma_start3A_385 = arith.constant 15 : i32
    %dma_start3A_386 = arith.constant 0 : i32
    %dma_start3A_387 = tpu.memref_slice %arg7[%dma_start3A_385, %dma_start3A_386] : memref<16x128xi32, #tpu.memory_space<vmem>> -> memref<1x128xi32, #tpu.memory_space<vmem>>
    %dma_start3A_388 = tpu.memref_squeeze %dma_start3A_387 : memref<1x128xi32, #tpu.memory_space<vmem>> -> memref<128xi32, #tpu.memory_space<vmem>>
    %dma_start3A_389 = arith.constant 0 : i32
    %dma_start3A_390 = arith.constant 0 : i32
    %dma_start3A_391 = tpu.memref_slice %arg2[%dma_start3A_389, %dma_start3A_390] : memref<4096x128xf32, #tpu.memory_space<hbm>> -> memref<4096x128xf32, #tpu.memory_space<hbm>>
    tpu.enqueue_indirect_dma source(%dma_start3A_391 : memref<4096x128xf32, #tpu.memory_space<hbm>>) target(%arg9 : memref<128x128xf32, #tpu.memory_space<vmem>>) offsets(%dma_start3A_388 : memref<128xi32, #tpu.memory_space<vmem>>) semaphore(%arg13 : memref<!tpu.dma_semaphore, #tpu.memory_space<semaphore_mem>>)
    %dma_wait3A_392 = arith.constant 13 : i32
    %dma_wait3A_393 = arith.constant 0 : i32
    %dma_wait3A_394 = tpu.memref_slice %arg7[%dma_wait3A_392, %dma_wait3A_393] : memref<16x128xi32, #tpu.memory_space<vmem>> -> memref<1x128xi32, #tpu.memory_space<vmem>>
    %dma_wait3A_395 = tpu.memref_squeeze %dma_wait3A_394 : memref<1x128xi32, #tpu.memory_space<vmem>> -> memref<128xi32, #tpu.memory_space<vmem>>
    %dma_wait3A_396 = arith.constant 0 : i32
    %dma_wait3A_397 = arith.constant 0 : i32
    %dma_wait3A_398 = tpu.memref_slice %arg2[%dma_wait3A_396, %dma_wait3A_397] : memref<4096x128xf32, #tpu.memory_space<hbm>> -> memref<4096x128xf32, #tpu.memory_space<hbm>>
    tpu.wait_indirect_dma semaphore(%arg14 : memref<!tpu.dma_semaphore, #tpu.memory_space<semaphore_mem>>) src(%dma_wait3A_398 : memref<4096x128xf32, #tpu.memory_space<hbm>>) dst(%arg10 : memref<128x128xf32, #tpu.memory_space<vmem>>)
    %dma_start3A_399 = arith.constant 13 : i32
    %dma_start3A_400 = arith.constant 0 : i32
    %dma_start3A_401 = tpu.memref_slice %arg8[%dma_start3A_399, %dma_start3A_400] : memref<16x128xi32, #tpu.memory_space<vmem>> -> memref<1x128xi32, #tpu.memory_space<vmem>>
    %dma_start3A_402 = tpu.memref_squeeze %dma_start3A_401 : memref<1x128xi32, #tpu.memory_space<vmem>> -> memref<128xi32, #tpu.memory_space<vmem>>
    %dma_start3A_403 = arith.constant 0 : i32
    %dma_start3A_404 = arith.constant 0 : i32
    %dma_start3A_405 = tpu.memref_slice %arg12[%dma_start3A_403, %dma_start3A_404] : memref<4096x128xf32, #tpu.memory_space<vmem_shared>> -> memref<4096x128xf32, #tpu.memory_space<vmem_shared>>
    tpu.enqueue_indirect_dma source(%arg10 : memref<128x128xf32, #tpu.memory_space<vmem>>) target(%dma_start3A_405 : memref<4096x128xf32, #tpu.memory_space<vmem_shared>>) offsets(%dma_start3A_402 : memref<128xi32, #tpu.memory_space<vmem>>) semaphore(%arg17 : memref<!tpu.dma_semaphore, #tpu.memory_space<semaphore_mem>>) {add = true}
    %dma_wait3A_406 = arith.constant 14 : i32
    %dma_wait3A_407 = arith.constant 0 : i32
    %dma_wait3A_408 = tpu.memref_slice %arg7[%dma_wait3A_406, %dma_wait3A_407] : memref<16x128xi32, #tpu.memory_space<vmem>> -> memref<1x128xi32, #tpu.memory_space<vmem>>
    %dma_wait3A_409 = tpu.memref_squeeze %dma_wait3A_408 : memref<1x128xi32, #tpu.memory_space<vmem>> -> memref<128xi32, #tpu.memory_space<vmem>>
    %dma_wait3A_410 = arith.constant 0 : i32
    %dma_wait3A_411 = arith.constant 0 : i32
    %dma_wait3A_412 = tpu.memref_slice %arg2[%dma_wait3A_410, %dma_wait3A_411] : memref<4096x128xf32, #tpu.memory_space<hbm>> -> memref<4096x128xf32, #tpu.memory_space<hbm>>
    tpu.wait_indirect_dma semaphore(%arg15 : memref<!tpu.dma_semaphore, #tpu.memory_space<semaphore_mem>>) src(%dma_wait3A_412 : memref<4096x128xf32, #tpu.memory_space<hbm>>) dst(%arg11 : memref<128x128xf32, #tpu.memory_space<vmem>>)
    %dma_start3A_413 = arith.constant 14 : i32
    %dma_start3A_414 = arith.constant 0 : i32
    %dma_start3A_415 = tpu.memref_slice %arg8[%dma_start3A_413, %dma_start3A_414] : memref<16x128xi32, #tpu.memory_space<vmem>> -> memref<1x128xi32, #tpu.memory_space<vmem>>
    %dma_start3A_416 = tpu.memref_squeeze %dma_start3A_415 : memref<1x128xi32, #tpu.memory_space<vmem>> -> memref<128xi32, #tpu.memory_space<vmem>>
    %dma_start3A_417 = arith.constant 0 : i32
    %dma_start3A_418 = arith.constant 0 : i32
    %dma_start3A_419 = tpu.memref_slice %arg12[%dma_start3A_417, %dma_start3A_418] : memref<4096x128xf32, #tpu.memory_space<vmem_shared>> -> memref<4096x128xf32, #tpu.memory_space<vmem_shared>>
    tpu.enqueue_indirect_dma source(%arg11 : memref<128x128xf32, #tpu.memory_space<vmem>>) target(%dma_start3A_419 : memref<4096x128xf32, #tpu.memory_space<vmem_shared>>) offsets(%dma_start3A_416 : memref<128xi32, #tpu.memory_space<vmem>>) semaphore(%arg18 : memref<!tpu.dma_semaphore, #tpu.memory_space<semaphore_mem>>) {add = true}
    %dma_wait3A_420 = arith.constant 15 : i32
    %dma_wait3A_421 = arith.constant 0 : i32
    %dma_wait3A_422 = tpu.memref_slice %arg7[%dma_wait3A_420, %dma_wait3A_421] : memref<16x128xi32, #tpu.memory_space<vmem>> -> memref<1x128xi32, #tpu.memory_space<vmem>>
    %dma_wait3A_423 = tpu.memref_squeeze %dma_wait3A_422 : memref<1x128xi32, #tpu.memory_space<vmem>> -> memref<128xi32, #tpu.memory_space<vmem>>
    %dma_wait3A_424 = arith.constant 0 : i32
    %dma_wait3A_425 = arith.constant 0 : i32
    %dma_wait3A_426 = tpu.memref_slice %arg2[%dma_wait3A_424, %dma_wait3A_425] : memref<4096x128xf32, #tpu.memory_space<hbm>> -> memref<4096x128xf32, #tpu.memory_space<hbm>>
    tpu.wait_indirect_dma semaphore(%arg13 : memref<!tpu.dma_semaphore, #tpu.memory_space<semaphore_mem>>) src(%dma_wait3A_426 : memref<4096x128xf32, #tpu.memory_space<hbm>>) dst(%arg9 : memref<128x128xf32, #tpu.memory_space<vmem>>)
    %dma_start3A_427 = arith.constant 15 : i32
    %dma_start3A_428 = arith.constant 0 : i32
    %dma_start3A_429 = tpu.memref_slice %arg8[%dma_start3A_427, %dma_start3A_428] : memref<16x128xi32, #tpu.memory_space<vmem>> -> memref<1x128xi32, #tpu.memory_space<vmem>>
    %dma_start3A_430 = tpu.memref_squeeze %dma_start3A_429 : memref<1x128xi32, #tpu.memory_space<vmem>> -> memref<128xi32, #tpu.memory_space<vmem>>
    %dma_start3A_431 = arith.constant 0 : i32
    %dma_start3A_432 = arith.constant 0 : i32
    %dma_start3A_433 = tpu.memref_slice %arg12[%dma_start3A_431, %dma_start3A_432] : memref<4096x128xf32, #tpu.memory_space<vmem_shared>> -> memref<4096x128xf32, #tpu.memory_space<vmem_shared>>
    tpu.enqueue_indirect_dma source(%arg9 : memref<128x128xf32, #tpu.memory_space<vmem>>) target(%dma_start3A_433 : memref<4096x128xf32, #tpu.memory_space<vmem_shared>>) offsets(%dma_start3A_430 : memref<128xi32, #tpu.memory_space<vmem>>) semaphore(%arg16 : memref<!tpu.dma_semaphore, #tpu.memory_space<semaphore_mem>>) {add = true}
    %dma_wait3A_434 = arith.constant 13 : i32
    %dma_wait3A_435 = arith.constant 0 : i32
    %dma_wait3A_436 = tpu.memref_slice %arg8[%dma_wait3A_434, %dma_wait3A_435] : memref<16x128xi32, #tpu.memory_space<vmem>> -> memref<1x128xi32, #tpu.memory_space<vmem>>
    %dma_wait3A_437 = tpu.memref_squeeze %dma_wait3A_436 : memref<1x128xi32, #tpu.memory_space<vmem>> -> memref<128xi32, #tpu.memory_space<vmem>>
    %dma_wait3A_438 = arith.constant 0 : i32
    %dma_wait3A_439 = arith.constant 0 : i32
    %dma_wait3A_440 = tpu.memref_slice %arg12[%dma_wait3A_438, %dma_wait3A_439] : memref<4096x128xf32, #tpu.memory_space<vmem_shared>> -> memref<4096x128xf32, #tpu.memory_space<vmem_shared>>
    tpu.wait_indirect_dma semaphore(%arg17 : memref<!tpu.dma_semaphore, #tpu.memory_space<semaphore_mem>>) src(%arg10 : memref<128x128xf32, #tpu.memory_space<vmem>>) dst(%dma_wait3A_440 : memref<4096x128xf32, #tpu.memory_space<vmem_shared>>)
    %dma_wait3A_441 = arith.constant 14 : i32
    %dma_wait3A_442 = arith.constant 0 : i32
    %dma_wait3A_443 = tpu.memref_slice %arg8[%dma_wait3A_441, %dma_wait3A_442] : memref<16x128xi32, #tpu.memory_space<vmem>> -> memref<1x128xi32, #tpu.memory_space<vmem>>
    %dma_wait3A_444 = tpu.memref_squeeze %dma_wait3A_443 : memref<1x128xi32, #tpu.memory_space<vmem>> -> memref<128xi32, #tpu.memory_space<vmem>>
    %dma_wait3A_445 = arith.constant 0 : i32
    %dma_wait3A_446 = arith.constant 0 : i32
    %dma_wait3A_447 = tpu.memref_slice %arg12[%dma_wait3A_445, %dma_wait3A_446] : memref<4096x128xf32, #tpu.memory_space<vmem_shared>> -> memref<4096x128xf32, #tpu.memory_space<vmem_shared>>
    tpu.wait_indirect_dma semaphore(%arg18 : memref<!tpu.dma_semaphore, #tpu.memory_space<semaphore_mem>>) src(%arg11 : memref<128x128xf32, #tpu.memory_space<vmem>>) dst(%dma_wait3A_447 : memref<4096x128xf32, #tpu.memory_space<vmem_shared>>)
    %dma_wait3A_448 = arith.constant 15 : i32
    %dma_wait3A_449 = arith.constant 0 : i32
    %dma_wait3A_450 = tpu.memref_slice %arg8[%dma_wait3A_448, %dma_wait3A_449] : memref<16x128xi32, #tpu.memory_space<vmem>> -> memref<1x128xi32, #tpu.memory_space<vmem>>
    %dma_wait3A_451 = tpu.memref_squeeze %dma_wait3A_450 : memref<1x128xi32, #tpu.memory_space<vmem>> -> memref<128xi32, #tpu.memory_space<vmem>>
    %dma_wait3A_452 = arith.constant 0 : i32
    %dma_wait3A_453 = arith.constant 0 : i32
    %dma_wait3A_454 = tpu.memref_slice %arg12[%dma_wait3A_452, %dma_wait3A_453] : memref<4096x128xf32, #tpu.memory_space<vmem_shared>> -> memref<4096x128xf32, #tpu.memory_space<vmem_shared>>
    tpu.wait_indirect_dma semaphore(%arg16 : memref<!tpu.dma_semaphore, #tpu.memory_space<semaphore_mem>>) src(%arg9 : memref<128x128xf32, #tpu.memory_space<vmem>>) dst(%dma_wait3A_454 : memref<4096x128xf32, #tpu.memory_space<vmem_shared>>)
    %barrier3A_455 = arith.constant 0 : index
    tpu.barrier barrier_id(%barrier3A_455)
    %mul3A_456 = arith.constant 256 : i32
    %mul3A_457 = arith.muli %arg1, %mul3A_456 : i32
    %mul3A_458 = arith.constant 4096 : i32
    %mul3A_459 = arith.muli %arg0, %mul3A_458 : i32
    %mul3A_460 = arith.constant 256 : i32
    %mul3A_461 = arith.muli %arg1, %mul3A_460 : i32
    %add3A_462 = arith.addi %mul3A_459, %mul3A_461 : i32
    "tpu.region"() ({
      %run_scoped3A = tpu.sem_alloc : memref<!tpu.dma_semaphore, #tpu.memory_space<semaphore_mem>>
      %dma_start3A_463 = arith.constant 0 : i32
      %dma_start3A_464 = tpu.memref_slice %arg6[%add3A_462, %dma_start3A_463] : memref<8192x128xf32, #tpu.memory_space<hbm>> -> memref<256x128xf32, #tpu.memory_space<hbm>>
      %dma_start3A_465 = arith.constant 0 : i32
      %dma_start3A_466 = tpu.memref_slice %arg12[%mul3A_457, %dma_start3A_465] : memref<4096x128xf32, #tpu.memory_space<vmem_shared>> -> memref<256x128xf32, #tpu.memory_space<vmem_shared>>
      tpu.enqueue_dma source(%dma_start3A_466 : memref<256x128xf32, #tpu.memory_space<vmem_shared>>) target(%dma_start3A_464 : memref<256x128xf32, #tpu.memory_space<hbm>>) target_semaphore(%run_scoped3A : memref<!tpu.dma_semaphore, #tpu.memory_space<semaphore_mem>>)
      %dma_wait3A_467 = arith.constant 0 : i32
      %dma_wait3A_468 = tpu.memref_slice %arg6[%add3A_462, %dma_wait3A_467] : memref<8192x128xf32, #tpu.memory_space<hbm>> -> memref<256x128xf32, #tpu.memory_space<hbm>>
      %dma_wait3A_469 = arith.constant 0 : i32
      %dma_wait3A_470 = tpu.memref_slice %arg12[%mul3A_457, %dma_wait3A_469] : memref<4096x128xf32, #tpu.memory_space<vmem_shared>> -> memref<256x128xf32, #tpu.memory_space<vmem_shared>>
      tpu.wait_dma2 semaphore(%run_scoped3A : memref<!tpu.dma_semaphore, #tpu.memory_space<semaphore_mem>>) src(%dma_wait3A_470 : memref<256x128xf32, #tpu.memory_space<vmem_shared>>) dst(%dma_wait3A_468 : memref<256x128xf32, #tpu.memory_space<hbm>>)
      tpu.yield
    }) : () -> ()
    return
  }
}

#map = affine_map<(d0, d1) -> (0, 0)>
#map1 = affine_map<(d0, d1) -> (0, 0, 0)>
module attributes {stable_mosaic.version = 14 : i64} {
  func.func @_sc_disp_body(%arg0: i32, %arg1: i32, %arg2: memref<32768x128xf32, #tpu.memory_space<hbm>>, %arg3: memref<32x16x128xi32, #tpu.memory_space<hbm>>, %arg4: memref<32x16x128xi32, #tpu.memory_space<hbm>>, %arg5: memref<32x16x128xi32, #tpu.memory_space<hbm>>, %arg6: memref<32x16x128xi32, #tpu.memory_space<hbm>>, %arg7: memref<128x128xf32, #tpu.memory_space<hbm>>, %arg8: memref<16384x128xf32, #tpu.memory_space<hbm>>, %arg9: memref<16x128xi32, #tpu.memory_space<vmem>>, %arg10: memref<16x128xi32, #tpu.memory_space<vmem>>, %arg11: memref<16x128xi32, #tpu.memory_space<vmem>>, %arg12: memref<16x128xi32, #tpu.memory_space<vmem>>, %arg13: memref<128x128xf32, #tpu.memory_space<vmem>>, %arg14: memref<128x128xf32, #tpu.memory_space<vmem>>, %arg15: memref<128x128xf32, #tpu.memory_space<vmem>>, %arg16: memref<8192x128xf32, #tpu.memory_space<vmem_shared>>, %arg17: memref<!tpu.dma_semaphore, #tpu.memory_space<semaphore_mem>>, %arg18: memref<!tpu.dma_semaphore, #tpu.memory_space<semaphore_mem>>, %arg19: memref<!tpu.dma_semaphore, #tpu.memory_space<semaphore_mem>>, %arg20: memref<!tpu.dma_semaphore, #tpu.memory_space<semaphore_mem>>, %arg21: memref<!tpu.dma_semaphore, #tpu.memory_space<semaphore_mem>>, %arg22: memref<!tpu.dma_semaphore, #tpu.memory_space<semaphore_mem>>) attributes {dimension_semantics = [#tpu.dimension_semantics<core_parallel>, #tpu.dimension_semantics<subcore_parallel>], iteration_bounds = array<i64: 2, 16>, scalar_prefetch = 0 : i64, scratch_operands = 14 : i64, tpu.core_type = #tpu.core_type<sc_vector_subcore>, window_params = [{transform_indices = #map}, {transform_indices = #map1}, {transform_indices = #map1}, {transform_indices = #map1}, {transform_indices = #map1}, {transform_indices = #map}, {transform_indices = #map}]} {
    %mul3A = arith.constant 16 : i32
    %mul3A_0 = arith.muli %arg0, %mul3A : i32
    %add3A = arith.addi %mul3A_0, %arg1 : i32
    %mul3A_1 = arith.constant 512 : i32
    %mul3A_2 = arith.muli %arg1, %mul3A_1 : i32
    %add3A_3 = arith.constant 0 : i32
    %add3A_4 = arith.addi %mul3A_2, %add3A_3 : i32
    "tpu.region"() ({
      %run_scoped3A = tpu.sem_alloc : memref<!tpu.dma_semaphore, #tpu.memory_space<semaphore_mem>>
      %dma_start3A_921 = arith.constant 0 : i32
      %dma_start3A_922 = tpu.memref_slice %arg16[%add3A_4, %dma_start3A_921] : memref<8192x128xf32, #tpu.memory_space<vmem_shared>> -> memref<128x128xf32, #tpu.memory_space<vmem_shared>>
      tpu.enqueue_dma source(%arg7 : memref<128x128xf32, #tpu.memory_space<hbm>>) target(%dma_start3A_922 : memref<128x128xf32, #tpu.memory_space<vmem_shared>>) target_semaphore(%run_scoped3A : memref<!tpu.dma_semaphore, #tpu.memory_space<semaphore_mem>>)
      %dma_wait3A_923 = arith.constant 0 : i32
      %dma_wait3A_924 = tpu.memref_slice %arg16[%add3A_4, %dma_wait3A_923] : memref<8192x128xf32, #tpu.memory_space<vmem_shared>> -> memref<128x128xf32, #tpu.memory_space<vmem_shared>>
      tpu.wait_dma2 semaphore(%run_scoped3A : memref<!tpu.dma_semaphore, #tpu.memory_space<semaphore_mem>>) src(%arg7 : memref<128x128xf32, #tpu.memory_space<hbm>>) dst(%dma_wait3A_924 : memref<128x128xf32, #tpu.memory_space<vmem_shared>>)
      tpu.yield
    }) : () -> ()
    %mul3A_5 = arith.constant 512 : i32
    %mul3A_6 = arith.muli %arg1, %mul3A_5 : i32
    %add3A_7 = arith.constant 128 : i32
    %add3A_8 = arith.addi %mul3A_6, %add3A_7 : i32
    "tpu.region"() ({
      %run_scoped3A = tpu.sem_alloc : memref<!tpu.dma_semaphore, #tpu.memory_space<semaphore_mem>>
      %dma_start3A_921 = arith.constant 0 : i32
      %dma_start3A_922 = tpu.memref_slice %arg16[%add3A_8, %dma_start3A_921] : memref<8192x128xf32, #tpu.memory_space<vmem_shared>> -> memref<128x128xf32, #tpu.memory_space<vmem_shared>>
      tpu.enqueue_dma source(%arg7 : memref<128x128xf32, #tpu.memory_space<hbm>>) target(%dma_start3A_922 : memref<128x128xf32, #tpu.memory_space<vmem_shared>>) target_semaphore(%run_scoped3A : memref<!tpu.dma_semaphore, #tpu.memory_space<semaphore_mem>>)
      %dma_wait3A_923 = arith.constant 0 : i32
      %dma_wait3A_924 = tpu.memref_slice %arg16[%add3A_8, %dma_wait3A_923] : memref<8192x128xf32, #tpu.memory_space<vmem_shared>> -> memref<128x128xf32, #tpu.memory_space<vmem_shared>>
      tpu.wait_dma2 semaphore(%run_scoped3A : memref<!tpu.dma_semaphore, #tpu.memory_space<semaphore_mem>>) src(%arg7 : memref<128x128xf32, #tpu.memory_space<hbm>>) dst(%dma_wait3A_924 : memref<128x128xf32, #tpu.memory_space<vmem_shared>>)
      tpu.yield
    }) : () -> ()
    %mul3A_9 = arith.constant 512 : i32
    %mul3A_10 = arith.muli %arg1, %mul3A_9 : i32
    %add3A_11 = arith.constant 256 : i32
    %add3A_12 = arith.addi %mul3A_10, %add3A_11 : i32
    "tpu.region"() ({
      %run_scoped3A = tpu.sem_alloc : memref<!tpu.dma_semaphore, #tpu.memory_space<semaphore_mem>>
      %dma_start3A_921 = arith.constant 0 : i32
      %dma_start3A_922 = tpu.memref_slice %arg16[%add3A_12, %dma_start3A_921] : memref<8192x128xf32, #tpu.memory_space<vmem_shared>> -> memref<128x128xf32, #tpu.memory_space<vmem_shared>>
      tpu.enqueue_dma source(%arg7 : memref<128x128xf32, #tpu.memory_space<hbm>>) target(%dma_start3A_922 : memref<128x128xf32, #tpu.memory_space<vmem_shared>>) target_semaphore(%run_scoped3A : memref<!tpu.dma_semaphore, #tpu.memory_space<semaphore_mem>>)
      %dma_wait3A_923 = arith.constant 0 : i32
      %dma_wait3A_924 = tpu.memref_slice %arg16[%add3A_12, %dma_wait3A_923] : memref<8192x128xf32, #tpu.memory_space<vmem_shared>> -> memref<128x128xf32, #tpu.memory_space<vmem_shared>>
      tpu.wait_dma2 semaphore(%run_scoped3A : memref<!tpu.dma_semaphore, #tpu.memory_space<semaphore_mem>>) src(%arg7 : memref<128x128xf32, #tpu.memory_space<hbm>>) dst(%dma_wait3A_924 : memref<128x128xf32, #tpu.memory_space<vmem_shared>>)
      tpu.yield
    }) : () -> ()
    %mul3A_13 = arith.constant 512 : i32
    %mul3A_14 = arith.muli %arg1, %mul3A_13 : i32
    %add3A_15 = arith.constant 384 : i32
    %add3A_16 = arith.addi %mul3A_14, %add3A_15 : i32
    "tpu.region"() ({
      %run_scoped3A = tpu.sem_alloc : memref<!tpu.dma_semaphore, #tpu.memory_space<semaphore_mem>>
      %dma_start3A_921 = arith.constant 0 : i32
      %dma_start3A_922 = tpu.memref_slice %arg16[%add3A_16, %dma_start3A_921] : memref<8192x128xf32, #tpu.memory_space<vmem_shared>> -> memref<128x128xf32, #tpu.memory_space<vmem_shared>>
      tpu.enqueue_dma source(%arg7 : memref<128x128xf32, #tpu.memory_space<hbm>>) target(%dma_start3A_922 : memref<128x128xf32, #tpu.memory_space<vmem_shared>>) target_semaphore(%run_scoped3A : memref<!tpu.dma_semaphore, #tpu.memory_space<semaphore_mem>>)
      %dma_wait3A_923 = arith.constant 0 : i32
      %dma_wait3A_924 = tpu.memref_slice %arg16[%add3A_16, %dma_wait3A_923] : memref<8192x128xf32, #tpu.memory_space<vmem_shared>> -> memref<128x128xf32, #tpu.memory_space<vmem_shared>>
      tpu.wait_dma2 semaphore(%run_scoped3A : memref<!tpu.dma_semaphore, #tpu.memory_space<semaphore_mem>>) src(%arg7 : memref<128x128xf32, #tpu.memory_space<hbm>>) dst(%dma_wait3A_924 : memref<128x128xf32, #tpu.memory_space<vmem_shared>>)
      tpu.yield
    }) : () -> ()
    "tpu.region"() ({
      %run_scoped3A = tpu.sem_alloc : memref<!tpu.dma_semaphore, #tpu.memory_space<semaphore_mem>>
      %dma_start3A_921 = arith.constant 0 : i32
      %dma_start3A_922 = arith.constant 0 : i32
      %dma_start3A_923 = tpu.memref_slice %arg3[%add3A, %dma_start3A_921, %dma_start3A_922] : memref<32x16x128xi32, #tpu.memory_space<hbm>> -> memref<1x16x128xi32, #tpu.memory_space<hbm>>
      %dma_start3A_924 = tpu.memref_squeeze %dma_start3A_923 : memref<1x16x128xi32, #tpu.memory_space<hbm>> -> memref<16x128xi32, #tpu.memory_space<hbm>>
      %dma_start3A_925 = arith.constant 0 : i32
      %dma_start3A_926 = arith.constant 0 : i32
      %dma_start3A_927 = tpu.memref_slice %arg3[%add3A, %dma_start3A_925, %dma_start3A_926] : memref<32x16x128xi32, #tpu.memory_space<hbm>> -> memref<1x16x128xi32, #tpu.memory_space<hbm>>
      %dma_start3A_928 = tpu.memref_squeeze %dma_start3A_927 : memref<1x16x128xi32, #tpu.memory_space<hbm>> -> memref<16x128xi32, #tpu.memory_space<hbm>>
      tpu.enqueue_dma source(%dma_start3A_928 : memref<16x128xi32, #tpu.memory_space<hbm>>) target(%arg9 : memref<16x128xi32, #tpu.memory_space<vmem>>) target_semaphore(%run_scoped3A : memref<!tpu.dma_semaphore, #tpu.memory_space<semaphore_mem>>)
      %dma_wait3A_929 = arith.constant 0 : i32
      %dma_wait3A_930 = arith.constant 0 : i32
      %dma_wait3A_931 = tpu.memref_slice %arg3[%add3A, %dma_wait3A_929, %dma_wait3A_930] : memref<32x16x128xi32, #tpu.memory_space<hbm>> -> memref<1x16x128xi32, #tpu.memory_space<hbm>>
      %dma_wait3A_932 = tpu.memref_squeeze %dma_wait3A_931 : memref<1x16x128xi32, #tpu.memory_space<hbm>> -> memref<16x128xi32, #tpu.memory_space<hbm>>
      %dma_wait3A_933 = arith.constant 0 : i32
      %dma_wait3A_934 = arith.constant 0 : i32
      %dma_wait3A_935 = tpu.memref_slice %arg3[%add3A, %dma_wait3A_933, %dma_wait3A_934] : memref<32x16x128xi32, #tpu.memory_space<hbm>> -> memref<1x16x128xi32, #tpu.memory_space<hbm>>
      %dma_wait3A_936 = tpu.memref_squeeze %dma_wait3A_935 : memref<1x16x128xi32, #tpu.memory_space<hbm>> -> memref<16x128xi32, #tpu.memory_space<hbm>>
      tpu.wait_dma2 semaphore(%run_scoped3A : memref<!tpu.dma_semaphore, #tpu.memory_space<semaphore_mem>>) src(%dma_wait3A_936 : memref<16x128xi32, #tpu.memory_space<hbm>>) dst(%arg9 : memref<16x128xi32, #tpu.memory_space<vmem>>)
      tpu.yield
    }) : () -> ()
    "tpu.region"() ({
      %run_scoped3A = tpu.sem_alloc : memref<!tpu.dma_semaphore, #tpu.memory_space<semaphore_mem>>
      %dma_start3A_921 = arith.constant 0 : i32
      %dma_start3A_922 = arith.constant 0 : i32
      %dma_start3A_923 = tpu.memref_slice %arg4[%add3A, %dma_start3A_921, %dma_start3A_922] : memref<32x16x128xi32, #tpu.memory_space<hbm>> -> memref<1x16x128xi32, #tpu.memory_space<hbm>>
      %dma_start3A_924 = tpu.memref_squeeze %dma_start3A_923 : memref<1x16x128xi32, #tpu.memory_space<hbm>> -> memref<16x128xi32, #tpu.memory_space<hbm>>
      %dma_start3A_925 = arith.constant 0 : i32
      %dma_start3A_926 = arith.constant 0 : i32
      %dma_start3A_927 = tpu.memref_slice %arg4[%add3A, %dma_start3A_925, %dma_start3A_926] : memref<32x16x128xi32, #tpu.memory_space<hbm>> -> memref<1x16x128xi32, #tpu.memory_space<hbm>>
      %dma_start3A_928 = tpu.memref_squeeze %dma_start3A_927 : memref<1x16x128xi32, #tpu.memory_space<hbm>> -> memref<16x128xi32, #tpu.memory_space<hbm>>
      tpu.enqueue_dma source(%dma_start3A_928 : memref<16x128xi32, #tpu.memory_space<hbm>>) target(%arg10 : memref<16x128xi32, #tpu.memory_space<vmem>>) target_semaphore(%run_scoped3A : memref<!tpu.dma_semaphore, #tpu.memory_space<semaphore_mem>>)
      %dma_wait3A_929 = arith.constant 0 : i32
      %dma_wait3A_930 = arith.constant 0 : i32
      %dma_wait3A_931 = tpu.memref_slice %arg4[%add3A, %dma_wait3A_929, %dma_wait3A_930] : memref<32x16x128xi32, #tpu.memory_space<hbm>> -> memref<1x16x128xi32, #tpu.memory_space<hbm>>
      %dma_wait3A_932 = tpu.memref_squeeze %dma_wait3A_931 : memref<1x16x128xi32, #tpu.memory_space<hbm>> -> memref<16x128xi32, #tpu.memory_space<hbm>>
      %dma_wait3A_933 = arith.constant 0 : i32
      %dma_wait3A_934 = arith.constant 0 : i32
      %dma_wait3A_935 = tpu.memref_slice %arg4[%add3A, %dma_wait3A_933, %dma_wait3A_934] : memref<32x16x128xi32, #tpu.memory_space<hbm>> -> memref<1x16x128xi32, #tpu.memory_space<hbm>>
      %dma_wait3A_936 = tpu.memref_squeeze %dma_wait3A_935 : memref<1x16x128xi32, #tpu.memory_space<hbm>> -> memref<16x128xi32, #tpu.memory_space<hbm>>
      tpu.wait_dma2 semaphore(%run_scoped3A : memref<!tpu.dma_semaphore, #tpu.memory_space<semaphore_mem>>) src(%dma_wait3A_936 : memref<16x128xi32, #tpu.memory_space<hbm>>) dst(%arg10 : memref<16x128xi32, #tpu.memory_space<vmem>>)
      tpu.yield
    }) : () -> ()
    "tpu.region"() ({
      %run_scoped3A = tpu.sem_alloc : memref<!tpu.dma_semaphore, #tpu.memory_space<semaphore_mem>>
      %dma_start3A_921 = arith.constant 0 : i32
      %dma_start3A_922 = arith.constant 0 : i32
      %dma_start3A_923 = tpu.memref_slice %arg5[%add3A, %dma_start3A_921, %dma_start3A_922] : memref<32x16x128xi32, #tpu.memory_space<hbm>> -> memref<1x16x128xi32, #tpu.memory_space<hbm>>
      %dma_start3A_924 = tpu.memref_squeeze %dma_start3A_923 : memref<1x16x128xi32, #tpu.memory_space<hbm>> -> memref<16x128xi32, #tpu.memory_space<hbm>>
      %dma_start3A_925 = arith.constant 0 : i32
      %dma_start3A_926 = arith.constant 0 : i32
      %dma_start3A_927 = tpu.memref_slice %arg5[%add3A, %dma_start3A_925, %dma_start3A_926] : memref<32x16x128xi32, #tpu.memory_space<hbm>> -> memref<1x16x128xi32, #tpu.memory_space<hbm>>
      %dma_start3A_928 = tpu.memref_squeeze %dma_start3A_927 : memref<1x16x128xi32, #tpu.memory_space<hbm>> -> memref<16x128xi32, #tpu.memory_space<hbm>>
      tpu.enqueue_dma source(%dma_start3A_928 : memref<16x128xi32, #tpu.memory_space<hbm>>) target(%arg11 : memref<16x128xi32, #tpu.memory_space<vmem>>) target_semaphore(%run_scoped3A : memref<!tpu.dma_semaphore, #tpu.memory_space<semaphore_mem>>)
      %dma_wait3A_929 = arith.constant 0 : i32
      %dma_wait3A_930 = arith.constant 0 : i32
      %dma_wait3A_931 = tpu.memref_slice %arg5[%add3A, %dma_wait3A_929, %dma_wait3A_930] : memref<32x16x128xi32, #tpu.memory_space<hbm>> -> memref<1x16x128xi32, #tpu.memory_space<hbm>>
      %dma_wait3A_932 = tpu.memref_squeeze %dma_wait3A_931 : memref<1x16x128xi32, #tpu.memory_space<hbm>> -> memref<16x128xi32, #tpu.memory_space<hbm>>
      %dma_wait3A_933 = arith.constant 0 : i32
      %dma_wait3A_934 = arith.constant 0 : i32
      %dma_wait3A_935 = tpu.memref_slice %arg5[%add3A, %dma_wait3A_933, %dma_wait3A_934] : memref<32x16x128xi32, #tpu.memory_space<hbm>> -> memref<1x16x128xi32, #tpu.memory_space<hbm>>
      %dma_wait3A_936 = tpu.memref_squeeze %dma_wait3A_935 : memref<1x16x128xi32, #tpu.memory_space<hbm>> -> memref<16x128xi32, #tpu.memory_space<hbm>>
      tpu.wait_dma2 semaphore(%run_scoped3A : memref<!tpu.dma_semaphore, #tpu.memory_space<semaphore_mem>>) src(%dma_wait3A_936 : memref<16x128xi32, #tpu.memory_space<hbm>>) dst(%arg11 : memref<16x128xi32, #tpu.memory_space<vmem>>)
      tpu.yield
    }) : () -> ()
    "tpu.region"() ({
      %run_scoped3A = tpu.sem_alloc : memref<!tpu.dma_semaphore, #tpu.memory_space<semaphore_mem>>
      %dma_start3A_921 = arith.constant 0 : i32
      %dma_start3A_922 = arith.constant 0 : i32
      %dma_start3A_923 = tpu.memref_slice %arg6[%add3A, %dma_start3A_921, %dma_start3A_922] : memref<32x16x128xi32, #tpu.memory_space<hbm>> -> memref<1x16x128xi32, #tpu.memory_space<hbm>>
      %dma_start3A_924 = tpu.memref_squeeze %dma_start3A_923 : memref<1x16x128xi32, #tpu.memory_space<hbm>> -> memref<16x128xi32, #tpu.memory_space<hbm>>
      %dma_start3A_925 = arith.constant 0 : i32
      %dma_start3A_926 = arith.constant 0 : i32
      %dma_start3A_927 = tpu.memref_slice %arg6[%add3A, %dma_start3A_925, %dma_start3A_926] : memref<32x16x128xi32, #tpu.memory_space<hbm>> -> memref<1x16x128xi32, #tpu.memory_space<hbm>>
      %dma_start3A_928 = tpu.memref_squeeze %dma_start3A_927 : memref<1x16x128xi32, #tpu.memory_space<hbm>> -> memref<16x128xi32, #tpu.memory_space<hbm>>
      tpu.enqueue_dma source(%dma_start3A_928 : memref<16x128xi32, #tpu.memory_space<hbm>>) target(%arg12 : memref<16x128xi32, #tpu.memory_space<vmem>>) target_semaphore(%run_scoped3A : memref<!tpu.dma_semaphore, #tpu.memory_space<semaphore_mem>>)
      %dma_wait3A_929 = arith.constant 0 : i32
      %dma_wait3A_930 = arith.constant 0 : i32
      %dma_wait3A_931 = tpu.memref_slice %arg6[%add3A, %dma_wait3A_929, %dma_wait3A_930] : memref<32x16x128xi32, #tpu.memory_space<hbm>> -> memref<1x16x128xi32, #tpu.memory_space<hbm>>
      %dma_wait3A_932 = tpu.memref_squeeze %dma_wait3A_931 : memref<1x16x128xi32, #tpu.memory_space<hbm>> -> memref<16x128xi32, #tpu.memory_space<hbm>>
      %dma_wait3A_933 = arith.constant 0 : i32
      %dma_wait3A_934 = arith.constant 0 : i32
      %dma_wait3A_935 = tpu.memref_slice %arg6[%add3A, %dma_wait3A_933, %dma_wait3A_934] : memref<32x16x128xi32, #tpu.memory_space<hbm>> -> memref<1x16x128xi32, #tpu.memory_space<hbm>>
      %dma_wait3A_936 = tpu.memref_squeeze %dma_wait3A_935 : memref<1x16x128xi32, #tpu.memory_space<hbm>> -> memref<16x128xi32, #tpu.memory_space<hbm>>
      tpu.wait_dma2 semaphore(%run_scoped3A : memref<!tpu.dma_semaphore, #tpu.memory_space<semaphore_mem>>) src(%dma_wait3A_936 : memref<16x128xi32, #tpu.memory_space<hbm>>) dst(%arg12 : memref<16x128xi32, #tpu.memory_space<vmem>>)
      tpu.yield
    }) : () -> ()
    %barrier3A = arith.constant 0 : index
    tpu.barrier barrier_id(%barrier3A)
    %dma_start3A = arith.constant 0 : i32
    %dma_start3A_17 = arith.constant 0 : i32
    %dma_start3A_18 = tpu.memref_slice %arg9[%dma_start3A, %dma_start3A_17] : memref<16x128xi32, #tpu.memory_space<vmem>> -> memref<1x128xi32, #tpu.memory_space<vmem>>
    %dma_start3A_19 = tpu.memref_squeeze %dma_start3A_18 : memref<1x128xi32, #tpu.memory_space<vmem>> -> memref<128xi32, #tpu.memory_space<vmem>>
    %dma_start3A_20 = arith.constant 0 : i32
    %dma_start3A_21 = arith.constant 0 : i32
    %dma_start3A_22 = tpu.memref_slice %arg2[%dma_start3A_20, %dma_start3A_21] : memref<32768x128xf32, #tpu.memory_space<hbm>> -> memref<32768x128xf32, #tpu.memory_space<hbm>>
    tpu.enqueue_indirect_dma source(%dma_start3A_22 : memref<32768x128xf32, #tpu.memory_space<hbm>>) target(%arg13 : memref<128x128xf32, #tpu.memory_space<vmem>>) offsets(%dma_start3A_19 : memref<128xi32, #tpu.memory_space<vmem>>) semaphore(%arg17 : memref<!tpu.dma_semaphore, #tpu.memory_space<semaphore_mem>>)
    %dma_start3A_23 = arith.constant 0 : i32
    %dma_start3A_24 = arith.constant 0 : i32
    %dma_start3A_25 = tpu.memref_slice %arg10[%dma_start3A_23, %dma_start3A_24] : memref<16x128xi32, #tpu.memory_space<vmem>> -> memref<1x128xi32, #tpu.memory_space<vmem>>
    %dma_start3A_26 = tpu.memref_squeeze %dma_start3A_25 : memref<1x128xi32, #tpu.memory_space<vmem>> -> memref<128xi32, #tpu.memory_space<vmem>>
    %dma_start3A_27 = arith.constant 0 : i32
    %dma_start3A_28 = arith.constant 0 : i32
    %dma_start3A_29 = tpu.memref_slice %arg2[%dma_start3A_27, %dma_start3A_28] : memref<32768x128xf32, #tpu.memory_space<hbm>> -> memref<32768x128xf32, #tpu.memory_space<hbm>>
    tpu.enqueue_indirect_dma source(%dma_start3A_29 : memref<32768x128xf32, #tpu.memory_space<hbm>>) target(%arg14 : memref<128x128xf32, #tpu.memory_space<vmem>>) offsets(%dma_start3A_26 : memref<128xi32, #tpu.memory_space<vmem>>) semaphore(%arg18 : memref<!tpu.dma_semaphore, #tpu.memory_space<semaphore_mem>>)
    %dma_start3A_30 = arith.constant 1 : i32
    %dma_start3A_31 = arith.constant 0 : i32
    %dma_start3A_32 = tpu.memref_slice %arg9[%dma_start3A_30, %dma_start3A_31] : memref<16x128xi32, #tpu.memory_space<vmem>> -> memref<1x128xi32, #tpu.memory_space<vmem>>
    %dma_start3A_33 = tpu.memref_squeeze %dma_start3A_32 : memref<1x128xi32, #tpu.memory_space<vmem>> -> memref<128xi32, #tpu.memory_space<vmem>>
    %dma_start3A_34 = arith.constant 0 : i32
    %dma_start3A_35 = arith.constant 0 : i32
    %dma_start3A_36 = tpu.memref_slice %arg2[%dma_start3A_34, %dma_start3A_35] : memref<32768x128xf32, #tpu.memory_space<hbm>> -> memref<32768x128xf32, #tpu.memory_space<hbm>>
    tpu.enqueue_indirect_dma source(%dma_start3A_36 : memref<32768x128xf32, #tpu.memory_space<hbm>>) target(%arg15 : memref<128x128xf32, #tpu.memory_space<vmem>>) offsets(%dma_start3A_33 : memref<128xi32, #tpu.memory_space<vmem>>) semaphore(%arg19 : memref<!tpu.dma_semaphore, #tpu.memory_space<semaphore_mem>>)
    %dma_wait3A = arith.constant 0 : i32
    %dma_wait3A_37 = arith.constant 0 : i32
    %dma_wait3A_38 = tpu.memref_slice %arg9[%dma_wait3A, %dma_wait3A_37] : memref<16x128xi32, #tpu.memory_space<vmem>> -> memref<1x128xi32, #tpu.memory_space<vmem>>
    %dma_wait3A_39 = tpu.memref_squeeze %dma_wait3A_38 : memref<1x128xi32, #tpu.memory_space<vmem>> -> memref<128xi32, #tpu.memory_space<vmem>>
    %dma_wait3A_40 = arith.constant 0 : i32
    %dma_wait3A_41 = arith.constant 0 : i32
    %dma_wait3A_42 = tpu.memref_slice %arg2[%dma_wait3A_40, %dma_wait3A_41] : memref<32768x128xf32, #tpu.memory_space<hbm>> -> memref<32768x128xf32, #tpu.memory_space<hbm>>
    tpu.wait_indirect_dma semaphore(%arg17 : memref<!tpu.dma_semaphore, #tpu.memory_space<semaphore_mem>>) src(%dma_wait3A_42 : memref<32768x128xf32, #tpu.memory_space<hbm>>) dst(%arg13 : memref<128x128xf32, #tpu.memory_space<vmem>>)
    %dma_start3A_43 = arith.constant 0 : i32
    %dma_start3A_44 = arith.constant 0 : i32
    %dma_start3A_45 = tpu.memref_slice %arg11[%dma_start3A_43, %dma_start3A_44] : memref<16x128xi32, #tpu.memory_space<vmem>> -> memref<1x128xi32, #tpu.memory_space<vmem>>
    %dma_start3A_46 = tpu.memref_squeeze %dma_start3A_45 : memref<1x128xi32, #tpu.memory_space<vmem>> -> memref<128xi32, #tpu.memory_space<vmem>>
    %dma_start3A_47 = arith.constant 0 : i32
    %dma_start3A_48 = arith.constant 0 : i32
    %dma_start3A_49 = tpu.memref_slice %arg16[%dma_start3A_47, %dma_start3A_48] : memref<8192x128xf32, #tpu.memory_space<vmem_shared>> -> memref<8192x128xf32, #tpu.memory_space<vmem_shared>>
    tpu.enqueue_indirect_dma source(%arg13 : memref<128x128xf32, #tpu.memory_space<vmem>>) target(%dma_start3A_49 : memref<8192x128xf32, #tpu.memory_space<vmem_shared>>) offsets(%dma_start3A_46 : memref<128xi32, #tpu.memory_space<vmem>>) semaphore(%arg20 : memref<!tpu.dma_semaphore, #tpu.memory_space<semaphore_mem>>) {add = true}
    %dma_wait3A_50 = arith.constant 0 : i32
    %dma_wait3A_51 = arith.constant 0 : i32
    %dma_wait3A_52 = tpu.memref_slice %arg11[%dma_wait3A_50, %dma_wait3A_51] : memref<16x128xi32, #tpu.memory_space<vmem>> -> memref<1x128xi32, #tpu.memory_space<vmem>>
    %dma_wait3A_53 = tpu.memref_squeeze %dma_wait3A_52 : memref<1x128xi32, #tpu.memory_space<vmem>> -> memref<128xi32, #tpu.memory_space<vmem>>
    %dma_wait3A_54 = arith.constant 0 : i32
    %dma_wait3A_55 = arith.constant 0 : i32
    %dma_wait3A_56 = tpu.memref_slice %arg16[%dma_wait3A_54, %dma_wait3A_55] : memref<8192x128xf32, #tpu.memory_space<vmem_shared>> -> memref<8192x128xf32, #tpu.memory_space<vmem_shared>>
    tpu.wait_indirect_dma semaphore(%arg20 : memref<!tpu.dma_semaphore, #tpu.memory_space<semaphore_mem>>) src(%arg13 : memref<128x128xf32, #tpu.memory_space<vmem>>) dst(%dma_wait3A_56 : memref<8192x128xf32, #tpu.memory_space<vmem_shared>>)
    %dma_start3A_57 = arith.constant 1 : i32
    %dma_start3A_58 = arith.constant 0 : i32
    %dma_start3A_59 = tpu.memref_slice %arg10[%dma_start3A_57, %dma_start3A_58] : memref<16x128xi32, #tpu.memory_space<vmem>> -> memref<1x128xi32, #tpu.memory_space<vmem>>
    %dma_start3A_60 = tpu.memref_squeeze %dma_start3A_59 : memref<1x128xi32, #tpu.memory_space<vmem>> -> memref<128xi32, #tpu.memory_space<vmem>>
    %dma_start3A_61 = arith.constant 0 : i32
    %dma_start3A_62 = arith.constant 0 : i32
    %dma_start3A_63 = tpu.memref_slice %arg2[%dma_start3A_61, %dma_start3A_62] : memref<32768x128xf32, #tpu.memory_space<hbm>> -> memref<32768x128xf32, #tpu.memory_space<hbm>>
    tpu.enqueue_indirect_dma source(%dma_start3A_63 : memref<32768x128xf32, #tpu.memory_space<hbm>>) target(%arg13 : memref<128x128xf32, #tpu.memory_space<vmem>>) offsets(%dma_start3A_60 : memref<128xi32, #tpu.memory_space<vmem>>) semaphore(%arg17 : memref<!tpu.dma_semaphore, #tpu.memory_space<semaphore_mem>>)
    %dma_wait3A_64 = arith.constant 0 : i32
    %dma_wait3A_65 = arith.constant 0 : i32
    %dma_wait3A_66 = tpu.memref_slice %arg10[%dma_wait3A_64, %dma_wait3A_65] : memref<16x128xi32, #tpu.memory_space<vmem>> -> memref<1x128xi32, #tpu.memory_space<vmem>>
    %dma_wait3A_67 = tpu.memref_squeeze %dma_wait3A_66 : memref<1x128xi32, #tpu.memory_space<vmem>> -> memref<128xi32, #tpu.memory_space<vmem>>
    %dma_wait3A_68 = arith.constant 0 : i32
    %dma_wait3A_69 = arith.constant 0 : i32
    %dma_wait3A_70 = tpu.memref_slice %arg2[%dma_wait3A_68, %dma_wait3A_69] : memref<32768x128xf32, #tpu.memory_space<hbm>> -> memref<32768x128xf32, #tpu.memory_space<hbm>>
    tpu.wait_indirect_dma semaphore(%arg18 : memref<!tpu.dma_semaphore, #tpu.memory_space<semaphore_mem>>) src(%dma_wait3A_70 : memref<32768x128xf32, #tpu.memory_space<hbm>>) dst(%arg14 : memref<128x128xf32, #tpu.memory_space<vmem>>)
    %dma_start3A_71 = arith.constant 0 : i32
    %dma_start3A_72 = arith.constant 0 : i32
    %dma_start3A_73 = tpu.memref_slice %arg12[%dma_start3A_71, %dma_start3A_72] : memref<16x128xi32, #tpu.memory_space<vmem>> -> memref<1x128xi32, #tpu.memory_space<vmem>>
    %dma_start3A_74 = tpu.memref_squeeze %dma_start3A_73 : memref<1x128xi32, #tpu.memory_space<vmem>> -> memref<128xi32, #tpu.memory_space<vmem>>
    %dma_start3A_75 = arith.constant 0 : i32
    %dma_start3A_76 = arith.constant 0 : i32
    %dma_start3A_77 = tpu.memref_slice %arg16[%dma_start3A_75, %dma_start3A_76] : memref<8192x128xf32, #tpu.memory_space<vmem_shared>> -> memref<8192x128xf32, #tpu.memory_space<vmem_shared>>
    tpu.enqueue_indirect_dma source(%arg14 : memref<128x128xf32, #tpu.memory_space<vmem>>) target(%dma_start3A_77 : memref<8192x128xf32, #tpu.memory_space<vmem_shared>>) offsets(%dma_start3A_74 : memref<128xi32, #tpu.memory_space<vmem>>) semaphore(%arg21 : memref<!tpu.dma_semaphore, #tpu.memory_space<semaphore_mem>>) {add = true}
    %dma_wait3A_78 = arith.constant 0 : i32
    %dma_wait3A_79 = arith.constant 0 : i32
    %dma_wait3A_80 = tpu.memref_slice %arg12[%dma_wait3A_78, %dma_wait3A_79] : memref<16x128xi32, #tpu.memory_space<vmem>> -> memref<1x128xi32, #tpu.memory_space<vmem>>
    %dma_wait3A_81 = tpu.memref_squeeze %dma_wait3A_80 : memref<1x128xi32, #tpu.memory_space<vmem>> -> memref<128xi32, #tpu.memory_space<vmem>>
    %dma_wait3A_82 = arith.constant 0 : i32
    %dma_wait3A_83 = arith.constant 0 : i32
    %dma_wait3A_84 = tpu.memref_slice %arg16[%dma_wait3A_82, %dma_wait3A_83] : memref<8192x128xf32, #tpu.memory_space<vmem_shared>> -> memref<8192x128xf32, #tpu.memory_space<vmem_shared>>
    tpu.wait_indirect_dma semaphore(%arg21 : memref<!tpu.dma_semaphore, #tpu.memory_space<semaphore_mem>>) src(%arg14 : memref<128x128xf32, #tpu.memory_space<vmem>>) dst(%dma_wait3A_84 : memref<8192x128xf32, #tpu.memory_space<vmem_shared>>)
    %dma_start3A_85 = arith.constant 2 : i32
    %dma_start3A_86 = arith.constant 0 : i32
    %dma_start3A_87 = tpu.memref_slice %arg9[%dma_start3A_85, %dma_start3A_86] : memref<16x128xi32, #tpu.memory_space<vmem>> -> memref<1x128xi32, #tpu.memory_space<vmem>>
    %dma_start3A_88 = tpu.memref_squeeze %dma_start3A_87 : memref<1x128xi32, #tpu.memory_space<vmem>> -> memref<128xi32, #tpu.memory_space<vmem>>
    %dma_start3A_89 = arith.constant 0 : i32
    %dma_start3A_90 = arith.constant 0 : i32
    %dma_start3A_91 = tpu.memref_slice %arg2[%dma_start3A_89, %dma_start3A_90] : memref<32768x128xf32, #tpu.memory_space<hbm>> -> memref<32768x128xf32, #tpu.memory_space<hbm>>
    tpu.enqueue_indirect_dma source(%dma_start3A_91 : memref<32768x128xf32, #tpu.memory_space<hbm>>) target(%arg14 : memref<128x128xf32, #tpu.memory_space<vmem>>) offsets(%dma_start3A_88 : memref<128xi32, #tpu.memory_space<vmem>>) semaphore(%arg18 : memref<!tpu.dma_semaphore, #tpu.memory_space<semaphore_mem>>)
    %dma_wait3A_92 = arith.constant 1 : i32
    %dma_wait3A_93 = arith.constant 0 : i32
    %dma_wait3A_94 = tpu.memref_slice %arg9[%dma_wait3A_92, %dma_wait3A_93] : memref<16x128xi32, #tpu.memory_space<vmem>> -> memref<1x128xi32, #tpu.memory_space<vmem>>
    %dma_wait3A_95 = tpu.memref_squeeze %dma_wait3A_94 : memref<1x128xi32, #tpu.memory_space<vmem>> -> memref<128xi32, #tpu.memory_space<vmem>>
    %dma_wait3A_96 = arith.constant 0 : i32
    %dma_wait3A_97 = arith.constant 0 : i32
    %dma_wait3A_98 = tpu.memref_slice %arg2[%dma_wait3A_96, %dma_wait3A_97] : memref<32768x128xf32, #tpu.memory_space<hbm>> -> memref<32768x128xf32, #tpu.memory_space<hbm>>
    tpu.wait_indirect_dma semaphore(%arg19 : memref<!tpu.dma_semaphore, #tpu.memory_space<semaphore_mem>>) src(%dma_wait3A_98 : memref<32768x128xf32, #tpu.memory_space<hbm>>) dst(%arg15 : memref<128x128xf32, #tpu.memory_space<vmem>>)
    %dma_start3A_99 = arith.constant 1 : i32
    %dma_start3A_100 = arith.constant 0 : i32
    %dma_start3A_101 = tpu.memref_slice %arg11[%dma_start3A_99, %dma_start3A_100] : memref<16x128xi32, #tpu.memory_space<vmem>> -> memref<1x128xi32, #tpu.memory_space<vmem>>
    %dma_start3A_102 = tpu.memref_squeeze %dma_start3A_101 : memref<1x128xi32, #tpu.memory_space<vmem>> -> memref<128xi32, #tpu.memory_space<vmem>>
    %dma_start3A_103 = arith.constant 0 : i32
    %dma_start3A_104 = arith.constant 0 : i32
    %dma_start3A_105 = tpu.memref_slice %arg16[%dma_start3A_103, %dma_start3A_104] : memref<8192x128xf32, #tpu.memory_space<vmem_shared>> -> memref<8192x128xf32, #tpu.memory_space<vmem_shared>>
    tpu.enqueue_indirect_dma source(%arg15 : memref<128x128xf32, #tpu.memory_space<vmem>>) target(%dma_start3A_105 : memref<8192x128xf32, #tpu.memory_space<vmem_shared>>) offsets(%dma_start3A_102 : memref<128xi32, #tpu.memory_space<vmem>>) semaphore(%arg22 : memref<!tpu.dma_semaphore, #tpu.memory_space<semaphore_mem>>) {add = true}
    %dma_wait3A_106 = arith.constant 1 : i32
    %dma_wait3A_107 = arith.constant 0 : i32
    %dma_wait3A_108 = tpu.memref_slice %arg11[%dma_wait3A_106, %dma_wait3A_107] : memref<16x128xi32, #tpu.memory_space<vmem>> -> memref<1x128xi32, #tpu.memory_space<vmem>>
    %dma_wait3A_109 = tpu.memref_squeeze %dma_wait3A_108 : memref<1x128xi32, #tpu.memory_space<vmem>> -> memref<128xi32, #tpu.memory_space<vmem>>
    %dma_wait3A_110 = arith.constant 0 : i32
    %dma_wait3A_111 = arith.constant 0 : i32
    %dma_wait3A_112 = tpu.memref_slice %arg16[%dma_wait3A_110, %dma_wait3A_111] : memref<8192x128xf32, #tpu.memory_space<vmem_shared>> -> memref<8192x128xf32, #tpu.memory_space<vmem_shared>>
    tpu.wait_indirect_dma semaphore(%arg22 : memref<!tpu.dma_semaphore, #tpu.memory_space<semaphore_mem>>) src(%arg15 : memref<128x128xf32, #tpu.memory_space<vmem>>) dst(%dma_wait3A_112 : memref<8192x128xf32, #tpu.memory_space<vmem_shared>>)
    %dma_start3A_113 = arith.constant 2 : i32
    %dma_start3A_114 = arith.constant 0 : i32
    %dma_start3A_115 = tpu.memref_slice %arg10[%dma_start3A_113, %dma_start3A_114] : memref<16x128xi32, #tpu.memory_space<vmem>> -> memref<1x128xi32, #tpu.memory_space<vmem>>
    %dma_start3A_116 = tpu.memref_squeeze %dma_start3A_115 : memref<1x128xi32, #tpu.memory_space<vmem>> -> memref<128xi32, #tpu.memory_space<vmem>>
    %dma_start3A_117 = arith.constant 0 : i32
    %dma_start3A_118 = arith.constant 0 : i32
    %dma_start3A_119 = tpu.memref_slice %arg2[%dma_start3A_117, %dma_start3A_118] : memref<32768x128xf32, #tpu.memory_space<hbm>> -> memref<32768x128xf32, #tpu.memory_space<hbm>>
    tpu.enqueue_indirect_dma source(%dma_start3A_119 : memref<32768x128xf32, #tpu.memory_space<hbm>>) target(%arg15 : memref<128x128xf32, #tpu.memory_space<vmem>>) offsets(%dma_start3A_116 : memref<128xi32, #tpu.memory_space<vmem>>) semaphore(%arg19 : memref<!tpu.dma_semaphore, #tpu.memory_space<semaphore_mem>>)
    %dma_wait3A_120 = arith.constant 1 : i32
    %dma_wait3A_121 = arith.constant 0 : i32
    %dma_wait3A_122 = tpu.memref_slice %arg10[%dma_wait3A_120, %dma_wait3A_121] : memref<16x128xi32, #tpu.memory_space<vmem>> -> memref<1x128xi32, #tpu.memory_space<vmem>>
    %dma_wait3A_123 = tpu.memref_squeeze %dma_wait3A_122 : memref<1x128xi32, #tpu.memory_space<vmem>> -> memref<128xi32, #tpu.memory_space<vmem>>
    %dma_wait3A_124 = arith.constant 0 : i32
    %dma_wait3A_125 = arith.constant 0 : i32
    %dma_wait3A_126 = tpu.memref_slice %arg2[%dma_wait3A_124, %dma_wait3A_125] : memref<32768x128xf32, #tpu.memory_space<hbm>> -> memref<32768x128xf32, #tpu.memory_space<hbm>>
    tpu.wait_indirect_dma semaphore(%arg17 : memref<!tpu.dma_semaphore, #tpu.memory_space<semaphore_mem>>) src(%dma_wait3A_126 : memref<32768x128xf32, #tpu.memory_space<hbm>>) dst(%arg13 : memref<128x128xf32, #tpu.memory_space<vmem>>)
    %dma_start3A_127 = arith.constant 1 : i32
    %dma_start3A_128 = arith.constant 0 : i32
    %dma_start3A_129 = tpu.memref_slice %arg12[%dma_start3A_127, %dma_start3A_128] : memref<16x128xi32, #tpu.memory_space<vmem>> -> memref<1x128xi32, #tpu.memory_space<vmem>>
    %dma_start3A_130 = tpu.memref_squeeze %dma_start3A_129 : memref<1x128xi32, #tpu.memory_space<vmem>> -> memref<128xi32, #tpu.memory_space<vmem>>
    %dma_start3A_131 = arith.constant 0 : i32
    %dma_start3A_132 = arith.constant 0 : i32
    %dma_start3A_133 = tpu.memref_slice %arg16[%dma_start3A_131, %dma_start3A_132] : memref<8192x128xf32, #tpu.memory_space<vmem_shared>> -> memref<8192x128xf32, #tpu.memory_space<vmem_shared>>
    tpu.enqueue_indirect_dma source(%arg13 : memref<128x128xf32, #tpu.memory_space<vmem>>) target(%dma_start3A_133 : memref<8192x128xf32, #tpu.memory_space<vmem_shared>>) offsets(%dma_start3A_130 : memref<128xi32, #tpu.memory_space<vmem>>) semaphore(%arg20 : memref<!tpu.dma_semaphore, #tpu.memory_space<semaphore_mem>>) {add = true}
    %dma_wait3A_134 = arith.constant 1 : i32
    %dma_wait3A_135 = arith.constant 0 : i32
    %dma_wait3A_136 = tpu.memref_slice %arg12[%dma_wait3A_134, %dma_wait3A_135] : memref<16x128xi32, #tpu.memory_space<vmem>> -> memref<1x128xi32, #tpu.memory_space<vmem>>
    %dma_wait3A_137 = tpu.memref_squeeze %dma_wait3A_136 : memref<1x128xi32, #tpu.memory_space<vmem>> -> memref<128xi32, #tpu.memory_space<vmem>>
    %dma_wait3A_138 = arith.constant 0 : i32
    %dma_wait3A_139 = arith.constant 0 : i32
    %dma_wait3A_140 = tpu.memref_slice %arg16[%dma_wait3A_138, %dma_wait3A_139] : memref<8192x128xf32, #tpu.memory_space<vmem_shared>> -> memref<8192x128xf32, #tpu.memory_space<vmem_shared>>
    tpu.wait_indirect_dma semaphore(%arg20 : memref<!tpu.dma_semaphore, #tpu.memory_space<semaphore_mem>>) src(%arg13 : memref<128x128xf32, #tpu.memory_space<vmem>>) dst(%dma_wait3A_140 : memref<8192x128xf32, #tpu.memory_space<vmem_shared>>)
    %dma_start3A_141 = arith.constant 3 : i32
    %dma_start3A_142 = arith.constant 0 : i32
    %dma_start3A_143 = tpu.memref_slice %arg9[%dma_start3A_141, %dma_start3A_142] : memref<16x128xi32, #tpu.memory_space<vmem>> -> memref<1x128xi32, #tpu.memory_space<vmem>>
    %dma_start3A_144 = tpu.memref_squeeze %dma_start3A_143 : memref<1x128xi32, #tpu.memory_space<vmem>> -> memref<128xi32, #tpu.memory_space<vmem>>
    %dma_start3A_145 = arith.constant 0 : i32
    %dma_start3A_146 = arith.constant 0 : i32
    %dma_start3A_147 = tpu.memref_slice %arg2[%dma_start3A_145, %dma_start3A_146] : memref<32768x128xf32, #tpu.memory_space<hbm>> -> memref<32768x128xf32, #tpu.memory_space<hbm>>
    tpu.enqueue_indirect_dma source(%dma_start3A_147 : memref<32768x128xf32, #tpu.memory_space<hbm>>) target(%arg13 : memref<128x128xf32, #tpu.memory_space<vmem>>) offsets(%dma_start3A_144 : memref<128xi32, #tpu.memory_space<vmem>>) semaphore(%arg17 : memref<!tpu.dma_semaphore, #tpu.memory_space<semaphore_mem>>)
    %dma_wait3A_148 = arith.constant 2 : i32
    %dma_wait3A_149 = arith.constant 0 : i32
    %dma_wait3A_150 = tpu.memref_slice %arg9[%dma_wait3A_148, %dma_wait3A_149] : memref<16x128xi32, #tpu.memory_space<vmem>> -> memref<1x128xi32, #tpu.memory_space<vmem>>
    %dma_wait3A_151 = tpu.memref_squeeze %dma_wait3A_150 : memref<1x128xi32, #tpu.memory_space<vmem>> -> memref<128xi32, #tpu.memory_space<vmem>>
    %dma_wait3A_152 = arith.constant 0 : i32
    %dma_wait3A_153 = arith.constant 0 : i32
    %dma_wait3A_154 = tpu.memref_slice %arg2[%dma_wait3A_152, %dma_wait3A_153] : memref<32768x128xf32, #tpu.memory_space<hbm>> -> memref<32768x128xf32, #tpu.memory_space<hbm>>
    tpu.wait_indirect_dma semaphore(%arg18 : memref<!tpu.dma_semaphore, #tpu.memory_space<semaphore_mem>>) src(%dma_wait3A_154 : memref<32768x128xf32, #tpu.memory_space<hbm>>) dst(%arg14 : memref<128x128xf32, #tpu.memory_space<vmem>>)
    %dma_start3A_155 = arith.constant 2 : i32
    %dma_start3A_156 = arith.constant 0 : i32
    %dma_start3A_157 = tpu.memref_slice %arg11[%dma_start3A_155, %dma_start3A_156] : memref<16x128xi32, #tpu.memory_space<vmem>> -> memref<1x128xi32, #tpu.memory_space<vmem>>
    %dma_start3A_158 = tpu.memref_squeeze %dma_start3A_157 : memref<1x128xi32, #tpu.memory_space<vmem>> -> memref<128xi32, #tpu.memory_space<vmem>>
    %dma_start3A_159 = arith.constant 0 : i32
    %dma_start3A_160 = arith.constant 0 : i32
    %dma_start3A_161 = tpu.memref_slice %arg16[%dma_start3A_159, %dma_start3A_160] : memref<8192x128xf32, #tpu.memory_space<vmem_shared>> -> memref<8192x128xf32, #tpu.memory_space<vmem_shared>>
    tpu.enqueue_indirect_dma source(%arg14 : memref<128x128xf32, #tpu.memory_space<vmem>>) target(%dma_start3A_161 : memref<8192x128xf32, #tpu.memory_space<vmem_shared>>) offsets(%dma_start3A_158 : memref<128xi32, #tpu.memory_space<vmem>>) semaphore(%arg21 : memref<!tpu.dma_semaphore, #tpu.memory_space<semaphore_mem>>) {add = true}
    %dma_wait3A_162 = arith.constant 2 : i32
    %dma_wait3A_163 = arith.constant 0 : i32
    %dma_wait3A_164 = tpu.memref_slice %arg11[%dma_wait3A_162, %dma_wait3A_163] : memref<16x128xi32, #tpu.memory_space<vmem>> -> memref<1x128xi32, #tpu.memory_space<vmem>>
    %dma_wait3A_165 = tpu.memref_squeeze %dma_wait3A_164 : memref<1x128xi32, #tpu.memory_space<vmem>> -> memref<128xi32, #tpu.memory_space<vmem>>
    %dma_wait3A_166 = arith.constant 0 : i32
    %dma_wait3A_167 = arith.constant 0 : i32
    %dma_wait3A_168 = tpu.memref_slice %arg16[%dma_wait3A_166, %dma_wait3A_167] : memref<8192x128xf32, #tpu.memory_space<vmem_shared>> -> memref<8192x128xf32, #tpu.memory_space<vmem_shared>>
    tpu.wait_indirect_dma semaphore(%arg21 : memref<!tpu.dma_semaphore, #tpu.memory_space<semaphore_mem>>) src(%arg14 : memref<128x128xf32, #tpu.memory_space<vmem>>) dst(%dma_wait3A_168 : memref<8192x128xf32, #tpu.memory_space<vmem_shared>>)
    %dma_start3A_169 = arith.constant 3 : i32
    %dma_start3A_170 = arith.constant 0 : i32
    %dma_start3A_171 = tpu.memref_slice %arg10[%dma_start3A_169, %dma_start3A_170] : memref<16x128xi32, #tpu.memory_space<vmem>> -> memref<1x128xi32, #tpu.memory_space<vmem>>
    %dma_start3A_172 = tpu.memref_squeeze %dma_start3A_171 : memref<1x128xi32, #tpu.memory_space<vmem>> -> memref<128xi32, #tpu.memory_space<vmem>>
    %dma_start3A_173 = arith.constant 0 : i32
    %dma_start3A_174 = arith.constant 0 : i32
    %dma_start3A_175 = tpu.memref_slice %arg2[%dma_start3A_173, %dma_start3A_174] : memref<32768x128xf32, #tpu.memory_space<hbm>> -> memref<32768x128xf32, #tpu.memory_space<hbm>>
    tpu.enqueue_indirect_dma source(%dma_start3A_175 : memref<32768x128xf32, #tpu.memory_space<hbm>>) target(%arg14 : memref<128x128xf32, #tpu.memory_space<vmem>>) offsets(%dma_start3A_172 : memref<128xi32, #tpu.memory_space<vmem>>) semaphore(%arg18 : memref<!tpu.dma_semaphore, #tpu.memory_space<semaphore_mem>>)
    %dma_wait3A_176 = arith.constant 2 : i32
    %dma_wait3A_177 = arith.constant 0 : i32
    %dma_wait3A_178 = tpu.memref_slice %arg10[%dma_wait3A_176, %dma_wait3A_177] : memref<16x128xi32, #tpu.memory_space<vmem>> -> memref<1x128xi32, #tpu.memory_space<vmem>>
    %dma_wait3A_179 = tpu.memref_squeeze %dma_wait3A_178 : memref<1x128xi32, #tpu.memory_space<vmem>> -> memref<128xi32, #tpu.memory_space<vmem>>
    %dma_wait3A_180 = arith.constant 0 : i32
    %dma_wait3A_181 = arith.constant 0 : i32
    %dma_wait3A_182 = tpu.memref_slice %arg2[%dma_wait3A_180, %dma_wait3A_181] : memref<32768x128xf32, #tpu.memory_space<hbm>> -> memref<32768x128xf32, #tpu.memory_space<hbm>>
    tpu.wait_indirect_dma semaphore(%arg19 : memref<!tpu.dma_semaphore, #tpu.memory_space<semaphore_mem>>) src(%dma_wait3A_182 : memref<32768x128xf32, #tpu.memory_space<hbm>>) dst(%arg15 : memref<128x128xf32, #tpu.memory_space<vmem>>)
    %dma_start3A_183 = arith.constant 2 : i32
    %dma_start3A_184 = arith.constant 0 : i32
    %dma_start3A_185 = tpu.memref_slice %arg12[%dma_start3A_183, %dma_start3A_184] : memref<16x128xi32, #tpu.memory_space<vmem>> -> memref<1x128xi32, #tpu.memory_space<vmem>>
    %dma_start3A_186 = tpu.memref_squeeze %dma_start3A_185 : memref<1x128xi32, #tpu.memory_space<vmem>> -> memref<128xi32, #tpu.memory_space<vmem>>
    %dma_start3A_187 = arith.constant 0 : i32
    %dma_start3A_188 = arith.constant 0 : i32
    %dma_start3A_189 = tpu.memref_slice %arg16[%dma_start3A_187, %dma_start3A_188] : memref<8192x128xf32, #tpu.memory_space<vmem_shared>> -> memref<8192x128xf32, #tpu.memory_space<vmem_shared>>
    tpu.enqueue_indirect_dma source(%arg15 : memref<128x128xf32, #tpu.memory_space<vmem>>) target(%dma_start3A_189 : memref<8192x128xf32, #tpu.memory_space<vmem_shared>>) offsets(%dma_start3A_186 : memref<128xi32, #tpu.memory_space<vmem>>) semaphore(%arg22 : memref<!tpu.dma_semaphore, #tpu.memory_space<semaphore_mem>>) {add = true}
    %dma_wait3A_190 = arith.constant 2 : i32
    %dma_wait3A_191 = arith.constant 0 : i32
    %dma_wait3A_192 = tpu.memref_slice %arg12[%dma_wait3A_190, %dma_wait3A_191] : memref<16x128xi32, #tpu.memory_space<vmem>> -> memref<1x128xi32, #tpu.memory_space<vmem>>
    %dma_wait3A_193 = tpu.memref_squeeze %dma_wait3A_192 : memref<1x128xi32, #tpu.memory_space<vmem>> -> memref<128xi32, #tpu.memory_space<vmem>>
    %dma_wait3A_194 = arith.constant 0 : i32
    %dma_wait3A_195 = arith.constant 0 : i32
    %dma_wait3A_196 = tpu.memref_slice %arg16[%dma_wait3A_194, %dma_wait3A_195] : memref<8192x128xf32, #tpu.memory_space<vmem_shared>> -> memref<8192x128xf32, #tpu.memory_space<vmem_shared>>
    tpu.wait_indirect_dma semaphore(%arg22 : memref<!tpu.dma_semaphore, #tpu.memory_space<semaphore_mem>>) src(%arg15 : memref<128x128xf32, #tpu.memory_space<vmem>>) dst(%dma_wait3A_196 : memref<8192x128xf32, #tpu.memory_space<vmem_shared>>)
    %dma_start3A_197 = arith.constant 4 : i32
    %dma_start3A_198 = arith.constant 0 : i32
    %dma_start3A_199 = tpu.memref_slice %arg9[%dma_start3A_197, %dma_start3A_198] : memref<16x128xi32, #tpu.memory_space<vmem>> -> memref<1x128xi32, #tpu.memory_space<vmem>>
    %dma_start3A_200 = tpu.memref_squeeze %dma_start3A_199 : memref<1x128xi32, #tpu.memory_space<vmem>> -> memref<128xi32, #tpu.memory_space<vmem>>
    %dma_start3A_201 = arith.constant 0 : i32
    %dma_start3A_202 = arith.constant 0 : i32
    %dma_start3A_203 = tpu.memref_slice %arg2[%dma_start3A_201, %dma_start3A_202] : memref<32768x128xf32, #tpu.memory_space<hbm>> -> memref<32768x128xf32, #tpu.memory_space<hbm>>
    tpu.enqueue_indirect_dma source(%dma_start3A_203 : memref<32768x128xf32, #tpu.memory_space<hbm>>) target(%arg15 : memref<128x128xf32, #tpu.memory_space<vmem>>) offsets(%dma_start3A_200 : memref<128xi32, #tpu.memory_space<vmem>>) semaphore(%arg19 : memref<!tpu.dma_semaphore, #tpu.memory_space<semaphore_mem>>)
    %dma_wait3A_204 = arith.constant 3 : i32
    %dma_wait3A_205 = arith.constant 0 : i32
    %dma_wait3A_206 = tpu.memref_slice %arg9[%dma_wait3A_204, %dma_wait3A_205] : memref<16x128xi32, #tpu.memory_space<vmem>> -> memref<1x128xi32, #tpu.memory_space<vmem>>
    %dma_wait3A_207 = tpu.memref_squeeze %dma_wait3A_206 : memref<1x128xi32, #tpu.memory_space<vmem>> -> memref<128xi32, #tpu.memory_space<vmem>>
    %dma_wait3A_208 = arith.constant 0 : i32
    %dma_wait3A_209 = arith.constant 0 : i32
    %dma_wait3A_210 = tpu.memref_slice %arg2[%dma_wait3A_208, %dma_wait3A_209] : memref<32768x128xf32, #tpu.memory_space<hbm>> -> memref<32768x128xf32, #tpu.memory_space<hbm>>
    tpu.wait_indirect_dma semaphore(%arg17 : memref<!tpu.dma_semaphore, #tpu.memory_space<semaphore_mem>>) src(%dma_wait3A_210 : memref<32768x128xf32, #tpu.memory_space<hbm>>) dst(%arg13 : memref<128x128xf32, #tpu.memory_space<vmem>>)
    %dma_start3A_211 = arith.constant 3 : i32
    %dma_start3A_212 = arith.constant 0 : i32
    %dma_start3A_213 = tpu.memref_slice %arg11[%dma_start3A_211, %dma_start3A_212] : memref<16x128xi32, #tpu.memory_space<vmem>> -> memref<1x128xi32, #tpu.memory_space<vmem>>
    %dma_start3A_214 = tpu.memref_squeeze %dma_start3A_213 : memref<1x128xi32, #tpu.memory_space<vmem>> -> memref<128xi32, #tpu.memory_space<vmem>>
    %dma_start3A_215 = arith.constant 0 : i32
    %dma_start3A_216 = arith.constant 0 : i32
    %dma_start3A_217 = tpu.memref_slice %arg16[%dma_start3A_215, %dma_start3A_216] : memref<8192x128xf32, #tpu.memory_space<vmem_shared>> -> memref<8192x128xf32, #tpu.memory_space<vmem_shared>>
    tpu.enqueue_indirect_dma source(%arg13 : memref<128x128xf32, #tpu.memory_space<vmem>>) target(%dma_start3A_217 : memref<8192x128xf32, #tpu.memory_space<vmem_shared>>) offsets(%dma_start3A_214 : memref<128xi32, #tpu.memory_space<vmem>>) semaphore(%arg20 : memref<!tpu.dma_semaphore, #tpu.memory_space<semaphore_mem>>) {add = true}
    %dma_wait3A_218 = arith.constant 3 : i32
    %dma_wait3A_219 = arith.constant 0 : i32
    %dma_wait3A_220 = tpu.memref_slice %arg11[%dma_wait3A_218, %dma_wait3A_219] : memref<16x128xi32, #tpu.memory_space<vmem>> -> memref<1x128xi32, #tpu.memory_space<vmem>>
    %dma_wait3A_221 = tpu.memref_squeeze %dma_wait3A_220 : memref<1x128xi32, #tpu.memory_space<vmem>> -> memref<128xi32, #tpu.memory_space<vmem>>
    %dma_wait3A_222 = arith.constant 0 : i32
    %dma_wait3A_223 = arith.constant 0 : i32
    %dma_wait3A_224 = tpu.memref_slice %arg16[%dma_wait3A_222, %dma_wait3A_223] : memref<8192x128xf32, #tpu.memory_space<vmem_shared>> -> memref<8192x128xf32, #tpu.memory_space<vmem_shared>>
    tpu.wait_indirect_dma semaphore(%arg20 : memref<!tpu.dma_semaphore, #tpu.memory_space<semaphore_mem>>) src(%arg13 : memref<128x128xf32, #tpu.memory_space<vmem>>) dst(%dma_wait3A_224 : memref<8192x128xf32, #tpu.memory_space<vmem_shared>>)
    %dma_start3A_225 = arith.constant 4 : i32
    %dma_start3A_226 = arith.constant 0 : i32
    %dma_start3A_227 = tpu.memref_slice %arg10[%dma_start3A_225, %dma_start3A_226] : memref<16x128xi32, #tpu.memory_space<vmem>> -> memref<1x128xi32, #tpu.memory_space<vmem>>
    %dma_start3A_228 = tpu.memref_squeeze %dma_start3A_227 : memref<1x128xi32, #tpu.memory_space<vmem>> -> memref<128xi32, #tpu.memory_space<vmem>>
    %dma_start3A_229 = arith.constant 0 : i32
    %dma_start3A_230 = arith.constant 0 : i32
    %dma_start3A_231 = tpu.memref_slice %arg2[%dma_start3A_229, %dma_start3A_230] : memref<32768x128xf32, #tpu.memory_space<hbm>> -> memref<32768x128xf32, #tpu.memory_space<hbm>>
    tpu.enqueue_indirect_dma source(%dma_start3A_231 : memref<32768x128xf32, #tpu.memory_space<hbm>>) target(%arg13 : memref<128x128xf32, #tpu.memory_space<vmem>>) offsets(%dma_start3A_228 : memref<128xi32, #tpu.memory_space<vmem>>) semaphore(%arg17 : memref<!tpu.dma_semaphore, #tpu.memory_space<semaphore_mem>>)
    %dma_wait3A_232 = arith.constant 3 : i32
    %dma_wait3A_233 = arith.constant 0 : i32
    %dma_wait3A_234 = tpu.memref_slice %arg10[%dma_wait3A_232, %dma_wait3A_233] : memref<16x128xi32, #tpu.memory_space<vmem>> -> memref<1x128xi32, #tpu.memory_space<vmem>>
    %dma_wait3A_235 = tpu.memref_squeeze %dma_wait3A_234 : memref<1x128xi32, #tpu.memory_space<vmem>> -> memref<128xi32, #tpu.memory_space<vmem>>
    %dma_wait3A_236 = arith.constant 0 : i32
    %dma_wait3A_237 = arith.constant 0 : i32
    %dma_wait3A_238 = tpu.memref_slice %arg2[%dma_wait3A_236, %dma_wait3A_237] : memref<32768x128xf32, #tpu.memory_space<hbm>> -> memref<32768x128xf32, #tpu.memory_space<hbm>>
    tpu.wait_indirect_dma semaphore(%arg18 : memref<!tpu.dma_semaphore, #tpu.memory_space<semaphore_mem>>) src(%dma_wait3A_238 : memref<32768x128xf32, #tpu.memory_space<hbm>>) dst(%arg14 : memref<128x128xf32, #tpu.memory_space<vmem>>)
    %dma_start3A_239 = arith.constant 3 : i32
    %dma_start3A_240 = arith.constant 0 : i32
    %dma_start3A_241 = tpu.memref_slice %arg12[%dma_start3A_239, %dma_start3A_240] : memref<16x128xi32, #tpu.memory_space<vmem>> -> memref<1x128xi32, #tpu.memory_space<vmem>>
    %dma_start3A_242 = tpu.memref_squeeze %dma_start3A_241 : memref<1x128xi32, #tpu.memory_space<vmem>> -> memref<128xi32, #tpu.memory_space<vmem>>
    %dma_start3A_243 = arith.constant 0 : i32
    %dma_start3A_244 = arith.constant 0 : i32
    %dma_start3A_245 = tpu.memref_slice %arg16[%dma_start3A_243, %dma_start3A_244] : memref<8192x128xf32, #tpu.memory_space<vmem_shared>> -> memref<8192x128xf32, #tpu.memory_space<vmem_shared>>
    tpu.enqueue_indirect_dma source(%arg14 : memref<128x128xf32, #tpu.memory_space<vmem>>) target(%dma_start3A_245 : memref<8192x128xf32, #tpu.memory_space<vmem_shared>>) offsets(%dma_start3A_242 : memref<128xi32, #tpu.memory_space<vmem>>) semaphore(%arg21 : memref<!tpu.dma_semaphore, #tpu.memory_space<semaphore_mem>>) {add = true}
    %dma_wait3A_246 = arith.constant 3 : i32
    %dma_wait3A_247 = arith.constant 0 : i32
    %dma_wait3A_248 = tpu.memref_slice %arg12[%dma_wait3A_246, %dma_wait3A_247] : memref<16x128xi32, #tpu.memory_space<vmem>> -> memref<1x128xi32, #tpu.memory_space<vmem>>
    %dma_wait3A_249 = tpu.memref_squeeze %dma_wait3A_248 : memref<1x128xi32, #tpu.memory_space<vmem>> -> memref<128xi32, #tpu.memory_space<vmem>>
    %dma_wait3A_250 = arith.constant 0 : i32
    %dma_wait3A_251 = arith.constant 0 : i32
    %dma_wait3A_252 = tpu.memref_slice %arg16[%dma_wait3A_250, %dma_wait3A_251] : memref<8192x128xf32, #tpu.memory_space<vmem_shared>> -> memref<8192x128xf32, #tpu.memory_space<vmem_shared>>
    tpu.wait_indirect_dma semaphore(%arg21 : memref<!tpu.dma_semaphore, #tpu.memory_space<semaphore_mem>>) src(%arg14 : memref<128x128xf32, #tpu.memory_space<vmem>>) dst(%dma_wait3A_252 : memref<8192x128xf32, #tpu.memory_space<vmem_shared>>)
    %dma_start3A_253 = arith.constant 5 : i32
    %dma_start3A_254 = arith.constant 0 : i32
    %dma_start3A_255 = tpu.memref_slice %arg9[%dma_start3A_253, %dma_start3A_254] : memref<16x128xi32, #tpu.memory_space<vmem>> -> memref<1x128xi32, #tpu.memory_space<vmem>>
    %dma_start3A_256 = tpu.memref_squeeze %dma_start3A_255 : memref<1x128xi32, #tpu.memory_space<vmem>> -> memref<128xi32, #tpu.memory_space<vmem>>
    %dma_start3A_257 = arith.constant 0 : i32
    %dma_start3A_258 = arith.constant 0 : i32
    %dma_start3A_259 = tpu.memref_slice %arg2[%dma_start3A_257, %dma_start3A_258] : memref<32768x128xf32, #tpu.memory_space<hbm>> -> memref<32768x128xf32, #tpu.memory_space<hbm>>
    tpu.enqueue_indirect_dma source(%dma_start3A_259 : memref<32768x128xf32, #tpu.memory_space<hbm>>) target(%arg14 : memref<128x128xf32, #tpu.memory_space<vmem>>) offsets(%dma_start3A_256 : memref<128xi32, #tpu.memory_space<vmem>>) semaphore(%arg18 : memref<!tpu.dma_semaphore, #tpu.memory_space<semaphore_mem>>)
    %dma_wait3A_260 = arith.constant 4 : i32
    %dma_wait3A_261 = arith.constant 0 : i32
    %dma_wait3A_262 = tpu.memref_slice %arg9[%dma_wait3A_260, %dma_wait3A_261] : memref<16x128xi32, #tpu.memory_space<vmem>> -> memref<1x128xi32, #tpu.memory_space<vmem>>
    %dma_wait3A_263 = tpu.memref_squeeze %dma_wait3A_262 : memref<1x128xi32, #tpu.memory_space<vmem>> -> memref<128xi32, #tpu.memory_space<vmem>>
    %dma_wait3A_264 = arith.constant 0 : i32
    %dma_wait3A_265 = arith.constant 0 : i32
    %dma_wait3A_266 = tpu.memref_slice %arg2[%dma_wait3A_264, %dma_wait3A_265] : memref<32768x128xf32, #tpu.memory_space<hbm>> -> memref<32768x128xf32, #tpu.memory_space<hbm>>
    tpu.wait_indirect_dma semaphore(%arg19 : memref<!tpu.dma_semaphore, #tpu.memory_space<semaphore_mem>>) src(%dma_wait3A_266 : memref<32768x128xf32, #tpu.memory_space<hbm>>) dst(%arg15 : memref<128x128xf32, #tpu.memory_space<vmem>>)
    %dma_start3A_267 = arith.constant 4 : i32
    %dma_start3A_268 = arith.constant 0 : i32
    %dma_start3A_269 = tpu.memref_slice %arg11[%dma_start3A_267, %dma_start3A_268] : memref<16x128xi32, #tpu.memory_space<vmem>> -> memref<1x128xi32, #tpu.memory_space<vmem>>
    %dma_start3A_270 = tpu.memref_squeeze %dma_start3A_269 : memref<1x128xi32, #tpu.memory_space<vmem>> -> memref<128xi32, #tpu.memory_space<vmem>>
    %dma_start3A_271 = arith.constant 0 : i32
    %dma_start3A_272 = arith.constant 0 : i32
    %dma_start3A_273 = tpu.memref_slice %arg16[%dma_start3A_271, %dma_start3A_272] : memref<8192x128xf32, #tpu.memory_space<vmem_shared>> -> memref<8192x128xf32, #tpu.memory_space<vmem_shared>>
    tpu.enqueue_indirect_dma source(%arg15 : memref<128x128xf32, #tpu.memory_space<vmem>>) target(%dma_start3A_273 : memref<8192x128xf32, #tpu.memory_space<vmem_shared>>) offsets(%dma_start3A_270 : memref<128xi32, #tpu.memory_space<vmem>>) semaphore(%arg22 : memref<!tpu.dma_semaphore, #tpu.memory_space<semaphore_mem>>) {add = true}
    %dma_wait3A_274 = arith.constant 4 : i32
    %dma_wait3A_275 = arith.constant 0 : i32
    %dma_wait3A_276 = tpu.memref_slice %arg11[%dma_wait3A_274, %dma_wait3A_275] : memref<16x128xi32, #tpu.memory_space<vmem>> -> memref<1x128xi32, #tpu.memory_space<vmem>>
    %dma_wait3A_277 = tpu.memref_squeeze %dma_wait3A_276 : memref<1x128xi32, #tpu.memory_space<vmem>> -> memref<128xi32, #tpu.memory_space<vmem>>
    %dma_wait3A_278 = arith.constant 0 : i32
    %dma_wait3A_279 = arith.constant 0 : i32
    %dma_wait3A_280 = tpu.memref_slice %arg16[%dma_wait3A_278, %dma_wait3A_279] : memref<8192x128xf32, #tpu.memory_space<vmem_shared>> -> memref<8192x128xf32, #tpu.memory_space<vmem_shared>>
    tpu.wait_indirect_dma semaphore(%arg22 : memref<!tpu.dma_semaphore, #tpu.memory_space<semaphore_mem>>) src(%arg15 : memref<128x128xf32, #tpu.memory_space<vmem>>) dst(%dma_wait3A_280 : memref<8192x128xf32, #tpu.memory_space<vmem_shared>>)
    %dma_start3A_281 = arith.constant 5 : i32
    %dma_start3A_282 = arith.constant 0 : i32
    %dma_start3A_283 = tpu.memref_slice %arg10[%dma_start3A_281, %dma_start3A_282] : memref<16x128xi32, #tpu.memory_space<vmem>> -> memref<1x128xi32, #tpu.memory_space<vmem>>
    %dma_start3A_284 = tpu.memref_squeeze %dma_start3A_283 : memref<1x128xi32, #tpu.memory_space<vmem>> -> memref<128xi32, #tpu.memory_space<vmem>>
    %dma_start3A_285 = arith.constant 0 : i32
    %dma_start3A_286 = arith.constant 0 : i32
    %dma_start3A_287 = tpu.memref_slice %arg2[%dma_start3A_285, %dma_start3A_286] : memref<32768x128xf32, #tpu.memory_space<hbm>> -> memref<32768x128xf32, #tpu.memory_space<hbm>>
    tpu.enqueue_indirect_dma source(%dma_start3A_287 : memref<32768x128xf32, #tpu.memory_space<hbm>>) target(%arg15 : memref<128x128xf32, #tpu.memory_space<vmem>>) offsets(%dma_start3A_284 : memref<128xi32, #tpu.memory_space<vmem>>) semaphore(%arg19 : memref<!tpu.dma_semaphore, #tpu.memory_space<semaphore_mem>>)
    %dma_wait3A_288 = arith.constant 4 : i32
    %dma_wait3A_289 = arith.constant 0 : i32
    %dma_wait3A_290 = tpu.memref_slice %arg10[%dma_wait3A_288, %dma_wait3A_289] : memref<16x128xi32, #tpu.memory_space<vmem>> -> memref<1x128xi32, #tpu.memory_space<vmem>>
    %dma_wait3A_291 = tpu.memref_squeeze %dma_wait3A_290 : memref<1x128xi32, #tpu.memory_space<vmem>> -> memref<128xi32, #tpu.memory_space<vmem>>
    %dma_wait3A_292 = arith.constant 0 : i32
    %dma_wait3A_293 = arith.constant 0 : i32
    %dma_wait3A_294 = tpu.memref_slice %arg2[%dma_wait3A_292, %dma_wait3A_293] : memref<32768x128xf32, #tpu.memory_space<hbm>> -> memref<32768x128xf32, #tpu.memory_space<hbm>>
    tpu.wait_indirect_dma semaphore(%arg17 : memref<!tpu.dma_semaphore, #tpu.memory_space<semaphore_mem>>) src(%dma_wait3A_294 : memref<32768x128xf32, #tpu.memory_space<hbm>>) dst(%arg13 : memref<128x128xf32, #tpu.memory_space<vmem>>)
    %dma_start3A_295 = arith.constant 4 : i32
    %dma_start3A_296 = arith.constant 0 : i32
    %dma_start3A_297 = tpu.memref_slice %arg12[%dma_start3A_295, %dma_start3A_296] : memref<16x128xi32, #tpu.memory_space<vmem>> -> memref<1x128xi32, #tpu.memory_space<vmem>>
    %dma_start3A_298 = tpu.memref_squeeze %dma_start3A_297 : memref<1x128xi32, #tpu.memory_space<vmem>> -> memref<128xi32, #tpu.memory_space<vmem>>
    %dma_start3A_299 = arith.constant 0 : i32
    %dma_start3A_300 = arith.constant 0 : i32
    %dma_start3A_301 = tpu.memref_slice %arg16[%dma_start3A_299, %dma_start3A_300] : memref<8192x128xf32, #tpu.memory_space<vmem_shared>> -> memref<8192x128xf32, #tpu.memory_space<vmem_shared>>
    tpu.enqueue_indirect_dma source(%arg13 : memref<128x128xf32, #tpu.memory_space<vmem>>) target(%dma_start3A_301 : memref<8192x128xf32, #tpu.memory_space<vmem_shared>>) offsets(%dma_start3A_298 : memref<128xi32, #tpu.memory_space<vmem>>) semaphore(%arg20 : memref<!tpu.dma_semaphore, #tpu.memory_space<semaphore_mem>>) {add = true}
    %dma_wait3A_302 = arith.constant 4 : i32
    %dma_wait3A_303 = arith.constant 0 : i32
    %dma_wait3A_304 = tpu.memref_slice %arg12[%dma_wait3A_302, %dma_wait3A_303] : memref<16x128xi32, #tpu.memory_space<vmem>> -> memref<1x128xi32, #tpu.memory_space<vmem>>
    %dma_wait3A_305 = tpu.memref_squeeze %dma_wait3A_304 : memref<1x128xi32, #tpu.memory_space<vmem>> -> memref<128xi32, #tpu.memory_space<vmem>>
    %dma_wait3A_306 = arith.constant 0 : i32
    %dma_wait3A_307 = arith.constant 0 : i32
    %dma_wait3A_308 = tpu.memref_slice %arg16[%dma_wait3A_306, %dma_wait3A_307] : memref<8192x128xf32, #tpu.memory_space<vmem_shared>> -> memref<8192x128xf32, #tpu.memory_space<vmem_shared>>
    tpu.wait_indirect_dma semaphore(%arg20 : memref<!tpu.dma_semaphore, #tpu.memory_space<semaphore_mem>>) src(%arg13 : memref<128x128xf32, #tpu.memory_space<vmem>>) dst(%dma_wait3A_308 : memref<8192x128xf32, #tpu.memory_space<vmem_shared>>)
    %dma_start3A_309 = arith.constant 6 : i32
    %dma_start3A_310 = arith.constant 0 : i32
    %dma_start3A_311 = tpu.memref_slice %arg9[%dma_start3A_309, %dma_start3A_310] : memref<16x128xi32, #tpu.memory_space<vmem>> -> memref<1x128xi32, #tpu.memory_space<vmem>>
    %dma_start3A_312 = tpu.memref_squeeze %dma_start3A_311 : memref<1x128xi32, #tpu.memory_space<vmem>> -> memref<128xi32, #tpu.memory_space<vmem>>
    %dma_start3A_313 = arith.constant 0 : i32
    %dma_start3A_314 = arith.constant 0 : i32
    %dma_start3A_315 = tpu.memref_slice %arg2[%dma_start3A_313, %dma_start3A_314] : memref<32768x128xf32, #tpu.memory_space<hbm>> -> memref<32768x128xf32, #tpu.memory_space<hbm>>
    tpu.enqueue_indirect_dma source(%dma_start3A_315 : memref<32768x128xf32, #tpu.memory_space<hbm>>) target(%arg13 : memref<128x128xf32, #tpu.memory_space<vmem>>) offsets(%dma_start3A_312 : memref<128xi32, #tpu.memory_space<vmem>>) semaphore(%arg17 : memref<!tpu.dma_semaphore, #tpu.memory_space<semaphore_mem>>)
    %dma_wait3A_316 = arith.constant 5 : i32
    %dma_wait3A_317 = arith.constant 0 : i32
    %dma_wait3A_318 = tpu.memref_slice %arg9[%dma_wait3A_316, %dma_wait3A_317] : memref<16x128xi32, #tpu.memory_space<vmem>> -> memref<1x128xi32, #tpu.memory_space<vmem>>
    %dma_wait3A_319 = tpu.memref_squeeze %dma_wait3A_318 : memref<1x128xi32, #tpu.memory_space<vmem>> -> memref<128xi32, #tpu.memory_space<vmem>>
    %dma_wait3A_320 = arith.constant 0 : i32
    %dma_wait3A_321 = arith.constant 0 : i32
    %dma_wait3A_322 = tpu.memref_slice %arg2[%dma_wait3A_320, %dma_wait3A_321] : memref<32768x128xf32, #tpu.memory_space<hbm>> -> memref<32768x128xf32, #tpu.memory_space<hbm>>
    tpu.wait_indirect_dma semaphore(%arg18 : memref<!tpu.dma_semaphore, #tpu.memory_space<semaphore_mem>>) src(%dma_wait3A_322 : memref<32768x128xf32, #tpu.memory_space<hbm>>) dst(%arg14 : memref<128x128xf32, #tpu.memory_space<vmem>>)
    %dma_start3A_323 = arith.constant 5 : i32
    %dma_start3A_324 = arith.constant 0 : i32
    %dma_start3A_325 = tpu.memref_slice %arg11[%dma_start3A_323, %dma_start3A_324] : memref<16x128xi32, #tpu.memory_space<vmem>> -> memref<1x128xi32, #tpu.memory_space<vmem>>
    %dma_start3A_326 = tpu.memref_squeeze %dma_start3A_325 : memref<1x128xi32, #tpu.memory_space<vmem>> -> memref<128xi32, #tpu.memory_space<vmem>>
    %dma_start3A_327 = arith.constant 0 : i32
    %dma_start3A_328 = arith.constant 0 : i32
    %dma_start3A_329 = tpu.memref_slice %arg16[%dma_start3A_327, %dma_start3A_328] : memref<8192x128xf32, #tpu.memory_space<vmem_shared>> -> memref<8192x128xf32, #tpu.memory_space<vmem_shared>>
    tpu.enqueue_indirect_dma source(%arg14 : memref<128x128xf32, #tpu.memory_space<vmem>>) target(%dma_start3A_329 : memref<8192x128xf32, #tpu.memory_space<vmem_shared>>) offsets(%dma_start3A_326 : memref<128xi32, #tpu.memory_space<vmem>>) semaphore(%arg21 : memref<!tpu.dma_semaphore, #tpu.memory_space<semaphore_mem>>) {add = true}
    %dma_wait3A_330 = arith.constant 5 : i32
    %dma_wait3A_331 = arith.constant 0 : i32
    %dma_wait3A_332 = tpu.memref_slice %arg11[%dma_wait3A_330, %dma_wait3A_331] : memref<16x128xi32, #tpu.memory_space<vmem>> -> memref<1x128xi32, #tpu.memory_space<vmem>>
    %dma_wait3A_333 = tpu.memref_squeeze %dma_wait3A_332 : memref<1x128xi32, #tpu.memory_space<vmem>> -> memref<128xi32, #tpu.memory_space<vmem>>
    %dma_wait3A_334 = arith.constant 0 : i32
    %dma_wait3A_335 = arith.constant 0 : i32
    %dma_wait3A_336 = tpu.memref_slice %arg16[%dma_wait3A_334, %dma_wait3A_335] : memref<8192x128xf32, #tpu.memory_space<vmem_shared>> -> memref<8192x128xf32, #tpu.memory_space<vmem_shared>>
    tpu.wait_indirect_dma semaphore(%arg21 : memref<!tpu.dma_semaphore, #tpu.memory_space<semaphore_mem>>) src(%arg14 : memref<128x128xf32, #tpu.memory_space<vmem>>) dst(%dma_wait3A_336 : memref<8192x128xf32, #tpu.memory_space<vmem_shared>>)
    %dma_start3A_337 = arith.constant 6 : i32
    %dma_start3A_338 = arith.constant 0 : i32
    %dma_start3A_339 = tpu.memref_slice %arg10[%dma_start3A_337, %dma_start3A_338] : memref<16x128xi32, #tpu.memory_space<vmem>> -> memref<1x128xi32, #tpu.memory_space<vmem>>
    %dma_start3A_340 = tpu.memref_squeeze %dma_start3A_339 : memref<1x128xi32, #tpu.memory_space<vmem>> -> memref<128xi32, #tpu.memory_space<vmem>>
    %dma_start3A_341 = arith.constant 0 : i32
    %dma_start3A_342 = arith.constant 0 : i32
    %dma_start3A_343 = tpu.memref_slice %arg2[%dma_start3A_341, %dma_start3A_342] : memref<32768x128xf32, #tpu.memory_space<hbm>> -> memref<32768x128xf32, #tpu.memory_space<hbm>>
    tpu.enqueue_indirect_dma source(%dma_start3A_343 : memref<32768x128xf32, #tpu.memory_space<hbm>>) target(%arg14 : memref<128x128xf32, #tpu.memory_space<vmem>>) offsets(%dma_start3A_340 : memref<128xi32, #tpu.memory_space<vmem>>) semaphore(%arg18 : memref<!tpu.dma_semaphore, #tpu.memory_space<semaphore_mem>>)
    %dma_wait3A_344 = arith.constant 5 : i32
    %dma_wait3A_345 = arith.constant 0 : i32
    %dma_wait3A_346 = tpu.memref_slice %arg10[%dma_wait3A_344, %dma_wait3A_345] : memref<16x128xi32, #tpu.memory_space<vmem>> -> memref<1x128xi32, #tpu.memory_space<vmem>>
    %dma_wait3A_347 = tpu.memref_squeeze %dma_wait3A_346 : memref<1x128xi32, #tpu.memory_space<vmem>> -> memref<128xi32, #tpu.memory_space<vmem>>
    %dma_wait3A_348 = arith.constant 0 : i32
    %dma_wait3A_349 = arith.constant 0 : i32
    %dma_wait3A_350 = tpu.memref_slice %arg2[%dma_wait3A_348, %dma_wait3A_349] : memref<32768x128xf32, #tpu.memory_space<hbm>> -> memref<32768x128xf32, #tpu.memory_space<hbm>>
    tpu.wait_indirect_dma semaphore(%arg19 : memref<!tpu.dma_semaphore, #tpu.memory_space<semaphore_mem>>) src(%dma_wait3A_350 : memref<32768x128xf32, #tpu.memory_space<hbm>>) dst(%arg15 : memref<128x128xf32, #tpu.memory_space<vmem>>)
    %dma_start3A_351 = arith.constant 5 : i32
    %dma_start3A_352 = arith.constant 0 : i32
    %dma_start3A_353 = tpu.memref_slice %arg12[%dma_start3A_351, %dma_start3A_352] : memref<16x128xi32, #tpu.memory_space<vmem>> -> memref<1x128xi32, #tpu.memory_space<vmem>>
    %dma_start3A_354 = tpu.memref_squeeze %dma_start3A_353 : memref<1x128xi32, #tpu.memory_space<vmem>> -> memref<128xi32, #tpu.memory_space<vmem>>
    %dma_start3A_355 = arith.constant 0 : i32
    %dma_start3A_356 = arith.constant 0 : i32
    %dma_start3A_357 = tpu.memref_slice %arg16[%dma_start3A_355, %dma_start3A_356] : memref<8192x128xf32, #tpu.memory_space<vmem_shared>> -> memref<8192x128xf32, #tpu.memory_space<vmem_shared>>
    tpu.enqueue_indirect_dma source(%arg15 : memref<128x128xf32, #tpu.memory_space<vmem>>) target(%dma_start3A_357 : memref<8192x128xf32, #tpu.memory_space<vmem_shared>>) offsets(%dma_start3A_354 : memref<128xi32, #tpu.memory_space<vmem>>) semaphore(%arg22 : memref<!tpu.dma_semaphore, #tpu.memory_space<semaphore_mem>>) {add = true}
    %dma_wait3A_358 = arith.constant 5 : i32
    %dma_wait3A_359 = arith.constant 0 : i32
    %dma_wait3A_360 = tpu.memref_slice %arg12[%dma_wait3A_358, %dma_wait3A_359] : memref<16x128xi32, #tpu.memory_space<vmem>> -> memref<1x128xi32, #tpu.memory_space<vmem>>
    %dma_wait3A_361 = tpu.memref_squeeze %dma_wait3A_360 : memref<1x128xi32, #tpu.memory_space<vmem>> -> memref<128xi32, #tpu.memory_space<vmem>>
    %dma_wait3A_362 = arith.constant 0 : i32
    %dma_wait3A_363 = arith.constant 0 : i32
    %dma_wait3A_364 = tpu.memref_slice %arg16[%dma_wait3A_362, %dma_wait3A_363] : memref<8192x128xf32, #tpu.memory_space<vmem_shared>> -> memref<8192x128xf32, #tpu.memory_space<vmem_shared>>
    tpu.wait_indirect_dma semaphore(%arg22 : memref<!tpu.dma_semaphore, #tpu.memory_space<semaphore_mem>>) src(%arg15 : memref<128x128xf32, #tpu.memory_space<vmem>>) dst(%dma_wait3A_364 : memref<8192x128xf32, #tpu.memory_space<vmem_shared>>)
    %dma_start3A_365 = arith.constant 7 : i32
    %dma_start3A_366 = arith.constant 0 : i32
    %dma_start3A_367 = tpu.memref_slice %arg9[%dma_start3A_365, %dma_start3A_366] : memref<16x128xi32, #tpu.memory_space<vmem>> -> memref<1x128xi32, #tpu.memory_space<vmem>>
    %dma_start3A_368 = tpu.memref_squeeze %dma_start3A_367 : memref<1x128xi32, #tpu.memory_space<vmem>> -> memref<128xi32, #tpu.memory_space<vmem>>
    %dma_start3A_369 = arith.constant 0 : i32
    %dma_start3A_370 = arith.constant 0 : i32
    %dma_start3A_371 = tpu.memref_slice %arg2[%dma_start3A_369, %dma_start3A_370] : memref<32768x128xf32, #tpu.memory_space<hbm>> -> memref<32768x128xf32, #tpu.memory_space<hbm>>
    tpu.enqueue_indirect_dma source(%dma_start3A_371 : memref<32768x128xf32, #tpu.memory_space<hbm>>) target(%arg15 : memref<128x128xf32, #tpu.memory_space<vmem>>) offsets(%dma_start3A_368 : memref<128xi32, #tpu.memory_space<vmem>>) semaphore(%arg19 : memref<!tpu.dma_semaphore, #tpu.memory_space<semaphore_mem>>)
    %dma_wait3A_372 = arith.constant 6 : i32
    %dma_wait3A_373 = arith.constant 0 : i32
    %dma_wait3A_374 = tpu.memref_slice %arg9[%dma_wait3A_372, %dma_wait3A_373] : memref<16x128xi32, #tpu.memory_space<vmem>> -> memref<1x128xi32, #tpu.memory_space<vmem>>
    %dma_wait3A_375 = tpu.memref_squeeze %dma_wait3A_374 : memref<1x128xi32, #tpu.memory_space<vmem>> -> memref<128xi32, #tpu.memory_space<vmem>>
    %dma_wait3A_376 = arith.constant 0 : i32
    %dma_wait3A_377 = arith.constant 0 : i32
    %dma_wait3A_378 = tpu.memref_slice %arg2[%dma_wait3A_376, %dma_wait3A_377] : memref<32768x128xf32, #tpu.memory_space<hbm>> -> memref<32768x128xf32, #tpu.memory_space<hbm>>
    tpu.wait_indirect_dma semaphore(%arg17 : memref<!tpu.dma_semaphore, #tpu.memory_space<semaphore_mem>>) src(%dma_wait3A_378 : memref<32768x128xf32, #tpu.memory_space<hbm>>) dst(%arg13 : memref<128x128xf32, #tpu.memory_space<vmem>>)
    %dma_start3A_379 = arith.constant 6 : i32
    %dma_start3A_380 = arith.constant 0 : i32
    %dma_start3A_381 = tpu.memref_slice %arg11[%dma_start3A_379, %dma_start3A_380] : memref<16x128xi32, #tpu.memory_space<vmem>> -> memref<1x128xi32, #tpu.memory_space<vmem>>
    %dma_start3A_382 = tpu.memref_squeeze %dma_start3A_381 : memref<1x128xi32, #tpu.memory_space<vmem>> -> memref<128xi32, #tpu.memory_space<vmem>>
    %dma_start3A_383 = arith.constant 0 : i32
    %dma_start3A_384 = arith.constant 0 : i32
    %dma_start3A_385 = tpu.memref_slice %arg16[%dma_start3A_383, %dma_start3A_384] : memref<8192x128xf32, #tpu.memory_space<vmem_shared>> -> memref<8192x128xf32, #tpu.memory_space<vmem_shared>>
    tpu.enqueue_indirect_dma source(%arg13 : memref<128x128xf32, #tpu.memory_space<vmem>>) target(%dma_start3A_385 : memref<8192x128xf32, #tpu.memory_space<vmem_shared>>) offsets(%dma_start3A_382 : memref<128xi32, #tpu.memory_space<vmem>>) semaphore(%arg20 : memref<!tpu.dma_semaphore, #tpu.memory_space<semaphore_mem>>) {add = true}
    %dma_wait3A_386 = arith.constant 6 : i32
    %dma_wait3A_387 = arith.constant 0 : i32
    %dma_wait3A_388 = tpu.memref_slice %arg11[%dma_wait3A_386, %dma_wait3A_387] : memref<16x128xi32, #tpu.memory_space<vmem>> -> memref<1x128xi32, #tpu.memory_space<vmem>>
    %dma_wait3A_389 = tpu.memref_squeeze %dma_wait3A_388 : memref<1x128xi32, #tpu.memory_space<vmem>> -> memref<128xi32, #tpu.memory_space<vmem>>
    %dma_wait3A_390 = arith.constant 0 : i32
    %dma_wait3A_391 = arith.constant 0 : i32
    %dma_wait3A_392 = tpu.memref_slice %arg16[%dma_wait3A_390, %dma_wait3A_391] : memref<8192x128xf32, #tpu.memory_space<vmem_shared>> -> memref<8192x128xf32, #tpu.memory_space<vmem_shared>>
    tpu.wait_indirect_dma semaphore(%arg20 : memref<!tpu.dma_semaphore, #tpu.memory_space<semaphore_mem>>) src(%arg13 : memref<128x128xf32, #tpu.memory_space<vmem>>) dst(%dma_wait3A_392 : memref<8192x128xf32, #tpu.memory_space<vmem_shared>>)
    %dma_start3A_393 = arith.constant 7 : i32
    %dma_start3A_394 = arith.constant 0 : i32
    %dma_start3A_395 = tpu.memref_slice %arg10[%dma_start3A_393, %dma_start3A_394] : memref<16x128xi32, #tpu.memory_space<vmem>> -> memref<1x128xi32, #tpu.memory_space<vmem>>
    %dma_start3A_396 = tpu.memref_squeeze %dma_start3A_395 : memref<1x128xi32, #tpu.memory_space<vmem>> -> memref<128xi32, #tpu.memory_space<vmem>>
    %dma_start3A_397 = arith.constant 0 : i32
    %dma_start3A_398 = arith.constant 0 : i32
    %dma_start3A_399 = tpu.memref_slice %arg2[%dma_start3A_397, %dma_start3A_398] : memref<32768x128xf32, #tpu.memory_space<hbm>> -> memref<32768x128xf32, #tpu.memory_space<hbm>>
    tpu.enqueue_indirect_dma source(%dma_start3A_399 : memref<32768x128xf32, #tpu.memory_space<hbm>>) target(%arg13 : memref<128x128xf32, #tpu.memory_space<vmem>>) offsets(%dma_start3A_396 : memref<128xi32, #tpu.memory_space<vmem>>) semaphore(%arg17 : memref<!tpu.dma_semaphore, #tpu.memory_space<semaphore_mem>>)
    %dma_wait3A_400 = arith.constant 6 : i32
    %dma_wait3A_401 = arith.constant 0 : i32
    %dma_wait3A_402 = tpu.memref_slice %arg10[%dma_wait3A_400, %dma_wait3A_401] : memref<16x128xi32, #tpu.memory_space<vmem>> -> memref<1x128xi32, #tpu.memory_space<vmem>>
    %dma_wait3A_403 = tpu.memref_squeeze %dma_wait3A_402 : memref<1x128xi32, #tpu.memory_space<vmem>> -> memref<128xi32, #tpu.memory_space<vmem>>
    %dma_wait3A_404 = arith.constant 0 : i32
    %dma_wait3A_405 = arith.constant 0 : i32
    %dma_wait3A_406 = tpu.memref_slice %arg2[%dma_wait3A_404, %dma_wait3A_405] : memref<32768x128xf32, #tpu.memory_space<hbm>> -> memref<32768x128xf32, #tpu.memory_space<hbm>>
    tpu.wait_indirect_dma semaphore(%arg18 : memref<!tpu.dma_semaphore, #tpu.memory_space<semaphore_mem>>) src(%dma_wait3A_406 : memref<32768x128xf32, #tpu.memory_space<hbm>>) dst(%arg14 : memref<128x128xf32, #tpu.memory_space<vmem>>)
    %dma_start3A_407 = arith.constant 6 : i32
    %dma_start3A_408 = arith.constant 0 : i32
    %dma_start3A_409 = tpu.memref_slice %arg12[%dma_start3A_407, %dma_start3A_408] : memref<16x128xi32, #tpu.memory_space<vmem>> -> memref<1x128xi32, #tpu.memory_space<vmem>>
    %dma_start3A_410 = tpu.memref_squeeze %dma_start3A_409 : memref<1x128xi32, #tpu.memory_space<vmem>> -> memref<128xi32, #tpu.memory_space<vmem>>
    %dma_start3A_411 = arith.constant 0 : i32
    %dma_start3A_412 = arith.constant 0 : i32
    %dma_start3A_413 = tpu.memref_slice %arg16[%dma_start3A_411, %dma_start3A_412] : memref<8192x128xf32, #tpu.memory_space<vmem_shared>> -> memref<8192x128xf32, #tpu.memory_space<vmem_shared>>
    tpu.enqueue_indirect_dma source(%arg14 : memref<128x128xf32, #tpu.memory_space<vmem>>) target(%dma_start3A_413 : memref<8192x128xf32, #tpu.memory_space<vmem_shared>>) offsets(%dma_start3A_410 : memref<128xi32, #tpu.memory_space<vmem>>) semaphore(%arg21 : memref<!tpu.dma_semaphore, #tpu.memory_space<semaphore_mem>>) {add = true}
    %dma_wait3A_414 = arith.constant 6 : i32
    %dma_wait3A_415 = arith.constant 0 : i32
    %dma_wait3A_416 = tpu.memref_slice %arg12[%dma_wait3A_414, %dma_wait3A_415] : memref<16x128xi32, #tpu.memory_space<vmem>> -> memref<1x128xi32, #tpu.memory_space<vmem>>
    %dma_wait3A_417 = tpu.memref_squeeze %dma_wait3A_416 : memref<1x128xi32, #tpu.memory_space<vmem>> -> memref<128xi32, #tpu.memory_space<vmem>>
    %dma_wait3A_418 = arith.constant 0 : i32
    %dma_wait3A_419 = arith.constant 0 : i32
    %dma_wait3A_420 = tpu.memref_slice %arg16[%dma_wait3A_418, %dma_wait3A_419] : memref<8192x128xf32, #tpu.memory_space<vmem_shared>> -> memref<8192x128xf32, #tpu.memory_space<vmem_shared>>
    tpu.wait_indirect_dma semaphore(%arg21 : memref<!tpu.dma_semaphore, #tpu.memory_space<semaphore_mem>>) src(%arg14 : memref<128x128xf32, #tpu.memory_space<vmem>>) dst(%dma_wait3A_420 : memref<8192x128xf32, #tpu.memory_space<vmem_shared>>)
    %dma_start3A_421 = arith.constant 8 : i32
    %dma_start3A_422 = arith.constant 0 : i32
    %dma_start3A_423 = tpu.memref_slice %arg9[%dma_start3A_421, %dma_start3A_422] : memref<16x128xi32, #tpu.memory_space<vmem>> -> memref<1x128xi32, #tpu.memory_space<vmem>>
    %dma_start3A_424 = tpu.memref_squeeze %dma_start3A_423 : memref<1x128xi32, #tpu.memory_space<vmem>> -> memref<128xi32, #tpu.memory_space<vmem>>
    %dma_start3A_425 = arith.constant 0 : i32
    %dma_start3A_426 = arith.constant 0 : i32
    %dma_start3A_427 = tpu.memref_slice %arg2[%dma_start3A_425, %dma_start3A_426] : memref<32768x128xf32, #tpu.memory_space<hbm>> -> memref<32768x128xf32, #tpu.memory_space<hbm>>
    tpu.enqueue_indirect_dma source(%dma_start3A_427 : memref<32768x128xf32, #tpu.memory_space<hbm>>) target(%arg14 : memref<128x128xf32, #tpu.memory_space<vmem>>) offsets(%dma_start3A_424 : memref<128xi32, #tpu.memory_space<vmem>>) semaphore(%arg18 : memref<!tpu.dma_semaphore, #tpu.memory_space<semaphore_mem>>)
    %dma_wait3A_428 = arith.constant 7 : i32
    %dma_wait3A_429 = arith.constant 0 : i32
    %dma_wait3A_430 = tpu.memref_slice %arg9[%dma_wait3A_428, %dma_wait3A_429] : memref<16x128xi32, #tpu.memory_space<vmem>> -> memref<1x128xi32, #tpu.memory_space<vmem>>
    %dma_wait3A_431 = tpu.memref_squeeze %dma_wait3A_430 : memref<1x128xi32, #tpu.memory_space<vmem>> -> memref<128xi32, #tpu.memory_space<vmem>>
    %dma_wait3A_432 = arith.constant 0 : i32
    %dma_wait3A_433 = arith.constant 0 : i32
    %dma_wait3A_434 = tpu.memref_slice %arg2[%dma_wait3A_432, %dma_wait3A_433] : memref<32768x128xf32, #tpu.memory_space<hbm>> -> memref<32768x128xf32, #tpu.memory_space<hbm>>
    tpu.wait_indirect_dma semaphore(%arg19 : memref<!tpu.dma_semaphore, #tpu.memory_space<semaphore_mem>>) src(%dma_wait3A_434 : memref<32768x128xf32, #tpu.memory_space<hbm>>) dst(%arg15 : memref<128x128xf32, #tpu.memory_space<vmem>>)
    %dma_start3A_435 = arith.constant 7 : i32
    %dma_start3A_436 = arith.constant 0 : i32
    %dma_start3A_437 = tpu.memref_slice %arg11[%dma_start3A_435, %dma_start3A_436] : memref<16x128xi32, #tpu.memory_space<vmem>> -> memref<1x128xi32, #tpu.memory_space<vmem>>
    %dma_start3A_438 = tpu.memref_squeeze %dma_start3A_437 : memref<1x128xi32, #tpu.memory_space<vmem>> -> memref<128xi32, #tpu.memory_space<vmem>>
    %dma_start3A_439 = arith.constant 0 : i32
    %dma_start3A_440 = arith.constant 0 : i32
    %dma_start3A_441 = tpu.memref_slice %arg16[%dma_start3A_439, %dma_start3A_440] : memref<8192x128xf32, #tpu.memory_space<vmem_shared>> -> memref<8192x128xf32, #tpu.memory_space<vmem_shared>>
    tpu.enqueue_indirect_dma source(%arg15 : memref<128x128xf32, #tpu.memory_space<vmem>>) target(%dma_start3A_441 : memref<8192x128xf32, #tpu.memory_space<vmem_shared>>) offsets(%dma_start3A_438 : memref<128xi32, #tpu.memory_space<vmem>>) semaphore(%arg22 : memref<!tpu.dma_semaphore, #tpu.memory_space<semaphore_mem>>) {add = true}
    %dma_wait3A_442 = arith.constant 7 : i32
    %dma_wait3A_443 = arith.constant 0 : i32
    %dma_wait3A_444 = tpu.memref_slice %arg11[%dma_wait3A_442, %dma_wait3A_443] : memref<16x128xi32, #tpu.memory_space<vmem>> -> memref<1x128xi32, #tpu.memory_space<vmem>>
    %dma_wait3A_445 = tpu.memref_squeeze %dma_wait3A_444 : memref<1x128xi32, #tpu.memory_space<vmem>> -> memref<128xi32, #tpu.memory_space<vmem>>
    %dma_wait3A_446 = arith.constant 0 : i32
    %dma_wait3A_447 = arith.constant 0 : i32
    %dma_wait3A_448 = tpu.memref_slice %arg16[%dma_wait3A_446, %dma_wait3A_447] : memref<8192x128xf32, #tpu.memory_space<vmem_shared>> -> memref<8192x128xf32, #tpu.memory_space<vmem_shared>>
    tpu.wait_indirect_dma semaphore(%arg22 : memref<!tpu.dma_semaphore, #tpu.memory_space<semaphore_mem>>) src(%arg15 : memref<128x128xf32, #tpu.memory_space<vmem>>) dst(%dma_wait3A_448 : memref<8192x128xf32, #tpu.memory_space<vmem_shared>>)
    %dma_start3A_449 = arith.constant 8 : i32
    %dma_start3A_450 = arith.constant 0 : i32
    %dma_start3A_451 = tpu.memref_slice %arg10[%dma_start3A_449, %dma_start3A_450] : memref<16x128xi32, #tpu.memory_space<vmem>> -> memref<1x128xi32, #tpu.memory_space<vmem>>
    %dma_start3A_452 = tpu.memref_squeeze %dma_start3A_451 : memref<1x128xi32, #tpu.memory_space<vmem>> -> memref<128xi32, #tpu.memory_space<vmem>>
    %dma_start3A_453 = arith.constant 0 : i32
    %dma_start3A_454 = arith.constant 0 : i32
    %dma_start3A_455 = tpu.memref_slice %arg2[%dma_start3A_453, %dma_start3A_454] : memref<32768x128xf32, #tpu.memory_space<hbm>> -> memref<32768x128xf32, #tpu.memory_space<hbm>>
    tpu.enqueue_indirect_dma source(%dma_start3A_455 : memref<32768x128xf32, #tpu.memory_space<hbm>>) target(%arg15 : memref<128x128xf32, #tpu.memory_space<vmem>>) offsets(%dma_start3A_452 : memref<128xi32, #tpu.memory_space<vmem>>) semaphore(%arg19 : memref<!tpu.dma_semaphore, #tpu.memory_space<semaphore_mem>>)
    %dma_wait3A_456 = arith.constant 7 : i32
    %dma_wait3A_457 = arith.constant 0 : i32
    %dma_wait3A_458 = tpu.memref_slice %arg10[%dma_wait3A_456, %dma_wait3A_457] : memref<16x128xi32, #tpu.memory_space<vmem>> -> memref<1x128xi32, #tpu.memory_space<vmem>>
    %dma_wait3A_459 = tpu.memref_squeeze %dma_wait3A_458 : memref<1x128xi32, #tpu.memory_space<vmem>> -> memref<128xi32, #tpu.memory_space<vmem>>
    %dma_wait3A_460 = arith.constant 0 : i32
    %dma_wait3A_461 = arith.constant 0 : i32
    %dma_wait3A_462 = tpu.memref_slice %arg2[%dma_wait3A_460, %dma_wait3A_461] : memref<32768x128xf32, #tpu.memory_space<hbm>> -> memref<32768x128xf32, #tpu.memory_space<hbm>>
    tpu.wait_indirect_dma semaphore(%arg17 : memref<!tpu.dma_semaphore, #tpu.memory_space<semaphore_mem>>) src(%dma_wait3A_462 : memref<32768x128xf32, #tpu.memory_space<hbm>>) dst(%arg13 : memref<128x128xf32, #tpu.memory_space<vmem>>)
    %dma_start3A_463 = arith.constant 7 : i32
    %dma_start3A_464 = arith.constant 0 : i32
    %dma_start3A_465 = tpu.memref_slice %arg12[%dma_start3A_463, %dma_start3A_464] : memref<16x128xi32, #tpu.memory_space<vmem>> -> memref<1x128xi32, #tpu.memory_space<vmem>>
    %dma_start3A_466 = tpu.memref_squeeze %dma_start3A_465 : memref<1x128xi32, #tpu.memory_space<vmem>> -> memref<128xi32, #tpu.memory_space<vmem>>
    %dma_start3A_467 = arith.constant 0 : i32
    %dma_start3A_468 = arith.constant 0 : i32
    %dma_start3A_469 = tpu.memref_slice %arg16[%dma_start3A_467, %dma_start3A_468] : memref<8192x128xf32, #tpu.memory_space<vmem_shared>> -> memref<8192x128xf32, #tpu.memory_space<vmem_shared>>
    tpu.enqueue_indirect_dma source(%arg13 : memref<128x128xf32, #tpu.memory_space<vmem>>) target(%dma_start3A_469 : memref<8192x128xf32, #tpu.memory_space<vmem_shared>>) offsets(%dma_start3A_466 : memref<128xi32, #tpu.memory_space<vmem>>) semaphore(%arg20 : memref<!tpu.dma_semaphore, #tpu.memory_space<semaphore_mem>>) {add = true}
    %dma_wait3A_470 = arith.constant 7 : i32
    %dma_wait3A_471 = arith.constant 0 : i32
    %dma_wait3A_472 = tpu.memref_slice %arg12[%dma_wait3A_470, %dma_wait3A_471] : memref<16x128xi32, #tpu.memory_space<vmem>> -> memref<1x128xi32, #tpu.memory_space<vmem>>
    %dma_wait3A_473 = tpu.memref_squeeze %dma_wait3A_472 : memref<1x128xi32, #tpu.memory_space<vmem>> -> memref<128xi32, #tpu.memory_space<vmem>>
    %dma_wait3A_474 = arith.constant 0 : i32
    %dma_wait3A_475 = arith.constant 0 : i32
    %dma_wait3A_476 = tpu.memref_slice %arg16[%dma_wait3A_474, %dma_wait3A_475] : memref<8192x128xf32, #tpu.memory_space<vmem_shared>> -> memref<8192x128xf32, #tpu.memory_space<vmem_shared>>
    tpu.wait_indirect_dma semaphore(%arg20 : memref<!tpu.dma_semaphore, #tpu.memory_space<semaphore_mem>>) src(%arg13 : memref<128x128xf32, #tpu.memory_space<vmem>>) dst(%dma_wait3A_476 : memref<8192x128xf32, #tpu.memory_space<vmem_shared>>)
    %dma_start3A_477 = arith.constant 9 : i32
    %dma_start3A_478 = arith.constant 0 : i32
    %dma_start3A_479 = tpu.memref_slice %arg9[%dma_start3A_477, %dma_start3A_478] : memref<16x128xi32, #tpu.memory_space<vmem>> -> memref<1x128xi32, #tpu.memory_space<vmem>>
    %dma_start3A_480 = tpu.memref_squeeze %dma_start3A_479 : memref<1x128xi32, #tpu.memory_space<vmem>> -> memref<128xi32, #tpu.memory_space<vmem>>
    %dma_start3A_481 = arith.constant 0 : i32
    %dma_start3A_482 = arith.constant 0 : i32
    %dma_start3A_483 = tpu.memref_slice %arg2[%dma_start3A_481, %dma_start3A_482] : memref<32768x128xf32, #tpu.memory_space<hbm>> -> memref<32768x128xf32, #tpu.memory_space<hbm>>
    tpu.enqueue_indirect_dma source(%dma_start3A_483 : memref<32768x128xf32, #tpu.memory_space<hbm>>) target(%arg13 : memref<128x128xf32, #tpu.memory_space<vmem>>) offsets(%dma_start3A_480 : memref<128xi32, #tpu.memory_space<vmem>>) semaphore(%arg17 : memref<!tpu.dma_semaphore, #tpu.memory_space<semaphore_mem>>)
    %dma_wait3A_484 = arith.constant 8 : i32
    %dma_wait3A_485 = arith.constant 0 : i32
    %dma_wait3A_486 = tpu.memref_slice %arg9[%dma_wait3A_484, %dma_wait3A_485] : memref<16x128xi32, #tpu.memory_space<vmem>> -> memref<1x128xi32, #tpu.memory_space<vmem>>
    %dma_wait3A_487 = tpu.memref_squeeze %dma_wait3A_486 : memref<1x128xi32, #tpu.memory_space<vmem>> -> memref<128xi32, #tpu.memory_space<vmem>>
    %dma_wait3A_488 = arith.constant 0 : i32
    %dma_wait3A_489 = arith.constant 0 : i32
    %dma_wait3A_490 = tpu.memref_slice %arg2[%dma_wait3A_488, %dma_wait3A_489] : memref<32768x128xf32, #tpu.memory_space<hbm>> -> memref<32768x128xf32, #tpu.memory_space<hbm>>
    tpu.wait_indirect_dma semaphore(%arg18 : memref<!tpu.dma_semaphore, #tpu.memory_space<semaphore_mem>>) src(%dma_wait3A_490 : memref<32768x128xf32, #tpu.memory_space<hbm>>) dst(%arg14 : memref<128x128xf32, #tpu.memory_space<vmem>>)
    %dma_start3A_491 = arith.constant 8 : i32
    %dma_start3A_492 = arith.constant 0 : i32
    %dma_start3A_493 = tpu.memref_slice %arg11[%dma_start3A_491, %dma_start3A_492] : memref<16x128xi32, #tpu.memory_space<vmem>> -> memref<1x128xi32, #tpu.memory_space<vmem>>
    %dma_start3A_494 = tpu.memref_squeeze %dma_start3A_493 : memref<1x128xi32, #tpu.memory_space<vmem>> -> memref<128xi32, #tpu.memory_space<vmem>>
    %dma_start3A_495 = arith.constant 0 : i32
    %dma_start3A_496 = arith.constant 0 : i32
    %dma_start3A_497 = tpu.memref_slice %arg16[%dma_start3A_495, %dma_start3A_496] : memref<8192x128xf32, #tpu.memory_space<vmem_shared>> -> memref<8192x128xf32, #tpu.memory_space<vmem_shared>>
    tpu.enqueue_indirect_dma source(%arg14 : memref<128x128xf32, #tpu.memory_space<vmem>>) target(%dma_start3A_497 : memref<8192x128xf32, #tpu.memory_space<vmem_shared>>) offsets(%dma_start3A_494 : memref<128xi32, #tpu.memory_space<vmem>>) semaphore(%arg21 : memref<!tpu.dma_semaphore, #tpu.memory_space<semaphore_mem>>) {add = true}
    %dma_wait3A_498 = arith.constant 8 : i32
    %dma_wait3A_499 = arith.constant 0 : i32
    %dma_wait3A_500 = tpu.memref_slice %arg11[%dma_wait3A_498, %dma_wait3A_499] : memref<16x128xi32, #tpu.memory_space<vmem>> -> memref<1x128xi32, #tpu.memory_space<vmem>>
    %dma_wait3A_501 = tpu.memref_squeeze %dma_wait3A_500 : memref<1x128xi32, #tpu.memory_space<vmem>> -> memref<128xi32, #tpu.memory_space<vmem>>
    %dma_wait3A_502 = arith.constant 0 : i32
    %dma_wait3A_503 = arith.constant 0 : i32
    %dma_wait3A_504 = tpu.memref_slice %arg16[%dma_wait3A_502, %dma_wait3A_503] : memref<8192x128xf32, #tpu.memory_space<vmem_shared>> -> memref<8192x128xf32, #tpu.memory_space<vmem_shared>>
    tpu.wait_indirect_dma semaphore(%arg21 : memref<!tpu.dma_semaphore, #tpu.memory_space<semaphore_mem>>) src(%arg14 : memref<128x128xf32, #tpu.memory_space<vmem>>) dst(%dma_wait3A_504 : memref<8192x128xf32, #tpu.memory_space<vmem_shared>>)
    %dma_start3A_505 = arith.constant 9 : i32
    %dma_start3A_506 = arith.constant 0 : i32
    %dma_start3A_507 = tpu.memref_slice %arg10[%dma_start3A_505, %dma_start3A_506] : memref<16x128xi32, #tpu.memory_space<vmem>> -> memref<1x128xi32, #tpu.memory_space<vmem>>
    %dma_start3A_508 = tpu.memref_squeeze %dma_start3A_507 : memref<1x128xi32, #tpu.memory_space<vmem>> -> memref<128xi32, #tpu.memory_space<vmem>>
    %dma_start3A_509 = arith.constant 0 : i32
    %dma_start3A_510 = arith.constant 0 : i32
    %dma_start3A_511 = tpu.memref_slice %arg2[%dma_start3A_509, %dma_start3A_510] : memref<32768x128xf32, #tpu.memory_space<hbm>> -> memref<32768x128xf32, #tpu.memory_space<hbm>>
    tpu.enqueue_indirect_dma source(%dma_start3A_511 : memref<32768x128xf32, #tpu.memory_space<hbm>>) target(%arg14 : memref<128x128xf32, #tpu.memory_space<vmem>>) offsets(%dma_start3A_508 : memref<128xi32, #tpu.memory_space<vmem>>) semaphore(%arg18 : memref<!tpu.dma_semaphore, #tpu.memory_space<semaphore_mem>>)
    %dma_wait3A_512 = arith.constant 8 : i32
    %dma_wait3A_513 = arith.constant 0 : i32
    %dma_wait3A_514 = tpu.memref_slice %arg10[%dma_wait3A_512, %dma_wait3A_513] : memref<16x128xi32, #tpu.memory_space<vmem>> -> memref<1x128xi32, #tpu.memory_space<vmem>>
    %dma_wait3A_515 = tpu.memref_squeeze %dma_wait3A_514 : memref<1x128xi32, #tpu.memory_space<vmem>> -> memref<128xi32, #tpu.memory_space<vmem>>
    %dma_wait3A_516 = arith.constant 0 : i32
    %dma_wait3A_517 = arith.constant 0 : i32
    %dma_wait3A_518 = tpu.memref_slice %arg2[%dma_wait3A_516, %dma_wait3A_517] : memref<32768x128xf32, #tpu.memory_space<hbm>> -> memref<32768x128xf32, #tpu.memory_space<hbm>>
    tpu.wait_indirect_dma semaphore(%arg19 : memref<!tpu.dma_semaphore, #tpu.memory_space<semaphore_mem>>) src(%dma_wait3A_518 : memref<32768x128xf32, #tpu.memory_space<hbm>>) dst(%arg15 : memref<128x128xf32, #tpu.memory_space<vmem>>)
    %dma_start3A_519 = arith.constant 8 : i32
    %dma_start3A_520 = arith.constant 0 : i32
    %dma_start3A_521 = tpu.memref_slice %arg12[%dma_start3A_519, %dma_start3A_520] : memref<16x128xi32, #tpu.memory_space<vmem>> -> memref<1x128xi32, #tpu.memory_space<vmem>>
    %dma_start3A_522 = tpu.memref_squeeze %dma_start3A_521 : memref<1x128xi32, #tpu.memory_space<vmem>> -> memref<128xi32, #tpu.memory_space<vmem>>
    %dma_start3A_523 = arith.constant 0 : i32
    %dma_start3A_524 = arith.constant 0 : i32
    %dma_start3A_525 = tpu.memref_slice %arg16[%dma_start3A_523, %dma_start3A_524] : memref<8192x128xf32, #tpu.memory_space<vmem_shared>> -> memref<8192x128xf32, #tpu.memory_space<vmem_shared>>
    tpu.enqueue_indirect_dma source(%arg15 : memref<128x128xf32, #tpu.memory_space<vmem>>) target(%dma_start3A_525 : memref<8192x128xf32, #tpu.memory_space<vmem_shared>>) offsets(%dma_start3A_522 : memref<128xi32, #tpu.memory_space<vmem>>) semaphore(%arg22 : memref<!tpu.dma_semaphore, #tpu.memory_space<semaphore_mem>>) {add = true}
    %dma_wait3A_526 = arith.constant 8 : i32
    %dma_wait3A_527 = arith.constant 0 : i32
    %dma_wait3A_528 = tpu.memref_slice %arg12[%dma_wait3A_526, %dma_wait3A_527] : memref<16x128xi32, #tpu.memory_space<vmem>> -> memref<1x128xi32, #tpu.memory_space<vmem>>
    %dma_wait3A_529 = tpu.memref_squeeze %dma_wait3A_528 : memref<1x128xi32, #tpu.memory_space<vmem>> -> memref<128xi32, #tpu.memory_space<vmem>>
    %dma_wait3A_530 = arith.constant 0 : i32
    %dma_wait3A_531 = arith.constant 0 : i32
    %dma_wait3A_532 = tpu.memref_slice %arg16[%dma_wait3A_530, %dma_wait3A_531] : memref<8192x128xf32, #tpu.memory_space<vmem_shared>> -> memref<8192x128xf32, #tpu.memory_space<vmem_shared>>
    tpu.wait_indirect_dma semaphore(%arg22 : memref<!tpu.dma_semaphore, #tpu.memory_space<semaphore_mem>>) src(%arg15 : memref<128x128xf32, #tpu.memory_space<vmem>>) dst(%dma_wait3A_532 : memref<8192x128xf32, #tpu.memory_space<vmem_shared>>)
    %dma_start3A_533 = arith.constant 10 : i32
    %dma_start3A_534 = arith.constant 0 : i32
    %dma_start3A_535 = tpu.memref_slice %arg9[%dma_start3A_533, %dma_start3A_534] : memref<16x128xi32, #tpu.memory_space<vmem>> -> memref<1x128xi32, #tpu.memory_space<vmem>>
    %dma_start3A_536 = tpu.memref_squeeze %dma_start3A_535 : memref<1x128xi32, #tpu.memory_space<vmem>> -> memref<128xi32, #tpu.memory_space<vmem>>
    %dma_start3A_537 = arith.constant 0 : i32
    %dma_start3A_538 = arith.constant 0 : i32
    %dma_start3A_539 = tpu.memref_slice %arg2[%dma_start3A_537, %dma_start3A_538] : memref<32768x128xf32, #tpu.memory_space<hbm>> -> memref<32768x128xf32, #tpu.memory_space<hbm>>
    tpu.enqueue_indirect_dma source(%dma_start3A_539 : memref<32768x128xf32, #tpu.memory_space<hbm>>) target(%arg15 : memref<128x128xf32, #tpu.memory_space<vmem>>) offsets(%dma_start3A_536 : memref<128xi32, #tpu.memory_space<vmem>>) semaphore(%arg19 : memref<!tpu.dma_semaphore, #tpu.memory_space<semaphore_mem>>)
    %dma_wait3A_540 = arith.constant 9 : i32
    %dma_wait3A_541 = arith.constant 0 : i32
    %dma_wait3A_542 = tpu.memref_slice %arg9[%dma_wait3A_540, %dma_wait3A_541] : memref<16x128xi32, #tpu.memory_space<vmem>> -> memref<1x128xi32, #tpu.memory_space<vmem>>
    %dma_wait3A_543 = tpu.memref_squeeze %dma_wait3A_542 : memref<1x128xi32, #tpu.memory_space<vmem>> -> memref<128xi32, #tpu.memory_space<vmem>>
    %dma_wait3A_544 = arith.constant 0 : i32
    %dma_wait3A_545 = arith.constant 0 : i32
    %dma_wait3A_546 = tpu.memref_slice %arg2[%dma_wait3A_544, %dma_wait3A_545] : memref<32768x128xf32, #tpu.memory_space<hbm>> -> memref<32768x128xf32, #tpu.memory_space<hbm>>
    tpu.wait_indirect_dma semaphore(%arg17 : memref<!tpu.dma_semaphore, #tpu.memory_space<semaphore_mem>>) src(%dma_wait3A_546 : memref<32768x128xf32, #tpu.memory_space<hbm>>) dst(%arg13 : memref<128x128xf32, #tpu.memory_space<vmem>>)
    %dma_start3A_547 = arith.constant 9 : i32
    %dma_start3A_548 = arith.constant 0 : i32
    %dma_start3A_549 = tpu.memref_slice %arg11[%dma_start3A_547, %dma_start3A_548] : memref<16x128xi32, #tpu.memory_space<vmem>> -> memref<1x128xi32, #tpu.memory_space<vmem>>
    %dma_start3A_550 = tpu.memref_squeeze %dma_start3A_549 : memref<1x128xi32, #tpu.memory_space<vmem>> -> memref<128xi32, #tpu.memory_space<vmem>>
    %dma_start3A_551 = arith.constant 0 : i32
    %dma_start3A_552 = arith.constant 0 : i32
    %dma_start3A_553 = tpu.memref_slice %arg16[%dma_start3A_551, %dma_start3A_552] : memref<8192x128xf32, #tpu.memory_space<vmem_shared>> -> memref<8192x128xf32, #tpu.memory_space<vmem_shared>>
    tpu.enqueue_indirect_dma source(%arg13 : memref<128x128xf32, #tpu.memory_space<vmem>>) target(%dma_start3A_553 : memref<8192x128xf32, #tpu.memory_space<vmem_shared>>) offsets(%dma_start3A_550 : memref<128xi32, #tpu.memory_space<vmem>>) semaphore(%arg20 : memref<!tpu.dma_semaphore, #tpu.memory_space<semaphore_mem>>) {add = true}
    %dma_wait3A_554 = arith.constant 9 : i32
    %dma_wait3A_555 = arith.constant 0 : i32
    %dma_wait3A_556 = tpu.memref_slice %arg11[%dma_wait3A_554, %dma_wait3A_555] : memref<16x128xi32, #tpu.memory_space<vmem>> -> memref<1x128xi32, #tpu.memory_space<vmem>>
    %dma_wait3A_557 = tpu.memref_squeeze %dma_wait3A_556 : memref<1x128xi32, #tpu.memory_space<vmem>> -> memref<128xi32, #tpu.memory_space<vmem>>
    %dma_wait3A_558 = arith.constant 0 : i32
    %dma_wait3A_559 = arith.constant 0 : i32
    %dma_wait3A_560 = tpu.memref_slice %arg16[%dma_wait3A_558, %dma_wait3A_559] : memref<8192x128xf32, #tpu.memory_space<vmem_shared>> -> memref<8192x128xf32, #tpu.memory_space<vmem_shared>>
    tpu.wait_indirect_dma semaphore(%arg20 : memref<!tpu.dma_semaphore, #tpu.memory_space<semaphore_mem>>) src(%arg13 : memref<128x128xf32, #tpu.memory_space<vmem>>) dst(%dma_wait3A_560 : memref<8192x128xf32, #tpu.memory_space<vmem_shared>>)
    %dma_start3A_561 = arith.constant 10 : i32
    %dma_start3A_562 = arith.constant 0 : i32
    %dma_start3A_563 = tpu.memref_slice %arg10[%dma_start3A_561, %dma_start3A_562] : memref<16x128xi32, #tpu.memory_space<vmem>> -> memref<1x128xi32, #tpu.memory_space<vmem>>
    %dma_start3A_564 = tpu.memref_squeeze %dma_start3A_563 : memref<1x128xi32, #tpu.memory_space<vmem>> -> memref<128xi32, #tpu.memory_space<vmem>>
    %dma_start3A_565 = arith.constant 0 : i32
    %dma_start3A_566 = arith.constant 0 : i32
    %dma_start3A_567 = tpu.memref_slice %arg2[%dma_start3A_565, %dma_start3A_566] : memref<32768x128xf32, #tpu.memory_space<hbm>> -> memref<32768x128xf32, #tpu.memory_space<hbm>>
    tpu.enqueue_indirect_dma source(%dma_start3A_567 : memref<32768x128xf32, #tpu.memory_space<hbm>>) target(%arg13 : memref<128x128xf32, #tpu.memory_space<vmem>>) offsets(%dma_start3A_564 : memref<128xi32, #tpu.memory_space<vmem>>) semaphore(%arg17 : memref<!tpu.dma_semaphore, #tpu.memory_space<semaphore_mem>>)
    %dma_wait3A_568 = arith.constant 9 : i32
    %dma_wait3A_569 = arith.constant 0 : i32
    %dma_wait3A_570 = tpu.memref_slice %arg10[%dma_wait3A_568, %dma_wait3A_569] : memref<16x128xi32, #tpu.memory_space<vmem>> -> memref<1x128xi32, #tpu.memory_space<vmem>>
    %dma_wait3A_571 = tpu.memref_squeeze %dma_wait3A_570 : memref<1x128xi32, #tpu.memory_space<vmem>> -> memref<128xi32, #tpu.memory_space<vmem>>
    %dma_wait3A_572 = arith.constant 0 : i32
    %dma_wait3A_573 = arith.constant 0 : i32
    %dma_wait3A_574 = tpu.memref_slice %arg2[%dma_wait3A_572, %dma_wait3A_573] : memref<32768x128xf32, #tpu.memory_space<hbm>> -> memref<32768x128xf32, #tpu.memory_space<hbm>>
    tpu.wait_indirect_dma semaphore(%arg18 : memref<!tpu.dma_semaphore, #tpu.memory_space<semaphore_mem>>) src(%dma_wait3A_574 : memref<32768x128xf32, #tpu.memory_space<hbm>>) dst(%arg14 : memref<128x128xf32, #tpu.memory_space<vmem>>)
    %dma_start3A_575 = arith.constant 9 : i32
    %dma_start3A_576 = arith.constant 0 : i32
    %dma_start3A_577 = tpu.memref_slice %arg12[%dma_start3A_575, %dma_start3A_576] : memref<16x128xi32, #tpu.memory_space<vmem>> -> memref<1x128xi32, #tpu.memory_space<vmem>>
    %dma_start3A_578 = tpu.memref_squeeze %dma_start3A_577 : memref<1x128xi32, #tpu.memory_space<vmem>> -> memref<128xi32, #tpu.memory_space<vmem>>
    %dma_start3A_579 = arith.constant 0 : i32
    %dma_start3A_580 = arith.constant 0 : i32
    %dma_start3A_581 = tpu.memref_slice %arg16[%dma_start3A_579, %dma_start3A_580] : memref<8192x128xf32, #tpu.memory_space<vmem_shared>> -> memref<8192x128xf32, #tpu.memory_space<vmem_shared>>
    tpu.enqueue_indirect_dma source(%arg14 : memref<128x128xf32, #tpu.memory_space<vmem>>) target(%dma_start3A_581 : memref<8192x128xf32, #tpu.memory_space<vmem_shared>>) offsets(%dma_start3A_578 : memref<128xi32, #tpu.memory_space<vmem>>) semaphore(%arg21 : memref<!tpu.dma_semaphore, #tpu.memory_space<semaphore_mem>>) {add = true}
    %dma_wait3A_582 = arith.constant 9 : i32
    %dma_wait3A_583 = arith.constant 0 : i32
    %dma_wait3A_584 = tpu.memref_slice %arg12[%dma_wait3A_582, %dma_wait3A_583] : memref<16x128xi32, #tpu.memory_space<vmem>> -> memref<1x128xi32, #tpu.memory_space<vmem>>
    %dma_wait3A_585 = tpu.memref_squeeze %dma_wait3A_584 : memref<1x128xi32, #tpu.memory_space<vmem>> -> memref<128xi32, #tpu.memory_space<vmem>>
    %dma_wait3A_586 = arith.constant 0 : i32
    %dma_wait3A_587 = arith.constant 0 : i32
    %dma_wait3A_588 = tpu.memref_slice %arg16[%dma_wait3A_586, %dma_wait3A_587] : memref<8192x128xf32, #tpu.memory_space<vmem_shared>> -> memref<8192x128xf32, #tpu.memory_space<vmem_shared>>
    tpu.wait_indirect_dma semaphore(%arg21 : memref<!tpu.dma_semaphore, #tpu.memory_space<semaphore_mem>>) src(%arg14 : memref<128x128xf32, #tpu.memory_space<vmem>>) dst(%dma_wait3A_588 : memref<8192x128xf32, #tpu.memory_space<vmem_shared>>)
    %dma_start3A_589 = arith.constant 11 : i32
    %dma_start3A_590 = arith.constant 0 : i32
    %dma_start3A_591 = tpu.memref_slice %arg9[%dma_start3A_589, %dma_start3A_590] : memref<16x128xi32, #tpu.memory_space<vmem>> -> memref<1x128xi32, #tpu.memory_space<vmem>>
    %dma_start3A_592 = tpu.memref_squeeze %dma_start3A_591 : memref<1x128xi32, #tpu.memory_space<vmem>> -> memref<128xi32, #tpu.memory_space<vmem>>
    %dma_start3A_593 = arith.constant 0 : i32
    %dma_start3A_594 = arith.constant 0 : i32
    %dma_start3A_595 = tpu.memref_slice %arg2[%dma_start3A_593, %dma_start3A_594] : memref<32768x128xf32, #tpu.memory_space<hbm>> -> memref<32768x128xf32, #tpu.memory_space<hbm>>
    tpu.enqueue_indirect_dma source(%dma_start3A_595 : memref<32768x128xf32, #tpu.memory_space<hbm>>) target(%arg14 : memref<128x128xf32, #tpu.memory_space<vmem>>) offsets(%dma_start3A_592 : memref<128xi32, #tpu.memory_space<vmem>>) semaphore(%arg18 : memref<!tpu.dma_semaphore, #tpu.memory_space<semaphore_mem>>)
    %dma_wait3A_596 = arith.constant 10 : i32
    %dma_wait3A_597 = arith.constant 0 : i32
    %dma_wait3A_598 = tpu.memref_slice %arg9[%dma_wait3A_596, %dma_wait3A_597] : memref<16x128xi32, #tpu.memory_space<vmem>> -> memref<1x128xi32, #tpu.memory_space<vmem>>
    %dma_wait3A_599 = tpu.memref_squeeze %dma_wait3A_598 : memref<1x128xi32, #tpu.memory_space<vmem>> -> memref<128xi32, #tpu.memory_space<vmem>>
    %dma_wait3A_600 = arith.constant 0 : i32
    %dma_wait3A_601 = arith.constant 0 : i32
    %dma_wait3A_602 = tpu.memref_slice %arg2[%dma_wait3A_600, %dma_wait3A_601] : memref<32768x128xf32, #tpu.memory_space<hbm>> -> memref<32768x128xf32, #tpu.memory_space<hbm>>
    tpu.wait_indirect_dma semaphore(%arg19 : memref<!tpu.dma_semaphore, #tpu.memory_space<semaphore_mem>>) src(%dma_wait3A_602 : memref<32768x128xf32, #tpu.memory_space<hbm>>) dst(%arg15 : memref<128x128xf32, #tpu.memory_space<vmem>>)
    %dma_start3A_603 = arith.constant 10 : i32
    %dma_start3A_604 = arith.constant 0 : i32
    %dma_start3A_605 = tpu.memref_slice %arg11[%dma_start3A_603, %dma_start3A_604] : memref<16x128xi32, #tpu.memory_space<vmem>> -> memref<1x128xi32, #tpu.memory_space<vmem>>
    %dma_start3A_606 = tpu.memref_squeeze %dma_start3A_605 : memref<1x128xi32, #tpu.memory_space<vmem>> -> memref<128xi32, #tpu.memory_space<vmem>>
    %dma_start3A_607 = arith.constant 0 : i32
    %dma_start3A_608 = arith.constant 0 : i32
    %dma_start3A_609 = tpu.memref_slice %arg16[%dma_start3A_607, %dma_start3A_608] : memref<8192x128xf32, #tpu.memory_space<vmem_shared>> -> memref<8192x128xf32, #tpu.memory_space<vmem_shared>>
    tpu.enqueue_indirect_dma source(%arg15 : memref<128x128xf32, #tpu.memory_space<vmem>>) target(%dma_start3A_609 : memref<8192x128xf32, #tpu.memory_space<vmem_shared>>) offsets(%dma_start3A_606 : memref<128xi32, #tpu.memory_space<vmem>>) semaphore(%arg22 : memref<!tpu.dma_semaphore, #tpu.memory_space<semaphore_mem>>) {add = true}
    %dma_wait3A_610 = arith.constant 10 : i32
    %dma_wait3A_611 = arith.constant 0 : i32
    %dma_wait3A_612 = tpu.memref_slice %arg11[%dma_wait3A_610, %dma_wait3A_611] : memref<16x128xi32, #tpu.memory_space<vmem>> -> memref<1x128xi32, #tpu.memory_space<vmem>>
    %dma_wait3A_613 = tpu.memref_squeeze %dma_wait3A_612 : memref<1x128xi32, #tpu.memory_space<vmem>> -> memref<128xi32, #tpu.memory_space<vmem>>
    %dma_wait3A_614 = arith.constant 0 : i32
    %dma_wait3A_615 = arith.constant 0 : i32
    %dma_wait3A_616 = tpu.memref_slice %arg16[%dma_wait3A_614, %dma_wait3A_615] : memref<8192x128xf32, #tpu.memory_space<vmem_shared>> -> memref<8192x128xf32, #tpu.memory_space<vmem_shared>>
    tpu.wait_indirect_dma semaphore(%arg22 : memref<!tpu.dma_semaphore, #tpu.memory_space<semaphore_mem>>) src(%arg15 : memref<128x128xf32, #tpu.memory_space<vmem>>) dst(%dma_wait3A_616 : memref<8192x128xf32, #tpu.memory_space<vmem_shared>>)
    %dma_start3A_617 = arith.constant 11 : i32
    %dma_start3A_618 = arith.constant 0 : i32
    %dma_start3A_619 = tpu.memref_slice %arg10[%dma_start3A_617, %dma_start3A_618] : memref<16x128xi32, #tpu.memory_space<vmem>> -> memref<1x128xi32, #tpu.memory_space<vmem>>
    %dma_start3A_620 = tpu.memref_squeeze %dma_start3A_619 : memref<1x128xi32, #tpu.memory_space<vmem>> -> memref<128xi32, #tpu.memory_space<vmem>>
    %dma_start3A_621 = arith.constant 0 : i32
    %dma_start3A_622 = arith.constant 0 : i32
    %dma_start3A_623 = tpu.memref_slice %arg2[%dma_start3A_621, %dma_start3A_622] : memref<32768x128xf32, #tpu.memory_space<hbm>> -> memref<32768x128xf32, #tpu.memory_space<hbm>>
    tpu.enqueue_indirect_dma source(%dma_start3A_623 : memref<32768x128xf32, #tpu.memory_space<hbm>>) target(%arg15 : memref<128x128xf32, #tpu.memory_space<vmem>>) offsets(%dma_start3A_620 : memref<128xi32, #tpu.memory_space<vmem>>) semaphore(%arg19 : memref<!tpu.dma_semaphore, #tpu.memory_space<semaphore_mem>>)
    %dma_wait3A_624 = arith.constant 10 : i32
    %dma_wait3A_625 = arith.constant 0 : i32
    %dma_wait3A_626 = tpu.memref_slice %arg10[%dma_wait3A_624, %dma_wait3A_625] : memref<16x128xi32, #tpu.memory_space<vmem>> -> memref<1x128xi32, #tpu.memory_space<vmem>>
    %dma_wait3A_627 = tpu.memref_squeeze %dma_wait3A_626 : memref<1x128xi32, #tpu.memory_space<vmem>> -> memref<128xi32, #tpu.memory_space<vmem>>
    %dma_wait3A_628 = arith.constant 0 : i32
    %dma_wait3A_629 = arith.constant 0 : i32
    %dma_wait3A_630 = tpu.memref_slice %arg2[%dma_wait3A_628, %dma_wait3A_629] : memref<32768x128xf32, #tpu.memory_space<hbm>> -> memref<32768x128xf32, #tpu.memory_space<hbm>>
    tpu.wait_indirect_dma semaphore(%arg17 : memref<!tpu.dma_semaphore, #tpu.memory_space<semaphore_mem>>) src(%dma_wait3A_630 : memref<32768x128xf32, #tpu.memory_space<hbm>>) dst(%arg13 : memref<128x128xf32, #tpu.memory_space<vmem>>)
    %dma_start3A_631 = arith.constant 10 : i32
    %dma_start3A_632 = arith.constant 0 : i32
    %dma_start3A_633 = tpu.memref_slice %arg12[%dma_start3A_631, %dma_start3A_632] : memref<16x128xi32, #tpu.memory_space<vmem>> -> memref<1x128xi32, #tpu.memory_space<vmem>>
    %dma_start3A_634 = tpu.memref_squeeze %dma_start3A_633 : memref<1x128xi32, #tpu.memory_space<vmem>> -> memref<128xi32, #tpu.memory_space<vmem>>
    %dma_start3A_635 = arith.constant 0 : i32
    %dma_start3A_636 = arith.constant 0 : i32
    %dma_start3A_637 = tpu.memref_slice %arg16[%dma_start3A_635, %dma_start3A_636] : memref<8192x128xf32, #tpu.memory_space<vmem_shared>> -> memref<8192x128xf32, #tpu.memory_space<vmem_shared>>
    tpu.enqueue_indirect_dma source(%arg13 : memref<128x128xf32, #tpu.memory_space<vmem>>) target(%dma_start3A_637 : memref<8192x128xf32, #tpu.memory_space<vmem_shared>>) offsets(%dma_start3A_634 : memref<128xi32, #tpu.memory_space<vmem>>) semaphore(%arg20 : memref<!tpu.dma_semaphore, #tpu.memory_space<semaphore_mem>>) {add = true}
    %dma_wait3A_638 = arith.constant 10 : i32
    %dma_wait3A_639 = arith.constant 0 : i32
    %dma_wait3A_640 = tpu.memref_slice %arg12[%dma_wait3A_638, %dma_wait3A_639] : memref<16x128xi32, #tpu.memory_space<vmem>> -> memref<1x128xi32, #tpu.memory_space<vmem>>
    %dma_wait3A_641 = tpu.memref_squeeze %dma_wait3A_640 : memref<1x128xi32, #tpu.memory_space<vmem>> -> memref<128xi32, #tpu.memory_space<vmem>>
    %dma_wait3A_642 = arith.constant 0 : i32
    %dma_wait3A_643 = arith.constant 0 : i32
    %dma_wait3A_644 = tpu.memref_slice %arg16[%dma_wait3A_642, %dma_wait3A_643] : memref<8192x128xf32, #tpu.memory_space<vmem_shared>> -> memref<8192x128xf32, #tpu.memory_space<vmem_shared>>
    tpu.wait_indirect_dma semaphore(%arg20 : memref<!tpu.dma_semaphore, #tpu.memory_space<semaphore_mem>>) src(%arg13 : memref<128x128xf32, #tpu.memory_space<vmem>>) dst(%dma_wait3A_644 : memref<8192x128xf32, #tpu.memory_space<vmem_shared>>)
    %dma_start3A_645 = arith.constant 12 : i32
    %dma_start3A_646 = arith.constant 0 : i32
    %dma_start3A_647 = tpu.memref_slice %arg9[%dma_start3A_645, %dma_start3A_646] : memref<16x128xi32, #tpu.memory_space<vmem>> -> memref<1x128xi32, #tpu.memory_space<vmem>>
    %dma_start3A_648 = tpu.memref_squeeze %dma_start3A_647 : memref<1x128xi32, #tpu.memory_space<vmem>> -> memref<128xi32, #tpu.memory_space<vmem>>
    %dma_start3A_649 = arith.constant 0 : i32
    %dma_start3A_650 = arith.constant 0 : i32
    %dma_start3A_651 = tpu.memref_slice %arg2[%dma_start3A_649, %dma_start3A_650] : memref<32768x128xf32, #tpu.memory_space<hbm>> -> memref<32768x128xf32, #tpu.memory_space<hbm>>
    tpu.enqueue_indirect_dma source(%dma_start3A_651 : memref<32768x128xf32, #tpu.memory_space<hbm>>) target(%arg13 : memref<128x128xf32, #tpu.memory_space<vmem>>) offsets(%dma_start3A_648 : memref<128xi32, #tpu.memory_space<vmem>>) semaphore(%arg17 : memref<!tpu.dma_semaphore, #tpu.memory_space<semaphore_mem>>)
    %dma_wait3A_652 = arith.constant 11 : i32
    %dma_wait3A_653 = arith.constant 0 : i32
    %dma_wait3A_654 = tpu.memref_slice %arg9[%dma_wait3A_652, %dma_wait3A_653] : memref<16x128xi32, #tpu.memory_space<vmem>> -> memref<1x128xi32, #tpu.memory_space<vmem>>
    %dma_wait3A_655 = tpu.memref_squeeze %dma_wait3A_654 : memref<1x128xi32, #tpu.memory_space<vmem>> -> memref<128xi32, #tpu.memory_space<vmem>>
    %dma_wait3A_656 = arith.constant 0 : i32
    %dma_wait3A_657 = arith.constant 0 : i32
    %dma_wait3A_658 = tpu.memref_slice %arg2[%dma_wait3A_656, %dma_wait3A_657] : memref<32768x128xf32, #tpu.memory_space<hbm>> -> memref<32768x128xf32, #tpu.memory_space<hbm>>
    tpu.wait_indirect_dma semaphore(%arg18 : memref<!tpu.dma_semaphore, #tpu.memory_space<semaphore_mem>>) src(%dma_wait3A_658 : memref<32768x128xf32, #tpu.memory_space<hbm>>) dst(%arg14 : memref<128x128xf32, #tpu.memory_space<vmem>>)
    %dma_start3A_659 = arith.constant 11 : i32
    %dma_start3A_660 = arith.constant 0 : i32
    %dma_start3A_661 = tpu.memref_slice %arg11[%dma_start3A_659, %dma_start3A_660] : memref<16x128xi32, #tpu.memory_space<vmem>> -> memref<1x128xi32, #tpu.memory_space<vmem>>
    %dma_start3A_662 = tpu.memref_squeeze %dma_start3A_661 : memref<1x128xi32, #tpu.memory_space<vmem>> -> memref<128xi32, #tpu.memory_space<vmem>>
    %dma_start3A_663 = arith.constant 0 : i32
    %dma_start3A_664 = arith.constant 0 : i32
    %dma_start3A_665 = tpu.memref_slice %arg16[%dma_start3A_663, %dma_start3A_664] : memref<8192x128xf32, #tpu.memory_space<vmem_shared>> -> memref<8192x128xf32, #tpu.memory_space<vmem_shared>>
    tpu.enqueue_indirect_dma source(%arg14 : memref<128x128xf32, #tpu.memory_space<vmem>>) target(%dma_start3A_665 : memref<8192x128xf32, #tpu.memory_space<vmem_shared>>) offsets(%dma_start3A_662 : memref<128xi32, #tpu.memory_space<vmem>>) semaphore(%arg21 : memref<!tpu.dma_semaphore, #tpu.memory_space<semaphore_mem>>) {add = true}
    %dma_wait3A_666 = arith.constant 11 : i32
    %dma_wait3A_667 = arith.constant 0 : i32
    %dma_wait3A_668 = tpu.memref_slice %arg11[%dma_wait3A_666, %dma_wait3A_667] : memref<16x128xi32, #tpu.memory_space<vmem>> -> memref<1x128xi32, #tpu.memory_space<vmem>>
    %dma_wait3A_669 = tpu.memref_squeeze %dma_wait3A_668 : memref<1x128xi32, #tpu.memory_space<vmem>> -> memref<128xi32, #tpu.memory_space<vmem>>
    %dma_wait3A_670 = arith.constant 0 : i32
    %dma_wait3A_671 = arith.constant 0 : i32
    %dma_wait3A_672 = tpu.memref_slice %arg16[%dma_wait3A_670, %dma_wait3A_671] : memref<8192x128xf32, #tpu.memory_space<vmem_shared>> -> memref<8192x128xf32, #tpu.memory_space<vmem_shared>>
    tpu.wait_indirect_dma semaphore(%arg21 : memref<!tpu.dma_semaphore, #tpu.memory_space<semaphore_mem>>) src(%arg14 : memref<128x128xf32, #tpu.memory_space<vmem>>) dst(%dma_wait3A_672 : memref<8192x128xf32, #tpu.memory_space<vmem_shared>>)
    %dma_start3A_673 = arith.constant 12 : i32
    %dma_start3A_674 = arith.constant 0 : i32
    %dma_start3A_675 = tpu.memref_slice %arg10[%dma_start3A_673, %dma_start3A_674] : memref<16x128xi32, #tpu.memory_space<vmem>> -> memref<1x128xi32, #tpu.memory_space<vmem>>
    %dma_start3A_676 = tpu.memref_squeeze %dma_start3A_675 : memref<1x128xi32, #tpu.memory_space<vmem>> -> memref<128xi32, #tpu.memory_space<vmem>>
    %dma_start3A_677 = arith.constant 0 : i32
    %dma_start3A_678 = arith.constant 0 : i32
    %dma_start3A_679 = tpu.memref_slice %arg2[%dma_start3A_677, %dma_start3A_678] : memref<32768x128xf32, #tpu.memory_space<hbm>> -> memref<32768x128xf32, #tpu.memory_space<hbm>>
    tpu.enqueue_indirect_dma source(%dma_start3A_679 : memref<32768x128xf32, #tpu.memory_space<hbm>>) target(%arg14 : memref<128x128xf32, #tpu.memory_space<vmem>>) offsets(%dma_start3A_676 : memref<128xi32, #tpu.memory_space<vmem>>) semaphore(%arg18 : memref<!tpu.dma_semaphore, #tpu.memory_space<semaphore_mem>>)
    %dma_wait3A_680 = arith.constant 11 : i32
    %dma_wait3A_681 = arith.constant 0 : i32
    %dma_wait3A_682 = tpu.memref_slice %arg10[%dma_wait3A_680, %dma_wait3A_681] : memref<16x128xi32, #tpu.memory_space<vmem>> -> memref<1x128xi32, #tpu.memory_space<vmem>>
    %dma_wait3A_683 = tpu.memref_squeeze %dma_wait3A_682 : memref<1x128xi32, #tpu.memory_space<vmem>> -> memref<128xi32, #tpu.memory_space<vmem>>
    %dma_wait3A_684 = arith.constant 0 : i32
    %dma_wait3A_685 = arith.constant 0 : i32
    %dma_wait3A_686 = tpu.memref_slice %arg2[%dma_wait3A_684, %dma_wait3A_685] : memref<32768x128xf32, #tpu.memory_space<hbm>> -> memref<32768x128xf32, #tpu.memory_space<hbm>>
    tpu.wait_indirect_dma semaphore(%arg19 : memref<!tpu.dma_semaphore, #tpu.memory_space<semaphore_mem>>) src(%dma_wait3A_686 : memref<32768x128xf32, #tpu.memory_space<hbm>>) dst(%arg15 : memref<128x128xf32, #tpu.memory_space<vmem>>)
    %dma_start3A_687 = arith.constant 11 : i32
    %dma_start3A_688 = arith.constant 0 : i32
    %dma_start3A_689 = tpu.memref_slice %arg12[%dma_start3A_687, %dma_start3A_688] : memref<16x128xi32, #tpu.memory_space<vmem>> -> memref<1x128xi32, #tpu.memory_space<vmem>>
    %dma_start3A_690 = tpu.memref_squeeze %dma_start3A_689 : memref<1x128xi32, #tpu.memory_space<vmem>> -> memref<128xi32, #tpu.memory_space<vmem>>
    %dma_start3A_691 = arith.constant 0 : i32
    %dma_start3A_692 = arith.constant 0 : i32
    %dma_start3A_693 = tpu.memref_slice %arg16[%dma_start3A_691, %dma_start3A_692] : memref<8192x128xf32, #tpu.memory_space<vmem_shared>> -> memref<8192x128xf32, #tpu.memory_space<vmem_shared>>
    tpu.enqueue_indirect_dma source(%arg15 : memref<128x128xf32, #tpu.memory_space<vmem>>) target(%dma_start3A_693 : memref<8192x128xf32, #tpu.memory_space<vmem_shared>>) offsets(%dma_start3A_690 : memref<128xi32, #tpu.memory_space<vmem>>) semaphore(%arg22 : memref<!tpu.dma_semaphore, #tpu.memory_space<semaphore_mem>>) {add = true}
    %dma_wait3A_694 = arith.constant 11 : i32
    %dma_wait3A_695 = arith.constant 0 : i32
    %dma_wait3A_696 = tpu.memref_slice %arg12[%dma_wait3A_694, %dma_wait3A_695] : memref<16x128xi32, #tpu.memory_space<vmem>> -> memref<1x128xi32, #tpu.memory_space<vmem>>
    %dma_wait3A_697 = tpu.memref_squeeze %dma_wait3A_696 : memref<1x128xi32, #tpu.memory_space<vmem>> -> memref<128xi32, #tpu.memory_space<vmem>>
    %dma_wait3A_698 = arith.constant 0 : i32
    %dma_wait3A_699 = arith.constant 0 : i32
    %dma_wait3A_700 = tpu.memref_slice %arg16[%dma_wait3A_698, %dma_wait3A_699] : memref<8192x128xf32, #tpu.memory_space<vmem_shared>> -> memref<8192x128xf32, #tpu.memory_space<vmem_shared>>
    tpu.wait_indirect_dma semaphore(%arg22 : memref<!tpu.dma_semaphore, #tpu.memory_space<semaphore_mem>>) src(%arg15 : memref<128x128xf32, #tpu.memory_space<vmem>>) dst(%dma_wait3A_700 : memref<8192x128xf32, #tpu.memory_space<vmem_shared>>)
    %dma_start3A_701 = arith.constant 13 : i32
    %dma_start3A_702 = arith.constant 0 : i32
    %dma_start3A_703 = tpu.memref_slice %arg9[%dma_start3A_701, %dma_start3A_702] : memref<16x128xi32, #tpu.memory_space<vmem>> -> memref<1x128xi32, #tpu.memory_space<vmem>>
    %dma_start3A_704 = tpu.memref_squeeze %dma_start3A_703 : memref<1x128xi32, #tpu.memory_space<vmem>> -> memref<128xi32, #tpu.memory_space<vmem>>
    %dma_start3A_705 = arith.constant 0 : i32
    %dma_start3A_706 = arith.constant 0 : i32
    %dma_start3A_707 = tpu.memref_slice %arg2[%dma_start3A_705, %dma_start3A_706] : memref<32768x128xf32, #tpu.memory_space<hbm>> -> memref<32768x128xf32, #tpu.memory_space<hbm>>
    tpu.enqueue_indirect_dma source(%dma_start3A_707 : memref<32768x128xf32, #tpu.memory_space<hbm>>) target(%arg15 : memref<128x128xf32, #tpu.memory_space<vmem>>) offsets(%dma_start3A_704 : memref<128xi32, #tpu.memory_space<vmem>>) semaphore(%arg19 : memref<!tpu.dma_semaphore, #tpu.memory_space<semaphore_mem>>)
    %dma_wait3A_708 = arith.constant 12 : i32
    %dma_wait3A_709 = arith.constant 0 : i32
    %dma_wait3A_710 = tpu.memref_slice %arg9[%dma_wait3A_708, %dma_wait3A_709] : memref<16x128xi32, #tpu.memory_space<vmem>> -> memref<1x128xi32, #tpu.memory_space<vmem>>
    %dma_wait3A_711 = tpu.memref_squeeze %dma_wait3A_710 : memref<1x128xi32, #tpu.memory_space<vmem>> -> memref<128xi32, #tpu.memory_space<vmem>>
    %dma_wait3A_712 = arith.constant 0 : i32
    %dma_wait3A_713 = arith.constant 0 : i32
    %dma_wait3A_714 = tpu.memref_slice %arg2[%dma_wait3A_712, %dma_wait3A_713] : memref<32768x128xf32, #tpu.memory_space<hbm>> -> memref<32768x128xf32, #tpu.memory_space<hbm>>
    tpu.wait_indirect_dma semaphore(%arg17 : memref<!tpu.dma_semaphore, #tpu.memory_space<semaphore_mem>>) src(%dma_wait3A_714 : memref<32768x128xf32, #tpu.memory_space<hbm>>) dst(%arg13 : memref<128x128xf32, #tpu.memory_space<vmem>>)
    %dma_start3A_715 = arith.constant 12 : i32
    %dma_start3A_716 = arith.constant 0 : i32
    %dma_start3A_717 = tpu.memref_slice %arg11[%dma_start3A_715, %dma_start3A_716] : memref<16x128xi32, #tpu.memory_space<vmem>> -> memref<1x128xi32, #tpu.memory_space<vmem>>
    %dma_start3A_718 = tpu.memref_squeeze %dma_start3A_717 : memref<1x128xi32, #tpu.memory_space<vmem>> -> memref<128xi32, #tpu.memory_space<vmem>>
    %dma_start3A_719 = arith.constant 0 : i32
    %dma_start3A_720 = arith.constant 0 : i32
    %dma_start3A_721 = tpu.memref_slice %arg16[%dma_start3A_719, %dma_start3A_720] : memref<8192x128xf32, #tpu.memory_space<vmem_shared>> -> memref<8192x128xf32, #tpu.memory_space<vmem_shared>>
    tpu.enqueue_indirect_dma source(%arg13 : memref<128x128xf32, #tpu.memory_space<vmem>>) target(%dma_start3A_721 : memref<8192x128xf32, #tpu.memory_space<vmem_shared>>) offsets(%dma_start3A_718 : memref<128xi32, #tpu.memory_space<vmem>>) semaphore(%arg20 : memref<!tpu.dma_semaphore, #tpu.memory_space<semaphore_mem>>) {add = true}
    %dma_wait3A_722 = arith.constant 12 : i32
    %dma_wait3A_723 = arith.constant 0 : i32
    %dma_wait3A_724 = tpu.memref_slice %arg11[%dma_wait3A_722, %dma_wait3A_723] : memref<16x128xi32, #tpu.memory_space<vmem>> -> memref<1x128xi32, #tpu.memory_space<vmem>>
    %dma_wait3A_725 = tpu.memref_squeeze %dma_wait3A_724 : memref<1x128xi32, #tpu.memory_space<vmem>> -> memref<128xi32, #tpu.memory_space<vmem>>
    %dma_wait3A_726 = arith.constant 0 : i32
    %dma_wait3A_727 = arith.constant 0 : i32
    %dma_wait3A_728 = tpu.memref_slice %arg16[%dma_wait3A_726, %dma_wait3A_727] : memref<8192x128xf32, #tpu.memory_space<vmem_shared>> -> memref<8192x128xf32, #tpu.memory_space<vmem_shared>>
    tpu.wait_indirect_dma semaphore(%arg20 : memref<!tpu.dma_semaphore, #tpu.memory_space<semaphore_mem>>) src(%arg13 : memref<128x128xf32, #tpu.memory_space<vmem>>) dst(%dma_wait3A_728 : memref<8192x128xf32, #tpu.memory_space<vmem_shared>>)
    %dma_start3A_729 = arith.constant 13 : i32
    %dma_start3A_730 = arith.constant 0 : i32
    %dma_start3A_731 = tpu.memref_slice %arg10[%dma_start3A_729, %dma_start3A_730] : memref<16x128xi32, #tpu.memory_space<vmem>> -> memref<1x128xi32, #tpu.memory_space<vmem>>
    %dma_start3A_732 = tpu.memref_squeeze %dma_start3A_731 : memref<1x128xi32, #tpu.memory_space<vmem>> -> memref<128xi32, #tpu.memory_space<vmem>>
    %dma_start3A_733 = arith.constant 0 : i32
    %dma_start3A_734 = arith.constant 0 : i32
    %dma_start3A_735 = tpu.memref_slice %arg2[%dma_start3A_733, %dma_start3A_734] : memref<32768x128xf32, #tpu.memory_space<hbm>> -> memref<32768x128xf32, #tpu.memory_space<hbm>>
    tpu.enqueue_indirect_dma source(%dma_start3A_735 : memref<32768x128xf32, #tpu.memory_space<hbm>>) target(%arg13 : memref<128x128xf32, #tpu.memory_space<vmem>>) offsets(%dma_start3A_732 : memref<128xi32, #tpu.memory_space<vmem>>) semaphore(%arg17 : memref<!tpu.dma_semaphore, #tpu.memory_space<semaphore_mem>>)
    %dma_wait3A_736 = arith.constant 12 : i32
    %dma_wait3A_737 = arith.constant 0 : i32
    %dma_wait3A_738 = tpu.memref_slice %arg10[%dma_wait3A_736, %dma_wait3A_737] : memref<16x128xi32, #tpu.memory_space<vmem>> -> memref<1x128xi32, #tpu.memory_space<vmem>>
    %dma_wait3A_739 = tpu.memref_squeeze %dma_wait3A_738 : memref<1x128xi32, #tpu.memory_space<vmem>> -> memref<128xi32, #tpu.memory_space<vmem>>
    %dma_wait3A_740 = arith.constant 0 : i32
    %dma_wait3A_741 = arith.constant 0 : i32
    %dma_wait3A_742 = tpu.memref_slice %arg2[%dma_wait3A_740, %dma_wait3A_741] : memref<32768x128xf32, #tpu.memory_space<hbm>> -> memref<32768x128xf32, #tpu.memory_space<hbm>>
    tpu.wait_indirect_dma semaphore(%arg18 : memref<!tpu.dma_semaphore, #tpu.memory_space<semaphore_mem>>) src(%dma_wait3A_742 : memref<32768x128xf32, #tpu.memory_space<hbm>>) dst(%arg14 : memref<128x128xf32, #tpu.memory_space<vmem>>)
    %dma_start3A_743 = arith.constant 12 : i32
    %dma_start3A_744 = arith.constant 0 : i32
    %dma_start3A_745 = tpu.memref_slice %arg12[%dma_start3A_743, %dma_start3A_744] : memref<16x128xi32, #tpu.memory_space<vmem>> -> memref<1x128xi32, #tpu.memory_space<vmem>>
    %dma_start3A_746 = tpu.memref_squeeze %dma_start3A_745 : memref<1x128xi32, #tpu.memory_space<vmem>> -> memref<128xi32, #tpu.memory_space<vmem>>
    %dma_start3A_747 = arith.constant 0 : i32
    %dma_start3A_748 = arith.constant 0 : i32
    %dma_start3A_749 = tpu.memref_slice %arg16[%dma_start3A_747, %dma_start3A_748] : memref<8192x128xf32, #tpu.memory_space<vmem_shared>> -> memref<8192x128xf32, #tpu.memory_space<vmem_shared>>
    tpu.enqueue_indirect_dma source(%arg14 : memref<128x128xf32, #tpu.memory_space<vmem>>) target(%dma_start3A_749 : memref<8192x128xf32, #tpu.memory_space<vmem_shared>>) offsets(%dma_start3A_746 : memref<128xi32, #tpu.memory_space<vmem>>) semaphore(%arg21 : memref<!tpu.dma_semaphore, #tpu.memory_space<semaphore_mem>>) {add = true}
    %dma_wait3A_750 = arith.constant 12 : i32
    %dma_wait3A_751 = arith.constant 0 : i32
    %dma_wait3A_752 = tpu.memref_slice %arg12[%dma_wait3A_750, %dma_wait3A_751] : memref<16x128xi32, #tpu.memory_space<vmem>> -> memref<1x128xi32, #tpu.memory_space<vmem>>
    %dma_wait3A_753 = tpu.memref_squeeze %dma_wait3A_752 : memref<1x128xi32, #tpu.memory_space<vmem>> -> memref<128xi32, #tpu.memory_space<vmem>>
    %dma_wait3A_754 = arith.constant 0 : i32
    %dma_wait3A_755 = arith.constant 0 : i32
    %dma_wait3A_756 = tpu.memref_slice %arg16[%dma_wait3A_754, %dma_wait3A_755] : memref<8192x128xf32, #tpu.memory_space<vmem_shared>> -> memref<8192x128xf32, #tpu.memory_space<vmem_shared>>
    tpu.wait_indirect_dma semaphore(%arg21 : memref<!tpu.dma_semaphore, #tpu.memory_space<semaphore_mem>>) src(%arg14 : memref<128x128xf32, #tpu.memory_space<vmem>>) dst(%dma_wait3A_756 : memref<8192x128xf32, #tpu.memory_space<vmem_shared>>)
    %dma_start3A_757 = arith.constant 14 : i32
    %dma_start3A_758 = arith.constant 0 : i32
    %dma_start3A_759 = tpu.memref_slice %arg9[%dma_start3A_757, %dma_start3A_758] : memref<16x128xi32, #tpu.memory_space<vmem>> -> memref<1x128xi32, #tpu.memory_space<vmem>>
    %dma_start3A_760 = tpu.memref_squeeze %dma_start3A_759 : memref<1x128xi32, #tpu.memory_space<vmem>> -> memref<128xi32, #tpu.memory_space<vmem>>
    %dma_start3A_761 = arith.constant 0 : i32
    %dma_start3A_762 = arith.constant 0 : i32
    %dma_start3A_763 = tpu.memref_slice %arg2[%dma_start3A_761, %dma_start3A_762] : memref<32768x128xf32, #tpu.memory_space<hbm>> -> memref<32768x128xf32, #tpu.memory_space<hbm>>
    tpu.enqueue_indirect_dma source(%dma_start3A_763 : memref<32768x128xf32, #tpu.memory_space<hbm>>) target(%arg14 : memref<128x128xf32, #tpu.memory_space<vmem>>) offsets(%dma_start3A_760 : memref<128xi32, #tpu.memory_space<vmem>>) semaphore(%arg18 : memref<!tpu.dma_semaphore, #tpu.memory_space<semaphore_mem>>)
    %dma_wait3A_764 = arith.constant 13 : i32
    %dma_wait3A_765 = arith.constant 0 : i32
    %dma_wait3A_766 = tpu.memref_slice %arg9[%dma_wait3A_764, %dma_wait3A_765] : memref<16x128xi32, #tpu.memory_space<vmem>> -> memref<1x128xi32, #tpu.memory_space<vmem>>
    %dma_wait3A_767 = tpu.memref_squeeze %dma_wait3A_766 : memref<1x128xi32, #tpu.memory_space<vmem>> -> memref<128xi32, #tpu.memory_space<vmem>>
    %dma_wait3A_768 = arith.constant 0 : i32
    %dma_wait3A_769 = arith.constant 0 : i32
    %dma_wait3A_770 = tpu.memref_slice %arg2[%dma_wait3A_768, %dma_wait3A_769] : memref<32768x128xf32, #tpu.memory_space<hbm>> -> memref<32768x128xf32, #tpu.memory_space<hbm>>
    tpu.wait_indirect_dma semaphore(%arg19 : memref<!tpu.dma_semaphore, #tpu.memory_space<semaphore_mem>>) src(%dma_wait3A_770 : memref<32768x128xf32, #tpu.memory_space<hbm>>) dst(%arg15 : memref<128x128xf32, #tpu.memory_space<vmem>>)
    %dma_start3A_771 = arith.constant 13 : i32
    %dma_start3A_772 = arith.constant 0 : i32
    %dma_start3A_773 = tpu.memref_slice %arg11[%dma_start3A_771, %dma_start3A_772] : memref<16x128xi32, #tpu.memory_space<vmem>> -> memref<1x128xi32, #tpu.memory_space<vmem>>
    %dma_start3A_774 = tpu.memref_squeeze %dma_start3A_773 : memref<1x128xi32, #tpu.memory_space<vmem>> -> memref<128xi32, #tpu.memory_space<vmem>>
    %dma_start3A_775 = arith.constant 0 : i32
    %dma_start3A_776 = arith.constant 0 : i32
    %dma_start3A_777 = tpu.memref_slice %arg16[%dma_start3A_775, %dma_start3A_776] : memref<8192x128xf32, #tpu.memory_space<vmem_shared>> -> memref<8192x128xf32, #tpu.memory_space<vmem_shared>>
    tpu.enqueue_indirect_dma source(%arg15 : memref<128x128xf32, #tpu.memory_space<vmem>>) target(%dma_start3A_777 : memref<8192x128xf32, #tpu.memory_space<vmem_shared>>) offsets(%dma_start3A_774 : memref<128xi32, #tpu.memory_space<vmem>>) semaphore(%arg22 : memref<!tpu.dma_semaphore, #tpu.memory_space<semaphore_mem>>) {add = true}
    %dma_wait3A_778 = arith.constant 13 : i32
    %dma_wait3A_779 = arith.constant 0 : i32
    %dma_wait3A_780 = tpu.memref_slice %arg11[%dma_wait3A_778, %dma_wait3A_779] : memref<16x128xi32, #tpu.memory_space<vmem>> -> memref<1x128xi32, #tpu.memory_space<vmem>>
    %dma_wait3A_781 = tpu.memref_squeeze %dma_wait3A_780 : memref<1x128xi32, #tpu.memory_space<vmem>> -> memref<128xi32, #tpu.memory_space<vmem>>
    %dma_wait3A_782 = arith.constant 0 : i32
    %dma_wait3A_783 = arith.constant 0 : i32
    %dma_wait3A_784 = tpu.memref_slice %arg16[%dma_wait3A_782, %dma_wait3A_783] : memref<8192x128xf32, #tpu.memory_space<vmem_shared>> -> memref<8192x128xf32, #tpu.memory_space<vmem_shared>>
    tpu.wait_indirect_dma semaphore(%arg22 : memref<!tpu.dma_semaphore, #tpu.memory_space<semaphore_mem>>) src(%arg15 : memref<128x128xf32, #tpu.memory_space<vmem>>) dst(%dma_wait3A_784 : memref<8192x128xf32, #tpu.memory_space<vmem_shared>>)
    %dma_start3A_785 = arith.constant 14 : i32
    %dma_start3A_786 = arith.constant 0 : i32
    %dma_start3A_787 = tpu.memref_slice %arg10[%dma_start3A_785, %dma_start3A_786] : memref<16x128xi32, #tpu.memory_space<vmem>> -> memref<1x128xi32, #tpu.memory_space<vmem>>
    %dma_start3A_788 = tpu.memref_squeeze %dma_start3A_787 : memref<1x128xi32, #tpu.memory_space<vmem>> -> memref<128xi32, #tpu.memory_space<vmem>>
    %dma_start3A_789 = arith.constant 0 : i32
    %dma_start3A_790 = arith.constant 0 : i32
    %dma_start3A_791 = tpu.memref_slice %arg2[%dma_start3A_789, %dma_start3A_790] : memref<32768x128xf32, #tpu.memory_space<hbm>> -> memref<32768x128xf32, #tpu.memory_space<hbm>>
    tpu.enqueue_indirect_dma source(%dma_start3A_791 : memref<32768x128xf32, #tpu.memory_space<hbm>>) target(%arg15 : memref<128x128xf32, #tpu.memory_space<vmem>>) offsets(%dma_start3A_788 : memref<128xi32, #tpu.memory_space<vmem>>) semaphore(%arg19 : memref<!tpu.dma_semaphore, #tpu.memory_space<semaphore_mem>>)
    %dma_wait3A_792 = arith.constant 13 : i32
    %dma_wait3A_793 = arith.constant 0 : i32
    %dma_wait3A_794 = tpu.memref_slice %arg10[%dma_wait3A_792, %dma_wait3A_793] : memref<16x128xi32, #tpu.memory_space<vmem>> -> memref<1x128xi32, #tpu.memory_space<vmem>>
    %dma_wait3A_795 = tpu.memref_squeeze %dma_wait3A_794 : memref<1x128xi32, #tpu.memory_space<vmem>> -> memref<128xi32, #tpu.memory_space<vmem>>
    %dma_wait3A_796 = arith.constant 0 : i32
    %dma_wait3A_797 = arith.constant 0 : i32
    %dma_wait3A_798 = tpu.memref_slice %arg2[%dma_wait3A_796, %dma_wait3A_797] : memref<32768x128xf32, #tpu.memory_space<hbm>> -> memref<32768x128xf32, #tpu.memory_space<hbm>>
    tpu.wait_indirect_dma semaphore(%arg17 : memref<!tpu.dma_semaphore, #tpu.memory_space<semaphore_mem>>) src(%dma_wait3A_798 : memref<32768x128xf32, #tpu.memory_space<hbm>>) dst(%arg13 : memref<128x128xf32, #tpu.memory_space<vmem>>)
    %dma_start3A_799 = arith.constant 13 : i32
    %dma_start3A_800 = arith.constant 0 : i32
    %dma_start3A_801 = tpu.memref_slice %arg12[%dma_start3A_799, %dma_start3A_800] : memref<16x128xi32, #tpu.memory_space<vmem>> -> memref<1x128xi32, #tpu.memory_space<vmem>>
    %dma_start3A_802 = tpu.memref_squeeze %dma_start3A_801 : memref<1x128xi32, #tpu.memory_space<vmem>> -> memref<128xi32, #tpu.memory_space<vmem>>
    %dma_start3A_803 = arith.constant 0 : i32
    %dma_start3A_804 = arith.constant 0 : i32
    %dma_start3A_805 = tpu.memref_slice %arg16[%dma_start3A_803, %dma_start3A_804] : memref<8192x128xf32, #tpu.memory_space<vmem_shared>> -> memref<8192x128xf32, #tpu.memory_space<vmem_shared>>
    tpu.enqueue_indirect_dma source(%arg13 : memref<128x128xf32, #tpu.memory_space<vmem>>) target(%dma_start3A_805 : memref<8192x128xf32, #tpu.memory_space<vmem_shared>>) offsets(%dma_start3A_802 : memref<128xi32, #tpu.memory_space<vmem>>) semaphore(%arg20 : memref<!tpu.dma_semaphore, #tpu.memory_space<semaphore_mem>>) {add = true}
    %dma_wait3A_806 = arith.constant 13 : i32
    %dma_wait3A_807 = arith.constant 0 : i32
    %dma_wait3A_808 = tpu.memref_slice %arg12[%dma_wait3A_806, %dma_wait3A_807] : memref<16x128xi32, #tpu.memory_space<vmem>> -> memref<1x128xi32, #tpu.memory_space<vmem>>
    %dma_wait3A_809 = tpu.memref_squeeze %dma_wait3A_808 : memref<1x128xi32, #tpu.memory_space<vmem>> -> memref<128xi32, #tpu.memory_space<vmem>>
    %dma_wait3A_810 = arith.constant 0 : i32
    %dma_wait3A_811 = arith.constant 0 : i32
    %dma_wait3A_812 = tpu.memref_slice %arg16[%dma_wait3A_810, %dma_wait3A_811] : memref<8192x128xf32, #tpu.memory_space<vmem_shared>> -> memref<8192x128xf32, #tpu.memory_space<vmem_shared>>
    tpu.wait_indirect_dma semaphore(%arg20 : memref<!tpu.dma_semaphore, #tpu.memory_space<semaphore_mem>>) src(%arg13 : memref<128x128xf32, #tpu.memory_space<vmem>>) dst(%dma_wait3A_812 : memref<8192x128xf32, #tpu.memory_space<vmem_shared>>)
    %dma_start3A_813 = arith.constant 15 : i32
    %dma_start3A_814 = arith.constant 0 : i32
    %dma_start3A_815 = tpu.memref_slice %arg9[%dma_start3A_813, %dma_start3A_814] : memref<16x128xi32, #tpu.memory_space<vmem>> -> memref<1x128xi32, #tpu.memory_space<vmem>>
    %dma_start3A_816 = tpu.memref_squeeze %dma_start3A_815 : memref<1x128xi32, #tpu.memory_space<vmem>> -> memref<128xi32, #tpu.memory_space<vmem>>
    %dma_start3A_817 = arith.constant 0 : i32
    %dma_start3A_818 = arith.constant 0 : i32
    %dma_start3A_819 = tpu.memref_slice %arg2[%dma_start3A_817, %dma_start3A_818] : memref<32768x128xf32, #tpu.memory_space<hbm>> -> memref<32768x128xf32, #tpu.memory_space<hbm>>
    tpu.enqueue_indirect_dma source(%dma_start3A_819 : memref<32768x128xf32, #tpu.memory_space<hbm>>) target(%arg13 : memref<128x128xf32, #tpu.memory_space<vmem>>) offsets(%dma_start3A_816 : memref<128xi32, #tpu.memory_space<vmem>>) semaphore(%arg17 : memref<!tpu.dma_semaphore, #tpu.memory_space<semaphore_mem>>)
    %dma_wait3A_820 = arith.constant 14 : i32
    %dma_wait3A_821 = arith.constant 0 : i32
    %dma_wait3A_822 = tpu.memref_slice %arg9[%dma_wait3A_820, %dma_wait3A_821] : memref<16x128xi32, #tpu.memory_space<vmem>> -> memref<1x128xi32, #tpu.memory_space<vmem>>
    %dma_wait3A_823 = tpu.memref_squeeze %dma_wait3A_822 : memref<1x128xi32, #tpu.memory_space<vmem>> -> memref<128xi32, #tpu.memory_space<vmem>>
    %dma_wait3A_824 = arith.constant 0 : i32
    %dma_wait3A_825 = arith.constant 0 : i32
    %dma_wait3A_826 = tpu.memref_slice %arg2[%dma_wait3A_824, %dma_wait3A_825] : memref<32768x128xf32, #tpu.memory_space<hbm>> -> memref<32768x128xf32, #tpu.memory_space<hbm>>
    tpu.wait_indirect_dma semaphore(%arg18 : memref<!tpu.dma_semaphore, #tpu.memory_space<semaphore_mem>>) src(%dma_wait3A_826 : memref<32768x128xf32, #tpu.memory_space<hbm>>) dst(%arg14 : memref<128x128xf32, #tpu.memory_space<vmem>>)
    %dma_start3A_827 = arith.constant 14 : i32
    %dma_start3A_828 = arith.constant 0 : i32
    %dma_start3A_829 = tpu.memref_slice %arg11[%dma_start3A_827, %dma_start3A_828] : memref<16x128xi32, #tpu.memory_space<vmem>> -> memref<1x128xi32, #tpu.memory_space<vmem>>
    %dma_start3A_830 = tpu.memref_squeeze %dma_start3A_829 : memref<1x128xi32, #tpu.memory_space<vmem>> -> memref<128xi32, #tpu.memory_space<vmem>>
    %dma_start3A_831 = arith.constant 0 : i32
    %dma_start3A_832 = arith.constant 0 : i32
    %dma_start3A_833 = tpu.memref_slice %arg16[%dma_start3A_831, %dma_start3A_832] : memref<8192x128xf32, #tpu.memory_space<vmem_shared>> -> memref<8192x128xf32, #tpu.memory_space<vmem_shared>>
    tpu.enqueue_indirect_dma source(%arg14 : memref<128x128xf32, #tpu.memory_space<vmem>>) target(%dma_start3A_833 : memref<8192x128xf32, #tpu.memory_space<vmem_shared>>) offsets(%dma_start3A_830 : memref<128xi32, #tpu.memory_space<vmem>>) semaphore(%arg21 : memref<!tpu.dma_semaphore, #tpu.memory_space<semaphore_mem>>) {add = true}
    %dma_wait3A_834 = arith.constant 14 : i32
    %dma_wait3A_835 = arith.constant 0 : i32
    %dma_wait3A_836 = tpu.memref_slice %arg11[%dma_wait3A_834, %dma_wait3A_835] : memref<16x128xi32, #tpu.memory_space<vmem>> -> memref<1x128xi32, #tpu.memory_space<vmem>>
    %dma_wait3A_837 = tpu.memref_squeeze %dma_wait3A_836 : memref<1x128xi32, #tpu.memory_space<vmem>> -> memref<128xi32, #tpu.memory_space<vmem>>
    %dma_wait3A_838 = arith.constant 0 : i32
    %dma_wait3A_839 = arith.constant 0 : i32
    %dma_wait3A_840 = tpu.memref_slice %arg16[%dma_wait3A_838, %dma_wait3A_839] : memref<8192x128xf32, #tpu.memory_space<vmem_shared>> -> memref<8192x128xf32, #tpu.memory_space<vmem_shared>>
    tpu.wait_indirect_dma semaphore(%arg21 : memref<!tpu.dma_semaphore, #tpu.memory_space<semaphore_mem>>) src(%arg14 : memref<128x128xf32, #tpu.memory_space<vmem>>) dst(%dma_wait3A_840 : memref<8192x128xf32, #tpu.memory_space<vmem_shared>>)
    %dma_start3A_841 = arith.constant 15 : i32
    %dma_start3A_842 = arith.constant 0 : i32
    %dma_start3A_843 = tpu.memref_slice %arg10[%dma_start3A_841, %dma_start3A_842] : memref<16x128xi32, #tpu.memory_space<vmem>> -> memref<1x128xi32, #tpu.memory_space<vmem>>
    %dma_start3A_844 = tpu.memref_squeeze %dma_start3A_843 : memref<1x128xi32, #tpu.memory_space<vmem>> -> memref<128xi32, #tpu.memory_space<vmem>>
    %dma_start3A_845 = arith.constant 0 : i32
    %dma_start3A_846 = arith.constant 0 : i32
    %dma_start3A_847 = tpu.memref_slice %arg2[%dma_start3A_845, %dma_start3A_846] : memref<32768x128xf32, #tpu.memory_space<hbm>> -> memref<32768x128xf32, #tpu.memory_space<hbm>>
    tpu.enqueue_indirect_dma source(%dma_start3A_847 : memref<32768x128xf32, #tpu.memory_space<hbm>>) target(%arg14 : memref<128x128xf32, #tpu.memory_space<vmem>>) offsets(%dma_start3A_844 : memref<128xi32, #tpu.memory_space<vmem>>) semaphore(%arg18 : memref<!tpu.dma_semaphore, #tpu.memory_space<semaphore_mem>>)
    %dma_wait3A_848 = arith.constant 14 : i32
    %dma_wait3A_849 = arith.constant 0 : i32
    %dma_wait3A_850 = tpu.memref_slice %arg10[%dma_wait3A_848, %dma_wait3A_849] : memref<16x128xi32, #tpu.memory_space<vmem>> -> memref<1x128xi32, #tpu.memory_space<vmem>>
    %dma_wait3A_851 = tpu.memref_squeeze %dma_wait3A_850 : memref<1x128xi32, #tpu.memory_space<vmem>> -> memref<128xi32, #tpu.memory_space<vmem>>
    %dma_wait3A_852 = arith.constant 0 : i32
    %dma_wait3A_853 = arith.constant 0 : i32
    %dma_wait3A_854 = tpu.memref_slice %arg2[%dma_wait3A_852, %dma_wait3A_853] : memref<32768x128xf32, #tpu.memory_space<hbm>> -> memref<32768x128xf32, #tpu.memory_space<hbm>>
    tpu.wait_indirect_dma semaphore(%arg19 : memref<!tpu.dma_semaphore, #tpu.memory_space<semaphore_mem>>) src(%dma_wait3A_854 : memref<32768x128xf32, #tpu.memory_space<hbm>>) dst(%arg15 : memref<128x128xf32, #tpu.memory_space<vmem>>)
    %dma_start3A_855 = arith.constant 14 : i32
    %dma_start3A_856 = arith.constant 0 : i32
    %dma_start3A_857 = tpu.memref_slice %arg12[%dma_start3A_855, %dma_start3A_856] : memref<16x128xi32, #tpu.memory_space<vmem>> -> memref<1x128xi32, #tpu.memory_space<vmem>>
    %dma_start3A_858 = tpu.memref_squeeze %dma_start3A_857 : memref<1x128xi32, #tpu.memory_space<vmem>> -> memref<128xi32, #tpu.memory_space<vmem>>
    %dma_start3A_859 = arith.constant 0 : i32
    %dma_start3A_860 = arith.constant 0 : i32
    %dma_start3A_861 = tpu.memref_slice %arg16[%dma_start3A_859, %dma_start3A_860] : memref<8192x128xf32, #tpu.memory_space<vmem_shared>> -> memref<8192x128xf32, #tpu.memory_space<vmem_shared>>
    tpu.enqueue_indirect_dma source(%arg15 : memref<128x128xf32, #tpu.memory_space<vmem>>) target(%dma_start3A_861 : memref<8192x128xf32, #tpu.memory_space<vmem_shared>>) offsets(%dma_start3A_858 : memref<128xi32, #tpu.memory_space<vmem>>) semaphore(%arg22 : memref<!tpu.dma_semaphore, #tpu.memory_space<semaphore_mem>>) {add = true}
    %dma_wait3A_862 = arith.constant 15 : i32
    %dma_wait3A_863 = arith.constant 0 : i32
    %dma_wait3A_864 = tpu.memref_slice %arg9[%dma_wait3A_862, %dma_wait3A_863] : memref<16x128xi32, #tpu.memory_space<vmem>> -> memref<1x128xi32, #tpu.memory_space<vmem>>
    %dma_wait3A_865 = tpu.memref_squeeze %dma_wait3A_864 : memref<1x128xi32, #tpu.memory_space<vmem>> -> memref<128xi32, #tpu.memory_space<vmem>>
    %dma_wait3A_866 = arith.constant 0 : i32
    %dma_wait3A_867 = arith.constant 0 : i32
    %dma_wait3A_868 = tpu.memref_slice %arg2[%dma_wait3A_866, %dma_wait3A_867] : memref<32768x128xf32, #tpu.memory_space<hbm>> -> memref<32768x128xf32, #tpu.memory_space<hbm>>
    tpu.wait_indirect_dma semaphore(%arg17 : memref<!tpu.dma_semaphore, #tpu.memory_space<semaphore_mem>>) src(%dma_wait3A_868 : memref<32768x128xf32, #tpu.memory_space<hbm>>) dst(%arg13 : memref<128x128xf32, #tpu.memory_space<vmem>>)
    %dma_start3A_869 = arith.constant 15 : i32
    %dma_start3A_870 = arith.constant 0 : i32
    %dma_start3A_871 = tpu.memref_slice %arg11[%dma_start3A_869, %dma_start3A_870] : memref<16x128xi32, #tpu.memory_space<vmem>> -> memref<1x128xi32, #tpu.memory_space<vmem>>
    %dma_start3A_872 = tpu.memref_squeeze %dma_start3A_871 : memref<1x128xi32, #tpu.memory_space<vmem>> -> memref<128xi32, #tpu.memory_space<vmem>>
    %dma_start3A_873 = arith.constant 0 : i32
    %dma_start3A_874 = arith.constant 0 : i32
    %dma_start3A_875 = tpu.memref_slice %arg16[%dma_start3A_873, %dma_start3A_874] : memref<8192x128xf32, #tpu.memory_space<vmem_shared>> -> memref<8192x128xf32, #tpu.memory_space<vmem_shared>>
    tpu.enqueue_indirect_dma source(%arg13 : memref<128x128xf32, #tpu.memory_space<vmem>>) target(%dma_start3A_875 : memref<8192x128xf32, #tpu.memory_space<vmem_shared>>) offsets(%dma_start3A_872 : memref<128xi32, #tpu.memory_space<vmem>>) semaphore(%arg20 : memref<!tpu.dma_semaphore, #tpu.memory_space<semaphore_mem>>) {add = true}
    %dma_wait3A_876 = arith.constant 15 : i32
    %dma_wait3A_877 = arith.constant 0 : i32
    %dma_wait3A_878 = tpu.memref_slice %arg10[%dma_wait3A_876, %dma_wait3A_877] : memref<16x128xi32, #tpu.memory_space<vmem>> -> memref<1x128xi32, #tpu.memory_space<vmem>>
    %dma_wait3A_879 = tpu.memref_squeeze %dma_wait3A_878 : memref<1x128xi32, #tpu.memory_space<vmem>> -> memref<128xi32, #tpu.memory_space<vmem>>
    %dma_wait3A_880 = arith.constant 0 : i32
    %dma_wait3A_881 = arith.constant 0 : i32
    %dma_wait3A_882 = tpu.memref_slice %arg2[%dma_wait3A_880, %dma_wait3A_881] : memref<32768x128xf32, #tpu.memory_space<hbm>> -> memref<32768x128xf32, #tpu.memory_space<hbm>>
    tpu.wait_indirect_dma semaphore(%arg18 : memref<!tpu.dma_semaphore, #tpu.memory_space<semaphore_mem>>) src(%dma_wait3A_882 : memref<32768x128xf32, #tpu.memory_space<hbm>>) dst(%arg14 : memref<128x128xf32, #tpu.memory_space<vmem>>)
    %dma_start3A_883 = arith.constant 15 : i32
    %dma_start3A_884 = arith.constant 0 : i32
    %dma_start3A_885 = tpu.memref_slice %arg12[%dma_start3A_883, %dma_start3A_884] : memref<16x128xi32, #tpu.memory_space<vmem>> -> memref<1x128xi32, #tpu.memory_space<vmem>>
    %dma_start3A_886 = tpu.memref_squeeze %dma_start3A_885 : memref<1x128xi32, #tpu.memory_space<vmem>> -> memref<128xi32, #tpu.memory_space<vmem>>
    %dma_start3A_887 = arith.constant 0 : i32
    %dma_start3A_888 = arith.constant 0 : i32
    %dma_start3A_889 = tpu.memref_slice %arg16[%dma_start3A_887, %dma_start3A_888] : memref<8192x128xf32, #tpu.memory_space<vmem_shared>> -> memref<8192x128xf32, #tpu.memory_space<vmem_shared>>
    tpu.enqueue_indirect_dma source(%arg14 : memref<128x128xf32, #tpu.memory_space<vmem>>) target(%dma_start3A_889 : memref<8192x128xf32, #tpu.memory_space<vmem_shared>>) offsets(%dma_start3A_886 : memref<128xi32, #tpu.memory_space<vmem>>) semaphore(%arg21 : memref<!tpu.dma_semaphore, #tpu.memory_space<semaphore_mem>>) {add = true}
    %dma_wait3A_890 = arith.constant 14 : i32
    %dma_wait3A_891 = arith.constant 0 : i32
    %dma_wait3A_892 = tpu.memref_slice %arg12[%dma_wait3A_890, %dma_wait3A_891] : memref<16x128xi32, #tpu.memory_space<vmem>> -> memref<1x128xi32, #tpu.memory_space<vmem>>
    %dma_wait3A_893 = tpu.memref_squeeze %dma_wait3A_892 : memref<1x128xi32, #tpu.memory_space<vmem>> -> memref<128xi32, #tpu.memory_space<vmem>>
    %dma_wait3A_894 = arith.constant 0 : i32
    %dma_wait3A_895 = arith.constant 0 : i32
    %dma_wait3A_896 = tpu.memref_slice %arg16[%dma_wait3A_894, %dma_wait3A_895] : memref<8192x128xf32, #tpu.memory_space<vmem_shared>> -> memref<8192x128xf32, #tpu.memory_space<vmem_shared>>
    tpu.wait_indirect_dma semaphore(%arg22 : memref<!tpu.dma_semaphore, #tpu.memory_space<semaphore_mem>>) src(%arg15 : memref<128x128xf32, #tpu.memory_space<vmem>>) dst(%dma_wait3A_896 : memref<8192x128xf32, #tpu.memory_space<vmem_shared>>)
    %dma_wait3A_897 = arith.constant 15 : i32
    %dma_wait3A_898 = arith.constant 0 : i32
    %dma_wait3A_899 = tpu.memref_slice %arg11[%dma_wait3A_897, %dma_wait3A_898] : memref<16x128xi32, #tpu.memory_space<vmem>> -> memref<1x128xi32, #tpu.memory_space<vmem>>
    %dma_wait3A_900 = tpu.memref_squeeze %dma_wait3A_899 : memref<1x128xi32, #tpu.memory_space<vmem>> -> memref<128xi32, #tpu.memory_space<vmem>>
    %dma_wait3A_901 = arith.constant 0 : i32
    %dma_wait3A_902 = arith.constant 0 : i32
    %dma_wait3A_903 = tpu.memref_slice %arg16[%dma_wait3A_901, %dma_wait3A_902] : memref<8192x128xf32, #tpu.memory_space<vmem_shared>> -> memref<8192x128xf32, #tpu.memory_space<vmem_shared>>
    tpu.wait_indirect_dma semaphore(%arg20 : memref<!tpu.dma_semaphore, #tpu.memory_space<semaphore_mem>>) src(%arg13 : memref<128x128xf32, #tpu.memory_space<vmem>>) dst(%dma_wait3A_903 : memref<8192x128xf32, #tpu.memory_space<vmem_shared>>)
    %dma_wait3A_904 = arith.constant 15 : i32
    %dma_wait3A_905 = arith.constant 0 : i32
    %dma_wait3A_906 = tpu.memref_slice %arg12[%dma_wait3A_904, %dma_wait3A_905] : memref<16x128xi32, #tpu.memory_space<vmem>> -> memref<1x128xi32, #tpu.memory_space<vmem>>
    %dma_wait3A_907 = tpu.memref_squeeze %dma_wait3A_906 : memref<1x128xi32, #tpu.memory_space<vmem>> -> memref<128xi32, #tpu.memory_space<vmem>>
    %dma_wait3A_908 = arith.constant 0 : i32
    %dma_wait3A_909 = arith.constant 0 : i32
    %dma_wait3A_910 = tpu.memref_slice %arg16[%dma_wait3A_908, %dma_wait3A_909] : memref<8192x128xf32, #tpu.memory_space<vmem_shared>> -> memref<8192x128xf32, #tpu.memory_space<vmem_shared>>
    tpu.wait_indirect_dma semaphore(%arg21 : memref<!tpu.dma_semaphore, #tpu.memory_space<semaphore_mem>>) src(%arg14 : memref<128x128xf32, #tpu.memory_space<vmem>>) dst(%dma_wait3A_910 : memref<8192x128xf32, #tpu.memory_space<vmem_shared>>)
    %barrier3A_911 = arith.constant 0 : index
    tpu.barrier barrier_id(%barrier3A_911)
    %mul3A_912 = arith.constant 512 : i32
    %mul3A_913 = arith.muli %arg1, %mul3A_912 : i32
    %mul3A_914 = arith.constant 2 : i32
    %mul3A_915 = arith.muli %arg0, %mul3A_914 : i32
    %mul3A_916 = arith.constant 4096 : i32
    %mul3A_917 = arith.muli %mul3A_915, %mul3A_916 : i32
    %mul3A_918 = arith.constant 512 : i32
    %mul3A_919 = arith.muli %arg1, %mul3A_918 : i32
    %add3A_920 = arith.addi %mul3A_917, %mul3A_919 : i32
    "tpu.region"() ({
      %run_scoped3A = tpu.sem_alloc : memref<!tpu.dma_semaphore, #tpu.memory_space<semaphore_mem>>
      %dma_start3A_921 = arith.constant 0 : i32
      %dma_start3A_922 = tpu.memref_slice %arg8[%add3A_920, %dma_start3A_921] : memref<16384x128xf32, #tpu.memory_space<hbm>> -> memref<512x128xf32, #tpu.memory_space<hbm>>
      %dma_start3A_923 = arith.constant 0 : i32
      %dma_start3A_924 = tpu.memref_slice %arg16[%mul3A_913, %dma_start3A_923] : memref<8192x128xf32, #tpu.memory_space<vmem_shared>> -> memref<512x128xf32, #tpu.memory_space<vmem_shared>>
      tpu.enqueue_dma source(%dma_start3A_924 : memref<512x128xf32, #tpu.memory_space<vmem_shared>>) target(%dma_start3A_922 : memref<512x128xf32, #tpu.memory_space<hbm>>) target_semaphore(%run_scoped3A : memref<!tpu.dma_semaphore, #tpu.memory_space<semaphore_mem>>)
      %dma_wait3A_925 = arith.constant 0 : i32
      %dma_wait3A_926 = tpu.memref_slice %arg8[%add3A_920, %dma_wait3A_925] : memref<16384x128xf32, #tpu.memory_space<hbm>> -> memref<512x128xf32, #tpu.memory_space<hbm>>
      %dma_wait3A_927 = arith.constant 0 : i32
      %dma_wait3A_928 = tpu.memref_slice %arg16[%mul3A_913, %dma_wait3A_927] : memref<8192x128xf32, #tpu.memory_space<vmem_shared>> -> memref<512x128xf32, #tpu.memory_space<vmem_shared>>
      tpu.wait_dma2 semaphore(%run_scoped3A : memref<!tpu.dma_semaphore, #tpu.memory_space<semaphore_mem>>) src(%dma_wait3A_928 : memref<512x128xf32, #tpu.memory_space<vmem_shared>>) dst(%dma_wait3A_926 : memref<512x128xf32, #tpu.memory_space<hbm>>)
      tpu.yield
    }) : () -> ()
    return
  }
}

module attributes {stable_mosaic.version = 14 : i64} {
  func.func @_enc_body(%arg0: memref<4096x16xf32, #tpu.memory_space<vmem>>, %arg1: memref<6x128xf32, #tpu.memory_space<vmem>>, %arg2: memref<1x128xf32, #tpu.memory_space<vmem>>, %arg3: memref<4096x128xf32, #tpu.memory_space<vmem>>) attributes {dimension_semantics = [], scalar_prefetch = 0 : i64, scratch_operands = 0 : i64, tpu.core_type = #tpu.core_type<tc>} {
    %broadcast_in_dim3A = arith.constant 0.000000e+00 : f32
    %broadcast_in_dim3A_0 = vector.broadcast %broadcast_in_dim3A : f32 to vector<4x128xf32>
    %get3A = arith.constant 0 : index
    %get3A_1 = arith.constant 0 : index
    %get3A_2 = vector.load %arg1[%get3A, %get3A_1] : memref<6x128xf32, #tpu.memory_space<vmem>>, vector<6x128xf32>
    %broadcast_in_dim3A_3 = arith.constant 0.000000e+00 : f32
    %broadcast_in_dim3A_4 = vector.broadcast %broadcast_in_dim3A_3 : f32 to vector<6x128xf32>
    %concatenate3A = tpu.concatenate %broadcast_in_dim3A_0, %get3A_2, %broadcast_in_dim3A_4 in 0 : vector<4x128xf32>, vector<6x128xf32>, vector<6x128xf32> -> vector<16x128xf32>
    %get3A_5 = arith.constant 0 : index
    %get3A_6 = arith.constant 0 : index
    %get3A_7 = vector.load %arg0[%get3A_5, %get3A_6] : memref<4096x16xf32, #tpu.memory_space<vmem>>, vector<4096x16xf32>
    %dot_general3A = arith.constant dense<0.000000e+00> : vector<4096x128xf32>
    %dot_general3A_8 = tpu.matmul %get3A_7, %concatenate3A, %dot_general3A {dimension_numbers = #tpu.dot_dimension_numbers<[1], [0], [0], [1], [0, 0, 1, 1], [], []>, transpose_lhs_hint = false} : vector<4096x16xf32>, vector<16x128xf32>, vector<4096x128xf32> -> vector<4096x128xf32>
    %get3A_9 = arith.constant 0 : index
    %get3A_10 = arith.constant 0 : index
    %get3A_11 = vector.load %arg2[%get3A_9, %get3A_10] : memref<1x128xf32, #tpu.memory_space<vmem>>, vector<1x128xf32>
    %add3A = vector.broadcast %get3A_11 : vector<1x128xf32> to vector<4096x128xf32>
    %add3A_12 = arith.addf %dot_general3A_8, %add3A : vector<4096x128xf32>
    %max3A = arith.constant 0.000000e+00 : f32
    %max3A_13 = vector.broadcast %max3A : f32 to vector<4096x128xf32>
    %max3A_14 = arith.maximumf %add3A_12, %max3A_13 : vector<4096x128xf32>
    %swap3A = arith.constant 0 : index
    %swap3A_15 = arith.constant 0 : index
    %swap3A_16 = vector.load %arg3[%swap3A, %swap3A_15] : memref<4096x128xf32, #tpu.memory_space<vmem>>, vector<4096x128xf32>
    tpu.vector_store %arg3[%swap3A, %swap3A_15], %max3A_14 {strides = array<i32>} : memref<4096x128xf32, #tpu.memory_space<vmem>>, vector<4096x128xf32>,
    return
  }
}

module attributes {stable_mosaic.version = 14 : i64} {
  func.func @_sizefeat_body(%arg0: memref<1x65536xi32, #tpu.memory_space<vmem>>, %arg1: memref<32x128xi32, #tpu.memory_space<vmem>>, %arg2: memref<32x128xf32, #tpu.memory_space<vmem>>, %arg3: memref<32x128xf32, #tpu.memory_space<vmem>>) attributes {dimension_semantics = [], scalar_prefetch = 0 : i64, scratch_operands = 0 : i64, tpu.core_type = #tpu.core_type<tc>} {
    %iota3A = tpu.iota {dimensions = array<i32: 0>} : vector<32x8192xi32>
    %iota3A_0 = tpu.iota {dimensions = array<i32: 0>} : vector<128x8192xi32>
    %broadcast_in_dim3A = arith.constant 0.000000e+00 : f32
    %broadcast_in_dim3A_1 = vector.broadcast %broadcast_in_dim3A : f32 to vector<128x32xf32>
    %get3A = arith.constant 0 : index
    %get3A_2 = arith.constant 0 : index
    %get3A_3 = vector.load %arg0[%get3A, %get3A_2] : memref<1x65536xi32, #tpu.memory_space<vmem>>, vector<1x8192xi32>
    %jit3A = arith.constant 128 : i32
    %div3A = vector.broadcast %jit3A : i32 to vector<1x8192xi32>
    %div3A_4 = arith.divsi %get3A_3, %div3A : vector<1x8192xi32>
    %sign3A = arith.constant 0 : i32
    %sign3A_5 = vector.broadcast %sign3A : i32 to vector<1x8192xi32>
    %sign3A_6 = arith.cmpi sgt, %get3A_3, %sign3A_5 : vector<1x8192xi32>
    %sign3A_7 = arith.extui %sign3A_6 : vector<1x8192xi1> to vector<1x8192xi32>
    %sign3A_8 = arith.constant 0 : i32
    %sign3A_9 = vector.broadcast %sign3A_8 : i32 to vector<1x8192xi32>
    %sign3A_10 = arith.cmpi slt, %get3A_3, %sign3A_9 : vector<1x8192xi32>
    %sign3A_11 = arith.extui %sign3A_10 : vector<1x8192xi1> to vector<1x8192xi32>
    %sign3A_12 = arith.subi %sign3A_7, %sign3A_11 : vector<1x8192xi32>
    %sign3A_13 = arith.constant 0 : i32
    %sign3A_14 = arith.cmpi sgt, %jit3A, %sign3A_13 : i32
    %sign3A_15 = arith.extui %sign3A_14 : i1 to i32
    %sign3A_16 = arith.constant 0 : i32
    %sign3A_17 = arith.cmpi slt, %jit3A, %sign3A_16 : i32
    %sign3A_18 = arith.extui %sign3A_17 : i1 to i32
    %sign3A_19 = arith.subi %sign3A_15, %sign3A_18 : i32
    %ne3A = vector.broadcast %sign3A_19 : i32 to vector<1x8192xi32>
    %ne3A_20 = arith.cmpi ne, %sign3A_12, %ne3A : vector<1x8192xi32>
    %rem3A = vector.broadcast %jit3A : i32 to vector<1x8192xi32>
    %rem3A_21 = arith.remsi %get3A_3, %rem3A : vector<1x8192xi32>
    %ne3A_22 = arith.constant 0 : i32
    %ne3A_23 = vector.broadcast %ne3A_22 : i32 to vector<1x8192xi32>
    %ne3A_24 = arith.cmpi ne, %rem3A_21, %ne3A_23 : vector<1x8192xi32>
    %and3A = arith.andi %ne3A_20, %ne3A_24 : vector<1x8192xi1>
    %sub3A = arith.constant 1 : i32
    %sub3A_25 = vector.broadcast %sub3A : i32 to vector<1x8192xi32>
    %sub3A_26 = arith.subi %div3A_4, %sub3A_25 : vector<1x8192xi32>
    %select_n3A = arith.select %and3A, %sub3A_26, %div3A_4 : vector<1x8192xi1>, vector<1x8192xi32>
    %eq3A = vector.broadcast %select_n3A : vector<1x8192xi32> to vector<32x8192xi32>
    %eq3A_27 = arith.cmpi eq, %eq3A, %iota3A : vector<32x8192xi32>
    %convert_element_type3A = arith.extui %eq3A_27 : vector<32x8192xi1> to vector<32x8192xi32>
    %convert_element_type3A_28 = arith.sitofp %convert_element_type3A : vector<32x8192xi32> to vector<32x8192xf32>
    %convert_element_type3A_29 = arith.truncf %convert_element_type3A_28 : vector<32x8192xf32> to vector<32x8192xbf16>
    %jit3A_30 = arith.constant 128 : i32
    %eq3A_31 = arith.constant 0 : i32
    %eq3A_32 = arith.cmpi eq, %jit3A_30, %eq3A_31 : i32
    %jit3A_33 = arith.constant 1 : i32
    %select_n3A_34 = arith.select %eq3A_32, %jit3A_33, %jit3A_30 : i32
    %rem3A_35 = vector.broadcast %select_n3A_34 : i32 to vector<1x8192xi32>
    %rem3A_36 = arith.remsi %get3A_3, %rem3A_35 : vector<1x8192xi32>
    %ne3A_37 = arith.constant 0 : i32
    %ne3A_38 = vector.broadcast %ne3A_37 : i32 to vector<1x8192xi32>
    %ne3A_39 = arith.cmpi ne, %rem3A_36, %ne3A_38 : vector<1x8192xi32>
    %lt3A = arith.constant 0 : i32
    %lt3A_40 = vector.broadcast %lt3A : i32 to vector<1x8192xi32>
    %lt3A_41 = arith.cmpi slt, %rem3A_36, %lt3A_40 : vector<1x8192xi32>
    %lt3A_42 = arith.constant 0 : i32
    %lt3A_43 = arith.cmpi slt, %select_n3A_34, %lt3A_42 : i32
    %ne3A_44 = vector.broadcast %lt3A_43 : i1 to vector<1x8192xi1>
    %ne3A_45 = vector.broadcast %ne3A_44 : vector<1x8192xi1> to vector<1x8192xi1>
    %ne3A_46 = arith.xori %lt3A_41, %ne3A_45 : vector<1x8192xi1>
    %and3A_47 = arith.andi %ne3A_46, %ne3A_39 : vector<1x8192xi1>
    %add3A = vector.broadcast %select_n3A_34 : i32 to vector<1x8192xi32>
    %add3A_48 = arith.addi %rem3A_36, %add3A : vector<1x8192xi32>
    %select_n3A_49 = arith.select %and3A_47, %add3A_48, %rem3A_36 : vector<1x8192xi1>, vector<1x8192xi32>
    %eq3A_50 = vector.broadcast %select_n3A_49 : vector<1x8192xi32> to vector<128x8192xi32>
    %eq3A_51 = arith.cmpi eq, %eq3A_50, %iota3A_0 : vector<128x8192xi32>
    %convert_element_type3A_52 = arith.extui %eq3A_51 : vector<128x8192xi1> to vector<128x8192xi32>
    %convert_element_type3A_53 = arith.sitofp %convert_element_type3A_52 : vector<128x8192xi32> to vector<128x8192xf32>
    %convert_element_type3A_54 = arith.truncf %convert_element_type3A_53 : vector<128x8192xf32> to vector<128x8192xbf16>
    %dot_general3A = arith.constant dense<0.000000e+00> : vector<128x32xf32>
    %dot_general3A_55 = tpu.matmul %convert_element_type3A_54, %convert_element_type3A_29, %dot_general3A {dimension_numbers = #tpu.dot_dimension_numbers<[1], [1], [0], [0], [0, 0, 1, 0], [], []>, transpose_lhs_hint = false} : vector<128x8192xbf16>, vector<32x8192xbf16>, vector<128x32xf32> -> vector<128x32xf32>
    %add3A_56 = arith.addf %broadcast_in_dim3A_1, %dot_general3A_55 : vector<128x32xf32>
    %get3A_57 = arith.constant 0 : index
    %get3A_58 = arith.constant 8192 : index
    %get3A_59 = vector.load %arg0[%get3A_57, %get3A_58] : memref<1x65536xi32, #tpu.memory_space<vmem>>, vector<1x8192xi32>
    %jit3A_60 = arith.constant 128 : i32
    %div3A_61 = vector.broadcast %jit3A_60 : i32 to vector<1x8192xi32>
    %div3A_62 = arith.divsi %get3A_59, %div3A_61 : vector<1x8192xi32>
    %sign3A_63 = arith.constant 0 : i32
    %sign3A_64 = vector.broadcast %sign3A_63 : i32 to vector<1x8192xi32>
    %sign3A_65 = arith.cmpi sgt, %get3A_59, %sign3A_64 : vector<1x8192xi32>
    %sign3A_66 = arith.extui %sign3A_65 : vector<1x8192xi1> to vector<1x8192xi32>
    %sign3A_67 = arith.constant 0 : i32
    %sign3A_68 = vector.broadcast %sign3A_67 : i32 to vector<1x8192xi32>
    %sign3A_69 = arith.cmpi slt, %get3A_59, %sign3A_68 : vector<1x8192xi32>
    %sign3A_70 = arith.extui %sign3A_69 : vector<1x8192xi1> to vector<1x8192xi32>
    %sign3A_71 = arith.subi %sign3A_66, %sign3A_70 : vector<1x8192xi32>
    %sign3A_72 = arith.constant 0 : i32
    %sign3A_73 = arith.cmpi sgt, %jit3A_60, %sign3A_72 : i32
    %sign3A_74 = arith.extui %sign3A_73 : i1 to i32
    %sign3A_75 = arith.constant 0 : i32
    %sign3A_76 = arith.cmpi slt, %jit3A_60, %sign3A_75 : i32
    %sign3A_77 = arith.extui %sign3A_76 : i1 to i32
    %sign3A_78 = arith.subi %sign3A_74, %sign3A_77 : i32
    %ne3A_79 = vector.broadcast %sign3A_78 : i32 to vector<1x8192xi32>
    %ne3A_80 = arith.cmpi ne, %sign3A_71, %ne3A_79 : vector<1x8192xi32>
    %rem3A_81 = vector.broadcast %jit3A_60 : i32 to vector<1x8192xi32>
    %rem3A_82 = arith.remsi %get3A_59, %rem3A_81 : vector<1x8192xi32>
    %ne3A_83 = arith.constant 0 : i32
    %ne3A_84 = vector.broadcast %ne3A_83 : i32 to vector<1x8192xi32>
    %ne3A_85 = arith.cmpi ne, %rem3A_82, %ne3A_84 : vector<1x8192xi32>
    %and3A_86 = arith.andi %ne3A_80, %ne3A_85 : vector<1x8192xi1>
    %sub3A_87 = arith.constant 1 : i32
    %sub3A_88 = vector.broadcast %sub3A_87 : i32 to vector<1x8192xi32>
    %sub3A_89 = arith.subi %div3A_62, %sub3A_88 : vector<1x8192xi32>
    %select_n3A_90 = arith.select %and3A_86, %sub3A_89, %div3A_62 : vector<1x8192xi1>, vector<1x8192xi32>
    %eq3A_91 = vector.broadcast %select_n3A_90 : vector<1x8192xi32> to vector<32x8192xi32>
    %eq3A_92 = arith.cmpi eq, %eq3A_91, %iota3A : vector<32x8192xi32>
    %convert_element_type3A_93 = arith.extui %eq3A_92 : vector<32x8192xi1> to vector<32x8192xi32>
    %convert_element_type3A_94 = arith.sitofp %convert_element_type3A_93 : vector<32x8192xi32> to vector<32x8192xf32>
    %convert_element_type3A_95 = arith.truncf %convert_element_type3A_94 : vector<32x8192xf32> to vector<32x8192xbf16>
    %jit3A_96 = arith.constant 128 : i32
    %eq3A_97 = arith.constant 0 : i32
    %eq3A_98 = arith.cmpi eq, %jit3A_96, %eq3A_97 : i32
    %jit3A_99 = arith.constant 1 : i32
    %select_n3A_100 = arith.select %eq3A_98, %jit3A_99, %jit3A_96 : i32
    %rem3A_101 = vector.broadcast %select_n3A_100 : i32 to vector<1x8192xi32>
    %rem3A_102 = arith.remsi %get3A_59, %rem3A_101 : vector<1x8192xi32>
    %ne3A_103 = arith.constant 0 : i32
    %ne3A_104 = vector.broadcast %ne3A_103 : i32 to vector<1x8192xi32>
    %ne3A_105 = arith.cmpi ne, %rem3A_102, %ne3A_104 : vector<1x8192xi32>
    %lt3A_106 = arith.constant 0 : i32
    %lt3A_107 = vector.broadcast %lt3A_106 : i32 to vector<1x8192xi32>
    %lt3A_108 = arith.cmpi slt, %rem3A_102, %lt3A_107 : vector<1x8192xi32>
    %lt3A_109 = arith.constant 0 : i32
    %lt3A_110 = arith.cmpi slt, %select_n3A_100, %lt3A_109 : i32
    %ne3A_111 = vector.broadcast %lt3A_110 : i1 to vector<1x8192xi1>
    %ne3A_112 = vector.broadcast %ne3A_111 : vector<1x8192xi1> to vector<1x8192xi1>
    %ne3A_113 = arith.xori %lt3A_108, %ne3A_112 : vector<1x8192xi1>
    %and3A_114 = arith.andi %ne3A_113, %ne3A_105 : vector<1x8192xi1>
    %add3A_115 = vector.broadcast %select_n3A_100 : i32 to vector<1x8192xi32>
    %add3A_116 = arith.addi %rem3A_102, %add3A_115 : vector<1x8192xi32>
    %select_n3A_117 = arith.select %and3A_114, %add3A_116, %rem3A_102 : vector<1x8192xi1>, vector<1x8192xi32>
    %eq3A_118 = vector.broadcast %select_n3A_117 : vector<1x8192xi32> to vector<128x8192xi32>
    %eq3A_119 = arith.cmpi eq, %eq3A_118, %iota3A_0 : vector<128x8192xi32>
    %convert_element_type3A_120 = arith.extui %eq3A_119 : vector<128x8192xi1> to vector<128x8192xi32>
    %convert_element_type3A_121 = arith.sitofp %convert_element_type3A_120 : vector<128x8192xi32> to vector<128x8192xf32>
    %convert_element_type3A_122 = arith.truncf %convert_element_type3A_121 : vector<128x8192xf32> to vector<128x8192xbf16>
    %dot_general3A_123 = arith.constant dense<0.000000e+00> : vector<128x32xf32>
    %dot_general3A_124 = tpu.matmul %convert_element_type3A_122, %convert_element_type3A_95, %dot_general3A_123 {dimension_numbers = #tpu.dot_dimension_numbers<[1], [1], [0], [0], [0, 0, 1, 0], [], []>, transpose_lhs_hint = false} : vector<128x8192xbf16>, vector<32x8192xbf16>, vector<128x32xf32> -> vector<128x32xf32>
    %add3A_125 = arith.addf %add3A_56, %dot_general3A_124 : vector<128x32xf32>
    %get3A_126 = arith.constant 0 : index
    %get3A_127 = arith.constant 16384 : index
    %get3A_128 = vector.load %arg0[%get3A_126, %get3A_127] : memref<1x65536xi32, #tpu.memory_space<vmem>>, vector<1x8192xi32>
    %jit3A_129 = arith.constant 128 : i32
    %div3A_130 = vector.broadcast %jit3A_129 : i32 to vector<1x8192xi32>
    %div3A_131 = arith.divsi %get3A_128, %div3A_130 : vector<1x8192xi32>
    %sign3A_132 = arith.constant 0 : i32
    %sign3A_133 = vector.broadcast %sign3A_132 : i32 to vector<1x8192xi32>
    %sign3A_134 = arith.cmpi sgt, %get3A_128, %sign3A_133 : vector<1x8192xi32>
    %sign3A_135 = arith.extui %sign3A_134 : vector<1x8192xi1> to vector<1x8192xi32>
    %sign3A_136 = arith.constant 0 : i32
    %sign3A_137 = vector.broadcast %sign3A_136 : i32 to vector<1x8192xi32>
    %sign3A_138 = arith.cmpi slt, %get3A_128, %sign3A_137 : vector<1x8192xi32>
    %sign3A_139 = arith.extui %sign3A_138 : vector<1x8192xi1> to vector<1x8192xi32>
    %sign3A_140 = arith.subi %sign3A_135, %sign3A_139 : vector<1x8192xi32>
    %sign3A_141 = arith.constant 0 : i32
    %sign3A_142 = arith.cmpi sgt, %jit3A_129, %sign3A_141 : i32
    %sign3A_143 = arith.extui %sign3A_142 : i1 to i32
    %sign3A_144 = arith.constant 0 : i32
    %sign3A_145 = arith.cmpi slt, %jit3A_129, %sign3A_144 : i32
    %sign3A_146 = arith.extui %sign3A_145 : i1 to i32
    %sign3A_147 = arith.subi %sign3A_143, %sign3A_146 : i32
    %ne3A_148 = vector.broadcast %sign3A_147 : i32 to vector<1x8192xi32>
    %ne3A_149 = arith.cmpi ne, %sign3A_140, %ne3A_148 : vector<1x8192xi32>
    %rem3A_150 = vector.broadcast %jit3A_129 : i32 to vector<1x8192xi32>
    %rem3A_151 = arith.remsi %get3A_128, %rem3A_150 : vector<1x8192xi32>
    %ne3A_152 = arith.constant 0 : i32
    %ne3A_153 = vector.broadcast %ne3A_152 : i32 to vector<1x8192xi32>
    %ne3A_154 = arith.cmpi ne, %rem3A_151, %ne3A_153 : vector<1x8192xi32>
    %and3A_155 = arith.andi %ne3A_149, %ne3A_154 : vector<1x8192xi1>
    %sub3A_156 = arith.constant 1 : i32
    %sub3A_157 = vector.broadcast %sub3A_156 : i32 to vector<1x8192xi32>
    %sub3A_158 = arith.subi %div3A_131, %sub3A_157 : vector<1x8192xi32>
    %select_n3A_159 = arith.select %and3A_155, %sub3A_158, %div3A_131 : vector<1x8192xi1>, vector<1x8192xi32>
    %eq3A_160 = vector.broadcast %select_n3A_159 : vector<1x8192xi32> to vector<32x8192xi32>
    %eq3A_161 = arith.cmpi eq, %eq3A_160, %iota3A : vector<32x8192xi32>
    %convert_element_type3A_162 = arith.extui %eq3A_161 : vector<32x8192xi1> to vector<32x8192xi32>
    %convert_element_type3A_163 = arith.sitofp %convert_element_type3A_162 : vector<32x8192xi32> to vector<32x8192xf32>
    %convert_element_type3A_164 = arith.truncf %convert_element_type3A_163 : vector<32x8192xf32> to vector<32x8192xbf16>
    %jit3A_165 = arith.constant 128 : i32
    %eq3A_166 = arith.constant 0 : i32
    %eq3A_167 = arith.cmpi eq, %jit3A_165, %eq3A_166 : i32
    %jit3A_168 = arith.constant 1 : i32
    %select_n3A_169 = arith.select %eq3A_167, %jit3A_168, %jit3A_165 : i32
    %rem3A_170 = vector.broadcast %select_n3A_169 : i32 to vector<1x8192xi32>
    %rem3A_171 = arith.remsi %get3A_128, %rem3A_170 : vector<1x8192xi32>
    %ne3A_172 = arith.constant 0 : i32
    %ne3A_173 = vector.broadcast %ne3A_172 : i32 to vector<1x8192xi32>
    %ne3A_174 = arith.cmpi ne, %rem3A_171, %ne3A_173 : vector<1x8192xi32>
    %lt3A_175 = arith.constant 0 : i32
    %lt3A_176 = vector.broadcast %lt3A_175 : i32 to vector<1x8192xi32>
    %lt3A_177 = arith.cmpi slt, %rem3A_171, %lt3A_176 : vector<1x8192xi32>
    %lt3A_178 = arith.constant 0 : i32
    %lt3A_179 = arith.cmpi slt, %select_n3A_169, %lt3A_178 : i32
    %ne3A_180 = vector.broadcast %lt3A_179 : i1 to vector<1x8192xi1>
    %ne3A_181 = vector.broadcast %ne3A_180 : vector<1x8192xi1> to vector<1x8192xi1>
    %ne3A_182 = arith.xori %lt3A_177, %ne3A_181 : vector<1x8192xi1>
    %and3A_183 = arith.andi %ne3A_182, %ne3A_174 : vector<1x8192xi1>
    %add3A_184 = vector.broadcast %select_n3A_169 : i32 to vector<1x8192xi32>
    %add3A_185 = arith.addi %rem3A_171, %add3A_184 : vector<1x8192xi32>
    %select_n3A_186 = arith.select %and3A_183, %add3A_185, %rem3A_171 : vector<1x8192xi1>, vector<1x8192xi32>
    %eq3A_187 = vector.broadcast %select_n3A_186 : vector<1x8192xi32> to vector<128x8192xi32>
    %eq3A_188 = arith.cmpi eq, %eq3A_187, %iota3A_0 : vector<128x8192xi32>
    %convert_element_type3A_189 = arith.extui %eq3A_188 : vector<128x8192xi1> to vector<128x8192xi32>
    %convert_element_type3A_190 = arith.sitofp %convert_element_type3A_189 : vector<128x8192xi32> to vector<128x8192xf32>
    %convert_element_type3A_191 = arith.truncf %convert_element_type3A_190 : vector<128x8192xf32> to vector<128x8192xbf16>
    %dot_general3A_192 = arith.constant dense<0.000000e+00> : vector<128x32xf32>
    %dot_general3A_193 = tpu.matmul %convert_element_type3A_191, %convert_element_type3A_164, %dot_general3A_192 {dimension_numbers = #tpu.dot_dimension_numbers<[1], [1], [0], [0], [0, 0, 1, 0], [], []>, transpose_lhs_hint = false} : vector<128x8192xbf16>, vector<32x8192xbf16>, vector<128x32xf32> -> vector<128x32xf32>
    %add3A_194 = arith.addf %add3A_125, %dot_general3A_193 : vector<128x32xf32>
    %get3A_195 = arith.constant 0 : index
    %get3A_196 = arith.constant 24576 : index
    %get3A_197 = vector.load %arg0[%get3A_195, %get3A_196] : memref<1x65536xi32, #tpu.memory_space<vmem>>, vector<1x8192xi32>
    %jit3A_198 = arith.constant 128 : i32
    %div3A_199 = vector.broadcast %jit3A_198 : i32 to vector<1x8192xi32>
    %div3A_200 = arith.divsi %get3A_197, %div3A_199 : vector<1x8192xi32>
    %sign3A_201 = arith.constant 0 : i32
    %sign3A_202 = vector.broadcast %sign3A_201 : i32 to vector<1x8192xi32>
    %sign3A_203 = arith.cmpi sgt, %get3A_197, %sign3A_202 : vector<1x8192xi32>
    %sign3A_204 = arith.extui %sign3A_203 : vector<1x8192xi1> to vector<1x8192xi32>
    %sign3A_205 = arith.constant 0 : i32
    %sign3A_206 = vector.broadcast %sign3A_205 : i32 to vector<1x8192xi32>
    %sign3A_207 = arith.cmpi slt, %get3A_197, %sign3A_206 : vector<1x8192xi32>
    %sign3A_208 = arith.extui %sign3A_207 : vector<1x8192xi1> to vector<1x8192xi32>
    %sign3A_209 = arith.subi %sign3A_204, %sign3A_208 : vector<1x8192xi32>
    %sign3A_210 = arith.constant 0 : i32
    %sign3A_211 = arith.cmpi sgt, %jit3A_198, %sign3A_210 : i32
    %sign3A_212 = arith.extui %sign3A_211 : i1 to i32
    %sign3A_213 = arith.constant 0 : i32
    %sign3A_214 = arith.cmpi slt, %jit3A_198, %sign3A_213 : i32
    %sign3A_215 = arith.extui %sign3A_214 : i1 to i32
    %sign3A_216 = arith.subi %sign3A_212, %sign3A_215 : i32
    %ne3A_217 = vector.broadcast %sign3A_216 : i32 to vector<1x8192xi32>
    %ne3A_218 = arith.cmpi ne, %sign3A_209, %ne3A_217 : vector<1x8192xi32>
    %rem3A_219 = vector.broadcast %jit3A_198 : i32 to vector<1x8192xi32>
    %rem3A_220 = arith.remsi %get3A_197, %rem3A_219 : vector<1x8192xi32>
    %ne3A_221 = arith.constant 0 : i32
    %ne3A_222 = vector.broadcast %ne3A_221 : i32 to vector<1x8192xi32>
    %ne3A_223 = arith.cmpi ne, %rem3A_220, %ne3A_222 : vector<1x8192xi32>
    %and3A_224 = arith.andi %ne3A_218, %ne3A_223 : vector<1x8192xi1>
    %sub3A_225 = arith.constant 1 : i32
    %sub3A_226 = vector.broadcast %sub3A_225 : i32 to vector<1x8192xi32>
    %sub3A_227 = arith.subi %div3A_200, %sub3A_226 : vector<1x8192xi32>
    %select_n3A_228 = arith.select %and3A_224, %sub3A_227, %div3A_200 : vector<1x8192xi1>, vector<1x8192xi32>
    %eq3A_229 = vector.broadcast %select_n3A_228 : vector<1x8192xi32> to vector<32x8192xi32>
    %eq3A_230 = arith.cmpi eq, %eq3A_229, %iota3A : vector<32x8192xi32>
    %convert_element_type3A_231 = arith.extui %eq3A_230 : vector<32x8192xi1> to vector<32x8192xi32>
    %convert_element_type3A_232 = arith.sitofp %convert_element_type3A_231 : vector<32x8192xi32> to vector<32x8192xf32>
    %convert_element_type3A_233 = arith.truncf %convert_element_type3A_232 : vector<32x8192xf32> to vector<32x8192xbf16>
    %jit3A_234 = arith.constant 128 : i32
    %eq3A_235 = arith.constant 0 : i32
    %eq3A_236 = arith.cmpi eq, %jit3A_234, %eq3A_235 : i32
    %jit3A_237 = arith.constant 1 : i32
    %select_n3A_238 = arith.select %eq3A_236, %jit3A_237, %jit3A_234 : i32
    %rem3A_239 = vector.broadcast %select_n3A_238 : i32 to vector<1x8192xi32>
    %rem3A_240 = arith.remsi %get3A_197, %rem3A_239 : vector<1x8192xi32>
    %ne3A_241 = arith.constant 0 : i32
    %ne3A_242 = vector.broadcast %ne3A_241 : i32 to vector<1x8192xi32>
    %ne3A_243 = arith.cmpi ne, %rem3A_240, %ne3A_242 : vector<1x8192xi32>
    %lt3A_244 = arith.constant 0 : i32
    %lt3A_245 = vector.broadcast %lt3A_244 : i32 to vector<1x8192xi32>
    %lt3A_246 = arith.cmpi slt, %rem3A_240, %lt3A_245 : vector<1x8192xi32>
    %lt3A_247 = arith.constant 0 : i32
    %lt3A_248 = arith.cmpi slt, %select_n3A_238, %lt3A_247 : i32
    %ne3A_249 = vector.broadcast %lt3A_248 : i1 to vector<1x8192xi1>
    %ne3A_250 = vector.broadcast %ne3A_249 : vector<1x8192xi1> to vector<1x8192xi1>
    %ne3A_251 = arith.xori %lt3A_246, %ne3A_250 : vector<1x8192xi1>
    %and3A_252 = arith.andi %ne3A_251, %ne3A_243 : vector<1x8192xi1>
    %add3A_253 = vector.broadcast %select_n3A_238 : i32 to vector<1x8192xi32>
    %add3A_254 = arith.addi %rem3A_240, %add3A_253 : vector<1x8192xi32>
    %select_n3A_255 = arith.select %and3A_252, %add3A_254, %rem3A_240 : vector<1x8192xi1>, vector<1x8192xi32>
    %eq3A_256 = vector.broadcast %select_n3A_255 : vector<1x8192xi32> to vector<128x8192xi32>
    %eq3A_257 = arith.cmpi eq, %eq3A_256, %iota3A_0 : vector<128x8192xi32>
    %convert_element_type3A_258 = arith.extui %eq3A_257 : vector<128x8192xi1> to vector<128x8192xi32>
    %convert_element_type3A_259 = arith.sitofp %convert_element_type3A_258 : vector<128x8192xi32> to vector<128x8192xf32>
    %convert_element_type3A_260 = arith.truncf %convert_element_type3A_259 : vector<128x8192xf32> to vector<128x8192xbf16>
    %dot_general3A_261 = arith.constant dense<0.000000e+00> : vector<128x32xf32>
    %dot_general3A_262 = tpu.matmul %convert_element_type3A_260, %convert_element_type3A_233, %dot_general3A_261 {dimension_numbers = #tpu.dot_dimension_numbers<[1], [1], [0], [0], [0, 0, 1, 0], [], []>, transpose_lhs_hint = false} : vector<128x8192xbf16>, vector<32x8192xbf16>, vector<128x32xf32> -> vector<128x32xf32>
    %add3A_263 = arith.addf %add3A_194, %dot_general3A_262 : vector<128x32xf32>
    %get3A_264 = arith.constant 0 : index
    %get3A_265 = arith.constant 32768 : index
    %get3A_266 = vector.load %arg0[%get3A_264, %get3A_265] : memref<1x65536xi32, #tpu.memory_space<vmem>>, vector<1x8192xi32>
    %jit3A_267 = arith.constant 128 : i32
    %div3A_268 = vector.broadcast %jit3A_267 : i32 to vector<1x8192xi32>
    %div3A_269 = arith.divsi %get3A_266, %div3A_268 : vector<1x8192xi32>
    %sign3A_270 = arith.constant 0 : i32
    %sign3A_271 = vector.broadcast %sign3A_270 : i32 to vector<1x8192xi32>
    %sign3A_272 = arith.cmpi sgt, %get3A_266, %sign3A_271 : vector<1x8192xi32>
    %sign3A_273 = arith.extui %sign3A_272 : vector<1x8192xi1> to vector<1x8192xi32>
    %sign3A_274 = arith.constant 0 : i32
    %sign3A_275 = vector.broadcast %sign3A_274 : i32 to vector<1x8192xi32>
    %sign3A_276 = arith.cmpi slt, %get3A_266, %sign3A_275 : vector<1x8192xi32>
    %sign3A_277 = arith.extui %sign3A_276 : vector<1x8192xi1> to vector<1x8192xi32>
    %sign3A_278 = arith.subi %sign3A_273, %sign3A_277 : vector<1x8192xi32>
    %sign3A_279 = arith.constant 0 : i32
    %sign3A_280 = arith.cmpi sgt, %jit3A_267, %sign3A_279 : i32
    %sign3A_281 = arith.extui %sign3A_280 : i1 to i32
    %sign3A_282 = arith.constant 0 : i32
    %sign3A_283 = arith.cmpi slt, %jit3A_267, %sign3A_282 : i32
    %sign3A_284 = arith.extui %sign3A_283 : i1 to i32
    %sign3A_285 = arith.subi %sign3A_281, %sign3A_284 : i32
    %ne3A_286 = vector.broadcast %sign3A_285 : i32 to vector<1x8192xi32>
    %ne3A_287 = arith.cmpi ne, %sign3A_278, %ne3A_286 : vector<1x8192xi32>
    %rem3A_288 = vector.broadcast %jit3A_267 : i32 to vector<1x8192xi32>
    %rem3A_289 = arith.remsi %get3A_266, %rem3A_288 : vector<1x8192xi32>
    %ne3A_290 = arith.constant 0 : i32
    %ne3A_291 = vector.broadcast %ne3A_290 : i32 to vector<1x8192xi32>
    %ne3A_292 = arith.cmpi ne, %rem3A_289, %ne3A_291 : vector<1x8192xi32>
    %and3A_293 = arith.andi %ne3A_287, %ne3A_292 : vector<1x8192xi1>
    %sub3A_294 = arith.constant 1 : i32
    %sub3A_295 = vector.broadcast %sub3A_294 : i32 to vector<1x8192xi32>
    %sub3A_296 = arith.subi %div3A_269, %sub3A_295 : vector<1x8192xi32>
    %select_n3A_297 = arith.select %and3A_293, %sub3A_296, %div3A_269 : vector<1x8192xi1>, vector<1x8192xi32>
    %eq3A_298 = vector.broadcast %select_n3A_297 : vector<1x8192xi32> to vector<32x8192xi32>
    %eq3A_299 = arith.cmpi eq, %eq3A_298, %iota3A : vector<32x8192xi32>
    %convert_element_type3A_300 = arith.extui %eq3A_299 : vector<32x8192xi1> to vector<32x8192xi32>
    %convert_element_type3A_301 = arith.sitofp %convert_element_type3A_300 : vector<32x8192xi32> to vector<32x8192xf32>
    %convert_element_type3A_302 = arith.truncf %convert_element_type3A_301 : vector<32x8192xf32> to vector<32x8192xbf16>
    %jit3A_303 = arith.constant 128 : i32
    %eq3A_304 = arith.constant 0 : i32
    %eq3A_305 = arith.cmpi eq, %jit3A_303, %eq3A_304 : i32
    %jit3A_306 = arith.constant 1 : i32
    %select_n3A_307 = arith.select %eq3A_305, %jit3A_306, %jit3A_303 : i32
    %rem3A_308 = vector.broadcast %select_n3A_307 : i32 to vector<1x8192xi32>
    %rem3A_309 = arith.remsi %get3A_266, %rem3A_308 : vector<1x8192xi32>
    %ne3A_310 = arith.constant 0 : i32
    %ne3A_311 = vector.broadcast %ne3A_310 : i32 to vector<1x8192xi32>
    %ne3A_312 = arith.cmpi ne, %rem3A_309, %ne3A_311 : vector<1x8192xi32>
    %lt3A_313 = arith.constant 0 : i32
    %lt3A_314 = vector.broadcast %lt3A_313 : i32 to vector<1x8192xi32>
    %lt3A_315 = arith.cmpi slt, %rem3A_309, %lt3A_314 : vector<1x8192xi32>
    %lt3A_316 = arith.constant 0 : i32
    %lt3A_317 = arith.cmpi slt, %select_n3A_307, %lt3A_316 : i32
    %ne3A_318 = vector.broadcast %lt3A_317 : i1 to vector<1x8192xi1>
    %ne3A_319 = vector.broadcast %ne3A_318 : vector<1x8192xi1> to vector<1x8192xi1>
    %ne3A_320 = arith.xori %lt3A_315, %ne3A_319 : vector<1x8192xi1>
    %and3A_321 = arith.andi %ne3A_320, %ne3A_312 : vector<1x8192xi1>
    %add3A_322 = vector.broadcast %select_n3A_307 : i32 to vector<1x8192xi32>
    %add3A_323 = arith.addi %rem3A_309, %add3A_322 : vector<1x8192xi32>
    %select_n3A_324 = arith.select %and3A_321, %add3A_323, %rem3A_309 : vector<1x8192xi1>, vector<1x8192xi32>
    %eq3A_325 = vector.broadcast %select_n3A_324 : vector<1x8192xi32> to vector<128x8192xi32>
    %eq3A_326 = arith.cmpi eq, %eq3A_325, %iota3A_0 : vector<128x8192xi32>
    %convert_element_type3A_327 = arith.extui %eq3A_326 : vector<128x8192xi1> to vector<128x8192xi32>
    %convert_element_type3A_328 = arith.sitofp %convert_element_type3A_327 : vector<128x8192xi32> to vector<128x8192xf32>
    %convert_element_type3A_329 = arith.truncf %convert_element_type3A_328 : vector<128x8192xf32> to vector<128x8192xbf16>
    %dot_general3A_330 = arith.constant dense<0.000000e+00> : vector<128x32xf32>
    %dot_general3A_331 = tpu.matmul %convert_element_type3A_329, %convert_element_type3A_302, %dot_general3A_330 {dimension_numbers = #tpu.dot_dimension_numbers<[1], [1], [0], [0], [0, 0, 1, 0], [], []>, transpose_lhs_hint = false} : vector<128x8192xbf16>, vector<32x8192xbf16>, vector<128x32xf32> -> vector<128x32xf32>
    %add3A_332 = arith.addf %add3A_263, %dot_general3A_331 : vector<128x32xf32>
    %get3A_333 = arith.constant 0 : index
    %get3A_334 = arith.constant 40960 : index
    %get3A_335 = vector.load %arg0[%get3A_333, %get3A_334] : memref<1x65536xi32, #tpu.memory_space<vmem>>, vector<1x8192xi32>
    %jit3A_336 = arith.constant 128 : i32
    %div3A_337 = vector.broadcast %jit3A_336 : i32 to vector<1x8192xi32>
    %div3A_338 = arith.divsi %get3A_335, %div3A_337 : vector<1x8192xi32>
    %sign3A_339 = arith.constant 0 : i32
    %sign3A_340 = vector.broadcast %sign3A_339 : i32 to vector<1x8192xi32>
    %sign3A_341 = arith.cmpi sgt, %get3A_335, %sign3A_340 : vector<1x8192xi32>
    %sign3A_342 = arith.extui %sign3A_341 : vector<1x8192xi1> to vector<1x8192xi32>
    %sign3A_343 = arith.constant 0 : i32
    %sign3A_344 = vector.broadcast %sign3A_343 : i32 to vector<1x8192xi32>
    %sign3A_345 = arith.cmpi slt, %get3A_335, %sign3A_344 : vector<1x8192xi32>
    %sign3A_346 = arith.extui %sign3A_345 : vector<1x8192xi1> to vector<1x8192xi32>
    %sign3A_347 = arith.subi %sign3A_342, %sign3A_346 : vector<1x8192xi32>
    %sign3A_348 = arith.constant 0 : i32
    %sign3A_349 = arith.cmpi sgt, %jit3A_336, %sign3A_348 : i32
    %sign3A_350 = arith.extui %sign3A_349 : i1 to i32
    %sign3A_351 = arith.constant 0 : i32
    %sign3A_352 = arith.cmpi slt, %jit3A_336, %sign3A_351 : i32
    %sign3A_353 = arith.extui %sign3A_352 : i1 to i32
    %sign3A_354 = arith.subi %sign3A_350, %sign3A_353 : i32
    %ne3A_355 = vector.broadcast %sign3A_354 : i32 to vector<1x8192xi32>
    %ne3A_356 = arith.cmpi ne, %sign3A_347, %ne3A_355 : vector<1x8192xi32>
    %rem3A_357 = vector.broadcast %jit3A_336 : i32 to vector<1x8192xi32>
    %rem3A_358 = arith.remsi %get3A_335, %rem3A_357 : vector<1x8192xi32>
    %ne3A_359 = arith.constant 0 : i32
    %ne3A_360 = vector.broadcast %ne3A_359 : i32 to vector<1x8192xi32>
    %ne3A_361 = arith.cmpi ne, %rem3A_358, %ne3A_360 : vector<1x8192xi32>
    %and3A_362 = arith.andi %ne3A_356, %ne3A_361 : vector<1x8192xi1>
    %sub3A_363 = arith.constant 1 : i32
    %sub3A_364 = vector.broadcast %sub3A_363 : i32 to vector<1x8192xi32>
    %sub3A_365 = arith.subi %div3A_338, %sub3A_364 : vector<1x8192xi32>
    %select_n3A_366 = arith.select %and3A_362, %sub3A_365, %div3A_338 : vector<1x8192xi1>, vector<1x8192xi32>
    %eq3A_367 = vector.broadcast %select_n3A_366 : vector<1x8192xi32> to vector<32x8192xi32>
    %eq3A_368 = arith.cmpi eq, %eq3A_367, %iota3A : vector<32x8192xi32>
    %convert_element_type3A_369 = arith.extui %eq3A_368 : vector<32x8192xi1> to vector<32x8192xi32>
    %convert_element_type3A_370 = arith.sitofp %convert_element_type3A_369 : vector<32x8192xi32> to vector<32x8192xf32>
    %convert_element_type3A_371 = arith.truncf %convert_element_type3A_370 : vector<32x8192xf32> to vector<32x8192xbf16>
    %jit3A_372 = arith.constant 128 : i32
    %eq3A_373 = arith.constant 0 : i32
    %eq3A_374 = arith.cmpi eq, %jit3A_372, %eq3A_373 : i32
    %jit3A_375 = arith.constant 1 : i32
    %select_n3A_376 = arith.select %eq3A_374, %jit3A_375, %jit3A_372 : i32
    %rem3A_377 = vector.broadcast %select_n3A_376 : i32 to vector<1x8192xi32>
    %rem3A_378 = arith.remsi %get3A_335, %rem3A_377 : vector<1x8192xi32>
    %ne3A_379 = arith.constant 0 : i32
    %ne3A_380 = vector.broadcast %ne3A_379 : i32 to vector<1x8192xi32>
    %ne3A_381 = arith.cmpi ne, %rem3A_378, %ne3A_380 : vector<1x8192xi32>
    %lt3A_382 = arith.constant 0 : i32
    %lt3A_383 = vector.broadcast %lt3A_382 : i32 to vector<1x8192xi32>
    %lt3A_384 = arith.cmpi slt, %rem3A_378, %lt3A_383 : vector<1x8192xi32>
    %lt3A_385 = arith.constant 0 : i32
    %lt3A_386 = arith.cmpi slt, %select_n3A_376, %lt3A_385 : i32
    %ne3A_387 = vector.broadcast %lt3A_386 : i1 to vector<1x8192xi1>
    %ne3A_388 = vector.broadcast %ne3A_387 : vector<1x8192xi1> to vector<1x8192xi1>
    %ne3A_389 = arith.xori %lt3A_384, %ne3A_388 : vector<1x8192xi1>
    %and3A_390 = arith.andi %ne3A_389, %ne3A_381 : vector<1x8192xi1>
    %add3A_391 = vector.broadcast %select_n3A_376 : i32 to vector<1x8192xi32>
    %add3A_392 = arith.addi %rem3A_378, %add3A_391 : vector<1x8192xi32>
    %select_n3A_393 = arith.select %and3A_390, %add3A_392, %rem3A_378 : vector<1x8192xi1>, vector<1x8192xi32>
    %eq3A_394 = vector.broadcast %select_n3A_393 : vector<1x8192xi32> to vector<128x8192xi32>
    %eq3A_395 = arith.cmpi eq, %eq3A_394, %iota3A_0 : vector<128x8192xi32>
    %convert_element_type3A_396 = arith.extui %eq3A_395 : vector<128x8192xi1> to vector<128x8192xi32>
    %convert_element_type3A_397 = arith.sitofp %convert_element_type3A_396 : vector<128x8192xi32> to vector<128x8192xf32>
    %convert_element_type3A_398 = arith.truncf %convert_element_type3A_397 : vector<128x8192xf32> to vector<128x8192xbf16>
    %dot_general3A_399 = arith.constant dense<0.000000e+00> : vector<128x32xf32>
    %dot_general3A_400 = tpu.matmul %convert_element_type3A_398, %convert_element_type3A_371, %dot_general3A_399 {dimension_numbers = #tpu.dot_dimension_numbers<[1], [1], [0], [0], [0, 0, 1, 0], [], []>, transpose_lhs_hint = false} : vector<128x8192xbf16>, vector<32x8192xbf16>, vector<128x32xf32> -> vector<128x32xf32>
    %add3A_401 = arith.addf %add3A_332, %dot_general3A_400 : vector<128x32xf32>
    %get3A_402 = arith.constant 0 : index
    %get3A_403 = arith.constant 49152 : index
    %get3A_404 = vector.load %arg0[%get3A_402, %get3A_403] : memref<1x65536xi32, #tpu.memory_space<vmem>>, vector<1x8192xi32>
    %jit3A_405 = arith.constant 128 : i32
    %div3A_406 = vector.broadcast %jit3A_405 : i32 to vector<1x8192xi32>
    %div3A_407 = arith.divsi %get3A_404, %div3A_406 : vector<1x8192xi32>
    %sign3A_408 = arith.constant 0 : i32
    %sign3A_409 = vector.broadcast %sign3A_408 : i32 to vector<1x8192xi32>
    %sign3A_410 = arith.cmpi sgt, %get3A_404, %sign3A_409 : vector<1x8192xi32>
    %sign3A_411 = arith.extui %sign3A_410 : vector<1x8192xi1> to vector<1x8192xi32>
    %sign3A_412 = arith.constant 0 : i32
    %sign3A_413 = vector.broadcast %sign3A_412 : i32 to vector<1x8192xi32>
    %sign3A_414 = arith.cmpi slt, %get3A_404, %sign3A_413 : vector<1x8192xi32>
    %sign3A_415 = arith.extui %sign3A_414 : vector<1x8192xi1> to vector<1x8192xi32>
    %sign3A_416 = arith.subi %sign3A_411, %sign3A_415 : vector<1x8192xi32>
    %sign3A_417 = arith.constant 0 : i32
    %sign3A_418 = arith.cmpi sgt, %jit3A_405, %sign3A_417 : i32
    %sign3A_419 = arith.extui %sign3A_418 : i1 to i32
    %sign3A_420 = arith.constant 0 : i32
    %sign3A_421 = arith.cmpi slt, %jit3A_405, %sign3A_420 : i32
    %sign3A_422 = arith.extui %sign3A_421 : i1 to i32
    %sign3A_423 = arith.subi %sign3A_419, %sign3A_422 : i32
    %ne3A_424 = vector.broadcast %sign3A_423 : i32 to vector<1x8192xi32>
    %ne3A_425 = arith.cmpi ne, %sign3A_416, %ne3A_424 : vector<1x8192xi32>
    %rem3A_426 = vector.broadcast %jit3A_405 : i32 to vector<1x8192xi32>
    %rem3A_427 = arith.remsi %get3A_404, %rem3A_426 : vector<1x8192xi32>
    %ne3A_428 = arith.constant 0 : i32
    %ne3A_429 = vector.broadcast %ne3A_428 : i32 to vector<1x8192xi32>
    %ne3A_430 = arith.cmpi ne, %rem3A_427, %ne3A_429 : vector<1x8192xi32>
    %and3A_431 = arith.andi %ne3A_425, %ne3A_430 : vector<1x8192xi1>
    %sub3A_432 = arith.constant 1 : i32
    %sub3A_433 = vector.broadcast %sub3A_432 : i32 to vector<1x8192xi32>
    %sub3A_434 = arith.subi %div3A_407, %sub3A_433 : vector<1x8192xi32>
    %select_n3A_435 = arith.select %and3A_431, %sub3A_434, %div3A_407 : vector<1x8192xi1>, vector<1x8192xi32>
    %eq3A_436 = vector.broadcast %select_n3A_435 : vector<1x8192xi32> to vector<32x8192xi32>
    %eq3A_437 = arith.cmpi eq, %eq3A_436, %iota3A : vector<32x8192xi32>
    %convert_element_type3A_438 = arith.extui %eq3A_437 : vector<32x8192xi1> to vector<32x8192xi32>
    %convert_element_type3A_439 = arith.sitofp %convert_element_type3A_438 : vector<32x8192xi32> to vector<32x8192xf32>
    %convert_element_type3A_440 = arith.truncf %convert_element_type3A_439 : vector<32x8192xf32> to vector<32x8192xbf16>
    %jit3A_441 = arith.constant 128 : i32
    %eq3A_442 = arith.constant 0 : i32
    %eq3A_443 = arith.cmpi eq, %jit3A_441, %eq3A_442 : i32
    %jit3A_444 = arith.constant 1 : i32
    %select_n3A_445 = arith.select %eq3A_443, %jit3A_444, %jit3A_441 : i32
    %rem3A_446 = vector.broadcast %select_n3A_445 : i32 to vector<1x8192xi32>
    %rem3A_447 = arith.remsi %get3A_404, %rem3A_446 : vector<1x8192xi32>
    %ne3A_448 = arith.constant 0 : i32
    %ne3A_449 = vector.broadcast %ne3A_448 : i32 to vector<1x8192xi32>
    %ne3A_450 = arith.cmpi ne, %rem3A_447, %ne3A_449 : vector<1x8192xi32>
    %lt3A_451 = arith.constant 0 : i32
    %lt3A_452 = vector.broadcast %lt3A_451 : i32 to vector<1x8192xi32>
    %lt3A_453 = arith.cmpi slt, %rem3A_447, %lt3A_452 : vector<1x8192xi32>
    %lt3A_454 = arith.constant 0 : i32
    %lt3A_455 = arith.cmpi slt, %select_n3A_445, %lt3A_454 : i32
    %ne3A_456 = vector.broadcast %lt3A_455 : i1 to vector<1x8192xi1>
    %ne3A_457 = vector.broadcast %ne3A_456 : vector<1x8192xi1> to vector<1x8192xi1>
    %ne3A_458 = arith.xori %lt3A_453, %ne3A_457 : vector<1x8192xi1>
    %and3A_459 = arith.andi %ne3A_458, %ne3A_450 : vector<1x8192xi1>
    %add3A_460 = vector.broadcast %select_n3A_445 : i32 to vector<1x8192xi32>
    %add3A_461 = arith.addi %rem3A_447, %add3A_460 : vector<1x8192xi32>
    %select_n3A_462 = arith.select %and3A_459, %add3A_461, %rem3A_447 : vector<1x8192xi1>, vector<1x8192xi32>
    %eq3A_463 = vector.broadcast %select_n3A_462 : vector<1x8192xi32> to vector<128x8192xi32>
    %eq3A_464 = arith.cmpi eq, %eq3A_463, %iota3A_0 : vector<128x8192xi32>
    %convert_element_type3A_465 = arith.extui %eq3A_464 : vector<128x8192xi1> to vector<128x8192xi32>
    %convert_element_type3A_466 = arith.sitofp %convert_element_type3A_465 : vector<128x8192xi32> to vector<128x8192xf32>
    %convert_element_type3A_467 = arith.truncf %convert_element_type3A_466 : vector<128x8192xf32> to vector<128x8192xbf16>
    %dot_general3A_468 = arith.constant dense<0.000000e+00> : vector<128x32xf32>
    %dot_general3A_469 = tpu.matmul %convert_element_type3A_467, %convert_element_type3A_440, %dot_general3A_468 {dimension_numbers = #tpu.dot_dimension_numbers<[1], [1], [0], [0], [0, 0, 1, 0], [], []>, transpose_lhs_hint = false} : vector<128x8192xbf16>, vector<32x8192xbf16>, vector<128x32xf32> -> vector<128x32xf32>
    %add3A_470 = arith.addf %add3A_401, %dot_general3A_469 : vector<128x32xf32>
    %get3A_471 = arith.constant 0 : index
    %get3A_472 = arith.constant 57344 : index
    %get3A_473 = vector.load %arg0[%get3A_471, %get3A_472] : memref<1x65536xi32, #tpu.memory_space<vmem>>, vector<1x8192xi32>
    %jit3A_474 = arith.constant 128 : i32
    %div3A_475 = vector.broadcast %jit3A_474 : i32 to vector<1x8192xi32>
    %div3A_476 = arith.divsi %get3A_473, %div3A_475 : vector<1x8192xi32>
    %sign3A_477 = arith.constant 0 : i32
    %sign3A_478 = vector.broadcast %sign3A_477 : i32 to vector<1x8192xi32>
    %sign3A_479 = arith.cmpi sgt, %get3A_473, %sign3A_478 : vector<1x8192xi32>
    %sign3A_480 = arith.extui %sign3A_479 : vector<1x8192xi1> to vector<1x8192xi32>
    %sign3A_481 = arith.constant 0 : i32
    %sign3A_482 = vector.broadcast %sign3A_481 : i32 to vector<1x8192xi32>
    %sign3A_483 = arith.cmpi slt, %get3A_473, %sign3A_482 : vector<1x8192xi32>
    %sign3A_484 = arith.extui %sign3A_483 : vector<1x8192xi1> to vector<1x8192xi32>
    %sign3A_485 = arith.subi %sign3A_480, %sign3A_484 : vector<1x8192xi32>
    %sign3A_486 = arith.constant 0 : i32
    %sign3A_487 = arith.cmpi sgt, %jit3A_474, %sign3A_486 : i32
    %sign3A_488 = arith.extui %sign3A_487 : i1 to i32
    %sign3A_489 = arith.constant 0 : i32
    %sign3A_490 = arith.cmpi slt, %jit3A_474, %sign3A_489 : i32
    %sign3A_491 = arith.extui %sign3A_490 : i1 to i32
    %sign3A_492 = arith.subi %sign3A_488, %sign3A_491 : i32
    %ne3A_493 = vector.broadcast %sign3A_492 : i32 to vector<1x8192xi32>
    %ne3A_494 = arith.cmpi ne, %sign3A_485, %ne3A_493 : vector<1x8192xi32>
    %rem3A_495 = vector.broadcast %jit3A_474 : i32 to vector<1x8192xi32>
    %rem3A_496 = arith.remsi %get3A_473, %rem3A_495 : vector<1x8192xi32>
    %ne3A_497 = arith.constant 0 : i32
    %ne3A_498 = vector.broadcast %ne3A_497 : i32 to vector<1x8192xi32>
    %ne3A_499 = arith.cmpi ne, %rem3A_496, %ne3A_498 : vector<1x8192xi32>
    %and3A_500 = arith.andi %ne3A_494, %ne3A_499 : vector<1x8192xi1>
    %sub3A_501 = arith.constant 1 : i32
    %sub3A_502 = vector.broadcast %sub3A_501 : i32 to vector<1x8192xi32>
    %sub3A_503 = arith.subi %div3A_476, %sub3A_502 : vector<1x8192xi32>
    %select_n3A_504 = arith.select %and3A_500, %sub3A_503, %div3A_476 : vector<1x8192xi1>, vector<1x8192xi32>
    %eq3A_505 = vector.broadcast %select_n3A_504 : vector<1x8192xi32> to vector<32x8192xi32>
    %eq3A_506 = arith.cmpi eq, %eq3A_505, %iota3A : vector<32x8192xi32>
    %convert_element_type3A_507 = arith.extui %eq3A_506 : vector<32x8192xi1> to vector<32x8192xi32>
    %convert_element_type3A_508 = arith.sitofp %convert_element_type3A_507 : vector<32x8192xi32> to vector<32x8192xf32>
    %convert_element_type3A_509 = arith.truncf %convert_element_type3A_508 : vector<32x8192xf32> to vector<32x8192xbf16>
    %jit3A_510 = arith.constant 128 : i32
    %eq3A_511 = arith.constant 0 : i32
    %eq3A_512 = arith.cmpi eq, %jit3A_510, %eq3A_511 : i32
    %jit3A_513 = arith.constant 1 : i32
    %select_n3A_514 = arith.select %eq3A_512, %jit3A_513, %jit3A_510 : i32
    %rem3A_515 = vector.broadcast %select_n3A_514 : i32 to vector<1x8192xi32>
    %rem3A_516 = arith.remsi %get3A_473, %rem3A_515 : vector<1x8192xi32>
    %ne3A_517 = arith.constant 0 : i32
    %ne3A_518 = vector.broadcast %ne3A_517 : i32 to vector<1x8192xi32>
    %ne3A_519 = arith.cmpi ne, %rem3A_516, %ne3A_518 : vector<1x8192xi32>
    %lt3A_520 = arith.constant 0 : i32
    %lt3A_521 = vector.broadcast %lt3A_520 : i32 to vector<1x8192xi32>
    %lt3A_522 = arith.cmpi slt, %rem3A_516, %lt3A_521 : vector<1x8192xi32>
    %lt3A_523 = arith.constant 0 : i32
    %lt3A_524 = arith.cmpi slt, %select_n3A_514, %lt3A_523 : i32
    %ne3A_525 = vector.broadcast %lt3A_524 : i1 to vector<1x8192xi1>
    %ne3A_526 = vector.broadcast %ne3A_525 : vector<1x8192xi1> to vector<1x8192xi1>
    %ne3A_527 = arith.xori %lt3A_522, %ne3A_526 : vector<1x8192xi1>
    %and3A_528 = arith.andi %ne3A_527, %ne3A_519 : vector<1x8192xi1>
    %add3A_529 = vector.broadcast %select_n3A_514 : i32 to vector<1x8192xi32>
    %add3A_530 = arith.addi %rem3A_516, %add3A_529 : vector<1x8192xi32>
    %select_n3A_531 = arith.select %and3A_528, %add3A_530, %rem3A_516 : vector<1x8192xi1>, vector<1x8192xi32>
    %eq3A_532 = vector.broadcast %select_n3A_531 : vector<1x8192xi32> to vector<128x8192xi32>
    %eq3A_533 = arith.cmpi eq, %eq3A_532, %iota3A_0 : vector<128x8192xi32>
    %convert_element_type3A_534 = arith.extui %eq3A_533 : vector<128x8192xi1> to vector<128x8192xi32>
    %convert_element_type3A_535 = arith.sitofp %convert_element_type3A_534 : vector<128x8192xi32> to vector<128x8192xf32>
    %convert_element_type3A_536 = arith.truncf %convert_element_type3A_535 : vector<128x8192xf32> to vector<128x8192xbf16>
    %dot_general3A_537 = arith.constant dense<0.000000e+00> : vector<128x32xf32>
    %dot_general3A_538 = tpu.matmul %convert_element_type3A_536, %convert_element_type3A_509, %dot_general3A_537 {dimension_numbers = #tpu.dot_dimension_numbers<[1], [1], [0], [0], [0, 0, 1, 0], [], []>, transpose_lhs_hint = false} : vector<128x8192xbf16>, vector<32x8192xbf16>, vector<128x32xf32> -> vector<128x32xf32>
    %add3A_539 = arith.addf %add3A_470, %dot_general3A_538 : vector<128x32xf32>
    %transpose3A = tpu.transpose %add3A_539, [1, 0] : vector<128x32xf32> -> vector<32x128xf32>
    %get3A_540 = arith.constant 0 : index
    %get3A_541 = arith.constant 0 : index
    %get3A_542 = vector.load %arg1[%get3A_540, %get3A_541] : memref<32x128xi32, #tpu.memory_space<vmem>>, vector<32x128xi32>
    %broadcast_in_dim3A_543 = arith.constant 0.000000e+00 : f32
    %broadcast_in_dim3A_544 = vector.broadcast %broadcast_in_dim3A_543 : f32 to vector<32x128xf32>
    %eq3A_545 = arith.constant 0 : i32
    %eq3A_546 = vector.broadcast %eq3A_545 : i32 to vector<32x128xi32>
    %eq3A_547 = arith.cmpi eq, %get3A_542, %eq3A_546 : vector<32x128xi32>
    %convert_element_type3A_548 = arith.extui %eq3A_547 : vector<32x128xi1> to vector<32x128xi32>
    %convert_element_type3A_549 = arith.sitofp %convert_element_type3A_548 : vector<32x128xi32> to vector<32x128xf32>
    %reduce_sum3A = vector.shape_cast %convert_element_type3A_549 : vector<32x128xf32> to vector<1x32x128xf32>
    %reduce_sum3A_550 = arith.constant dense<0.000000e+00> : vector<1xf32>
    %reduce_sum3A_551 = vector.multi_reduction <add>, %reduce_sum3A, %reduce_sum3A_550 [1, 2] : vector<1x32x128xf32> to vector<1xf32>
    %reduce_sum3A_552 = vector.shape_cast %reduce_sum3A_551 : vector<1xf32> to vector<1x1x1xf32>
    %reduce_sum3A_553 = vector.extract %reduce_sum3A_552[0, 0, 0] : f32 from vector<1x1x1xf32>
    %jit3A_554 = arith.constant 0.000000e+00 : f32
    %broadcast_in_dim3A_555 = vector.broadcast %reduce_sum3A_553 : f32 to vector<32x128xf32>
    %broadcast_in_dim3A_556 = vector.broadcast %jit3A_554 : f32 to vector<32x128xf32>
    %select_n3A_557 = arith.select %eq3A_547, %broadcast_in_dim3A_555, %broadcast_in_dim3A_556 : vector<32x128xi1>, vector<32x128xf32>
    %add3A_558 = arith.addf %broadcast_in_dim3A_544, %select_n3A_557 : vector<32x128xf32>
    %eq3A_559 = arith.constant 1 : i32
    %eq3A_560 = vector.broadcast %eq3A_559 : i32 to vector<32x128xi32>
    %eq3A_561 = arith.cmpi eq, %get3A_542, %eq3A_560 : vector<32x128xi32>
    %convert_element_type3A_562 = arith.extui %eq3A_561 : vector<32x128xi1> to vector<32x128xi32>
    %convert_element_type3A_563 = arith.sitofp %convert_element_type3A_562 : vector<32x128xi32> to vector<32x128xf32>
    %reduce_sum3A_564 = vector.shape_cast %convert_element_type3A_563 : vector<32x128xf32> to vector<1x32x128xf32>
    %reduce_sum3A_565 = arith.constant dense<0.000000e+00> : vector<1xf32>
    %reduce_sum3A_566 = vector.multi_reduction <add>, %reduce_sum3A_564, %reduce_sum3A_565 [1, 2] : vector<1x32x128xf32> to vector<1xf32>
    %reduce_sum3A_567 = vector.shape_cast %reduce_sum3A_566 : vector<1xf32> to vector<1x1x1xf32>
    %reduce_sum3A_568 = vector.extract %reduce_sum3A_567[0, 0, 0] : f32 from vector<1x1x1xf32>
    %jit3A_569 = arith.constant 0.000000e+00 : f32
    %broadcast_in_dim3A_570 = vector.broadcast %reduce_sum3A_568 : f32 to vector<32x128xf32>
    %broadcast_in_dim3A_571 = vector.broadcast %jit3A_569 : f32 to vector<32x128xf32>
    %select_n3A_572 = arith.select %eq3A_561, %broadcast_in_dim3A_570, %broadcast_in_dim3A_571 : vector<32x128xi1>, vector<32x128xf32>
    %add3A_573 = arith.addf %add3A_558, %select_n3A_572 : vector<32x128xf32>
    %eq3A_574 = arith.constant 2 : i32
    %eq3A_575 = vector.broadcast %eq3A_574 : i32 to vector<32x128xi32>
    %eq3A_576 = arith.cmpi eq, %get3A_542, %eq3A_575 : vector<32x128xi32>
    %convert_element_type3A_577 = arith.extui %eq3A_576 : vector<32x128xi1> to vector<32x128xi32>
    %convert_element_type3A_578 = arith.sitofp %convert_element_type3A_577 : vector<32x128xi32> to vector<32x128xf32>
    %reduce_sum3A_579 = vector.shape_cast %convert_element_type3A_578 : vector<32x128xf32> to vector<1x32x128xf32>
    %reduce_sum3A_580 = arith.constant dense<0.000000e+00> : vector<1xf32>
    %reduce_sum3A_581 = vector.multi_reduction <add>, %reduce_sum3A_579, %reduce_sum3A_580 [1, 2] : vector<1x32x128xf32> to vector<1xf32>
    %reduce_sum3A_582 = vector.shape_cast %reduce_sum3A_581 : vector<1xf32> to vector<1x1x1xf32>
    %reduce_sum3A_583 = vector.extract %reduce_sum3A_582[0, 0, 0] : f32 from vector<1x1x1xf32>
    %jit3A_584 = arith.constant 0.000000e+00 : f32
    %broadcast_in_dim3A_585 = vector.broadcast %reduce_sum3A_583 : f32 to vector<32x128xf32>
    %broadcast_in_dim3A_586 = vector.broadcast %jit3A_584 : f32 to vector<32x128xf32>
    %select_n3A_587 = arith.select %eq3A_576, %broadcast_in_dim3A_585, %broadcast_in_dim3A_586 : vector<32x128xi1>, vector<32x128xf32>
    %add3A_588 = arith.addf %add3A_573, %select_n3A_587 : vector<32x128xf32>
    %eq3A_589 = arith.constant 3 : i32
    %eq3A_590 = vector.broadcast %eq3A_589 : i32 to vector<32x128xi32>
    %eq3A_591 = arith.cmpi eq, %get3A_542, %eq3A_590 : vector<32x128xi32>
    %convert_element_type3A_592 = arith.extui %eq3A_591 : vector<32x128xi1> to vector<32x128xi32>
    %convert_element_type3A_593 = arith.sitofp %convert_element_type3A_592 : vector<32x128xi32> to vector<32x128xf32>
    %reduce_sum3A_594 = vector.shape_cast %convert_element_type3A_593 : vector<32x128xf32> to vector<1x32x128xf32>
    %reduce_sum3A_595 = arith.constant dense<0.000000e+00> : vector<1xf32>
    %reduce_sum3A_596 = vector.multi_reduction <add>, %reduce_sum3A_594, %reduce_sum3A_595 [1, 2] : vector<1x32x128xf32> to vector<1xf32>
    %reduce_sum3A_597 = vector.shape_cast %reduce_sum3A_596 : vector<1xf32> to vector<1x1x1xf32>
    %reduce_sum3A_598 = vector.extract %reduce_sum3A_597[0, 0, 0] : f32 from vector<1x1x1xf32>
    %jit3A_599 = arith.constant 0.000000e+00 : f32
    %broadcast_in_dim3A_600 = vector.broadcast %reduce_sum3A_598 : f32 to vector<32x128xf32>
    %broadcast_in_dim3A_601 = vector.broadcast %jit3A_599 : f32 to vector<32x128xf32>
    %select_n3A_602 = arith.select %eq3A_591, %broadcast_in_dim3A_600, %broadcast_in_dim3A_601 : vector<32x128xi1>, vector<32x128xf32>
    %add3A_603 = arith.addf %add3A_588, %select_n3A_602 : vector<32x128xf32>
    %eq3A_604 = arith.constant 4 : i32
    %eq3A_605 = vector.broadcast %eq3A_604 : i32 to vector<32x128xi32>
    %eq3A_606 = arith.cmpi eq, %get3A_542, %eq3A_605 : vector<32x128xi32>
    %convert_element_type3A_607 = arith.extui %eq3A_606 : vector<32x128xi1> to vector<32x128xi32>
    %convert_element_type3A_608 = arith.sitofp %convert_element_type3A_607 : vector<32x128xi32> to vector<32x128xf32>
    %reduce_sum3A_609 = vector.shape_cast %convert_element_type3A_608 : vector<32x128xf32> to vector<1x32x128xf32>
    %reduce_sum3A_610 = arith.constant dense<0.000000e+00> : vector<1xf32>
    %reduce_sum3A_611 = vector.multi_reduction <add>, %reduce_sum3A_609, %reduce_sum3A_610 [1, 2] : vector<1x32x128xf32> to vector<1xf32>
    %reduce_sum3A_612 = vector.shape_cast %reduce_sum3A_611 : vector<1xf32> to vector<1x1x1xf32>
    %reduce_sum3A_613 = vector.extract %reduce_sum3A_612[0, 0, 0] : f32 from vector<1x1x1xf32>
    %jit3A_614 = arith.constant 0.000000e+00 : f32
    %broadcast_in_dim3A_615 = vector.broadcast %reduce_sum3A_613 : f32 to vector<32x128xf32>
    %broadcast_in_dim3A_616 = vector.broadcast %jit3A_614 : f32 to vector<32x128xf32>
    %select_n3A_617 = arith.select %eq3A_606, %broadcast_in_dim3A_615, %broadcast_in_dim3A_616 : vector<32x128xi1>, vector<32x128xf32>
    %add3A_618 = arith.addf %add3A_603, %select_n3A_617 : vector<32x128xf32>
    %eq3A_619 = arith.constant 5 : i32
    %eq3A_620 = vector.broadcast %eq3A_619 : i32 to vector<32x128xi32>
    %eq3A_621 = arith.cmpi eq, %get3A_542, %eq3A_620 : vector<32x128xi32>
    %convert_element_type3A_622 = arith.extui %eq3A_621 : vector<32x128xi1> to vector<32x128xi32>
    %convert_element_type3A_623 = arith.sitofp %convert_element_type3A_622 : vector<32x128xi32> to vector<32x128xf32>
    %reduce_sum3A_624 = vector.shape_cast %convert_element_type3A_623 : vector<32x128xf32> to vector<1x32x128xf32>
    %reduce_sum3A_625 = arith.constant dense<0.000000e+00> : vector<1xf32>
    %reduce_sum3A_626 = vector.multi_reduction <add>, %reduce_sum3A_624, %reduce_sum3A_625 [1, 2] : vector<1x32x128xf32> to vector<1xf32>
    %reduce_sum3A_627 = vector.shape_cast %reduce_sum3A_626 : vector<1xf32> to vector<1x1x1xf32>
    %reduce_sum3A_628 = vector.extract %reduce_sum3A_627[0, 0, 0] : f32 from vector<1x1x1xf32>
    %jit3A_629 = arith.constant 0.000000e+00 : f32
    %broadcast_in_dim3A_630 = vector.broadcast %reduce_sum3A_628 : f32 to vector<32x128xf32>
    %broadcast_in_dim3A_631 = vector.broadcast %jit3A_629 : f32 to vector<32x128xf32>
    %select_n3A_632 = arith.select %eq3A_621, %broadcast_in_dim3A_630, %broadcast_in_dim3A_631 : vector<32x128xi1>, vector<32x128xf32>
    %add3A_633 = arith.addf %add3A_618, %select_n3A_632 : vector<32x128xf32>
    %eq3A_634 = arith.constant 6 : i32
    %eq3A_635 = vector.broadcast %eq3A_634 : i32 to vector<32x128xi32>
    %eq3A_636 = arith.cmpi eq, %get3A_542, %eq3A_635 : vector<32x128xi32>
    %convert_element_type3A_637 = arith.extui %eq3A_636 : vector<32x128xi1> to vector<32x128xi32>
    %convert_element_type3A_638 = arith.sitofp %convert_element_type3A_637 : vector<32x128xi32> to vector<32x128xf32>
    %reduce_sum3A_639 = vector.shape_cast %convert_element_type3A_638 : vector<32x128xf32> to vector<1x32x128xf32>
    %reduce_sum3A_640 = arith.constant dense<0.000000e+00> : vector<1xf32>
    %reduce_sum3A_641 = vector.multi_reduction <add>, %reduce_sum3A_639, %reduce_sum3A_640 [1, 2] : vector<1x32x128xf32> to vector<1xf32>
    %reduce_sum3A_642 = vector.shape_cast %reduce_sum3A_641 : vector<1xf32> to vector<1x1x1xf32>
    %reduce_sum3A_643 = vector.extract %reduce_sum3A_642[0, 0, 0] : f32 from vector<1x1x1xf32>
    %jit3A_644 = arith.constant 0.000000e+00 : f32
    %broadcast_in_dim3A_645 = vector.broadcast %reduce_sum3A_643 : f32 to vector<32x128xf32>
    %broadcast_in_dim3A_646 = vector.broadcast %jit3A_644 : f32 to vector<32x128xf32>
    %select_n3A_647 = arith.select %eq3A_636, %broadcast_in_dim3A_645, %broadcast_in_dim3A_646 : vector<32x128xi1>, vector<32x128xf32>
    %add3A_648 = arith.addf %add3A_633, %select_n3A_647 : vector<32x128xf32>
    %eq3A_649 = arith.constant 7 : i32
    %eq3A_650 = vector.broadcast %eq3A_649 : i32 to vector<32x128xi32>
    %eq3A_651 = arith.cmpi eq, %get3A_542, %eq3A_650 : vector<32x128xi32>
    %convert_element_type3A_652 = arith.extui %eq3A_651 : vector<32x128xi1> to vector<32x128xi32>
    %convert_element_type3A_653 = arith.sitofp %convert_element_type3A_652 : vector<32x128xi32> to vector<32x128xf32>
    %reduce_sum3A_654 = vector.shape_cast %convert_element_type3A_653 : vector<32x128xf32> to vector<1x32x128xf32>
    %reduce_sum3A_655 = arith.constant dense<0.000000e+00> : vector<1xf32>
    %reduce_sum3A_656 = vector.multi_reduction <add>, %reduce_sum3A_654, %reduce_sum3A_655 [1, 2] : vector<1x32x128xf32> to vector<1xf32>
    %reduce_sum3A_657 = vector.shape_cast %reduce_sum3A_656 : vector<1xf32> to vector<1x1x1xf32>
    %reduce_sum3A_658 = vector.extract %reduce_sum3A_657[0, 0, 0] : f32 from vector<1x1x1xf32>
    %jit3A_659 = arith.constant 0.000000e+00 : f32
    %broadcast_in_dim3A_660 = vector.broadcast %reduce_sum3A_658 : f32 to vector<32x128xf32>
    %broadcast_in_dim3A_661 = vector.broadcast %jit3A_659 : f32 to vector<32x128xf32>
    %select_n3A_662 = arith.select %eq3A_651, %broadcast_in_dim3A_660, %broadcast_in_dim3A_661 : vector<32x128xi1>, vector<32x128xf32>
    %add3A_663 = arith.addf %add3A_648, %select_n3A_662 : vector<32x128xf32>
    %add3A_664 = arith.constant 1.000000e+00 : f32
    %add3A_665 = vector.broadcast %add3A_664 : f32 to vector<32x128xf32>
    %add3A_666 = arith.addf %add3A_665, %add3A_663 : vector<32x128xf32>
    %log3A = math.log %add3A_666 : vector<32x128xf32>
    %swap3A = arith.constant 0 : index
    %swap3A_667 = arith.constant 0 : index
    %swap3A_668 = vector.load %arg2[%swap3A, %swap3A_667] : memref<32x128xf32, #tpu.memory_space<vmem>>, vector<32x128xf32>
    tpu.vector_store %arg2[%swap3A, %swap3A_667], %log3A {strides = array<i32>} : memref<32x128xf32, #tpu.memory_space<vmem>>, vector<32x128xf32>,
    %add3A_669 = arith.constant 1.000000e+00 : f32
    %add3A_670 = vector.broadcast %add3A_669 : f32 to vector<32x128xf32>
    %add3A_671 = arith.addf %add3A_670, %transpose3A : vector<32x128xf32>
    %log3A_672 = math.log %add3A_671 : vector<32x128xf32>
    %swap3A_673 = arith.constant 0 : index
    %swap3A_674 = arith.constant 0 : index
    %swap3A_675 = vector.load %arg3[%swap3A_673, %swap3A_674] : memref<32x128xf32, #tpu.memory_space<vmem>>, vector<32x128xf32>
    tpu.vector_store %arg3[%swap3A_673, %swap3A_674], %log3A_672 {strides = array<i32>} : memref<32x128xf32, #tpu.memory_space<vmem>>, vector<32x128xf32>,
    return
  }
}

module attributes {stable_mosaic.version = 14 : i64} {
  func.func @_router_body(%arg0: i32, %arg1: memref<4096x128xf32, #tpu.memory_space<vmem>>, %arg2: memref<4096x1xf32, #tpu.memory_space<vmem>>, %arg3: memref<4096x1xf32, #tpu.memory_space<vmem>>, %arg4: memref<128x128xf32, #tpu.memory_space<vmem>>, %arg5: memref<2x128xf32, #tpu.memory_space<vmem>>, %arg6: memref<1x128xf32, #tpu.memory_space<vmem>>, %arg7: memref<128x128xf32, #tpu.memory_space<vmem>>, %arg8: memref<2x128xf32, #tpu.memory_space<vmem>>, %arg9: memref<1x128xf32, #tpu.memory_space<vmem>>, %arg10: memref<128x128xf32, #tpu.memory_space<vmem>>, %arg11: memref<2x128xf32, #tpu.memory_space<vmem>>, %arg12: memref<1x128xf32, #tpu.memory_space<vmem>>, %arg13: memref<128x8xf32, #tpu.memory_space<vmem>>, %arg14: memref<1x8xf32, #tpu.memory_space<vmem>>, %arg15: memref<512x8xi32, #tpu.memory_space<vmem>>, %arg16: memref<512x8xf32, #tpu.memory_space<vmem>>, %arg17: memref<4096x128xf32, #tpu.memory_space<vmem>>, %arg18: memref<4096x128xf32, #tpu.memory_space<vmem>>) attributes {dimension_semantics = [#tpu.dimension_semantics<arbitrary>], iteration_bounds = array<i64: 8>, scalar_prefetch = 0 : i64, scratch_operands = 2 : i64, tpu.core_type = #tpu.core_type<tc>, window_params = [{pipeline_mode = #tpu.pipeline_mode<synchronous>, transform_indices = @transform_0, window_bounds = array<i64: 4096, 128>}, {pipeline_mode = #tpu.pipeline_mode<synchronous>, transform_indices = @transform_1, window_bounds = array<i64: 4096, 1>}, {pipeline_mode = #tpu.pipeline_mode<synchronous>, transform_indices = @transform_2, window_bounds = array<i64: 4096, 1>}, {pipeline_mode = #tpu.pipeline_mode<synchronous>, transform_indices = @transform_3, window_bounds = array<i64: 128, 128>}, {pipeline_mode = #tpu.pipeline_mode<synchronous>, transform_indices = @transform_4, window_bounds = array<i64: 2, 128>}, {pipeline_mode = #tpu.pipeline_mode<synchronous>, transform_indices = @transform_5, window_bounds = array<i64: 1, 128>}, {pipeline_mode = #tpu.pipeline_mode<synchronous>, transform_indices = @transform_6, window_bounds = array<i64: 128, 128>}, {pipeline_mode = #tpu.pipeline_mode<synchronous>, transform_indices = @transform_7, window_bounds = array<i64: 2, 128>}, {pipeline_mode = #tpu.pipeline_mode<synchronous>, transform_indices = @transform_8, window_bounds = array<i64: 1, 128>}, {pipeline_mode = #tpu.pipeline_mode<synchronous>, transform_indices = @transform_9, window_bounds = array<i64: 128, 128>}, {pipeline_mode = #tpu.pipeline_mode<synchronous>, transform_indices = @transform_10, window_bounds = array<i64: 2, 128>}, {pipeline_mode = #tpu.pipeline_mode<synchronous>, transform_indices = @transform_11, window_bounds = array<i64: 1, 128>}, {pipeline_mode = #tpu.pipeline_mode<synchronous>, transform_indices = @transform_12, window_bounds = array<i64: 128, 8>}, {pipeline_mode = #tpu.pipeline_mode<synchronous>, transform_indices = @transform_13, window_bounds = array<i64: 1, 8>}, {transform_indices = @transform_14, window_bounds = array<i64: 512, 8>}, {transform_indices = @transform_15, window_bounds = array<i64: 512, 8>}]} {
    %eq3A = arith.constant 0 : i32
    %eq3A_0 = arith.cmpi eq, %arg0, %eq3A : i32
    %convert_element_type3A = arith.extui %eq3A_0 : i1 to i32
    %cond3A = arith.constant 0 : i32
    %cond3A_1 = arith.cmpi ne, %convert_element_type3A, %cond3A : i32
    scf.if %cond3A_1 {
      %get3A_135 = arith.constant 0 : index
      %get3A_136 = arith.constant 0 : index
      %get3A_137 = vector.load %arg2[%get3A_135, %get3A_136] : memref<4096x1xf32, #tpu.memory_space<vmem>>, vector<4096x1xf32>
      %get3A_138 = arith.constant 0 : index
      %get3A_139 = arith.constant 0 : index
      %get3A_140 = vector.load %arg3[%get3A_138, %get3A_139] : memref<4096x1xf32, #tpu.memory_space<vmem>>, vector<4096x1xf32>
      %get3A_141 = arith.constant 0 : index
      %get3A_142 = arith.constant 0 : index
      %get3A_143 = vector.load %arg1[%get3A_141, %get3A_142] : memref<4096x128xf32, #tpu.memory_space<vmem>>, vector<4096x128xf32>
      %get3A_144 = arith.constant 0 : index
      %get3A_145 = arith.constant 0 : index
      %get3A_146 = vector.load %arg7[%get3A_144, %get3A_145] : memref<128x128xf32, #tpu.memory_space<vmem>>, vector<128x128xf32>
      %dot_general3A_147 = arith.constant dense<0.000000e+00> : vector<4096x128xf32>
      %dot_general3A_148 = tpu.matmul %get3A_143, %get3A_146, %dot_general3A_147 {dimension_numbers = #tpu.dot_dimension_numbers<[1], [0], [0], [1], [0, 0, 1, 1], [], []>, transpose_lhs_hint = false} : vector<4096x128xf32>, vector<128x128xf32>, vector<4096x128xf32> -> vector<4096x128xf32>
      %get3A_149 = arith.constant 0 : index
      %get3A_150 = arith.constant 0 : index
      %get3A_151 = vector.load %arg8[%get3A_149, %get3A_150] : memref<2x128xf32, #tpu.memory_space<vmem>>, vector<1x128xf32>
      %mul3A_152 = vector.broadcast %get3A_137 : vector<4096x1xf32> to vector<4096x128xf32>
      %mul3A_153 = vector.broadcast %get3A_151 : vector<1x128xf32> to vector<4096x128xf32>
      %mul3A_154 = arith.mulf %mul3A_152, %mul3A_153 : vector<4096x128xf32>
      %add3A_155 = arith.addf %dot_general3A_148, %mul3A_154 : vector<4096x128xf32>
      %get3A_156 = arith.constant 1 : index
      %get3A_157 = arith.constant 0 : index
      %get3A_158 = vector.load %arg8[%get3A_156, %get3A_157] : memref<2x128xf32, #tpu.memory_space<vmem>>, vector<1x128xf32>
      %mul3A_159 = vector.broadcast %get3A_140 : vector<4096x1xf32> to vector<4096x128xf32>
      %mul3A_160 = vector.broadcast %get3A_158 : vector<1x128xf32> to vector<4096x128xf32>
      %mul3A_161 = arith.mulf %mul3A_159, %mul3A_160 : vector<4096x128xf32>
      %add3A_162 = arith.addf %add3A_155, %mul3A_161 : vector<4096x128xf32>
      %get3A_163 = arith.constant 0 : index
      %get3A_164 = arith.constant 0 : index
      %get3A_165 = vector.load %arg9[%get3A_163, %get3A_164] : memref<1x128xf32, #tpu.memory_space<vmem>>, vector<1x128xf32>
      %add3A_166 = vector.broadcast %get3A_165 : vector<1x128xf32> to vector<4096x128xf32>
      %add3A_167 = arith.addf %add3A_162, %add3A_166 : vector<4096x128xf32>
      %swap3A_168 = arith.constant 0 : index
      %swap3A_169 = arith.constant 0 : index
      %swap3A_170 = vector.load %arg17[%swap3A_168, %swap3A_169] : memref<4096x128xf32, #tpu.memory_space<vmem>>, vector<4096x128xf32>
      tpu.vector_store %arg17[%swap3A_168, %swap3A_169], %add3A_167 {strides = array<i32>} : memref<4096x128xf32, #tpu.memory_space<vmem>>, vector<4096x128xf32>,
      %get3A_171 = arith.constant 0 : index
      %get3A_172 = arith.constant 0 : index
      %get3A_173 = vector.load %arg10[%get3A_171, %get3A_172] : memref<128x128xf32, #tpu.memory_space<vmem>>, vector<128x128xf32>
      %dot_general3A_174 = arith.constant dense<0.000000e+00> : vector<4096x128xf32>
      %dot_general3A_175 = tpu.matmul %get3A_143, %get3A_173, %dot_general3A_174 {dimension_numbers = #tpu.dot_dimension_numbers<[1], [0], [0], [1], [0, 0, 1, 1], [], []>, transpose_lhs_hint = false} : vector<4096x128xf32>, vector<128x128xf32>, vector<4096x128xf32> -> vector<4096x128xf32>
      %get3A_176 = arith.constant 0 : index
      %get3A_177 = arith.constant 0 : index
      %get3A_178 = vector.load %arg11[%get3A_176, %get3A_177] : memref<2x128xf32, #tpu.memory_space<vmem>>, vector<1x128xf32>
      %mul3A_179 = vector.broadcast %get3A_137 : vector<4096x1xf32> to vector<4096x128xf32>
      %mul3A_180 = vector.broadcast %get3A_178 : vector<1x128xf32> to vector<4096x128xf32>
      %mul3A_181 = arith.mulf %mul3A_179, %mul3A_180 : vector<4096x128xf32>
      %add3A_182 = arith.addf %dot_general3A_175, %mul3A_181 : vector<4096x128xf32>
      %get3A_183 = arith.constant 1 : index
      %get3A_184 = arith.constant 0 : index
      %get3A_185 = vector.load %arg11[%get3A_183, %get3A_184] : memref<2x128xf32, #tpu.memory_space<vmem>>, vector<1x128xf32>
      %mul3A_186 = vector.broadcast %get3A_140 : vector<4096x1xf32> to vector<4096x128xf32>
      %mul3A_187 = vector.broadcast %get3A_185 : vector<1x128xf32> to vector<4096x128xf32>
      %mul3A_188 = arith.mulf %mul3A_186, %mul3A_187 : vector<4096x128xf32>
      %add3A_189 = arith.addf %add3A_182, %mul3A_188 : vector<4096x128xf32>
      %get3A_190 = arith.constant 0 : index
      %get3A_191 = arith.constant 0 : index
      %get3A_192 = vector.load %arg12[%get3A_190, %get3A_191] : memref<1x128xf32, #tpu.memory_space<vmem>>, vector<1x128xf32>
      %add3A_193 = vector.broadcast %get3A_192 : vector<1x128xf32> to vector<4096x128xf32>
      %add3A_194 = arith.addf %add3A_189, %add3A_193 : vector<4096x128xf32>
      %swap3A_195 = arith.constant 0 : index
      %swap3A_196 = arith.constant 0 : index
      %swap3A_197 = vector.load %arg18[%swap3A_195, %swap3A_196] : memref<4096x128xf32, #tpu.memory_space<vmem>>, vector<4096x128xf32>
      tpu.vector_store %arg18[%swap3A_195, %swap3A_196], %add3A_194 {strides = array<i32>} : memref<4096x128xf32, #tpu.memory_space<vmem>>, vector<4096x128xf32>,
    } else {
    }
    %mul3A = arith.constant 512 : i32
    %mul3A_2 = arith.muli %arg0, %mul3A : i32
    %get3A = arith.index_cast %mul3A_2 : i32 to index
    %get3A_3 = arith.constant 0 : index
    %get3A_4 = vector.load %arg1[%get3A, %get3A_3] : memref<4096x128xf32, #tpu.memory_space<vmem>>, vector<512x128xf32>
    %get3A_5 = arith.constant 0 : index
    %get3A_6 = arith.constant 0 : index
    %get3A_7 = vector.load %arg4[%get3A_5, %get3A_6] : memref<128x128xf32, #tpu.memory_space<vmem>>, vector<128x128xf32>
    %dot_general3A = arith.constant dense<0.000000e+00> : vector<512x128xf32>
    %dot_general3A_8 = tpu.matmul %get3A_4, %get3A_7, %dot_general3A {dimension_numbers = #tpu.dot_dimension_numbers<[1], [0], [0], [1], [0, 0, 1, 1], [], []>, transpose_lhs_hint = false} : vector<512x128xf32>, vector<128x128xf32>, vector<512x128xf32> -> vector<512x128xf32>
    %get3A_9 = arith.index_cast %mul3A_2 : i32 to index
    %get3A_10 = arith.constant 0 : index
    %get3A_11 = vector.load %arg2[%get3A_9, %get3A_10] : memref<4096x1xf32, #tpu.memory_space<vmem>>, vector<512x1xf32>
    %get3A_12 = arith.constant 0 : index
    %get3A_13 = arith.constant 0 : index
    %get3A_14 = vector.load %arg5[%get3A_12, %get3A_13] : memref<2x128xf32, #tpu.memory_space<vmem>>, vector<1x128xf32>
    %mul3A_15 = vector.broadcast %get3A_11 : vector<512x1xf32> to vector<512x128xf32>
    %mul3A_16 = vector.broadcast %get3A_14 : vector<1x128xf32> to vector<512x128xf32>
    %mul3A_17 = arith.mulf %mul3A_15, %mul3A_16 : vector<512x128xf32>
    %add3A = arith.addf %dot_general3A_8, %mul3A_17 : vector<512x128xf32>
    %get3A_18 = arith.index_cast %mul3A_2 : i32 to index
    %get3A_19 = arith.constant 0 : index
    %get3A_20 = vector.load %arg3[%get3A_18, %get3A_19] : memref<4096x1xf32, #tpu.memory_space<vmem>>, vector<512x1xf32>
    %get3A_21 = arith.constant 1 : index
    %get3A_22 = arith.constant 0 : index
    %get3A_23 = vector.load %arg5[%get3A_21, %get3A_22] : memref<2x128xf32, #tpu.memory_space<vmem>>, vector<1x128xf32>
    %mul3A_24 = vector.broadcast %get3A_20 : vector<512x1xf32> to vector<512x128xf32>
    %mul3A_25 = vector.broadcast %get3A_23 : vector<1x128xf32> to vector<512x128xf32>
    %mul3A_26 = arith.mulf %mul3A_24, %mul3A_25 : vector<512x128xf32>
    %add3A_27 = arith.addf %add3A, %mul3A_26 : vector<512x128xf32>
    %get3A_28 = arith.constant 0 : index
    %get3A_29 = arith.constant 0 : index
    %get3A_30 = vector.load %arg6[%get3A_28, %get3A_29] : memref<1x128xf32, #tpu.memory_space<vmem>>, vector<1x128xf32>
    %add3A_31 = vector.broadcast %get3A_30 : vector<1x128xf32> to vector<512x128xf32>
    %add3A_32 = arith.addf %add3A_27, %add3A_31 : vector<512x128xf32>
    %get3A_33 = arith.constant 0 : index
    %get3A_34 = arith.constant 0 : index
    %get3A_35 = vector.load %arg17[%get3A_33, %get3A_34] : memref<4096x128xf32, #tpu.memory_space<vmem>>, vector<4096x128xf32>
    %dot_general3A_36 = arith.constant dense<0.000000e+00> : vector<512x4096xf32>
    %dot_general3A_37 = tpu.matmul %add3A_32, %get3A_35, %dot_general3A_36 {dimension_numbers = #tpu.dot_dimension_numbers<[1], [1], [0], [0], [0, 0, 1, 0], [], []>, transpose_lhs_hint = false} : vector<512x128xf32>, vector<4096x128xf32>, vector<512x4096xf32> -> vector<512x4096xf32>
    %sqrt3A = arith.constant 1.300000e+02 : f32
    %sqrt3A_38 = math.sqrt %sqrt3A : f32
    %div3A = vector.broadcast %sqrt3A_38 : f32 to vector<512x4096xf32>
    %div3A_39 = arith.divf %dot_general3A_37, %div3A : vector<512x4096xf32>
    %exp3A = math.exp %div3A_39 : vector<512x4096xf32>
    %reduce_sum3A = arith.constant dense<0.000000e+00> : vector<512xf32>
    %reduce_sum3A_40 = vector.multi_reduction <add>, %exp3A, %reduce_sum3A [1] : vector<512x4096xf32> to vector<512xf32>
    %broadcast_in_dim3A = vector.shape_cast %reduce_sum3A_40 : vector<512xf32> to vector<512x1xf32>
    %get3A_41 = arith.constant 0 : index
    %get3A_42 = arith.constant 0 : index
    %get3A_43 = vector.load %arg18[%get3A_41, %get3A_42] : memref<4096x128xf32, #tpu.memory_space<vmem>>, vector<4096x128xf32>
    %dot_general3A_44 = arith.constant dense<0.000000e+00> : vector<512x128xf32>
    %dot_general3A_45 = tpu.matmul %exp3A, %get3A_43, %dot_general3A_44 {dimension_numbers = #tpu.dot_dimension_numbers<[1], [0], [0], [1], [0, 0, 1, 1], [], []>, transpose_lhs_hint = false} : vector<512x4096xf32>, vector<4096x128xf32>, vector<512x128xf32> -> vector<512x128xf32>
    %div3A_46 = vector.broadcast %broadcast_in_dim3A : vector<512x1xf32> to vector<512x128xf32>
    %div3A_47 = arith.divf %dot_general3A_45, %div3A_46 : vector<512x128xf32>
    %get3A_48 = arith.constant 0 : index
    %get3A_49 = arith.constant 0 : index
    %get3A_50 = vector.load %arg13[%get3A_48, %get3A_49] : memref<128x8xf32, #tpu.memory_space<vmem>>, vector<128x8xf32>
    %dot_general3A_51 = arith.constant dense<0.000000e+00> : vector<512x8xf32>
    %dot_general3A_52 = tpu.matmul %div3A_47, %get3A_50, %dot_general3A_51 {dimension_numbers = #tpu.dot_dimension_numbers<[1], [0], [0], [1], [0, 0, 1, 1], [], []>, transpose_lhs_hint = false} : vector<512x128xf32>, vector<128x8xf32>, vector<512x8xf32> -> vector<512x8xf32>
    %get3A_53 = arith.constant 0 : index
    %get3A_54 = arith.constant 0 : index
    %get3A_55 = vector.load %arg14[%get3A_53, %get3A_54] : memref<1x8xf32, #tpu.memory_space<vmem>>, vector<1x8xf32>
    %add3A_56 = vector.broadcast %get3A_55 : vector<1x8xf32> to vector<512x8xf32>
    %add3A_57 = arith.addf %dot_general3A_52, %add3A_56 : vector<512x8xf32>
    %reduce_max3A = arith.constant dense<0xFF800000> : vector<512xf32>
    %reduce_max3A_58 = vector.multi_reduction <maximumf>, %add3A_57, %reduce_max3A [1] : vector<512x8xf32> to vector<512xf32>
    %broadcast_in_dim3A_59 = vector.shape_cast %reduce_max3A_58 : vector<512xf32> to vector<512x1xf32>
    %sub3A = vector.broadcast %broadcast_in_dim3A_59 : vector<512x1xf32> to vector<512x8xf32>
    %sub3A_60 = arith.subf %add3A_57, %sub3A : vector<512x8xf32>
    %exp3A_61 = math.exp %sub3A_60 : vector<512x8xf32>
    %iota3A = tpu.iota {dimensions = array<i32: 1>} : vector<512x8xi32>
    %reduce_max3A_62 = arith.constant dense<0xFF800000> : vector<512xf32>
    %reduce_max3A_63 = vector.multi_reduction <maximumf>, %exp3A_61, %reduce_max3A_62 [1] : vector<512x8xf32> to vector<512xf32>
    %broadcast_in_dim3A_64 = vector.shape_cast %reduce_max3A_63 : vector<512xf32> to vector<512x1xf32>
    %eq3A_65 = vector.broadcast %broadcast_in_dim3A_64 : vector<512x1xf32> to vector<512x8xf32>
    %eq3A_66 = arith.cmpf oeq, %exp3A_61, %eq3A_65 : vector<512x8xf32>
    %jit3A = arith.constant 8 : i32
    %broadcast_in_dim3A_67 = vector.broadcast %jit3A : i32 to vector<512x8xi32>
    %select_n3A = arith.select %eq3A_66, %iota3A, %broadcast_in_dim3A_67 : vector<512x8xi1>, vector<512x8xi32>
    %reduce_min3A = arith.constant dense<2147483647> : vector<512xi32>
    %reduce_min3A_68 = vector.multi_reduction <minsi>, %select_n3A, %reduce_min3A [1] : vector<512x8xi32> to vector<512xi32>
    %broadcast_in_dim3A_69 = vector.shape_cast %reduce_min3A_68 : vector<512xi32> to vector<512x1xi32>
    %eq3A_70 = vector.broadcast %broadcast_in_dim3A_69 : vector<512x1xi32> to vector<512x8xi32>
    %eq3A_71 = arith.cmpi eq, %iota3A, %eq3A_70 : vector<512x8xi32>
    %jit3A_72 = arith.constant -1.000000e+00 : f32
    %broadcast_in_dim3A_73 = vector.broadcast %jit3A_72 : f32 to vector<512x8xf32>
    %select_n3A_74 = arith.select %eq3A_71, %broadcast_in_dim3A_73, %exp3A_61 : vector<512x8xi1>, vector<512x8xf32>
    %reduce_max3A_75 = arith.constant dense<0xFF800000> : vector<512xf32>
    %reduce_max3A_76 = vector.multi_reduction <maximumf>, %select_n3A_74, %reduce_max3A_75 [1] : vector<512x8xf32> to vector<512xf32>
    %broadcast_in_dim3A_77 = vector.shape_cast %reduce_max3A_76 : vector<512xf32> to vector<512x1xf32>
    %eq3A_78 = vector.broadcast %broadcast_in_dim3A_77 : vector<512x1xf32> to vector<512x8xf32>
    %eq3A_79 = arith.cmpf oeq, %select_n3A_74, %eq3A_78 : vector<512x8xf32>
    %jit3A_80 = arith.constant 8 : i32
    %broadcast_in_dim3A_81 = vector.broadcast %jit3A_80 : i32 to vector<512x8xi32>
    %select_n3A_82 = arith.select %eq3A_79, %iota3A, %broadcast_in_dim3A_81 : vector<512x8xi1>, vector<512x8xi32>
    %reduce_min3A_83 = arith.constant dense<2147483647> : vector<512xi32>
    %reduce_min3A_84 = vector.multi_reduction <minsi>, %select_n3A_82, %reduce_min3A_83 [1] : vector<512x8xi32> to vector<512xi32>
    %broadcast_in_dim3A_85 = vector.shape_cast %reduce_min3A_84 : vector<512xi32> to vector<512x1xi32>
    %add3A_86 = arith.addf %broadcast_in_dim3A_64, %broadcast_in_dim3A_77 : vector<512x1xf32>
    %add3A_87 = arith.constant 9.99999971E-10 : f32
    %add3A_88 = vector.broadcast %add3A_87 : f32 to vector<512x1xf32>
    %add3A_89 = arith.addf %add3A_86, %add3A_88 : vector<512x1xf32>
    %div3A_90 = arith.divf %broadcast_in_dim3A_64, %add3A_89 : vector<512x1xf32>
    %div3A_91 = arith.divf %broadcast_in_dim3A_77, %add3A_89 : vector<512x1xf32>
    %mul3A_92 = arith.constant 16 : i32
    %mul3A_93 = vector.broadcast %mul3A_92 : i32 to vector<512x1xi32>
    %mul3A_94 = arith.muli %broadcast_in_dim3A_69, %mul3A_93 : vector<512x1xi32>
    %add3A_95 = arith.addi %mul3A_94, %broadcast_in_dim3A_85 : vector<512x1xi32>
    %eq3A_96 = arith.constant 0 : i32
    %eq3A_97 = vector.broadcast %eq3A_96 : i32 to vector<512x8xi32>
    %eq3A_98 = arith.cmpi eq, %iota3A, %eq3A_97 : vector<512x8xi32>
    %eq3A_99 = arith.constant 1 : i32
    %eq3A_100 = vector.broadcast %eq3A_99 : i32 to vector<512x8xi32>
    %eq3A_101 = arith.cmpi eq, %iota3A, %eq3A_100 : vector<512x8xi32>
    %eq3A_102 = arith.constant 2 : i32
    %eq3A_103 = vector.broadcast %eq3A_102 : i32 to vector<512x8xi32>
    %eq3A_104 = arith.cmpi eq, %iota3A, %eq3A_103 : vector<512x8xi32>
    %jit3A_105 = arith.constant 0 : i32
    %broadcast_in_dim3A_106 = vector.shape_cast %add3A_95 : vector<512x1xi32> to vector<512x1xi32>
    %broadcast_in_dim3A_107 = vector.broadcast %broadcast_in_dim3A_106 : vector<512x1xi32> to vector<512x8xi32>
    %broadcast_in_dim3A_108 = vector.broadcast %jit3A_105 : i32 to vector<512x8xi32>
    %select_n3A_109 = arith.select %eq3A_104, %broadcast_in_dim3A_107, %broadcast_in_dim3A_108 : vector<512x8xi1>, vector<512x8xi32>
    %broadcast_in_dim3A_110 = vector.shape_cast %broadcast_in_dim3A_85 : vector<512x1xi32> to vector<512x1xi32>
    %broadcast_in_dim3A_111 = vector.broadcast %broadcast_in_dim3A_110 : vector<512x1xi32> to vector<512x8xi32>
    %select_n3A_112 = arith.select %eq3A_101, %broadcast_in_dim3A_111, %select_n3A_109 : vector<512x8xi1>, vector<512x8xi32>
    %broadcast_in_dim3A_113 = vector.shape_cast %broadcast_in_dim3A_69 : vector<512x1xi32> to vector<512x1xi32>
    %broadcast_in_dim3A_114 = vector.broadcast %broadcast_in_dim3A_113 : vector<512x1xi32> to vector<512x8xi32>
    %select_n3A_115 = arith.select %eq3A_98, %broadcast_in_dim3A_114, %select_n3A_112 : vector<512x8xi1>, vector<512x8xi32>
    %swap3A = arith.constant 0 : index
    %swap3A_116 = arith.constant 0 : index
    %swap3A_117 = vector.load %arg15[%swap3A, %swap3A_116] : memref<512x8xi32, #tpu.memory_space<vmem>>, vector<512x8xi32>
    tpu.vector_store %arg15[%swap3A, %swap3A_116], %select_n3A_115 {strides = array<i32>} : memref<512x8xi32, #tpu.memory_space<vmem>>, vector<512x8xi32>,
    %eq3A_118 = arith.constant 0 : i32
    %eq3A_119 = vector.broadcast %eq3A_118 : i32 to vector<512x8xi32>
    %eq3A_120 = arith.cmpi eq, %iota3A, %eq3A_119 : vector<512x8xi32>
    %eq3A_121 = arith.constant 1 : i32
    %eq3A_122 = vector.broadcast %eq3A_121 : i32 to vector<512x8xi32>
    %eq3A_123 = arith.cmpi eq, %iota3A, %eq3A_122 : vector<512x8xi32>
    %jit3A_124 = arith.constant 0.000000e+00 : f32
    %broadcast_in_dim3A_125 = vector.shape_cast %div3A_91 : vector<512x1xf32> to vector<512x1xf32>
    %broadcast_in_dim3A_126 = vector.broadcast %broadcast_in_dim3A_125 : vector<512x1xf32> to vector<512x8xf32>
    %broadcast_in_dim3A_127 = vector.broadcast %jit3A_124 : f32 to vector<512x8xf32>
    %select_n3A_128 = arith.select %eq3A_123, %broadcast_in_dim3A_126, %broadcast_in_dim3A_127 : vector<512x8xi1>, vector<512x8xf32>
    %broadcast_in_dim3A_129 = vector.shape_cast %div3A_90 : vector<512x1xf32> to vector<512x1xf32>
    %broadcast_in_dim3A_130 = vector.broadcast %broadcast_in_dim3A_129 : vector<512x1xf32> to vector<512x8xf32>
    %select_n3A_131 = arith.select %eq3A_120, %broadcast_in_dim3A_130, %select_n3A_128 : vector<512x8xi1>, vector<512x8xf32>
    %swap3A_132 = arith.constant 0 : index
    %swap3A_133 = arith.constant 0 : index
    %swap3A_134 = vector.load %arg16[%swap3A_132, %swap3A_133] : memref<512x8xf32, #tpu.memory_space<vmem>>, vector<512x8xf32>
    tpu.vector_store %arg16[%swap3A_132, %swap3A_133], %select_n3A_131 {strides = array<i32>} : memref<512x8xf32, #tpu.memory_space<vmem>>, vector<512x8xf32>,
    return
  }
  func.func @transform_0(%arg0: i32) -> (i32, i32) {
    %c0_i32 = arith.constant 0 : i32
    %c0_i32_0 = arith.constant 0 : i32
    %c0_i32_1 = arith.constant 0 : i32
    return %c0_i32, %c0_i32_0 : i32, i32
  }
  func.func @transform_1(%arg0: i32) -> (i32, i32) {
    %c0_i32 = arith.constant 0 : i32
    %c0_i32_0 = arith.constant 0 : i32
    %c0_i32_1 = arith.constant 0 : i32
    return %c0_i32, %c0_i32_0 : i32, i32
  }
  func.func @transform_2(%arg0: i32) -> (i32, i32) {
    %c0_i32 = arith.constant 0 : i32
    %c0_i32_0 = arith.constant 0 : i32
    %c0_i32_1 = arith.constant 0 : i32
    return %c0_i32, %c0_i32_0 : i32, i32
  }
  func.func @transform_3(%arg0: i32) -> (i32, i32) {
    %c0_i32 = arith.constant 0 : i32
    %c0_i32_0 = arith.constant 0 : i32
    %c0_i32_1 = arith.constant 0 : i32
    return %c0_i32, %c0_i32_0 : i32, i32
  }
  func.func @transform_4(%arg0: i32) -> (i32, i32) {
    %c0_i32 = arith.constant 0 : i32
    %c0_i32_0 = arith.constant 0 : i32
    %c0_i32_1 = arith.constant 0 : i32
    return %c0_i32, %c0_i32_0 : i32, i32
  }
  func.func @transform_5(%arg0: i32) -> (i32, i32) {
    %c0_i32 = arith.constant 0 : i32
    %c0_i32_0 = arith.constant 0 : i32
    %c0_i32_1 = arith.constant 0 : i32
    return %c0_i32, %c0_i32_0 : i32, i32
  }
  func.func @transform_6(%arg0: i32) -> (i32, i32) {
    %c0_i32 = arith.constant 0 : i32
    %c0_i32_0 = arith.constant 0 : i32
    %c0_i32_1 = arith.constant 0 : i32
    return %c0_i32, %c0_i32_0 : i32, i32
  }
  func.func @transform_7(%arg0: i32) -> (i32, i32) {
    %c0_i32 = arith.constant 0 : i32
    %c0_i32_0 = arith.constant 0 : i32
    %c0_i32_1 = arith.constant 0 : i32
    return %c0_i32, %c0_i32_0 : i32, i32
  }
  func.func @transform_8(%arg0: i32) -> (i32, i32) {
    %c0_i32 = arith.constant 0 : i32
    %c0_i32_0 = arith.constant 0 : i32
    %c0_i32_1 = arith.constant 0 : i32
    return %c0_i32, %c0_i32_0 : i32, i32
  }
  func.func @transform_9(%arg0: i32) -> (i32, i32) {
    %c0_i32 = arith.constant 0 : i32
    %c0_i32_0 = arith.constant 0 : i32
    %c0_i32_1 = arith.constant 0 : i32
    return %c0_i32, %c0_i32_0 : i32, i32
  }
  func.func @transform_10(%arg0: i32) -> (i32, i32) {
    %c0_i32 = arith.constant 0 : i32
    %c0_i32_0 = arith.constant 0 : i32
    %c0_i32_1 = arith.constant 0 : i32
    return %c0_i32, %c0_i32_0 : i32, i32
  }
  func.func @transform_11(%arg0: i32) -> (i32, i32) {
    %c0_i32 = arith.constant 0 : i32
    %c0_i32_0 = arith.constant 0 : i32
    %c0_i32_1 = arith.constant 0 : i32
    return %c0_i32, %c0_i32_0 : i32, i32
  }
  func.func @transform_12(%arg0: i32) -> (i32, i32) {
    %c0_i32 = arith.constant 0 : i32
    %c0_i32_0 = arith.constant 0 : i32
    %c0_i32_1 = arith.constant 0 : i32
    return %c0_i32, %c0_i32_0 : i32, i32
  }
  func.func @transform_13(%arg0: i32) -> (i32, i32) {
    %c0_i32 = arith.constant 0 : i32
    %c0_i32_0 = arith.constant 0 : i32
    %c0_i32_1 = arith.constant 0 : i32
    return %c0_i32, %c0_i32_0 : i32, i32
  }
  func.func @transform_14(%arg0: i32) -> (i32, i32) {
    %c0_i32 = arith.constant 0 : i32
    %c0_i32_0 = arith.constant 0 : i32
    return %arg0, %c0_i32 : i32, i32
  }
  func.func @transform_15(%arg0: i32) -> (i32, i32) {
    %c0_i32 = arith.constant 0 : i32
    %c0_i32_0 = arith.constant 0 : i32
    return %arg0, %c0_i32 : i32, i32
  }
}

module attributes {stable_mosaic.version = 14 : i64} {
  func.func @_edgeprep_body(%arg0: memref<1x4096xi32, #tpu.memory_space<vmem>>, %arg1: memref<512x128xi32, #tpu.memory_space<vmem>>, %arg2: memref<512x128xi32, #tpu.memory_space<vmem>>, %arg3: memref<512x128xi32, #tpu.memory_space<vmem>>, %arg4: memref<512x128xi32, #tpu.memory_space<vmem>>, %arg5: memref<512x128xi32, #tpu.memory_space<vmem>>) attributes {dimension_semantics = [], scalar_prefetch = 0 : i64, scratch_operands = 0 : i64, tpu.core_type = #tpu.core_type<tc>} {
    %get3A = arith.constant 0 : index
    %get3A_0 = arith.constant 0 : index
    %get3A_1 = vector.load %arg2[%get3A, %get3A_0] : memref<512x128xi32, #tpu.memory_space<vmem>>, vector<512x128xi32>
    %get3A_2 = arith.constant 0 : index
    %get3A_3 = arith.constant 0 : index
    %get3A_4 = vector.load %arg1[%get3A_2, %get3A_3] : memref<512x128xi32, #tpu.memory_space<vmem>>, vector<512x128xi32>
    %jit3A = arith.constant 128 : i32
    %div3A = vector.broadcast %jit3A : i32 to vector<512x128xi32>
    %div3A_5 = arith.divsi %get3A_1, %div3A : vector<512x128xi32>
    %sign3A = arith.constant 0 : i32
    %sign3A_6 = vector.broadcast %sign3A : i32 to vector<512x128xi32>
    %sign3A_7 = arith.cmpi sgt, %get3A_1, %sign3A_6 : vector<512x128xi32>
    %sign3A_8 = arith.extui %sign3A_7 : vector<512x128xi1> to vector<512x128xi32>
    %sign3A_9 = arith.constant 0 : i32
    %sign3A_10 = vector.broadcast %sign3A_9 : i32 to vector<512x128xi32>
    %sign3A_11 = arith.cmpi slt, %get3A_1, %sign3A_10 : vector<512x128xi32>
    %sign3A_12 = arith.extui %sign3A_11 : vector<512x128xi1> to vector<512x128xi32>
    %sign3A_13 = arith.subi %sign3A_8, %sign3A_12 : vector<512x128xi32>
    %sign3A_14 = arith.constant 0 : i32
    %sign3A_15 = arith.cmpi sgt, %jit3A, %sign3A_14 : i32
    %sign3A_16 = arith.extui %sign3A_15 : i1 to i32
    %sign3A_17 = arith.constant 0 : i32
    %sign3A_18 = arith.cmpi slt, %jit3A, %sign3A_17 : i32
    %sign3A_19 = arith.extui %sign3A_18 : i1 to i32
    %sign3A_20 = arith.subi %sign3A_16, %sign3A_19 : i32
    %ne3A = vector.broadcast %sign3A_20 : i32 to vector<512x128xi32>
    %ne3A_21 = arith.cmpi ne, %sign3A_13, %ne3A : vector<512x128xi32>
    %rem3A = vector.broadcast %jit3A : i32 to vector<512x128xi32>
    %rem3A_22 = arith.remsi %get3A_1, %rem3A : vector<512x128xi32>
    %ne3A_23 = arith.constant 0 : i32
    %ne3A_24 = vector.broadcast %ne3A_23 : i32 to vector<512x128xi32>
    %ne3A_25 = arith.cmpi ne, %rem3A_22, %ne3A_24 : vector<512x128xi32>
    %and3A = arith.andi %ne3A_21, %ne3A_25 : vector<512x128xi1>
    %sub3A = arith.constant 1 : i32
    %sub3A_26 = vector.broadcast %sub3A : i32 to vector<512x128xi32>
    %sub3A_27 = arith.subi %div3A_5, %sub3A_26 : vector<512x128xi32>
    %select_n3A = arith.select %and3A, %sub3A_27, %div3A_5 : vector<512x128xi1>, vector<512x128xi32>
    %jit3A_28 = arith.constant 128 : i32
    %eq3A = arith.constant 0 : i32
    %eq3A_29 = arith.cmpi eq, %jit3A_28, %eq3A : i32
    %jit3A_30 = arith.constant 1 : i32
    %select_n3A_31 = arith.select %eq3A_29, %jit3A_30, %jit3A_28 : i32
    %rem3A_32 = vector.broadcast %select_n3A_31 : i32 to vector<512x128xi32>
    %rem3A_33 = arith.remsi %get3A_1, %rem3A_32 : vector<512x128xi32>
    %ne3A_34 = arith.constant 0 : i32
    %ne3A_35 = vector.broadcast %ne3A_34 : i32 to vector<512x128xi32>
    %ne3A_36 = arith.cmpi ne, %rem3A_33, %ne3A_35 : vector<512x128xi32>
    %lt3A = arith.constant 0 : i32
    %lt3A_37 = vector.broadcast %lt3A : i32 to vector<512x128xi32>
    %lt3A_38 = arith.cmpi slt, %rem3A_33, %lt3A_37 : vector<512x128xi32>
    %lt3A_39 = arith.constant 0 : i32
    %lt3A_40 = arith.cmpi slt, %select_n3A_31, %lt3A_39 : i32
    %ne3A_41 = vector.broadcast %lt3A_40 : i1 to vector<512x128xi1>
    %ne3A_42 = vector.broadcast %ne3A_41 : vector<512x128xi1> to vector<512x128xi1>
    %ne3A_43 = arith.xori %lt3A_38, %ne3A_42 : vector<512x128xi1>
    %and3A_44 = arith.andi %ne3A_43, %ne3A_36 : vector<512x128xi1>
    %add3A = vector.broadcast %select_n3A_31 : i32 to vector<512x128xi32>
    %add3A_45 = arith.addi %rem3A_33, %add3A : vector<512x128xi32>
    %select_n3A_46 = arith.select %and3A_44, %add3A_45, %rem3A_33 : vector<512x128xi1>, vector<512x128xi32>
    %broadcast_in_dim3A = arith.constant 0 : i32
    %broadcast_in_dim3A_47 = vector.broadcast %broadcast_in_dim3A : i32 to vector<512x128xi32>
    %get3A_48 = arith.constant 0 : index
    %get3A_49 = arith.constant 0 : index
    %get3A_50 = vector.load %arg0[%get3A_48, %get3A_49] : memref<1x4096xi32, #tpu.memory_space<vmem>>, vector<1x128xi32>
    %broadcast_in_dim3A_51 = vector.shape_cast %get3A_50 : vector<1x128xi32> to vector<1x128xi32>
    %broadcast_in_dim3A_52 = vector.broadcast %broadcast_in_dim3A_51 : vector<1x128xi32> to vector<512x128xi32>
    %lt3A_53 = arith.constant 0 : i32
    %lt3A_54 = vector.broadcast %lt3A_53 : i32 to vector<512x128xi32>
    %lt3A_55 = arith.cmpi slt, %select_n3A_46, %lt3A_54 : vector<512x128xi32>
    %add3A_56 = arith.constant 128 : i32
    %add3A_57 = vector.broadcast %add3A_56 : i32 to vector<512x128xi32>
    %add3A_58 = arith.addi %select_n3A_46, %add3A_57 : vector<512x128xi32>
    %select_n3A_59 = arith.select %lt3A_55, %add3A_58, %select_n3A_46 : vector<512x128xi1>, vector<512x128xi32>
    %reshape3A = vector.shape_cast %select_n3A_59 : vector<512x128xi32> to vector<512x128x1xi32>
    %gather3A = vector.shape_cast %reshape3A : vector<512x128x1xi32> to vector<512x128xi32>
    %gather3A_60 = tpu.dynamic_gather %broadcast_in_dim3A_52[%gather3A] in [1] : vector<512x128xi32>, vector<512x128xi32> -> vector<512x128xi32>
    %eq3A_61 = arith.constant 0 : i32
    %eq3A_62 = vector.broadcast %eq3A_61 : i32 to vector<512x128xi32>
    %eq3A_63 = arith.cmpi eq, %select_n3A, %eq3A_62 : vector<512x128xi32>
    %select_n3A_64 = arith.select %eq3A_63, %gather3A_60, %broadcast_in_dim3A_47 : vector<512x128xi1>, vector<512x128xi32>
    %get3A_65 = arith.constant 0 : index
    %get3A_66 = arith.constant 128 : index
    %get3A_67 = vector.load %arg0[%get3A_65, %get3A_66] : memref<1x4096xi32, #tpu.memory_space<vmem>>, vector<1x128xi32>
    %broadcast_in_dim3A_68 = vector.shape_cast %get3A_67 : vector<1x128xi32> to vector<1x128xi32>
    %broadcast_in_dim3A_69 = vector.broadcast %broadcast_in_dim3A_68 : vector<1x128xi32> to vector<512x128xi32>
    %lt3A_70 = arith.constant 0 : i32
    %lt3A_71 = vector.broadcast %lt3A_70 : i32 to vector<512x128xi32>
    %lt3A_72 = arith.cmpi slt, %select_n3A_46, %lt3A_71 : vector<512x128xi32>
    %add3A_73 = arith.constant 128 : i32
    %add3A_74 = vector.broadcast %add3A_73 : i32 to vector<512x128xi32>
    %add3A_75 = arith.addi %select_n3A_46, %add3A_74 : vector<512x128xi32>
    %select_n3A_76 = arith.select %lt3A_72, %add3A_75, %select_n3A_46 : vector<512x128xi1>, vector<512x128xi32>
    %reshape3A_77 = vector.shape_cast %select_n3A_76 : vector<512x128xi32> to vector<512x128x1xi32>
    %gather3A_78 = vector.shape_cast %reshape3A_77 : vector<512x128x1xi32> to vector<512x128xi32>
    %gather3A_79 = tpu.dynamic_gather %broadcast_in_dim3A_69[%gather3A_78] in [1] : vector<512x128xi32>, vector<512x128xi32> -> vector<512x128xi32>
    %eq3A_80 = arith.constant 1 : i32
    %eq3A_81 = vector.broadcast %eq3A_80 : i32 to vector<512x128xi32>
    %eq3A_82 = arith.cmpi eq, %select_n3A, %eq3A_81 : vector<512x128xi32>
    %select_n3A_83 = arith.select %eq3A_82, %gather3A_79, %select_n3A_64 : vector<512x128xi1>, vector<512x128xi32>
    %get3A_84 = arith.constant 0 : index
    %get3A_85 = arith.constant 256 : index
    %get3A_86 = vector.load %arg0[%get3A_84, %get3A_85] : memref<1x4096xi32, #tpu.memory_space<vmem>>, vector<1x128xi32>
    %broadcast_in_dim3A_87 = vector.shape_cast %get3A_86 : vector<1x128xi32> to vector<1x128xi32>
    %broadcast_in_dim3A_88 = vector.broadcast %broadcast_in_dim3A_87 : vector<1x128xi32> to vector<512x128xi32>
    %lt3A_89 = arith.constant 0 : i32
    %lt3A_90 = vector.broadcast %lt3A_89 : i32 to vector<512x128xi32>
    %lt3A_91 = arith.cmpi slt, %select_n3A_46, %lt3A_90 : vector<512x128xi32>
    %add3A_92 = arith.constant 128 : i32
    %add3A_93 = vector.broadcast %add3A_92 : i32 to vector<512x128xi32>
    %add3A_94 = arith.addi %select_n3A_46, %add3A_93 : vector<512x128xi32>
    %select_n3A_95 = arith.select %lt3A_91, %add3A_94, %select_n3A_46 : vector<512x128xi1>, vector<512x128xi32>
    %reshape3A_96 = vector.shape_cast %select_n3A_95 : vector<512x128xi32> to vector<512x128x1xi32>
    %gather3A_97 = vector.shape_cast %reshape3A_96 : vector<512x128x1xi32> to vector<512x128xi32>
    %gather3A_98 = tpu.dynamic_gather %broadcast_in_dim3A_88[%gather3A_97] in [1] : vector<512x128xi32>, vector<512x128xi32> -> vector<512x128xi32>
    %eq3A_99 = arith.constant 2 : i32
    %eq3A_100 = vector.broadcast %eq3A_99 : i32 to vector<512x128xi32>
    %eq3A_101 = arith.cmpi eq, %select_n3A, %eq3A_100 : vector<512x128xi32>
    %select_n3A_102 = arith.select %eq3A_101, %gather3A_98, %select_n3A_83 : vector<512x128xi1>, vector<512x128xi32>
    %get3A_103 = arith.constant 0 : index
    %get3A_104 = arith.constant 384 : index
    %get3A_105 = vector.load %arg0[%get3A_103, %get3A_104] : memref<1x4096xi32, #tpu.memory_space<vmem>>, vector<1x128xi32>
    %broadcast_in_dim3A_106 = vector.shape_cast %get3A_105 : vector<1x128xi32> to vector<1x128xi32>
    %broadcast_in_dim3A_107 = vector.broadcast %broadcast_in_dim3A_106 : vector<1x128xi32> to vector<512x128xi32>
    %lt3A_108 = arith.constant 0 : i32
    %lt3A_109 = vector.broadcast %lt3A_108 : i32 to vector<512x128xi32>
    %lt3A_110 = arith.cmpi slt, %select_n3A_46, %lt3A_109 : vector<512x128xi32>
    %add3A_111 = arith.constant 128 : i32
    %add3A_112 = vector.broadcast %add3A_111 : i32 to vector<512x128xi32>
    %add3A_113 = arith.addi %select_n3A_46, %add3A_112 : vector<512x128xi32>
    %select_n3A_114 = arith.select %lt3A_110, %add3A_113, %select_n3A_46 : vector<512x128xi1>, vector<512x128xi32>
    %reshape3A_115 = vector.shape_cast %select_n3A_114 : vector<512x128xi32> to vector<512x128x1xi32>
    %gather3A_116 = vector.shape_cast %reshape3A_115 : vector<512x128x1xi32> to vector<512x128xi32>
    %gather3A_117 = tpu.dynamic_gather %broadcast_in_dim3A_107[%gather3A_116] in [1] : vector<512x128xi32>, vector<512x128xi32> -> vector<512x128xi32>
    %eq3A_118 = arith.constant 3 : i32
    %eq3A_119 = vector.broadcast %eq3A_118 : i32 to vector<512x128xi32>
    %eq3A_120 = arith.cmpi eq, %select_n3A, %eq3A_119 : vector<512x128xi32>
    %select_n3A_121 = arith.select %eq3A_120, %gather3A_117, %select_n3A_102 : vector<512x128xi1>, vector<512x128xi32>
    %get3A_122 = arith.constant 0 : index
    %get3A_123 = arith.constant 512 : index
    %get3A_124 = vector.load %arg0[%get3A_122, %get3A_123] : memref<1x4096xi32, #tpu.memory_space<vmem>>, vector<1x128xi32>
    %broadcast_in_dim3A_125 = vector.shape_cast %get3A_124 : vector<1x128xi32> to vector<1x128xi32>
    %broadcast_in_dim3A_126 = vector.broadcast %broadcast_in_dim3A_125 : vector<1x128xi32> to vector<512x128xi32>
    %lt3A_127 = arith.constant 0 : i32
    %lt3A_128 = vector.broadcast %lt3A_127 : i32 to vector<512x128xi32>
    %lt3A_129 = arith.cmpi slt, %select_n3A_46, %lt3A_128 : vector<512x128xi32>
    %add3A_130 = arith.constant 128 : i32
    %add3A_131 = vector.broadcast %add3A_130 : i32 to vector<512x128xi32>
    %add3A_132 = arith.addi %select_n3A_46, %add3A_131 : vector<512x128xi32>
    %select_n3A_133 = arith.select %lt3A_129, %add3A_132, %select_n3A_46 : vector<512x128xi1>, vector<512x128xi32>
    %reshape3A_134 = vector.shape_cast %select_n3A_133 : vector<512x128xi32> to vector<512x128x1xi32>
    %gather3A_135 = vector.shape_cast %reshape3A_134 : vector<512x128x1xi32> to vector<512x128xi32>
    %gather3A_136 = tpu.dynamic_gather %broadcast_in_dim3A_126[%gather3A_135] in [1] : vector<512x128xi32>, vector<512x128xi32> -> vector<512x128xi32>
    %eq3A_137 = arith.constant 4 : i32
    %eq3A_138 = vector.broadcast %eq3A_137 : i32 to vector<512x128xi32>
    %eq3A_139 = arith.cmpi eq, %select_n3A, %eq3A_138 : vector<512x128xi32>
    %select_n3A_140 = arith.select %eq3A_139, %gather3A_136, %select_n3A_121 : vector<512x128xi1>, vector<512x128xi32>
    %get3A_141 = arith.constant 0 : index
    %get3A_142 = arith.constant 640 : index
    %get3A_143 = vector.load %arg0[%get3A_141, %get3A_142] : memref<1x4096xi32, #tpu.memory_space<vmem>>, vector<1x128xi32>
    %broadcast_in_dim3A_144 = vector.shape_cast %get3A_143 : vector<1x128xi32> to vector<1x128xi32>
    %broadcast_in_dim3A_145 = vector.broadcast %broadcast_in_dim3A_144 : vector<1x128xi32> to vector<512x128xi32>
    %lt3A_146 = arith.constant 0 : i32
    %lt3A_147 = vector.broadcast %lt3A_146 : i32 to vector<512x128xi32>
    %lt3A_148 = arith.cmpi slt, %select_n3A_46, %lt3A_147 : vector<512x128xi32>
    %add3A_149 = arith.constant 128 : i32
    %add3A_150 = vector.broadcast %add3A_149 : i32 to vector<512x128xi32>
    %add3A_151 = arith.addi %select_n3A_46, %add3A_150 : vector<512x128xi32>
    %select_n3A_152 = arith.select %lt3A_148, %add3A_151, %select_n3A_46 : vector<512x128xi1>, vector<512x128xi32>
    %reshape3A_153 = vector.shape_cast %select_n3A_152 : vector<512x128xi32> to vector<512x128x1xi32>
    %gather3A_154 = vector.shape_cast %reshape3A_153 : vector<512x128x1xi32> to vector<512x128xi32>
    %gather3A_155 = tpu.dynamic_gather %broadcast_in_dim3A_145[%gather3A_154] in [1] : vector<512x128xi32>, vector<512x128xi32> -> vector<512x128xi32>
    %eq3A_156 = arith.constant 5 : i32
    %eq3A_157 = vector.broadcast %eq3A_156 : i32 to vector<512x128xi32>
    %eq3A_158 = arith.cmpi eq, %select_n3A, %eq3A_157 : vector<512x128xi32>
    %select_n3A_159 = arith.select %eq3A_158, %gather3A_155, %select_n3A_140 : vector<512x128xi1>, vector<512x128xi32>
    %get3A_160 = arith.constant 0 : index
    %get3A_161 = arith.constant 768 : index
    %get3A_162 = vector.load %arg0[%get3A_160, %get3A_161] : memref<1x4096xi32, #tpu.memory_space<vmem>>, vector<1x128xi32>
    %broadcast_in_dim3A_163 = vector.shape_cast %get3A_162 : vector<1x128xi32> to vector<1x128xi32>
    %broadcast_in_dim3A_164 = vector.broadcast %broadcast_in_dim3A_163 : vector<1x128xi32> to vector<512x128xi32>
    %lt3A_165 = arith.constant 0 : i32
    %lt3A_166 = vector.broadcast %lt3A_165 : i32 to vector<512x128xi32>
    %lt3A_167 = arith.cmpi slt, %select_n3A_46, %lt3A_166 : vector<512x128xi32>
    %add3A_168 = arith.constant 128 : i32
    %add3A_169 = vector.broadcast %add3A_168 : i32 to vector<512x128xi32>
    %add3A_170 = arith.addi %select_n3A_46, %add3A_169 : vector<512x128xi32>
    %select_n3A_171 = arith.select %lt3A_167, %add3A_170, %select_n3A_46 : vector<512x128xi1>, vector<512x128xi32>
    %reshape3A_172 = vector.shape_cast %select_n3A_171 : vector<512x128xi32> to vector<512x128x1xi32>
    %gather3A_173 = vector.shape_cast %reshape3A_172 : vector<512x128x1xi32> to vector<512x128xi32>
    %gather3A_174 = tpu.dynamic_gather %broadcast_in_dim3A_164[%gather3A_173] in [1] : vector<512x128xi32>, vector<512x128xi32> -> vector<512x128xi32>
    %eq3A_175 = arith.constant 6 : i32
    %eq3A_176 = vector.broadcast %eq3A_175 : i32 to vector<512x128xi32>
    %eq3A_177 = arith.cmpi eq, %select_n3A, %eq3A_176 : vector<512x128xi32>
    %select_n3A_178 = arith.select %eq3A_177, %gather3A_174, %select_n3A_159 : vector<512x128xi1>, vector<512x128xi32>
    %get3A_179 = arith.constant 0 : index
    %get3A_180 = arith.constant 896 : index
    %get3A_181 = vector.load %arg0[%get3A_179, %get3A_180] : memref<1x4096xi32, #tpu.memory_space<vmem>>, vector<1x128xi32>
    %broadcast_in_dim3A_182 = vector.shape_cast %get3A_181 : vector<1x128xi32> to vector<1x128xi32>
    %broadcast_in_dim3A_183 = vector.broadcast %broadcast_in_dim3A_182 : vector<1x128xi32> to vector<512x128xi32>
    %lt3A_184 = arith.constant 0 : i32
    %lt3A_185 = vector.broadcast %lt3A_184 : i32 to vector<512x128xi32>
    %lt3A_186 = arith.cmpi slt, %select_n3A_46, %lt3A_185 : vector<512x128xi32>
    %add3A_187 = arith.constant 128 : i32
    %add3A_188 = vector.broadcast %add3A_187 : i32 to vector<512x128xi32>
    %add3A_189 = arith.addi %select_n3A_46, %add3A_188 : vector<512x128xi32>
    %select_n3A_190 = arith.select %lt3A_186, %add3A_189, %select_n3A_46 : vector<512x128xi1>, vector<512x128xi32>
    %reshape3A_191 = vector.shape_cast %select_n3A_190 : vector<512x128xi32> to vector<512x128x1xi32>
    %gather3A_192 = vector.shape_cast %reshape3A_191 : vector<512x128x1xi32> to vector<512x128xi32>
    %gather3A_193 = tpu.dynamic_gather %broadcast_in_dim3A_183[%gather3A_192] in [1] : vector<512x128xi32>, vector<512x128xi32> -> vector<512x128xi32>
    %eq3A_194 = arith.constant 7 : i32
    %eq3A_195 = vector.broadcast %eq3A_194 : i32 to vector<512x128xi32>
    %eq3A_196 = arith.cmpi eq, %select_n3A, %eq3A_195 : vector<512x128xi32>
    %select_n3A_197 = arith.select %eq3A_196, %gather3A_193, %select_n3A_178 : vector<512x128xi1>, vector<512x128xi32>
    %get3A_198 = arith.constant 0 : index
    %get3A_199 = arith.constant 1024 : index
    %get3A_200 = vector.load %arg0[%get3A_198, %get3A_199] : memref<1x4096xi32, #tpu.memory_space<vmem>>, vector<1x128xi32>
    %broadcast_in_dim3A_201 = vector.shape_cast %get3A_200 : vector<1x128xi32> to vector<1x128xi32>
    %broadcast_in_dim3A_202 = vector.broadcast %broadcast_in_dim3A_201 : vector<1x128xi32> to vector<512x128xi32>
    %lt3A_203 = arith.constant 0 : i32
    %lt3A_204 = vector.broadcast %lt3A_203 : i32 to vector<512x128xi32>
    %lt3A_205 = arith.cmpi slt, %select_n3A_46, %lt3A_204 : vector<512x128xi32>
    %add3A_206 = arith.constant 128 : i32
    %add3A_207 = vector.broadcast %add3A_206 : i32 to vector<512x128xi32>
    %add3A_208 = arith.addi %select_n3A_46, %add3A_207 : vector<512x128xi32>
    %select_n3A_209 = arith.select %lt3A_205, %add3A_208, %select_n3A_46 : vector<512x128xi1>, vector<512x128xi32>
    %reshape3A_210 = vector.shape_cast %select_n3A_209 : vector<512x128xi32> to vector<512x128x1xi32>
    %gather3A_211 = vector.shape_cast %reshape3A_210 : vector<512x128x1xi32> to vector<512x128xi32>
    %gather3A_212 = tpu.dynamic_gather %broadcast_in_dim3A_202[%gather3A_211] in [1] : vector<512x128xi32>, vector<512x128xi32> -> vector<512x128xi32>
    %eq3A_213 = arith.constant 8 : i32
    %eq3A_214 = vector.broadcast %eq3A_213 : i32 to vector<512x128xi32>
    %eq3A_215 = arith.cmpi eq, %select_n3A, %eq3A_214 : vector<512x128xi32>
    %select_n3A_216 = arith.select %eq3A_215, %gather3A_212, %select_n3A_197 : vector<512x128xi1>, vector<512x128xi32>
    %get3A_217 = arith.constant 0 : index
    %get3A_218 = arith.constant 1152 : index
    %get3A_219 = vector.load %arg0[%get3A_217, %get3A_218] : memref<1x4096xi32, #tpu.memory_space<vmem>>, vector<1x128xi32>
    %broadcast_in_dim3A_220 = vector.shape_cast %get3A_219 : vector<1x128xi32> to vector<1x128xi32>
    %broadcast_in_dim3A_221 = vector.broadcast %broadcast_in_dim3A_220 : vector<1x128xi32> to vector<512x128xi32>
    %lt3A_222 = arith.constant 0 : i32
    %lt3A_223 = vector.broadcast %lt3A_222 : i32 to vector<512x128xi32>
    %lt3A_224 = arith.cmpi slt, %select_n3A_46, %lt3A_223 : vector<512x128xi32>
    %add3A_225 = arith.constant 128 : i32
    %add3A_226 = vector.broadcast %add3A_225 : i32 to vector<512x128xi32>
    %add3A_227 = arith.addi %select_n3A_46, %add3A_226 : vector<512x128xi32>
    %select_n3A_228 = arith.select %lt3A_224, %add3A_227, %select_n3A_46 : vector<512x128xi1>, vector<512x128xi32>
    %reshape3A_229 = vector.shape_cast %select_n3A_228 : vector<512x128xi32> to vector<512x128x1xi32>
    %gather3A_230 = vector.shape_cast %reshape3A_229 : vector<512x128x1xi32> to vector<512x128xi32>
    %gather3A_231 = tpu.dynamic_gather %broadcast_in_dim3A_221[%gather3A_230] in [1] : vector<512x128xi32>, vector<512x128xi32> -> vector<512x128xi32>
    %eq3A_232 = arith.constant 9 : i32
    %eq3A_233 = vector.broadcast %eq3A_232 : i32 to vector<512x128xi32>
    %eq3A_234 = arith.cmpi eq, %select_n3A, %eq3A_233 : vector<512x128xi32>
    %select_n3A_235 = arith.select %eq3A_234, %gather3A_231, %select_n3A_216 : vector<512x128xi1>, vector<512x128xi32>
    %get3A_236 = arith.constant 0 : index
    %get3A_237 = arith.constant 1280 : index
    %get3A_238 = vector.load %arg0[%get3A_236, %get3A_237] : memref<1x4096xi32, #tpu.memory_space<vmem>>, vector<1x128xi32>
    %broadcast_in_dim3A_239 = vector.shape_cast %get3A_238 : vector<1x128xi32> to vector<1x128xi32>
    %broadcast_in_dim3A_240 = vector.broadcast %broadcast_in_dim3A_239 : vector<1x128xi32> to vector<512x128xi32>
    %lt3A_241 = arith.constant 0 : i32
    %lt3A_242 = vector.broadcast %lt3A_241 : i32 to vector<512x128xi32>
    %lt3A_243 = arith.cmpi slt, %select_n3A_46, %lt3A_242 : vector<512x128xi32>
    %add3A_244 = arith.constant 128 : i32
    %add3A_245 = vector.broadcast %add3A_244 : i32 to vector<512x128xi32>
    %add3A_246 = arith.addi %select_n3A_46, %add3A_245 : vector<512x128xi32>
    %select_n3A_247 = arith.select %lt3A_243, %add3A_246, %select_n3A_46 : vector<512x128xi1>, vector<512x128xi32>
    %reshape3A_248 = vector.shape_cast %select_n3A_247 : vector<512x128xi32> to vector<512x128x1xi32>
    %gather3A_249 = vector.shape_cast %reshape3A_248 : vector<512x128x1xi32> to vector<512x128xi32>
    %gather3A_250 = tpu.dynamic_gather %broadcast_in_dim3A_240[%gather3A_249] in [1] : vector<512x128xi32>, vector<512x128xi32> -> vector<512x128xi32>
    %eq3A_251 = arith.constant 10 : i32
    %eq3A_252 = vector.broadcast %eq3A_251 : i32 to vector<512x128xi32>
    %eq3A_253 = arith.cmpi eq, %select_n3A, %eq3A_252 : vector<512x128xi32>
    %select_n3A_254 = arith.select %eq3A_253, %gather3A_250, %select_n3A_235 : vector<512x128xi1>, vector<512x128xi32>
    %get3A_255 = arith.constant 0 : index
    %get3A_256 = arith.constant 1408 : index
    %get3A_257 = vector.load %arg0[%get3A_255, %get3A_256] : memref<1x4096xi32, #tpu.memory_space<vmem>>, vector<1x128xi32>
    %broadcast_in_dim3A_258 = vector.shape_cast %get3A_257 : vector<1x128xi32> to vector<1x128xi32>
    %broadcast_in_dim3A_259 = vector.broadcast %broadcast_in_dim3A_258 : vector<1x128xi32> to vector<512x128xi32>
    %lt3A_260 = arith.constant 0 : i32
    %lt3A_261 = vector.broadcast %lt3A_260 : i32 to vector<512x128xi32>
    %lt3A_262 = arith.cmpi slt, %select_n3A_46, %lt3A_261 : vector<512x128xi32>
    %add3A_263 = arith.constant 128 : i32
    %add3A_264 = vector.broadcast %add3A_263 : i32 to vector<512x128xi32>
    %add3A_265 = arith.addi %select_n3A_46, %add3A_264 : vector<512x128xi32>
    %select_n3A_266 = arith.select %lt3A_262, %add3A_265, %select_n3A_46 : vector<512x128xi1>, vector<512x128xi32>
    %reshape3A_267 = vector.shape_cast %select_n3A_266 : vector<512x128xi32> to vector<512x128x1xi32>
    %gather3A_268 = vector.shape_cast %reshape3A_267 : vector<512x128x1xi32> to vector<512x128xi32>
    %gather3A_269 = tpu.dynamic_gather %broadcast_in_dim3A_259[%gather3A_268] in [1] : vector<512x128xi32>, vector<512x128xi32> -> vector<512x128xi32>
    %eq3A_270 = arith.constant 11 : i32
    %eq3A_271 = vector.broadcast %eq3A_270 : i32 to vector<512x128xi32>
    %eq3A_272 = arith.cmpi eq, %select_n3A, %eq3A_271 : vector<512x128xi32>
    %select_n3A_273 = arith.select %eq3A_272, %gather3A_269, %select_n3A_254 : vector<512x128xi1>, vector<512x128xi32>
    %get3A_274 = arith.constant 0 : index
    %get3A_275 = arith.constant 1536 : index
    %get3A_276 = vector.load %arg0[%get3A_274, %get3A_275] : memref<1x4096xi32, #tpu.memory_space<vmem>>, vector<1x128xi32>
    %broadcast_in_dim3A_277 = vector.shape_cast %get3A_276 : vector<1x128xi32> to vector<1x128xi32>
    %broadcast_in_dim3A_278 = vector.broadcast %broadcast_in_dim3A_277 : vector<1x128xi32> to vector<512x128xi32>
    %lt3A_279 = arith.constant 0 : i32
    %lt3A_280 = vector.broadcast %lt3A_279 : i32 to vector<512x128xi32>
    %lt3A_281 = arith.cmpi slt, %select_n3A_46, %lt3A_280 : vector<512x128xi32>
    %add3A_282 = arith.constant 128 : i32
    %add3A_283 = vector.broadcast %add3A_282 : i32 to vector<512x128xi32>
    %add3A_284 = arith.addi %select_n3A_46, %add3A_283 : vector<512x128xi32>
    %select_n3A_285 = arith.select %lt3A_281, %add3A_284, %select_n3A_46 : vector<512x128xi1>, vector<512x128xi32>
    %reshape3A_286 = vector.shape_cast %select_n3A_285 : vector<512x128xi32> to vector<512x128x1xi32>
    %gather3A_287 = vector.shape_cast %reshape3A_286 : vector<512x128x1xi32> to vector<512x128xi32>
    %gather3A_288 = tpu.dynamic_gather %broadcast_in_dim3A_278[%gather3A_287] in [1] : vector<512x128xi32>, vector<512x128xi32> -> vector<512x128xi32>
    %eq3A_289 = arith.constant 12 : i32
    %eq3A_290 = vector.broadcast %eq3A_289 : i32 to vector<512x128xi32>
    %eq3A_291 = arith.cmpi eq, %select_n3A, %eq3A_290 : vector<512x128xi32>
    %select_n3A_292 = arith.select %eq3A_291, %gather3A_288, %select_n3A_273 : vector<512x128xi1>, vector<512x128xi32>
    %get3A_293 = arith.constant 0 : index
    %get3A_294 = arith.constant 1664 : index
    %get3A_295 = vector.load %arg0[%get3A_293, %get3A_294] : memref<1x4096xi32, #tpu.memory_space<vmem>>, vector<1x128xi32>
    %broadcast_in_dim3A_296 = vector.shape_cast %get3A_295 : vector<1x128xi32> to vector<1x128xi32>
    %broadcast_in_dim3A_297 = vector.broadcast %broadcast_in_dim3A_296 : vector<1x128xi32> to vector<512x128xi32>
    %lt3A_298 = arith.constant 0 : i32
    %lt3A_299 = vector.broadcast %lt3A_298 : i32 to vector<512x128xi32>
    %lt3A_300 = arith.cmpi slt, %select_n3A_46, %lt3A_299 : vector<512x128xi32>
    %add3A_301 = arith.constant 128 : i32
    %add3A_302 = vector.broadcast %add3A_301 : i32 to vector<512x128xi32>
    %add3A_303 = arith.addi %select_n3A_46, %add3A_302 : vector<512x128xi32>
    %select_n3A_304 = arith.select %lt3A_300, %add3A_303, %select_n3A_46 : vector<512x128xi1>, vector<512x128xi32>
    %reshape3A_305 = vector.shape_cast %select_n3A_304 : vector<512x128xi32> to vector<512x128x1xi32>
    %gather3A_306 = vector.shape_cast %reshape3A_305 : vector<512x128x1xi32> to vector<512x128xi32>
    %gather3A_307 = tpu.dynamic_gather %broadcast_in_dim3A_297[%gather3A_306] in [1] : vector<512x128xi32>, vector<512x128xi32> -> vector<512x128xi32>
    %eq3A_308 = arith.constant 13 : i32
    %eq3A_309 = vector.broadcast %eq3A_308 : i32 to vector<512x128xi32>
    %eq3A_310 = arith.cmpi eq, %select_n3A, %eq3A_309 : vector<512x128xi32>
    %select_n3A_311 = arith.select %eq3A_310, %gather3A_307, %select_n3A_292 : vector<512x128xi1>, vector<512x128xi32>
    %get3A_312 = arith.constant 0 : index
    %get3A_313 = arith.constant 1792 : index
    %get3A_314 = vector.load %arg0[%get3A_312, %get3A_313] : memref<1x4096xi32, #tpu.memory_space<vmem>>, vector<1x128xi32>
    %broadcast_in_dim3A_315 = vector.shape_cast %get3A_314 : vector<1x128xi32> to vector<1x128xi32>
    %broadcast_in_dim3A_316 = vector.broadcast %broadcast_in_dim3A_315 : vector<1x128xi32> to vector<512x128xi32>
    %lt3A_317 = arith.constant 0 : i32
    %lt3A_318 = vector.broadcast %lt3A_317 : i32 to vector<512x128xi32>
    %lt3A_319 = arith.cmpi slt, %select_n3A_46, %lt3A_318 : vector<512x128xi32>
    %add3A_320 = arith.constant 128 : i32
    %add3A_321 = vector.broadcast %add3A_320 : i32 to vector<512x128xi32>
    %add3A_322 = arith.addi %select_n3A_46, %add3A_321 : vector<512x128xi32>
    %select_n3A_323 = arith.select %lt3A_319, %add3A_322, %select_n3A_46 : vector<512x128xi1>, vector<512x128xi32>
    %reshape3A_324 = vector.shape_cast %select_n3A_323 : vector<512x128xi32> to vector<512x128x1xi32>
    %gather3A_325 = vector.shape_cast %reshape3A_324 : vector<512x128x1xi32> to vector<512x128xi32>
    %gather3A_326 = tpu.dynamic_gather %broadcast_in_dim3A_316[%gather3A_325] in [1] : vector<512x128xi32>, vector<512x128xi32> -> vector<512x128xi32>
    %eq3A_327 = arith.constant 14 : i32
    %eq3A_328 = vector.broadcast %eq3A_327 : i32 to vector<512x128xi32>
    %eq3A_329 = arith.cmpi eq, %select_n3A, %eq3A_328 : vector<512x128xi32>
    %select_n3A_330 = arith.select %eq3A_329, %gather3A_326, %select_n3A_311 : vector<512x128xi1>, vector<512x128xi32>
    %get3A_331 = arith.constant 0 : index
    %get3A_332 = arith.constant 1920 : index
    %get3A_333 = vector.load %arg0[%get3A_331, %get3A_332] : memref<1x4096xi32, #tpu.memory_space<vmem>>, vector<1x128xi32>
    %broadcast_in_dim3A_334 = vector.shape_cast %get3A_333 : vector<1x128xi32> to vector<1x128xi32>
    %broadcast_in_dim3A_335 = vector.broadcast %broadcast_in_dim3A_334 : vector<1x128xi32> to vector<512x128xi32>
    %lt3A_336 = arith.constant 0 : i32
    %lt3A_337 = vector.broadcast %lt3A_336 : i32 to vector<512x128xi32>
    %lt3A_338 = arith.cmpi slt, %select_n3A_46, %lt3A_337 : vector<512x128xi32>
    %add3A_339 = arith.constant 128 : i32
    %add3A_340 = vector.broadcast %add3A_339 : i32 to vector<512x128xi32>
    %add3A_341 = arith.addi %select_n3A_46, %add3A_340 : vector<512x128xi32>
    %select_n3A_342 = arith.select %lt3A_338, %add3A_341, %select_n3A_46 : vector<512x128xi1>, vector<512x128xi32>
    %reshape3A_343 = vector.shape_cast %select_n3A_342 : vector<512x128xi32> to vector<512x128x1xi32>
    %gather3A_344 = vector.shape_cast %reshape3A_343 : vector<512x128x1xi32> to vector<512x128xi32>
    %gather3A_345 = tpu.dynamic_gather %broadcast_in_dim3A_335[%gather3A_344] in [1] : vector<512x128xi32>, vector<512x128xi32> -> vector<512x128xi32>
    %eq3A_346 = arith.constant 15 : i32
    %eq3A_347 = vector.broadcast %eq3A_346 : i32 to vector<512x128xi32>
    %eq3A_348 = arith.cmpi eq, %select_n3A, %eq3A_347 : vector<512x128xi32>
    %select_n3A_349 = arith.select %eq3A_348, %gather3A_345, %select_n3A_330 : vector<512x128xi1>, vector<512x128xi32>
    %get3A_350 = arith.constant 0 : index
    %get3A_351 = arith.constant 2048 : index
    %get3A_352 = vector.load %arg0[%get3A_350, %get3A_351] : memref<1x4096xi32, #tpu.memory_space<vmem>>, vector<1x128xi32>
    %broadcast_in_dim3A_353 = vector.shape_cast %get3A_352 : vector<1x128xi32> to vector<1x128xi32>
    %broadcast_in_dim3A_354 = vector.broadcast %broadcast_in_dim3A_353 : vector<1x128xi32> to vector<512x128xi32>
    %lt3A_355 = arith.constant 0 : i32
    %lt3A_356 = vector.broadcast %lt3A_355 : i32 to vector<512x128xi32>
    %lt3A_357 = arith.cmpi slt, %select_n3A_46, %lt3A_356 : vector<512x128xi32>
    %add3A_358 = arith.constant 128 : i32
    %add3A_359 = vector.broadcast %add3A_358 : i32 to vector<512x128xi32>
    %add3A_360 = arith.addi %select_n3A_46, %add3A_359 : vector<512x128xi32>
    %select_n3A_361 = arith.select %lt3A_357, %add3A_360, %select_n3A_46 : vector<512x128xi1>, vector<512x128xi32>
    %reshape3A_362 = vector.shape_cast %select_n3A_361 : vector<512x128xi32> to vector<512x128x1xi32>
    %gather3A_363 = vector.shape_cast %reshape3A_362 : vector<512x128x1xi32> to vector<512x128xi32>
    %gather3A_364 = tpu.dynamic_gather %broadcast_in_dim3A_354[%gather3A_363] in [1] : vector<512x128xi32>, vector<512x128xi32> -> vector<512x128xi32>
    %eq3A_365 = arith.constant 16 : i32
    %eq3A_366 = vector.broadcast %eq3A_365 : i32 to vector<512x128xi32>
    %eq3A_367 = arith.cmpi eq, %select_n3A, %eq3A_366 : vector<512x128xi32>
    %select_n3A_368 = arith.select %eq3A_367, %gather3A_364, %select_n3A_349 : vector<512x128xi1>, vector<512x128xi32>
    %get3A_369 = arith.constant 0 : index
    %get3A_370 = arith.constant 2176 : index
    %get3A_371 = vector.load %arg0[%get3A_369, %get3A_370] : memref<1x4096xi32, #tpu.memory_space<vmem>>, vector<1x128xi32>
    %broadcast_in_dim3A_372 = vector.shape_cast %get3A_371 : vector<1x128xi32> to vector<1x128xi32>
    %broadcast_in_dim3A_373 = vector.broadcast %broadcast_in_dim3A_372 : vector<1x128xi32> to vector<512x128xi32>
    %lt3A_374 = arith.constant 0 : i32
    %lt3A_375 = vector.broadcast %lt3A_374 : i32 to vector<512x128xi32>
    %lt3A_376 = arith.cmpi slt, %select_n3A_46, %lt3A_375 : vector<512x128xi32>
    %add3A_377 = arith.constant 128 : i32
    %add3A_378 = vector.broadcast %add3A_377 : i32 to vector<512x128xi32>
    %add3A_379 = arith.addi %select_n3A_46, %add3A_378 : vector<512x128xi32>
    %select_n3A_380 = arith.select %lt3A_376, %add3A_379, %select_n3A_46 : vector<512x128xi1>, vector<512x128xi32>
    %reshape3A_381 = vector.shape_cast %select_n3A_380 : vector<512x128xi32> to vector<512x128x1xi32>
    %gather3A_382 = vector.shape_cast %reshape3A_381 : vector<512x128x1xi32> to vector<512x128xi32>
    %gather3A_383 = tpu.dynamic_gather %broadcast_in_dim3A_373[%gather3A_382] in [1] : vector<512x128xi32>, vector<512x128xi32> -> vector<512x128xi32>
    %eq3A_384 = arith.constant 17 : i32
    %eq3A_385 = vector.broadcast %eq3A_384 : i32 to vector<512x128xi32>
    %eq3A_386 = arith.cmpi eq, %select_n3A, %eq3A_385 : vector<512x128xi32>
    %select_n3A_387 = arith.select %eq3A_386, %gather3A_383, %select_n3A_368 : vector<512x128xi1>, vector<512x128xi32>
    %get3A_388 = arith.constant 0 : index
    %get3A_389 = arith.constant 2304 : index
    %get3A_390 = vector.load %arg0[%get3A_388, %get3A_389] : memref<1x4096xi32, #tpu.memory_space<vmem>>, vector<1x128xi32>
    %broadcast_in_dim3A_391 = vector.shape_cast %get3A_390 : vector<1x128xi32> to vector<1x128xi32>
    %broadcast_in_dim3A_392 = vector.broadcast %broadcast_in_dim3A_391 : vector<1x128xi32> to vector<512x128xi32>
    %lt3A_393 = arith.constant 0 : i32
    %lt3A_394 = vector.broadcast %lt3A_393 : i32 to vector<512x128xi32>
    %lt3A_395 = arith.cmpi slt, %select_n3A_46, %lt3A_394 : vector<512x128xi32>
    %add3A_396 = arith.constant 128 : i32
    %add3A_397 = vector.broadcast %add3A_396 : i32 to vector<512x128xi32>
    %add3A_398 = arith.addi %select_n3A_46, %add3A_397 : vector<512x128xi32>
    %select_n3A_399 = arith.select %lt3A_395, %add3A_398, %select_n3A_46 : vector<512x128xi1>, vector<512x128xi32>
    %reshape3A_400 = vector.shape_cast %select_n3A_399 : vector<512x128xi32> to vector<512x128x1xi32>
    %gather3A_401 = vector.shape_cast %reshape3A_400 : vector<512x128x1xi32> to vector<512x128xi32>
    %gather3A_402 = tpu.dynamic_gather %broadcast_in_dim3A_392[%gather3A_401] in [1] : vector<512x128xi32>, vector<512x128xi32> -> vector<512x128xi32>
    %eq3A_403 = arith.constant 18 : i32
    %eq3A_404 = vector.broadcast %eq3A_403 : i32 to vector<512x128xi32>
    %eq3A_405 = arith.cmpi eq, %select_n3A, %eq3A_404 : vector<512x128xi32>
    %select_n3A_406 = arith.select %eq3A_405, %gather3A_402, %select_n3A_387 : vector<512x128xi1>, vector<512x128xi32>
    %get3A_407 = arith.constant 0 : index
    %get3A_408 = arith.constant 2432 : index
    %get3A_409 = vector.load %arg0[%get3A_407, %get3A_408] : memref<1x4096xi32, #tpu.memory_space<vmem>>, vector<1x128xi32>
    %broadcast_in_dim3A_410 = vector.shape_cast %get3A_409 : vector<1x128xi32> to vector<1x128xi32>
    %broadcast_in_dim3A_411 = vector.broadcast %broadcast_in_dim3A_410 : vector<1x128xi32> to vector<512x128xi32>
    %lt3A_412 = arith.constant 0 : i32
    %lt3A_413 = vector.broadcast %lt3A_412 : i32 to vector<512x128xi32>
    %lt3A_414 = arith.cmpi slt, %select_n3A_46, %lt3A_413 : vector<512x128xi32>
    %add3A_415 = arith.constant 128 : i32
    %add3A_416 = vector.broadcast %add3A_415 : i32 to vector<512x128xi32>
    %add3A_417 = arith.addi %select_n3A_46, %add3A_416 : vector<512x128xi32>
    %select_n3A_418 = arith.select %lt3A_414, %add3A_417, %select_n3A_46 : vector<512x128xi1>, vector<512x128xi32>
    %reshape3A_419 = vector.shape_cast %select_n3A_418 : vector<512x128xi32> to vector<512x128x1xi32>
    %gather3A_420 = vector.shape_cast %reshape3A_419 : vector<512x128x1xi32> to vector<512x128xi32>
    %gather3A_421 = tpu.dynamic_gather %broadcast_in_dim3A_411[%gather3A_420] in [1] : vector<512x128xi32>, vector<512x128xi32> -> vector<512x128xi32>
    %eq3A_422 = arith.constant 19 : i32
    %eq3A_423 = vector.broadcast %eq3A_422 : i32 to vector<512x128xi32>
    %eq3A_424 = arith.cmpi eq, %select_n3A, %eq3A_423 : vector<512x128xi32>
    %select_n3A_425 = arith.select %eq3A_424, %gather3A_421, %select_n3A_406 : vector<512x128xi1>, vector<512x128xi32>
    %get3A_426 = arith.constant 0 : index
    %get3A_427 = arith.constant 2560 : index
    %get3A_428 = vector.load %arg0[%get3A_426, %get3A_427] : memref<1x4096xi32, #tpu.memory_space<vmem>>, vector<1x128xi32>
    %broadcast_in_dim3A_429 = vector.shape_cast %get3A_428 : vector<1x128xi32> to vector<1x128xi32>
    %broadcast_in_dim3A_430 = vector.broadcast %broadcast_in_dim3A_429 : vector<1x128xi32> to vector<512x128xi32>
    %lt3A_431 = arith.constant 0 : i32
    %lt3A_432 = vector.broadcast %lt3A_431 : i32 to vector<512x128xi32>
    %lt3A_433 = arith.cmpi slt, %select_n3A_46, %lt3A_432 : vector<512x128xi32>
    %add3A_434 = arith.constant 128 : i32
    %add3A_435 = vector.broadcast %add3A_434 : i32 to vector<512x128xi32>
    %add3A_436 = arith.addi %select_n3A_46, %add3A_435 : vector<512x128xi32>
    %select_n3A_437 = arith.select %lt3A_433, %add3A_436, %select_n3A_46 : vector<512x128xi1>, vector<512x128xi32>
    %reshape3A_438 = vector.shape_cast %select_n3A_437 : vector<512x128xi32> to vector<512x128x1xi32>
    %gather3A_439 = vector.shape_cast %reshape3A_438 : vector<512x128x1xi32> to vector<512x128xi32>
    %gather3A_440 = tpu.dynamic_gather %broadcast_in_dim3A_430[%gather3A_439] in [1] : vector<512x128xi32>, vector<512x128xi32> -> vector<512x128xi32>
    %eq3A_441 = arith.constant 20 : i32
    %eq3A_442 = vector.broadcast %eq3A_441 : i32 to vector<512x128xi32>
    %eq3A_443 = arith.cmpi eq, %select_n3A, %eq3A_442 : vector<512x128xi32>
    %select_n3A_444 = arith.select %eq3A_443, %gather3A_440, %select_n3A_425 : vector<512x128xi1>, vector<512x128xi32>
    %get3A_445 = arith.constant 0 : index
    %get3A_446 = arith.constant 2688 : index
    %get3A_447 = vector.load %arg0[%get3A_445, %get3A_446] : memref<1x4096xi32, #tpu.memory_space<vmem>>, vector<1x128xi32>
    %broadcast_in_dim3A_448 = vector.shape_cast %get3A_447 : vector<1x128xi32> to vector<1x128xi32>
    %broadcast_in_dim3A_449 = vector.broadcast %broadcast_in_dim3A_448 : vector<1x128xi32> to vector<512x128xi32>
    %lt3A_450 = arith.constant 0 : i32
    %lt3A_451 = vector.broadcast %lt3A_450 : i32 to vector<512x128xi32>
    %lt3A_452 = arith.cmpi slt, %select_n3A_46, %lt3A_451 : vector<512x128xi32>
    %add3A_453 = arith.constant 128 : i32
    %add3A_454 = vector.broadcast %add3A_453 : i32 to vector<512x128xi32>
    %add3A_455 = arith.addi %select_n3A_46, %add3A_454 : vector<512x128xi32>
    %select_n3A_456 = arith.select %lt3A_452, %add3A_455, %select_n3A_46 : vector<512x128xi1>, vector<512x128xi32>
    %reshape3A_457 = vector.shape_cast %select_n3A_456 : vector<512x128xi32> to vector<512x128x1xi32>
    %gather3A_458 = vector.shape_cast %reshape3A_457 : vector<512x128x1xi32> to vector<512x128xi32>
    %gather3A_459 = tpu.dynamic_gather %broadcast_in_dim3A_449[%gather3A_458] in [1] : vector<512x128xi32>, vector<512x128xi32> -> vector<512x128xi32>
    %eq3A_460 = arith.constant 21 : i32
    %eq3A_461 = vector.broadcast %eq3A_460 : i32 to vector<512x128xi32>
    %eq3A_462 = arith.cmpi eq, %select_n3A, %eq3A_461 : vector<512x128xi32>
    %select_n3A_463 = arith.select %eq3A_462, %gather3A_459, %select_n3A_444 : vector<512x128xi1>, vector<512x128xi32>
    %get3A_464 = arith.constant 0 : index
    %get3A_465 = arith.constant 2816 : index
    %get3A_466 = vector.load %arg0[%get3A_464, %get3A_465] : memref<1x4096xi32, #tpu.memory_space<vmem>>, vector<1x128xi32>
    %broadcast_in_dim3A_467 = vector.shape_cast %get3A_466 : vector<1x128xi32> to vector<1x128xi32>
    %broadcast_in_dim3A_468 = vector.broadcast %broadcast_in_dim3A_467 : vector<1x128xi32> to vector<512x128xi32>
    %lt3A_469 = arith.constant 0 : i32
    %lt3A_470 = vector.broadcast %lt3A_469 : i32 to vector<512x128xi32>
    %lt3A_471 = arith.cmpi slt, %select_n3A_46, %lt3A_470 : vector<512x128xi32>
    %add3A_472 = arith.constant 128 : i32
    %add3A_473 = vector.broadcast %add3A_472 : i32 to vector<512x128xi32>
    %add3A_474 = arith.addi %select_n3A_46, %add3A_473 : vector<512x128xi32>
    %select_n3A_475 = arith.select %lt3A_471, %add3A_474, %select_n3A_46 : vector<512x128xi1>, vector<512x128xi32>
    %reshape3A_476 = vector.shape_cast %select_n3A_475 : vector<512x128xi32> to vector<512x128x1xi32>
    %gather3A_477 = vector.shape_cast %reshape3A_476 : vector<512x128x1xi32> to vector<512x128xi32>
    %gather3A_478 = tpu.dynamic_gather %broadcast_in_dim3A_468[%gather3A_477] in [1] : vector<512x128xi32>, vector<512x128xi32> -> vector<512x128xi32>
    %eq3A_479 = arith.constant 22 : i32
    %eq3A_480 = vector.broadcast %eq3A_479 : i32 to vector<512x128xi32>
    %eq3A_481 = arith.cmpi eq, %select_n3A, %eq3A_480 : vector<512x128xi32>
    %select_n3A_482 = arith.select %eq3A_481, %gather3A_478, %select_n3A_463 : vector<512x128xi1>, vector<512x128xi32>
    %get3A_483 = arith.constant 0 : index
    %get3A_484 = arith.constant 2944 : index
    %get3A_485 = vector.load %arg0[%get3A_483, %get3A_484] : memref<1x4096xi32, #tpu.memory_space<vmem>>, vector<1x128xi32>
    %broadcast_in_dim3A_486 = vector.shape_cast %get3A_485 : vector<1x128xi32> to vector<1x128xi32>
    %broadcast_in_dim3A_487 = vector.broadcast %broadcast_in_dim3A_486 : vector<1x128xi32> to vector<512x128xi32>
    %lt3A_488 = arith.constant 0 : i32
    %lt3A_489 = vector.broadcast %lt3A_488 : i32 to vector<512x128xi32>
    %lt3A_490 = arith.cmpi slt, %select_n3A_46, %lt3A_489 : vector<512x128xi32>
    %add3A_491 = arith.constant 128 : i32
    %add3A_492 = vector.broadcast %add3A_491 : i32 to vector<512x128xi32>
    %add3A_493 = arith.addi %select_n3A_46, %add3A_492 : vector<512x128xi32>
    %select_n3A_494 = arith.select %lt3A_490, %add3A_493, %select_n3A_46 : vector<512x128xi1>, vector<512x128xi32>
    %reshape3A_495 = vector.shape_cast %select_n3A_494 : vector<512x128xi32> to vector<512x128x1xi32>
    %gather3A_496 = vector.shape_cast %reshape3A_495 : vector<512x128x1xi32> to vector<512x128xi32>
    %gather3A_497 = tpu.dynamic_gather %broadcast_in_dim3A_487[%gather3A_496] in [1] : vector<512x128xi32>, vector<512x128xi32> -> vector<512x128xi32>
    %eq3A_498 = arith.constant 23 : i32
    %eq3A_499 = vector.broadcast %eq3A_498 : i32 to vector<512x128xi32>
    %eq3A_500 = arith.cmpi eq, %select_n3A, %eq3A_499 : vector<512x128xi32>
    %select_n3A_501 = arith.select %eq3A_500, %gather3A_497, %select_n3A_482 : vector<512x128xi1>, vector<512x128xi32>
    %get3A_502 = arith.constant 0 : index
    %get3A_503 = arith.constant 3072 : index
    %get3A_504 = vector.load %arg0[%get3A_502, %get3A_503] : memref<1x4096xi32, #tpu.memory_space<vmem>>, vector<1x128xi32>
    %broadcast_in_dim3A_505 = vector.shape_cast %get3A_504 : vector<1x128xi32> to vector<1x128xi32>
    %broadcast_in_dim3A_506 = vector.broadcast %broadcast_in_dim3A_505 : vector<1x128xi32> to vector<512x128xi32>
    %lt3A_507 = arith.constant 0 : i32
    %lt3A_508 = vector.broadcast %lt3A_507 : i32 to vector<512x128xi32>
    %lt3A_509 = arith.cmpi slt, %select_n3A_46, %lt3A_508 : vector<512x128xi32>
    %add3A_510 = arith.constant 128 : i32
    %add3A_511 = vector.broadcast %add3A_510 : i32 to vector<512x128xi32>
    %add3A_512 = arith.addi %select_n3A_46, %add3A_511 : vector<512x128xi32>
    %select_n3A_513 = arith.select %lt3A_509, %add3A_512, %select_n3A_46 : vector<512x128xi1>, vector<512x128xi32>
    %reshape3A_514 = vector.shape_cast %select_n3A_513 : vector<512x128xi32> to vector<512x128x1xi32>
    %gather3A_515 = vector.shape_cast %reshape3A_514 : vector<512x128x1xi32> to vector<512x128xi32>
    %gather3A_516 = tpu.dynamic_gather %broadcast_in_dim3A_506[%gather3A_515] in [1] : vector<512x128xi32>, vector<512x128xi32> -> vector<512x128xi32>
    %eq3A_517 = arith.constant 24 : i32
    %eq3A_518 = vector.broadcast %eq3A_517 : i32 to vector<512x128xi32>
    %eq3A_519 = arith.cmpi eq, %select_n3A, %eq3A_518 : vector<512x128xi32>
    %select_n3A_520 = arith.select %eq3A_519, %gather3A_516, %select_n3A_501 : vector<512x128xi1>, vector<512x128xi32>
    %get3A_521 = arith.constant 0 : index
    %get3A_522 = arith.constant 3200 : index
    %get3A_523 = vector.load %arg0[%get3A_521, %get3A_522] : memref<1x4096xi32, #tpu.memory_space<vmem>>, vector<1x128xi32>
    %broadcast_in_dim3A_524 = vector.shape_cast %get3A_523 : vector<1x128xi32> to vector<1x128xi32>
    %broadcast_in_dim3A_525 = vector.broadcast %broadcast_in_dim3A_524 : vector<1x128xi32> to vector<512x128xi32>
    %lt3A_526 = arith.constant 0 : i32
    %lt3A_527 = vector.broadcast %lt3A_526 : i32 to vector<512x128xi32>
    %lt3A_528 = arith.cmpi slt, %select_n3A_46, %lt3A_527 : vector<512x128xi32>
    %add3A_529 = arith.constant 128 : i32
    %add3A_530 = vector.broadcast %add3A_529 : i32 to vector<512x128xi32>
    %add3A_531 = arith.addi %select_n3A_46, %add3A_530 : vector<512x128xi32>
    %select_n3A_532 = arith.select %lt3A_528, %add3A_531, %select_n3A_46 : vector<512x128xi1>, vector<512x128xi32>
    %reshape3A_533 = vector.shape_cast %select_n3A_532 : vector<512x128xi32> to vector<512x128x1xi32>
    %gather3A_534 = vector.shape_cast %reshape3A_533 : vector<512x128x1xi32> to vector<512x128xi32>
    %gather3A_535 = tpu.dynamic_gather %broadcast_in_dim3A_525[%gather3A_534] in [1] : vector<512x128xi32>, vector<512x128xi32> -> vector<512x128xi32>
    %eq3A_536 = arith.constant 25 : i32
    %eq3A_537 = vector.broadcast %eq3A_536 : i32 to vector<512x128xi32>
    %eq3A_538 = arith.cmpi eq, %select_n3A, %eq3A_537 : vector<512x128xi32>
    %select_n3A_539 = arith.select %eq3A_538, %gather3A_535, %select_n3A_520 : vector<512x128xi1>, vector<512x128xi32>
    %get3A_540 = arith.constant 0 : index
    %get3A_541 = arith.constant 3328 : index
    %get3A_542 = vector.load %arg0[%get3A_540, %get3A_541] : memref<1x4096xi32, #tpu.memory_space<vmem>>, vector<1x128xi32>
    %broadcast_in_dim3A_543 = vector.shape_cast %get3A_542 : vector<1x128xi32> to vector<1x128xi32>
    %broadcast_in_dim3A_544 = vector.broadcast %broadcast_in_dim3A_543 : vector<1x128xi32> to vector<512x128xi32>
    %lt3A_545 = arith.constant 0 : i32
    %lt3A_546 = vector.broadcast %lt3A_545 : i32 to vector<512x128xi32>
    %lt3A_547 = arith.cmpi slt, %select_n3A_46, %lt3A_546 : vector<512x128xi32>
    %add3A_548 = arith.constant 128 : i32
    %add3A_549 = vector.broadcast %add3A_548 : i32 to vector<512x128xi32>
    %add3A_550 = arith.addi %select_n3A_46, %add3A_549 : vector<512x128xi32>
    %select_n3A_551 = arith.select %lt3A_547, %add3A_550, %select_n3A_46 : vector<512x128xi1>, vector<512x128xi32>
    %reshape3A_552 = vector.shape_cast %select_n3A_551 : vector<512x128xi32> to vector<512x128x1xi32>
    %gather3A_553 = vector.shape_cast %reshape3A_552 : vector<512x128x1xi32> to vector<512x128xi32>
    %gather3A_554 = tpu.dynamic_gather %broadcast_in_dim3A_544[%gather3A_553] in [1] : vector<512x128xi32>, vector<512x128xi32> -> vector<512x128xi32>
    %eq3A_555 = arith.constant 26 : i32
    %eq3A_556 = vector.broadcast %eq3A_555 : i32 to vector<512x128xi32>
    %eq3A_557 = arith.cmpi eq, %select_n3A, %eq3A_556 : vector<512x128xi32>
    %select_n3A_558 = arith.select %eq3A_557, %gather3A_554, %select_n3A_539 : vector<512x128xi1>, vector<512x128xi32>
    %get3A_559 = arith.constant 0 : index
    %get3A_560 = arith.constant 3456 : index
    %get3A_561 = vector.load %arg0[%get3A_559, %get3A_560] : memref<1x4096xi32, #tpu.memory_space<vmem>>, vector<1x128xi32>
    %broadcast_in_dim3A_562 = vector.shape_cast %get3A_561 : vector<1x128xi32> to vector<1x128xi32>
    %broadcast_in_dim3A_563 = vector.broadcast %broadcast_in_dim3A_562 : vector<1x128xi32> to vector<512x128xi32>
    %lt3A_564 = arith.constant 0 : i32
    %lt3A_565 = vector.broadcast %lt3A_564 : i32 to vector<512x128xi32>
    %lt3A_566 = arith.cmpi slt, %select_n3A_46, %lt3A_565 : vector<512x128xi32>
    %add3A_567 = arith.constant 128 : i32
    %add3A_568 = vector.broadcast %add3A_567 : i32 to vector<512x128xi32>
    %add3A_569 = arith.addi %select_n3A_46, %add3A_568 : vector<512x128xi32>
    %select_n3A_570 = arith.select %lt3A_566, %add3A_569, %select_n3A_46 : vector<512x128xi1>, vector<512x128xi32>
    %reshape3A_571 = vector.shape_cast %select_n3A_570 : vector<512x128xi32> to vector<512x128x1xi32>
    %gather3A_572 = vector.shape_cast %reshape3A_571 : vector<512x128x1xi32> to vector<512x128xi32>
    %gather3A_573 = tpu.dynamic_gather %broadcast_in_dim3A_563[%gather3A_572] in [1] : vector<512x128xi32>, vector<512x128xi32> -> vector<512x128xi32>
    %eq3A_574 = arith.constant 27 : i32
    %eq3A_575 = vector.broadcast %eq3A_574 : i32 to vector<512x128xi32>
    %eq3A_576 = arith.cmpi eq, %select_n3A, %eq3A_575 : vector<512x128xi32>
    %select_n3A_577 = arith.select %eq3A_576, %gather3A_573, %select_n3A_558 : vector<512x128xi1>, vector<512x128xi32>
    %get3A_578 = arith.constant 0 : index
    %get3A_579 = arith.constant 3584 : index
    %get3A_580 = vector.load %arg0[%get3A_578, %get3A_579] : memref<1x4096xi32, #tpu.memory_space<vmem>>, vector<1x128xi32>
    %broadcast_in_dim3A_581 = vector.shape_cast %get3A_580 : vector<1x128xi32> to vector<1x128xi32>
    %broadcast_in_dim3A_582 = vector.broadcast %broadcast_in_dim3A_581 : vector<1x128xi32> to vector<512x128xi32>
    %lt3A_583 = arith.constant 0 : i32
    %lt3A_584 = vector.broadcast %lt3A_583 : i32 to vector<512x128xi32>
    %lt3A_585 = arith.cmpi slt, %select_n3A_46, %lt3A_584 : vector<512x128xi32>
    %add3A_586 = arith.constant 128 : i32
    %add3A_587 = vector.broadcast %add3A_586 : i32 to vector<512x128xi32>
    %add3A_588 = arith.addi %select_n3A_46, %add3A_587 : vector<512x128xi32>
    %select_n3A_589 = arith.select %lt3A_585, %add3A_588, %select_n3A_46 : vector<512x128xi1>, vector<512x128xi32>
    %reshape3A_590 = vector.shape_cast %select_n3A_589 : vector<512x128xi32> to vector<512x128x1xi32>
    %gather3A_591 = vector.shape_cast %reshape3A_590 : vector<512x128x1xi32> to vector<512x128xi32>
    %gather3A_592 = tpu.dynamic_gather %broadcast_in_dim3A_582[%gather3A_591] in [1] : vector<512x128xi32>, vector<512x128xi32> -> vector<512x128xi32>
    %eq3A_593 = arith.constant 28 : i32
    %eq3A_594 = vector.broadcast %eq3A_593 : i32 to vector<512x128xi32>
    %eq3A_595 = arith.cmpi eq, %select_n3A, %eq3A_594 : vector<512x128xi32>
    %select_n3A_596 = arith.select %eq3A_595, %gather3A_592, %select_n3A_577 : vector<512x128xi1>, vector<512x128xi32>
    %get3A_597 = arith.constant 0 : index
    %get3A_598 = arith.constant 3712 : index
    %get3A_599 = vector.load %arg0[%get3A_597, %get3A_598] : memref<1x4096xi32, #tpu.memory_space<vmem>>, vector<1x128xi32>
    %broadcast_in_dim3A_600 = vector.shape_cast %get3A_599 : vector<1x128xi32> to vector<1x128xi32>
    %broadcast_in_dim3A_601 = vector.broadcast %broadcast_in_dim3A_600 : vector<1x128xi32> to vector<512x128xi32>
    %lt3A_602 = arith.constant 0 : i32
    %lt3A_603 = vector.broadcast %lt3A_602 : i32 to vector<512x128xi32>
    %lt3A_604 = arith.cmpi slt, %select_n3A_46, %lt3A_603 : vector<512x128xi32>
    %add3A_605 = arith.constant 128 : i32
    %add3A_606 = vector.broadcast %add3A_605 : i32 to vector<512x128xi32>
    %add3A_607 = arith.addi %select_n3A_46, %add3A_606 : vector<512x128xi32>
    %select_n3A_608 = arith.select %lt3A_604, %add3A_607, %select_n3A_46 : vector<512x128xi1>, vector<512x128xi32>
    %reshape3A_609 = vector.shape_cast %select_n3A_608 : vector<512x128xi32> to vector<512x128x1xi32>
    %gather3A_610 = vector.shape_cast %reshape3A_609 : vector<512x128x1xi32> to vector<512x128xi32>
    %gather3A_611 = tpu.dynamic_gather %broadcast_in_dim3A_601[%gather3A_610] in [1] : vector<512x128xi32>, vector<512x128xi32> -> vector<512x128xi32>
    %eq3A_612 = arith.constant 29 : i32
    %eq3A_613 = vector.broadcast %eq3A_612 : i32 to vector<512x128xi32>
    %eq3A_614 = arith.cmpi eq, %select_n3A, %eq3A_613 : vector<512x128xi32>
    %select_n3A_615 = arith.select %eq3A_614, %gather3A_611, %select_n3A_596 : vector<512x128xi1>, vector<512x128xi32>
    %get3A_616 = arith.constant 0 : index
    %get3A_617 = arith.constant 3840 : index
    %get3A_618 = vector.load %arg0[%get3A_616, %get3A_617] : memref<1x4096xi32, #tpu.memory_space<vmem>>, vector<1x128xi32>
    %broadcast_in_dim3A_619 = vector.shape_cast %get3A_618 : vector<1x128xi32> to vector<1x128xi32>
    %broadcast_in_dim3A_620 = vector.broadcast %broadcast_in_dim3A_619 : vector<1x128xi32> to vector<512x128xi32>
    %lt3A_621 = arith.constant 0 : i32
    %lt3A_622 = vector.broadcast %lt3A_621 : i32 to vector<512x128xi32>
    %lt3A_623 = arith.cmpi slt, %select_n3A_46, %lt3A_622 : vector<512x128xi32>
    %add3A_624 = arith.constant 128 : i32
    %add3A_625 = vector.broadcast %add3A_624 : i32 to vector<512x128xi32>
    %add3A_626 = arith.addi %select_n3A_46, %add3A_625 : vector<512x128xi32>
    %select_n3A_627 = arith.select %lt3A_623, %add3A_626, %select_n3A_46 : vector<512x128xi1>, vector<512x128xi32>
    %reshape3A_628 = vector.shape_cast %select_n3A_627 : vector<512x128xi32> to vector<512x128x1xi32>
    %gather3A_629 = vector.shape_cast %reshape3A_628 : vector<512x128x1xi32> to vector<512x128xi32>
    %gather3A_630 = tpu.dynamic_gather %broadcast_in_dim3A_620[%gather3A_629] in [1] : vector<512x128xi32>, vector<512x128xi32> -> vector<512x128xi32>
    %eq3A_631 = arith.constant 30 : i32
    %eq3A_632 = vector.broadcast %eq3A_631 : i32 to vector<512x128xi32>
    %eq3A_633 = arith.cmpi eq, %select_n3A, %eq3A_632 : vector<512x128xi32>
    %select_n3A_634 = arith.select %eq3A_633, %gather3A_630, %select_n3A_615 : vector<512x128xi1>, vector<512x128xi32>
    %get3A_635 = arith.constant 0 : index
    %get3A_636 = arith.constant 3968 : index
    %get3A_637 = vector.load %arg0[%get3A_635, %get3A_636] : memref<1x4096xi32, #tpu.memory_space<vmem>>, vector<1x128xi32>
    %broadcast_in_dim3A_638 = vector.shape_cast %get3A_637 : vector<1x128xi32> to vector<1x128xi32>
    %broadcast_in_dim3A_639 = vector.broadcast %broadcast_in_dim3A_638 : vector<1x128xi32> to vector<512x128xi32>
    %lt3A_640 = arith.constant 0 : i32
    %lt3A_641 = vector.broadcast %lt3A_640 : i32 to vector<512x128xi32>
    %lt3A_642 = arith.cmpi slt, %select_n3A_46, %lt3A_641 : vector<512x128xi32>
    %add3A_643 = arith.constant 128 : i32
    %add3A_644 = vector.broadcast %add3A_643 : i32 to vector<512x128xi32>
    %add3A_645 = arith.addi %select_n3A_46, %add3A_644 : vector<512x128xi32>
    %select_n3A_646 = arith.select %lt3A_642, %add3A_645, %select_n3A_46 : vector<512x128xi1>, vector<512x128xi32>
    %reshape3A_647 = vector.shape_cast %select_n3A_646 : vector<512x128xi32> to vector<512x128x1xi32>
    %gather3A_648 = vector.shape_cast %reshape3A_647 : vector<512x128x1xi32> to vector<512x128xi32>
    %gather3A_649 = tpu.dynamic_gather %broadcast_in_dim3A_639[%gather3A_648] in [1] : vector<512x128xi32>, vector<512x128xi32> -> vector<512x128xi32>
    %eq3A_650 = arith.constant 31 : i32
    %eq3A_651 = vector.broadcast %eq3A_650 : i32 to vector<512x128xi32>
    %eq3A_652 = arith.cmpi eq, %select_n3A, %eq3A_651 : vector<512x128xi32>
    %select_n3A_653 = arith.select %eq3A_652, %gather3A_649, %select_n3A_634 : vector<512x128xi1>, vector<512x128xi32>
    %jit3A_654 = arith.constant 16 : i32
    %div3A_655 = vector.broadcast %jit3A_654 : i32 to vector<512x128xi32>
    %div3A_656 = arith.divsi %select_n3A_653, %div3A_655 : vector<512x128xi32>
    %sign3A_657 = arith.constant 0 : i32
    %sign3A_658 = vector.broadcast %sign3A_657 : i32 to vector<512x128xi32>
    %sign3A_659 = arith.cmpi sgt, %select_n3A_653, %sign3A_658 : vector<512x128xi32>
    %sign3A_660 = arith.extui %sign3A_659 : vector<512x128xi1> to vector<512x128xi32>
    %sign3A_661 = arith.constant 0 : i32
    %sign3A_662 = vector.broadcast %sign3A_661 : i32 to vector<512x128xi32>
    %sign3A_663 = arith.cmpi slt, %select_n3A_653, %sign3A_662 : vector<512x128xi32>
    %sign3A_664 = arith.extui %sign3A_663 : vector<512x128xi1> to vector<512x128xi32>
    %sign3A_665 = arith.subi %sign3A_660, %sign3A_664 : vector<512x128xi32>
    %sign3A_666 = arith.constant 0 : i32
    %sign3A_667 = arith.cmpi sgt, %jit3A_654, %sign3A_666 : i32
    %sign3A_668 = arith.extui %sign3A_667 : i1 to i32
    %sign3A_669 = arith.constant 0 : i32
    %sign3A_670 = arith.cmpi slt, %jit3A_654, %sign3A_669 : i32
    %sign3A_671 = arith.extui %sign3A_670 : i1 to i32
    %sign3A_672 = arith.subi %sign3A_668, %sign3A_671 : i32
    %ne3A_673 = vector.broadcast %sign3A_672 : i32 to vector<512x128xi32>
    %ne3A_674 = arith.cmpi ne, %sign3A_665, %ne3A_673 : vector<512x128xi32>
    %rem3A_675 = vector.broadcast %jit3A_654 : i32 to vector<512x128xi32>
    %rem3A_676 = arith.remsi %select_n3A_653, %rem3A_675 : vector<512x128xi32>
    %ne3A_677 = arith.constant 0 : i32
    %ne3A_678 = vector.broadcast %ne3A_677 : i32 to vector<512x128xi32>
    %ne3A_679 = arith.cmpi ne, %rem3A_676, %ne3A_678 : vector<512x128xi32>
    %and3A_680 = arith.andi %ne3A_674, %ne3A_679 : vector<512x128xi1>
    %sub3A_681 = arith.constant 1 : i32
    %sub3A_682 = vector.broadcast %sub3A_681 : i32 to vector<512x128xi32>
    %sub3A_683 = arith.subi %div3A_656, %sub3A_682 : vector<512x128xi32>
    %select_n3A_684 = arith.select %and3A_680, %sub3A_683, %div3A_656 : vector<512x128xi1>, vector<512x128xi32>
    %jit3A_685 = arith.constant 16 : i32
    %eq3A_686 = arith.constant 0 : i32
    %eq3A_687 = arith.cmpi eq, %jit3A_685, %eq3A_686 : i32
    %jit3A_688 = arith.constant 1 : i32
    %select_n3A_689 = arith.select %eq3A_687, %jit3A_688, %jit3A_685 : i32
    %rem3A_690 = vector.broadcast %select_n3A_689 : i32 to vector<512x128xi32>
    %rem3A_691 = arith.remsi %select_n3A_653, %rem3A_690 : vector<512x128xi32>
    %ne3A_692 = arith.constant 0 : i32
    %ne3A_693 = vector.broadcast %ne3A_692 : i32 to vector<512x128xi32>
    %ne3A_694 = arith.cmpi ne, %rem3A_691, %ne3A_693 : vector<512x128xi32>
    %lt3A_695 = arith.constant 0 : i32
    %lt3A_696 = vector.broadcast %lt3A_695 : i32 to vector<512x128xi32>
    %lt3A_697 = arith.cmpi slt, %rem3A_691, %lt3A_696 : vector<512x128xi32>
    %lt3A_698 = arith.constant 0 : i32
    %lt3A_699 = arith.cmpi slt, %select_n3A_689, %lt3A_698 : i32
    %ne3A_700 = vector.broadcast %lt3A_699 : i1 to vector<512x128xi1>
    %ne3A_701 = vector.broadcast %ne3A_700 : vector<512x128xi1> to vector<512x128xi1>
    %ne3A_702 = arith.xori %lt3A_697, %ne3A_701 : vector<512x128xi1>
    %and3A_703 = arith.andi %ne3A_702, %ne3A_694 : vector<512x128xi1>
    %add3A_704 = vector.broadcast %select_n3A_689 : i32 to vector<512x128xi32>
    %add3A_705 = arith.addi %rem3A_691, %add3A_704 : vector<512x128xi32>
    %select_n3A_706 = arith.select %and3A_703, %add3A_705, %rem3A_691 : vector<512x128xi1>, vector<512x128xi32>
    %mul3A = arith.constant 4096 : i32
    %mul3A_707 = vector.broadcast %mul3A : i32 to vector<512x128xi32>
    %mul3A_708 = arith.muli %select_n3A_684, %mul3A_707 : vector<512x128xi32>
    %add3A_709 = arith.addi %mul3A_708, %get3A_4 : vector<512x128xi32>
    %swap3A = arith.constant 0 : index
    %swap3A_710 = arith.constant 0 : index
    %swap3A_711 = vector.load %arg3[%swap3A, %swap3A_710] : memref<512x128xi32, #tpu.memory_space<vmem>>, vector<512x128xi32>
    tpu.vector_store %arg3[%swap3A, %swap3A_710], %add3A_709 {strides = array<i32>} : memref<512x128xi32, #tpu.memory_space<vmem>>, vector<512x128xi32>,
    %mul3A_712 = arith.constant 4096 : i32
    %mul3A_713 = vector.broadcast %mul3A_712 : i32 to vector<512x128xi32>
    %mul3A_714 = arith.muli %select_n3A_706, %mul3A_713 : vector<512x128xi32>
    %add3A_715 = arith.addi %mul3A_714, %get3A_4 : vector<512x128xi32>
    %swap3A_716 = arith.constant 0 : index
    %swap3A_717 = arith.constant 0 : index
    %swap3A_718 = vector.load %arg4[%swap3A_716, %swap3A_717] : memref<512x128xi32, #tpu.memory_space<vmem>>, vector<512x128xi32>
    tpu.vector_store %arg4[%swap3A_716, %swap3A_717], %add3A_715 {strides = array<i32>} : memref<512x128xi32, #tpu.memory_space<vmem>>, vector<512x128xi32>,
    %add3A_719 = arith.constant 4096 : i32
    %add3A_720 = vector.broadcast %add3A_719 : i32 to vector<512x128xi32>
    %add3A_721 = arith.addi %get3A_1, %add3A_720 : vector<512x128xi32>
    %swap3A_722 = arith.constant 0 : index
    %swap3A_723 = arith.constant 0 : index
    %swap3A_724 = vector.load %arg5[%swap3A_722, %swap3A_723] : memref<512x128xi32, #tpu.memory_space<vmem>>, vector<512x128xi32>
    tpu.vector_store %arg5[%swap3A_722, %swap3A_723], %add3A_721 {strides = array<i32>} : memref<512x128xi32, #tpu.memory_space<vmem>>, vector<512x128xi32>,
    return
  }
}

module attributes {stable_mosaic.version = 14 : i64} {
  func.func @_experts_body(%arg0: i32, %arg1: memref<4096x128xf32, #tpu.memory_space<vmem>>, %arg2: memref<2x4096x128xf32, #tpu.memory_space<vmem>>, %arg3: memref<1x128x128xf32, #tpu.memory_space<vmem>>, %arg4: memref<1x1x128xf32, #tpu.memory_space<vmem>>, %arg5: memref<1x128x128xf32, #tpu.memory_space<vmem>>, %arg6: memref<1x1x128xf32, #tpu.memory_space<vmem>>, %arg7: memref<4096x8xi32, #tpu.memory_space<vmem>>, %arg8: memref<4096x8xf32, #tpu.memory_space<vmem>>, %arg9: memref<1x4096x128xf32, #tpu.memory_space<vmem>>, %arg10: memref<4096x128xf32, #tpu.memory_space<vmem>>, %arg11: memref<4096x128xf32, #tpu.memory_space<vmem>>) attributes {dimension_semantics = [#tpu.dimension_semantics<arbitrary>], iteration_bounds = array<i64: 8>, scalar_prefetch = 0 : i64, scratch_operands = 1 : i64, tpu.core_type = #tpu.core_type<tc>, window_params = [{pipeline_mode = #tpu.pipeline_mode<synchronous>, transform_indices = @transform_0, window_bounds = array<i64: 4096, 128>}, {pipeline_mode = #tpu.pipeline_mode<synchronous>, transform_indices = @transform_1, window_bounds = array<i64: 2, 4096, 128>}, {transform_indices = @transform_2, window_bounds = array<i64: 1, 128, 128>}, {transform_indices = @transform_3, window_bounds = array<i64: 1, 1, 128>}, {transform_indices = @transform_4, window_bounds = array<i64: 1, 128, 128>}, {transform_indices = @transform_5, window_bounds = array<i64: 1, 1, 128>}, {pipeline_mode = #tpu.pipeline_mode<synchronous>, transform_indices = @transform_6, window_bounds = array<i64: 4096, 8>}, {pipeline_mode = #tpu.pipeline_mode<synchronous>, transform_indices = @transform_7, window_bounds = array<i64: 4096, 8>}, {transform_indices = @transform_8, window_bounds = array<i64: 1, 4096, 128>}, {pipeline_mode = #tpu.pipeline_mode<synchronous>, transform_indices = @transform_9, window_bounds = array<i64: 4096, 128>}]} {
    %eq3A = arith.constant 0 : i32
    %eq3A_0 = arith.cmpi eq, %arg0, %eq3A : i32
    %convert_element_type3A = arith.extui %eq3A_0 : i1 to i32
    %cond3A = arith.constant 0 : i32
    %cond3A_1 = arith.cmpi ne, %convert_element_type3A, %cond3A : i32
    scf.if %cond3A_1 {
      %get3A_65 = arith.constant 0 : index
      %get3A_66 = arith.constant 0 : index
      %get3A_67 = vector.load %arg1[%get3A_65, %get3A_66] : memref<4096x128xf32, #tpu.memory_space<vmem>>, vector<4096x128xf32>
      %get3A_68 = arith.constant 0 : index
      %get3A_69 = arith.constant 0 : index
      %get3A_70 = arith.constant 0 : index
      %get3A_71 = vector.load %arg2[%get3A_68, %get3A_69, %get3A_70] : memref<2x4096x128xf32, #tpu.memory_space<vmem>>, vector<1x4096x128xf32>
      %get3A_72 = vector.shape_cast %get3A_71 : vector<1x4096x128xf32> to vector<4096x128xf32>
      %add3A_73 = arith.addf %get3A_67, %get3A_72 : vector<4096x128xf32>
      %get3A_74 = arith.constant 1 : index
      %get3A_75 = arith.constant 0 : index
      %get3A_76 = arith.constant 0 : index
      %get3A_77 = vector.load %arg2[%get3A_74, %get3A_75, %get3A_76] : memref<2x4096x128xf32, #tpu.memory_space<vmem>>, vector<1x4096x128xf32>
      %get3A_78 = vector.shape_cast %get3A_77 : vector<1x4096x128xf32> to vector<4096x128xf32>
      %add3A_79 = arith.addf %add3A_73, %get3A_78 : vector<4096x128xf32>
      %swap3A_80 = arith.constant 0 : index
      %swap3A_81 = arith.constant 0 : index
      %swap3A_82 = vector.load %arg11[%swap3A_80, %swap3A_81] : memref<4096x128xf32, #tpu.memory_space<vmem>>, vector<4096x128xf32>
      tpu.vector_store %arg11[%swap3A_80, %swap3A_81], %add3A_79 {strides = array<i32>} : memref<4096x128xf32, #tpu.memory_space<vmem>>, vector<4096x128xf32>,
      %broadcast_in_dim3A_83 = arith.constant 0.000000e+00 : f32
      %broadcast_in_dim3A_84 = vector.broadcast %broadcast_in_dim3A_83 : f32 to vector<4096x128xf32>
      %swap3A_85 = arith.constant 0 : index
      %swap3A_86 = arith.constant 0 : index
      %swap3A_87 = vector.load %arg10[%swap3A_85, %swap3A_86] : memref<4096x128xf32, #tpu.memory_space<vmem>>, vector<4096x128xf32>
      tpu.vector_store %arg10[%swap3A_85, %swap3A_86], %broadcast_in_dim3A_84 {strides = array<i32>} : memref<4096x128xf32, #tpu.memory_space<vmem>>, vector<4096x128xf32>,
    } else {
    }
    %get3A = arith.constant 0 : index
    %get3A_2 = arith.constant 0 : index
    %get3A_3 = vector.load %arg11[%get3A, %get3A_2] : memref<4096x128xf32, #tpu.memory_space<vmem>>, vector<4096x128xf32>
    %get3A_4 = arith.constant 0 : index
    %get3A_5 = arith.constant 0 : index
    %get3A_6 = arith.constant 0 : index
    %get3A_7 = vector.load %arg3[%get3A_4, %get3A_5, %get3A_6] : memref<1x128x128xf32, #tpu.memory_space<vmem>>, vector<1x128x128xf32>
    %get3A_8 = vector.shape_cast %get3A_7 : vector<1x128x128xf32> to vector<128x128xf32>
    %dot_general3A = arith.constant dense<0.000000e+00> : vector<4096x128xf32>
    %dot_general3A_9 = tpu.matmul %get3A_3, %get3A_8, %dot_general3A {dimension_numbers = #tpu.dot_dimension_numbers<[1], [0], [0], [1], [0, 0, 1, 1], [], []>, transpose_lhs_hint = false} : vector<4096x128xf32>, vector<128x128xf32>, vector<4096x128xf32> -> vector<4096x128xf32>
    %get3A_10 = arith.constant 0 : index
    %get3A_11 = arith.constant 0 : index
    %get3A_12 = arith.constant 0 : index
    %get3A_13 = vector.load %arg4[%get3A_10, %get3A_11, %get3A_12] : memref<1x1x128xf32, #tpu.memory_space<vmem>>, vector<1x1x128xf32>
    %get3A_14 = vector.shape_cast %get3A_13 : vector<1x1x128xf32> to vector<1x128xf32>
    %add3A = vector.broadcast %get3A_14 : vector<1x128xf32> to vector<4096x128xf32>
    %add3A_15 = arith.addf %dot_general3A_9, %add3A : vector<4096x128xf32>
    %max3A = arith.constant 0.000000e+00 : f32
    %max3A_16 = vector.broadcast %max3A : f32 to vector<4096x128xf32>
    %max3A_17 = arith.maximumf %add3A_15, %max3A_16 : vector<4096x128xf32>
    %get3A_18 = arith.constant 0 : index
    %get3A_19 = arith.constant 0 : index
    %get3A_20 = arith.constant 0 : index
    %get3A_21 = vector.load %arg5[%get3A_18, %get3A_19, %get3A_20] : memref<1x128x128xf32, #tpu.memory_space<vmem>>, vector<1x128x128xf32>
    %get3A_22 = vector.shape_cast %get3A_21 : vector<1x128x128xf32> to vector<128x128xf32>
    %dot_general3A_23 = arith.constant dense<0.000000e+00> : vector<4096x128xf32>
    %dot_general3A_24 = tpu.matmul %max3A_17, %get3A_22, %dot_general3A_23 {dimension_numbers = #tpu.dot_dimension_numbers<[1], [0], [0], [1], [0, 0, 1, 1], [], []>, transpose_lhs_hint = false} : vector<4096x128xf32>, vector<128x128xf32>, vector<4096x128xf32> -> vector<4096x128xf32>
    %swap3A = arith.constant 0 : index
    %swap3A_25 = arith.constant 0 : index
    %swap3A_26 = arith.constant 0 : index
    %swap3A_27 = vector.load %arg9[%swap3A, %swap3A_25, %swap3A_26] : memref<1x4096x128xf32, #tpu.memory_space<vmem>>, vector<1x4096x128xf32>
    %swap3A_28 = vector.shape_cast %swap3A_27 : vector<1x4096x128xf32> to vector<4096x128xf32>
    %swap3A_29 = vector.shape_cast %dot_general3A_24 : vector<4096x128xf32> to vector<1x4096x128xf32>
    tpu.vector_store %arg9[%swap3A, %swap3A_25, %swap3A_26], %swap3A_29 {strides = array<i32>} : memref<1x4096x128xf32, #tpu.memory_space<vmem>>, vector<1x4096x128xf32>,
    %get3A_30 = arith.constant 0 : index
    %get3A_31 = arith.constant 0 : index
    %get3A_32 = vector.load %arg7[%get3A_30, %get3A_31] : memref<4096x8xi32, #tpu.memory_space<vmem>>, vector<4096x1xi32>
    %eq3A_33 = vector.broadcast %arg0 : i32 to vector<4096x1xi32>
    %eq3A_34 = arith.cmpi eq, %get3A_32, %eq3A_33 : vector<4096x1xi32>
    %get3A_35 = arith.constant 0 : index
    %get3A_36 = arith.constant 0 : index
    %get3A_37 = vector.load %arg8[%get3A_35, %get3A_36] : memref<4096x8xf32, #tpu.memory_space<vmem>>, vector<4096x1xf32>
    %jit3A = arith.constant 0.000000e+00 : f32
    %broadcast_in_dim3A = vector.broadcast %jit3A : f32 to vector<4096x1xf32>
    %select_n3A = arith.select %eq3A_34, %get3A_37, %broadcast_in_dim3A : vector<4096x1xi1>, vector<4096x1xf32>
    %get3A_38 = arith.constant 0 : index
    %get3A_39 = arith.constant 1 : index
    %get3A_40 = vector.load %arg7[%get3A_38, %get3A_39] : memref<4096x8xi32, #tpu.memory_space<vmem>>, vector<4096x1xi32>
    %eq3A_41 = vector.broadcast %arg0 : i32 to vector<4096x1xi32>
    %eq3A_42 = arith.cmpi eq, %get3A_40, %eq3A_41 : vector<4096x1xi32>
    %get3A_43 = arith.constant 0 : index
    %get3A_44 = arith.constant 1 : index
    %get3A_45 = vector.load %arg8[%get3A_43, %get3A_44] : memref<4096x8xf32, #tpu.memory_space<vmem>>, vector<4096x1xf32>
    %jit3A_46 = arith.constant 0.000000e+00 : f32
    %broadcast_in_dim3A_47 = vector.broadcast %jit3A_46 : f32 to vector<4096x1xf32>
    %select_n3A_48 = arith.select %eq3A_42, %get3A_45, %broadcast_in_dim3A_47 : vector<4096x1xi1>, vector<4096x1xf32>
    %add3A_49 = arith.addf %select_n3A, %select_n3A_48 : vector<4096x1xf32>
    %get3A_50 = arith.constant 0 : index
    %get3A_51 = arith.constant 0 : index
    %get3A_52 = vector.load %arg10[%get3A_50, %get3A_51] : memref<4096x128xf32, #tpu.memory_space<vmem>>, vector<4096x128xf32>
    %get3A_53 = arith.constant 0 : index
    %get3A_54 = arith.constant 0 : index
    %get3A_55 = arith.constant 0 : index
    %get3A_56 = vector.load %arg6[%get3A_53, %get3A_54, %get3A_55] : memref<1x1x128xf32, #tpu.memory_space<vmem>>, vector<1x1x128xf32>
    %get3A_57 = vector.shape_cast %get3A_56 : vector<1x1x128xf32> to vector<1x128xf32>
    %add3A_58 = vector.broadcast %get3A_57 : vector<1x128xf32> to vector<4096x128xf32>
    %add3A_59 = arith.addf %dot_general3A_24, %add3A_58 : vector<4096x128xf32>
    %mul3A = vector.broadcast %add3A_49 : vector<4096x1xf32> to vector<4096x128xf32>
    %mul3A_60 = arith.mulf %mul3A, %add3A_59 : vector<4096x128xf32>
    %add3A_61 = arith.addf %get3A_52, %mul3A_60 : vector<4096x128xf32>
    %swap3A_62 = arith.constant 0 : index
    %swap3A_63 = arith.constant 0 : index
    %swap3A_64 = vector.load %arg10[%swap3A_62, %swap3A_63] : memref<4096x128xf32, #tpu.memory_space<vmem>>, vector<4096x128xf32>
    tpu.vector_store %arg10[%swap3A_62, %swap3A_63], %add3A_61 {strides = array<i32>} : memref<4096x128xf32, #tpu.memory_space<vmem>>, vector<4096x128xf32>,
    return
  }
  func.func @transform_0(%arg0: i32) -> (i32, i32) {
    %c0_i32 = arith.constant 0 : i32
    %c0_i32_0 = arith.constant 0 : i32
    %c0_i32_1 = arith.constant 0 : i32
    return %c0_i32, %c0_i32_0 : i32, i32
  }
  func.func @transform_1(%arg0: i32) -> (i32, i32, i32) {
    %c0_i32 = arith.constant 0 : i32
    %c0_i32_0 = arith.constant 0 : i32
    %c0_i32_1 = arith.constant 0 : i32
    %c0_i32_2 = arith.constant 0 : i32
    return %c0_i32, %c0_i32_0, %c0_i32_1 : i32, i32, i32
  }
  func.func @transform_2(%arg0: i32) -> (i32, i32, i32) {
    %c0_i32 = arith.constant 0 : i32
    %c0_i32_0 = arith.constant 0 : i32
    %c0_i32_1 = arith.constant 0 : i32
    return %arg0, %c0_i32, %c0_i32_0 : i32, i32, i32
  }
  func.func @transform_3(%arg0: i32) -> (i32, i32, i32) {
    %c0_i32 = arith.constant 0 : i32
    %c0_i32_0 = arith.constant 0 : i32
    %c0_i32_1 = arith.constant 0 : i32
    return %arg0, %c0_i32, %c0_i32_0 : i32, i32, i32
  }
  func.func @transform_4(%arg0: i32) -> (i32, i32, i32) {
    %c0_i32 = arith.constant 0 : i32
    %c0_i32_0 = arith.constant 0 : i32
    %c0_i32_1 = arith.constant 0 : i32
    return %arg0, %c0_i32, %c0_i32_0 : i32, i32, i32
  }
  func.func @transform_5(%arg0: i32) -> (i32, i32, i32) {
    %c0_i32 = arith.constant 0 : i32
    %c0_i32_0 = arith.constant 0 : i32
    %c0_i32_1 = arith.constant 0 : i32
    return %arg0, %c0_i32, %c0_i32_0 : i32, i32, i32
  }
  func.func @transform_6(%arg0: i32) -> (i32, i32) {
    %c0_i32 = arith.constant 0 : i32
    %c0_i32_0 = arith.constant 0 : i32
    %c0_i32_1 = arith.constant 0 : i32
    return %c0_i32, %c0_i32_0 : i32, i32
  }
  func.func @transform_7(%arg0: i32) -> (i32, i32) {
    %c0_i32 = arith.constant 0 : i32
    %c0_i32_0 = arith.constant 0 : i32
    %c0_i32_1 = arith.constant 0 : i32
    return %c0_i32, %c0_i32_0 : i32, i32
  }
  func.func @transform_8(%arg0: i32) -> (i32, i32, i32) {
    %c0_i32 = arith.constant 0 : i32
    %c0_i32_0 = arith.constant 0 : i32
    %c0_i32_1 = arith.constant 0 : i32
    return %arg0, %c0_i32, %c0_i32_0 : i32, i32, i32
  }
  func.func @transform_9(%arg0: i32) -> (i32, i32) {
    %c0_i32 = arith.constant 0 : i32
    %c0_i32_0 = arith.constant 0 : i32
    %c0_i32_1 = arith.constant 0 : i32
    return %c0_i32, %c0_i32_0 : i32, i32
  }
}

module attributes {stable_mosaic.version = 14 : i64} {
  func.func @_combine_body(%arg0: memref<4096x128xf32, #tpu.memory_space<vmem>>, %arg1: memref<2x8192x128xf32, #tpu.memory_space<vmem>>, %arg2: memref<4096x8xf32, #tpu.memory_space<vmem>>, %arg3: memref<4096x128xf32, #tpu.memory_space<vmem>>) attributes {dimension_semantics = [], scalar_prefetch = 0 : i64, scratch_operands = 0 : i64, tpu.core_type = #tpu.core_type<tc>} {
    %get3A = arith.constant 0 : index
    %get3A_0 = arith.constant 0 : index
    %get3A_1 = arith.constant 0 : index
    %get3A_2 = vector.load %arg1[%get3A, %get3A_0, %get3A_1] : memref<2x8192x128xf32, #tpu.memory_space<vmem>>, vector<1x4096x128xf32>
    %get3A_3 = vector.shape_cast %get3A_2 : vector<1x4096x128xf32> to vector<4096x128xf32>
    %get3A_4 = arith.constant 1 : index
    %get3A_5 = arith.constant 0 : index
    %get3A_6 = arith.constant 0 : index
    %get3A_7 = vector.load %arg1[%get3A_4, %get3A_5, %get3A_6] : memref<2x8192x128xf32, #tpu.memory_space<vmem>>, vector<1x4096x128xf32>
    %get3A_8 = vector.shape_cast %get3A_7 : vector<1x4096x128xf32> to vector<4096x128xf32>
    %add3A = arith.addf %get3A_3, %get3A_8 : vector<4096x128xf32>
    %get3A_9 = arith.constant 0 : index
    %get3A_10 = arith.constant 4096 : index
    %get3A_11 = arith.constant 0 : index
    %get3A_12 = vector.load %arg1[%get3A_9, %get3A_10, %get3A_11] : memref<2x8192x128xf32, #tpu.memory_space<vmem>>, vector<1x4096x128xf32>
    %get3A_13 = vector.shape_cast %get3A_12 : vector<1x4096x128xf32> to vector<4096x128xf32>
    %get3A_14 = arith.constant 1 : index
    %get3A_15 = arith.constant 4096 : index
    %get3A_16 = arith.constant 0 : index
    %get3A_17 = vector.load %arg1[%get3A_14, %get3A_15, %get3A_16] : memref<2x8192x128xf32, #tpu.memory_space<vmem>>, vector<1x4096x128xf32>
    %get3A_18 = vector.shape_cast %get3A_17 : vector<1x4096x128xf32> to vector<4096x128xf32>
    %add3A_19 = arith.addf %get3A_13, %get3A_18 : vector<4096x128xf32>
    %get3A_20 = arith.constant 0 : index
    %get3A_21 = arith.constant 0 : index
    %get3A_22 = vector.load %arg0[%get3A_20, %get3A_21] : memref<4096x128xf32, #tpu.memory_space<vmem>>, vector<4096x128xf32>
    %get3A_23 = arith.constant 0 : index
    %get3A_24 = arith.constant 0 : index
    %get3A_25 = vector.load %arg2[%get3A_23, %get3A_24] : memref<4096x8xf32, #tpu.memory_space<vmem>>, vector<4096x1xf32>
    %mul3A = vector.broadcast %get3A_25 : vector<4096x1xf32> to vector<4096x128xf32>
    %mul3A_26 = arith.mulf %mul3A, %add3A : vector<4096x128xf32>
    %add3A_27 = arith.addf %get3A_22, %mul3A_26 : vector<4096x128xf32>
    %get3A_28 = arith.constant 0 : index
    %get3A_29 = arith.constant 1 : index
    %get3A_30 = vector.load %arg2[%get3A_28, %get3A_29] : memref<4096x8xf32, #tpu.memory_space<vmem>>, vector<4096x1xf32>
    %mul3A_31 = vector.broadcast %get3A_30 : vector<4096x1xf32> to vector<4096x128xf32>
    %mul3A_32 = arith.mulf %mul3A_31, %add3A_19 : vector<4096x128xf32>
    %add3A_33 = arith.addf %add3A_27, %mul3A_32 : vector<4096x128xf32>
    %swap3A = arith.constant 0 : index
    %swap3A_34 = arith.constant 0 : index
    %swap3A_35 = vector.load %arg3[%swap3A, %swap3A_34] : memref<4096x128xf32, #tpu.memory_space<vmem>>, vector<4096x128xf32>
    tpu.vector_store %arg3[%swap3A, %swap3A_34], %add3A_33 {strides = array<i32>} : memref<4096x128xf32, #tpu.memory_space<vmem>>, vector<4096x128xf32>,
    return
  }
}

</mosaic_0001>

<sc_bundles>
// kernel: kernel.10.cloned.1.call-start
scs
__scs_entry_jumppad:
0x0: {  	(pc) =	sbr.rel $0x88, $3  }
0x1: {  	(tag) =	ssettag $0x0;
	lr =	simm.s32 $0x1  }
0x2: {  	[smem:$0x3F90] =	sst lr;
	_ =	strace $0xD0000000  }
0x3: {  	_ = 	snop  }
0x4: {  	_ = 	snop  }
0x5: {  	_ = 	snop  }
0x6: {  	_ = 	snop  }
0x7: {  	_ = 	snop  }
__scs_overlays_trampoline_lowered:
0x8: {  	[smem:$0x3F9F] =	sst s0  }
0x9: {  	[smem:$0x3FA0] =	sst s1  }
0xa: {  	[smem:$0x3FA1] =	sst s2  }
0xb: {  	[smem:$0x3FA2] =	sst s3  }
0xc: {  	[smem:$0x3FA3] =	sst s4  }
0xd: {  	[smem:$0x3FA4] =	sst s5  }
0xe: {  	[smem:$0x3FA5] =	sst s6  }
0xf: {  	[smem:$0x3FA6] =	sst s7  }
0x10: {  	[smem:$0x3FA7] =	sst s8  }
0x11: {  	[smem:$0x3FA8] =	sst s9;
	s0 =	simm.s32 @!p0 $0x0  }
0x12: {  	s1 =	sld [smem:$0x3F8E];
	s0 =	simm.s32 @p0 $0x1  }
0x13: {  	[smem:$0x3FA9] =	sst s0;
	s0 =	simm.s32 @!p1 $0x0  }
0x14: {  	s2 =	sld [smem:$0x3F8D];
	s0 =	simm.s32 @p1 $0x1  }
0x15: {  	[smem:$0x3FAA] =	sst s0;
	s0 =	simm.s32 @!p2 $0x0  }
0x16: {  	s3 =	sld [smem:$0x3FDB];
	s0 =	simm.s32 @p2 $0x1  }
0x17: {  	s4 =	simm.s32 $0x1BF5;
	[smem:$0x3FAC] =	sst s0  }
0x18: {  	s0 =	sld [smem:$0x3F8F];
	_ =	swait.ge [sflag:s4], $0x0  }
0x19: {  	s7 =	sld [smem:$0x3F90]  }
0x1a: {  	s8 =	sadd.s32 $0xFFFFE003, lr  }
0x1b: {  	s9 =	sadd.s32 $0xFFFFFEF7, lr;
	s5 =	simm.s32 $0xFFFFFFFF;
	p2 =	slt.u32 s8, $0xFFFFF086  }
0x1c: {  	p1 =	slt.u32 s9, $0xF7A;
	s5 =	simm.s32 @!p2 $0x0  }
0x1d: {  	s5 =	simm.s32 @p1 $0x1;
	p0 =	seq.s32 s7, s2  }
0x1e: {  	s7 =	smul.u32 @!p0 $0xF7A, s2;
	p2 =	seq.s32 @!p0 s5, $0x0  }
0x1f: {  	s9 =	smul.u32 $0xF7A, s1;
	s8 =	simm.s32 @!p0 $0x1BF5;
	p2 =	por !p2, p0  }
0x20: {  	[sflag:s8] =	ssyncset.s32 @!p0 $0xFFFFF086;
	s6 =	sadd.s32 @!p0 s3, s7;
	s7 =	simm.s32 @!p0 $0x108  }
0x21: {  	s3 =	sadd.s32 s3, s9;
	s6 =	sadd.s32 @!p0 $0x88, s6;
	s7 =	simm.s32 @p2 $0x1082  }
0x22: {  	[simem:s7], [sflag:s8] =	dma.local @!p0 [hbm:s6], $0xF7A  }
0x23: {  	s9 =	sor.u32 $0xD0000000, s2;
	s6 =	simm.s32 $0x108;
	_ =	swait.ge @!p0 [sflag:s8], $0x0  }
0x24: {  	s3 =	sadd.s32 $0x88, s3;
	s6 =	simm.s32 @!p1 $0x1082;
	[sflag:s4] =	ssyncset.s32 $0xFFFFF086  }
0x25: {  	[simem:s6], [sflag:s4] =	dma.local [hbm:s3], $0xF7A  }
0x26: {  	[smem:$0x3F90] =	sst s1;
	(tag) =	ssettag s2;
	_ =	strace s9  }
0x27: {  	s1 =	sld [smem:$0x3FA0]  }
0x28: {  	s2 =	sld [smem:$0x3FA1]  }
0x29: {  	s4 =	sld [smem:$0x3FA3]  }
0x2a: {  	p0 =	seq.s32 s5, $0x0;
	s5 =	sld [smem:$0x3FA4]  }
0x2b: {  	s6 =	sld [smem:$0x3FA5]  }
0x2c: {  	s7 =	sld [smem:$0x3FA6]  }
0x2d: {  	s3 =	simm.s32 $0x108;
	s8 =	sld [smem:$0x3FA7]  }
0x2e: {  	s3 =	simm.s32 @!p0 $0x1082;
	s9 =	sld [smem:$0x3FA8]  }
0x2f: {  	lr =	sadd.s32 s0, s3;
	s0 =	sld [smem:$0x3F9F]  }
0x30: {  	s3 =	sld [smem:$0x3FA2]  }
0x31: {  	[smem:$0x3FAB] =	sst s10  }
0x32: {  	s10 =	sld [smem:$0x3FA9];
	_ =	sdelay $0x3  }
0x33: {  	p0 =	seq.s32 s10, $0x1;
	s10 =	sld [smem:$0x3FAB];
	_ =	sdelay $0x3  }
0x34: {  	[smem:$0x3FAB] =	sst s10  }
0x35: {  	s10 =	sld [smem:$0x3FAA];
	_ =	sdelay $0x3  }
0x36: {  	p1 =	seq.s32 s10, $0x1;
	s10 =	sld [smem:$0x3FAB];
	_ =	sdelay $0x3  }
0x37: {  	[smem:$0x3FAB] =	sst s10  }
0x38: {  	s10 =	sld [smem:$0x3FAC]  }
0x39: {  	_ = 	snop;
	(pc) =	sbr.ind lr, $3  }
0x3a: {  	_ = 	snop  }
0x3b: {  	_ = 	snop  }
0x3c: {  	p2 =	seq.s32 s10, $0x1;
	s10 =	sld [smem:$0x3FAB]  }
0x3d: {  	_ =	shalt  }
0x3e: {  	_ =	shalt  }
0x3f: {  	_ =	shalt  }
0x40: {  	_ =	shalt  }
0x41: {  	_ =	shalt  }
0x42: {  	_ =	shalt  }
0x43: {  	_ =	shalt  }
0x44: {  	_ =	shalt  }
0x45: {  	_ =	shalt  }
0x46: {  	_ =	shalt  }
0x47: {  	_ =	shalt  }
0x48: {  	_ =	shalt  }
0x49: {  	_ =	shalt  }
0x4a: {  	_ =	shalt  }
0x4b: {  	_ =	shalt  }
0x4c: {  	_ =	shalt  }
0x4d: {  	_ =	shalt  }
0x4e: {  	_ =	shalt  }
0x4f: {  	_ =	shalt  }
0x50: {  	_ =	shalt  }
0x51: {  	_ =	shalt  }
0x52: {  	_ =	shalt  }
0x53: {  	_ =	shalt  }
0x54: {  	_ =	shalt  }
0x55: {  	_ =	shalt  }
0x56: {  	_ =	shalt  }
0x57: {  	_ =	shalt  }
0x58: {  	_ =	shalt  }
0x59: {  	_ =	shalt  }
0x5a: {  	_ =	shalt  }
0x5b: {  	_ =	shalt  }
0x5c: {  	_ =	shalt  }
0x5d: {  	_ =	shalt  }
0x5e: {  	_ =	shalt  }
0x5f: {  	_ =	shalt  }
0x60: {  	_ =	shalt  }
0x61: {  	_ =	shalt  }
0x62: {  	_ =	shalt  }
0x63: {  	_ =	shalt  }
0x64: {  	_ =	shalt  }
0x65: {  	_ =	shalt  }
0x66: {  	_ =	shalt  }
0x67: {  	_ =	shalt  }
0x68: {  	_ =	shalt  }
0x69: {  	_ =	shalt  }
0x6a: {  	_ =	shalt  }
0x6b: {  	_ =	shalt  }
0x6c: {  	_ =	shalt  }
0x6d: {  	_ =	shalt  }
0x6e: {  	_ =	shalt  }
0x6f: {  	_ =	shalt  }
0x70: {  	_ =	shalt  }
0x71: {  	_ =	shalt  }
0x72: {  	_ =	shalt  }
0x73: {  	_ =	shalt  }
0x74: {  	_ =	shalt  }
0x75: {  	_ =	shalt  }
0x76: {  	_ =	shalt  }
0x77: {  	_ =	shalt  }
0x78: {  	_ =	shalt  }
0x79: {  	_ =	shalt  }
0x7a: {  	_ =	shalt  }
0x7b: {  	_ =	shalt  }
0x7c: {  	_ =	shalt  }
0x7d: {  	_ =	shalt  }
0x7e: {  	_ =	shalt  }
0x7f: {  	_ =	shalt  }
0x80: {  	_ =	shalt  }
0x81: {  	_ =	shalt  }
0x82: {  	_ =	shalt  }
0x83: {  	_ =	shalt  }
0x84: {  	_ =	shalt  }
0x85: {  	_ =	shalt  }
0x86: {  	_ =	shalt  }
0x87: {  	_ =	shalt  }
.Lfunc_end0:
.L_simem_size_0:
called_computation_lowered:
.L_overlay_start_0:
0x88: {  	s2 =	sld [smem:$0x3FD9]  }
0x89: {  	s3 =	sld [smem:$0x3FFE];
	_ =	sdelay $0x1  }
0x8a: {  	s1 =	srdreg.scid  }
0x8b: {  	s0 =	sand.u32 $0x1, s1  }
0x8c: {  	s17 =	sshll.u32 s0, $0xA;
	s2 =	sadd.s32 s3, s2  }
0x8d: {  	s2 =	sadd.s32 s2, s17  }
0x8e: {  	[smem:$0x3FB7] =	sst s2  }
0x8f: {  	_ = 	snop  }
0x90: {  	s2 =	sld [smem:$0x3FD0];
	(tm) =	ssettm $0x1  }
0x91: {  	s18 =	sld [smem:$0x3FFB];
	_ =	sdelay $0x3  }
0x92: {  	_ =	strace s18  }
0x93: {  	s3 =	sld [smem:$0x3FFC];
	_ =	sdelay $0x3  }
0x94: {  	_ =	strace s3  }
0x95: {  	s3 =	sld [smem:$0x3FFD];
	_ =	sdelay $0x3  }
0x96: {  	_ =	strace s3  }
0x97: {  	_ =	strace $0x8FFFFFFF  }
0x98: {  	s19 =	sld [smem:$0x3FDB];
	_ =	sdelay $0x1  }
0x99: {  	s4 =	simm.s32 $_scs_section_size  }
0x9a: {  	s5 =	simm.s32 $_size__tile_overlayer_lowered;
	s6 =	simm.s32 $_tile_overlayer_lowered  }
0x9b: {  	s22 =	simm.s32 $0x1BFF;
	s21 =	sshll.u32 s6, $0x1;
	s3 =	sadd.s32 s4, s19  }
0x9c: {  	s7 =	simm.s32 $0x0;
	s20 =	sshll.u32 s5, $0x1;
	s5 =	sadd.s32 s21, s3  }
0x9d: {  	[timem:s7], [sflag:s22] =	dma.local [hbm:s5], s20  }
0x9e: {  	_ =	swait.ge [sflag:s22], s20  }
0x9f: {  	s4 =	ssub.s32 $0x0, s20;
	[sflag:s22] =	ssyncset.done $0x0  }
0xa0: {  	[sflag:s22] =	ssyncadd.s32 s4;
	_ =	sdelay $0x1  }
0xa1: {  	s23 =	simm.s32 $0x1B8B  }
0xa2: {  	_ =	swait.ge [sflag:s23], $0x1  }
0xa3: {  	[sflag:s23] =	ssyncset.done $0x0  }
0xa4: {  	s25 =	simm.s32 $0x1B8E;
	s24 =	sld [smem:$0x3FFE];
	[sflag:s23] =	ssyncadd.s32 $0xFFFFFFFF  }
0xa5: {  	s26 =	simm.s32 $execute0_lowered;
	[smem:$0x3FD2] =	sst s25  }
0xa6: {  	s5 =	sshll.u32 s26, $0x1;
	_ =	strace $0x80000046;
	[dreg:$0x1] =	wrdreg $0xFFFFFFFF  }
0xa7: {  	s28 =	simm.s32 $_size_execute0_lowered;
	s3 =	sadd.s32 s3, s5;
	[dreg:$0x0] =	wrdreg $0x0  }
0xa8: {  	s5 =	sshll.u32 s28, $0x1;
	[dreg:$0x2] =	wrdreg s3  }
0xa9: {  	[dreg:$0x3] =	wrdreg s5  }
0xaa: {  	[dreg:$0x4] =	wrdreg $0xC0  }
0xab: {  	_ =	task [dreg:s7], $0x5FFFF  }
0xac: {  	[dreg:$0x1] =	wrdreg $0xFFFFFFFF  }
0xad: {  	[dreg:$0x0] =	wrdreg $0x60  }
0xae: {  	[dreg:$0x2] =	wrdreg s2  }
0xaf: {  	[dreg:$0x3] =	wrdreg s24  }
0xb0: {  	[dreg:$0x4] =	wrdreg $0xD0000  }
0xb1: {  	[dreg:$0x5] =	wrdreg $0x9  }
0xb2: {  	_ =	task.clear_ibuf [dreg:s7], $0x6FFFF;
	_ =	strace $0x90000046  }
0xb3: {  	s29 =	simm.s32 $0x9;
	_ =	strace $0x80000048  }
0xb4: {  	_ =	swait.ge [sflag:s29], $0x1  }
0xb5: {  	[sflag:s29] =	ssyncadd.s32 $0xFFFFFFFF  }
0xb6: {  	_ =	strace $0x90000048  }
0xb7: {  	_ =	sfence  }
0xb8: {  	s30 =	sld [smem:$0x0];
	_ =	sdelay $0x2  }
0xb9: {  	s31 =	sshll.u32 s1, $0xD;
	s1 =	sshrl.u32 s1, $0x2  }
0xba: {  	s3 =	sand.u32 $0x4000, s31;
	s1 =	sadd.s32 s1, s30  }
0xbb: {  	s0 =	sor.u32 s3, s0;
	s1 =	sshll.u32 s1, $0x11  }
0xbc: {  	s0 =	sor.u32 s1, s0  }
0xbd: {  	s0 =	sadd.s32 $0x8F2B, s0  }
0xbe: {  	[sflag:s0] =	ssyncadd.remote.s32 $0x1  }
0xbf: {  	_ =	sfence.sel $0xFFFF  }
0xc0: {  	[dreg:$0x0] =	wrdreg $0xFFFFFFFF;
	(pc) =	sbr.abs _section_cstart, $3  }
0xc1: {  	[dreg:$0x1] =	wrdreg $0xFFFFFFFF  }
0xc2: {  	_ =	task.clear_ibuf [dreg:s7], $0x2FFFF;
	_ =	strace $0x9FFFFFFF  }
0xc3: {  	(tm) =	ssettm $0x7FFFFFFF  }
tec
execute0_lowered:
.L_overlay_start_1:
0x0: {  	(tag) =	ssettag $0x1  }
0x1: {  	s1 =	rddreg [dreg:$0x0]  }
0x2: {  	s5 =	rddreg [dreg:$0x1]  }
0x3: {  	s3 =	rddreg [dreg:$0x2];
	s4 =	simm.s32 $0x0  }
0x4: {  	s18 =	simm.s32 $0x100;
	[smem:$0x7FF] =	sst s4  }
0x5: {  	s19 =	simm.s32 $0x180;
	_ =	strace $0x80000047;
	[dreg:$0x8] =	wrdreg s18  }
0x6: {  	s20 =	simm.s32 $0x880;
	[dreg:$0x9] =	wrdreg s19  }
0x7: {  	s21 =	simm.s32 $0x200;
	[dreg:$0xa] =	wrdreg s20  }
0x8: {  	s0 =	srdreg.scid;
	s22 =	simm.s32 $0x900;
	[dreg:$0xb] =	wrdreg s21  }
0x9: {  	s2 =	stileid.u32;
	s23 =	simm.s32 $0x280;
	[dreg:$0xc] =	wrdreg s22  }
0xa: {  	s24 =	simm.s32 $0x980;
	s25 =	simm.s32 $0x300;
	[dreg:$0xd] =	wrdreg s23  }
0xb: {  	s26 =	simm.s32 $0xA00;
	s11 =	simm.s32 $0xB00;
	[dreg:$0xe] =	wrdreg s24  }
0xc: {  	s12 =	simm.s32 $0x480;
	s13 =	simm.s32 $0xB80;
	[dreg:$0xf] =	wrdreg s25  }
0xd: {  	s0 =	sand.u32 $0x1, s0;
	s7 =	sshll.u32 s2, $0x8;
	[dreg:$0x10] =	wrdreg s26  }
0xe: {  	s14 =	sshll.u32 s2, $0xC;
	s8 =	sshll.u32 s2, $0xF;
	[dreg:$0x14] =	wrdreg s11  }
0xf: {  	s6 =	sshll.u32 s0, $0xC;
	s8 =	sadd.s32 s8, s3;
	[dreg:$0x15] =	wrdreg s12  }
0x10: {  	s10 =	sshll.u32 s0, $0x10;
	[dreg:$0x16] =	wrdreg s13;
	s6 =	sor.u32 s7, s6  }
0x11: {  	s7 =	sadd.s32 s14, s5;
	s15 =	sadd.s32 $0x4000, s8;
	s14 =	simm.s32 $0x500  }
0x12: {  	s6 =	sadd.s32 s6, s5;
	s17 =	sshrl.u32 s15, $0x3;
	[dreg:$0x17] =	wrdreg s14  }
0x13: {  	s7 =	sadd.s32 s10, s7;
	s10 =	simm.s32 $0x400;
	[dreg:$0x7] =	wrdreg s17  }
0x14: {  	s9 =	sadd.s32 $0x3E00, s6;
	[dreg:$0x13] =	wrdreg s10  }
0x15: {  	s6 =	sadd.s32 $0x5E00, s6;
	[dreg:$0x4] =	wrdreg s9  }
0x16: {  	s16 =	sadd.s32 $0x8600, s7;
	[dreg:$0x5] =	wrdreg s6  }
0x17: {  	s7 =	simm.s32 $0x380;
	[dreg:$0x6] =	wrdreg s16  }
0x18: {  	s8 =	sshrl.u32 s8, $0x3;
	s17 =	simm.s32 $0x580;
	[dreg:$0x11] =	wrdreg s7  }
0x19: {  	s5 =	sadd.s32 $0x7E00, s5;
	s9 =	simm.s32 $0xA80;
	[dreg:$0x19] =	wrdreg s17  }
0x1a: {  	s15 =	sshll.u32 s2, $0x6;
	s16 =	simm.s32 $0xC00;
	[dreg:$0x12] =	wrdreg s9  }
0x1b: {  	s6 =	sor.u32 $0x1C07, s15;
	s7 =	simm.s32 $0x7;
	[dreg:$0x18] =	wrdreg s16  }
0x1c: {  	[spmem:s8], [sflag:s6] =	dma.local [hbm:s5], $0x800  }
0x1d: {  	_ =	swait.ge [sflag:s7], $0x800  }
0x1e: {  	[sflag:s7] =	ssyncset.done $0x0  }
0x1f: {  	s18 =	rddreg [dreg:$0x7];
	[sflag:s7] =	ssyncadd.s32 $0xFFFFF800  }
0x20: {  	[spmem:s18], [sflag:s6] =	dma.local [hbm:s5], $0x800  }
0x21: {  	_ =	swait.ge [sflag:s7], $0x800  }
0x22: {  	[sflag:s7] =	ssyncset.done $0x0  }
0x23: {  	s19 =	rddreg [dreg:$0x4];
	[sflag:s7] =	ssyncadd.s32 $0xFFFFF800  }
0x24: {  	[tilespmem:s4], [sflag:$0x7] =	stream.linear.gather [hbm4b:s19+s4], $0x800, $0x38;
	[tilespmem:$0x15000] =	vst v63  }
0x25: {  	_ =	swait.ge [sflag:s7], $0x800  }
0x26: {  	[sflag:s7] =	ssyncset.done $0x0  }
0x27: {  	s9 =	simm.s32 $0x800;
	s20 =	rddreg [dreg:$0x5];
	[sflag:s7] =	ssyncadd.s32 $0xFFFFF800  }
0x28: {  	[tilespmem:s9], [sflag:$0x7] =	stream.linear.gather [hbm4b:s20+s4], $0x800, $0x38;
	[tilespmem:$0x15000] =	vst v63  }
0x29: {  	_ =	swait.ge [sflag:s7], $0x800  }
0x2a: {  	[sflag:s7] =	ssyncset.done $0x0  }
0x2b: {  	[sflag:s7] =	ssyncadd.s32 $0xFFFFF800  }
0x2c: {  	s11 =	simm.s32 $0x1000;
	s10 =	simm.s32 $0x80;
	[bflag:$0x0] =	sbarrier.arrive $0xFFFF  }
0x2d: {  	[tilespmem:s11], [sflag:$0x1] =	stream.indirect.gather [hbm4b:s1+s10], $0x80, s4, s10, $0xb8;
	[tilespmem:$0x15000] =	vst v63  }
0x2e: {  	s12 =	simm.s32 $0x5000  }
0x2f: {  	[tilespmem:s12], [sflag:$0x2] =	stream.indirect.gather [hbm4b:s1+s10], $0x80, s10, s10, $0xb8;
	[tilespmem:$0x15000] =	vst v63  }
0x30: {  	s13 =	simm.s32 $0x9000;
	s14 =	simm.s32 $0x1;
	s15 =	rddreg [dreg:$0x8]  }
0x31: {  	[tilespmem:s13], [sflag:$0x3] =	stream.indirect.gather [hbm4b:s1+s10], $0x80, s15, s10, $0xb8;
	[tilespmem:$0x15000] =	vst v63  }
0x32: {  	_ =	swait.ge [sflag:s14], $0x4000  }
0x33: {  	[sflag:s14] =	ssyncset.done $0x0  }
0x34: {  	s15 =	simm.s32 $0x4;
	[sflag:s14] =	ssyncadd.s32 $0xFFFFC000  }
0x35: {  	[spmem:s3] =	stream.indirect.scatter.add.f32 [tilespmem:s11], [sflag:$0x4], $0x80, s9, s10, $0xb8;
	[tilespmem:$0x15000] =	vst v63  }
0x36: {  	_ =	swait.ge [sflag:s15], $0x4000  }
0x37: {  	[sflag:s15] =	ssyncset.done $0x0  }
0x38: {  	s16 =	simm.s32 $0x2;
	s17 =	rddreg [dreg:$0x9];
	[sflag:s15] =	ssyncadd.s32 $0xFFFFC000  }
0x39: {  	[tilespmem:s11], [sflag:$0x1] =	stream.indirect.gather [hbm4b:s1+s10], $0x80, s17, s10, $0xb8;
	[tilespmem:$0x15000] =	vst v63  }
0x3a: {  	_ =	swait.ge [sflag:s16], $0x4000  }
0x3b: {  	[sflag:s16] =	ssyncset.done $0x0  }
0x3c: {  	s17 =	simm.s32 $0x5;
	s18 =	rddreg [dreg:$0xa];
	[sflag:s16] =	ssyncadd.s32 $0xFFFFC000  }
0x3d: {  	[spmem:s3] =	stream.indirect.scatter.add.f32 [tilespmem:s12], [sflag:$0x5], $0x80, s18, s10, $0xb8;
	[tilespmem:$0x15000] =	vst v63  }
0x3e: {  	_ =	swait.ge [sflag:s17], $0x4000  }
0x3f: {  	[sflag:s17] =	ssyncset.done $0x0  }
0x40: {  	s18 =	simm.s32 $0x3;
	s19 =	rddreg [dreg:$0xb];
	[sflag:s17] =	ssyncadd.s32 $0xFFFFC000  }
0x41: {  	[tilespmem:s12], [sflag:$0x2] =	stream.indirect.gather [hbm4b:s1+s10], $0x80, s19, s10, $0xb8;
	[tilespmem:$0x15000] =	vst v63  }
0x42: {  	_ =	swait.ge [sflag:s18], $0x4000  }
0x43: {  	[sflag:s18] =	ssyncset.done $0x0  }
0x44: {  	s19 =	simm.s32 $0x6;
	s20 =	rddreg [dreg:$0xc];
	[sflag:s18] =	ssyncadd.s32 $0xFFFFC000  }
0x45: {  	[spmem:s3] =	stream.indirect.scatter.add.f32 [tilespmem:s13], [sflag:$0x6], $0x80, s20, s10, $0xb8;
	[tilespmem:$0x15000] =	vst v63  }
0x46: {  	_ =	swait.ge [sflag:s19], $0x4000  }
0x47: {  	[sflag:s19] =	ssyncset.done $0x0  }
0x48: {  	s21 =	rddreg [dreg:$0xd];
	[sflag:s19] =	ssyncadd.s32 $0xFFFFC000  }
0x49: {  	[tilespmem:s13], [sflag:$0x3] =	stream.indirect.gather [hbm4b:s1+s10], $0x80, s21, s10, $0xb8;
	[tilespmem:$0x15000] =	vst v63  }
0x4a: {  	_ =	swait.ge [sflag:s14], $0x4000  }
0x4b: {  	[sflag:s14] =	ssyncset.done $0x0  }
0x4c: {  	s22 =	rddreg [dreg:$0xe];
	[sflag:s14] =	ssyncadd.s32 $0xFFFFC000  }
0x4d: {  	[spmem:s3] =	stream.indirect.scatter.add.f32 [tilespmem:s11], [sflag:$0x4], $0x80, s22, s10, $0xb8;
	[tilespmem:$0x15000] =	vst v63  }
0x4e: {  	_ =	swait.ge [sflag:s15], $0x4000  }
0x4f: {  	[sflag:s15] =	ssyncset.done $0x0  }
0x50: {  	s23 =	rddreg [dreg:$0xf];
	[sflag:s15] =	ssyncadd.s32 $0xFFFFC000  }
0x51: {  	[tilespmem:s11], [sflag:$0x1] =	stream.indirect.gather [hbm4b:s1+s10], $0x80, s23, s10, $0xb8;
	[tilespmem:$0x15000] =	vst v63  }
0x52: {  	_ =	swait.ge [sflag:s16], $0x4000  }
0x53: {  	[sflag:s16] =	ssyncset.done $0x0  }
0x54: {  	s24 =	rddreg [dreg:$0x10];
	[sflag:s16] =	ssyncadd.s32 $0xFFFFC000  }
0x55: {  	[spmem:s3] =	stream.indirect.scatter.add.f32 [tilespmem:s12], [sflag:$0x5], $0x80, s24, s10, $0xb8;
	[tilespmem:$0x15000] =	vst v63  }
0x56: {  	_ =	swait.ge [sflag:s17], $0x4000  }
0x57: {  	[sflag:s17] =	ssyncset.done $0x0  }
0x58: {  	s25 =	rddreg [dreg:$0x11];
	[sflag:s17] =	ssyncadd.s32 $0xFFFFC000  }
0x59: {  	[tilespmem:s12], [sflag:$0x2] =	stream.indirect.gather [hbm4b:s1+s10], $0x80, s25, s10, $0xb8;
	[tilespmem:$0x15000] =	vst v63  }
0x5a: {  	_ =	swait.ge [sflag:s18], $0x4000  }
0x5b: {  	[sflag:s18] =	ssyncset.done $0x0  }
0x5c: {  	s26 =	rddreg [dreg:$0x12];
	[sflag:s18] =	ssyncadd.s32 $0xFFFFC000  }
0x5d: {  	[spmem:s3] =	stream.indirect.scatter.add.f32 [tilespmem:s13], [sflag:$0x6], $0x80, s26, s10, $0xb8;
	[tilespmem:$0x15000] =	vst v63  }
0x5e: {  	_ =	swait.ge [sflag:s19], $0x4000  }
0x5f: {  	[sflag:s19] =	ssyncset.done $0x0  }
0x60: {  	s2 =	rddreg [dreg:$0x13];
	[sflag:s19] =	ssyncadd.s32 $0xFFFFC000  }
0x61: {  	[tilespmem:s13], [sflag:$0x3] =	stream.indirect.gather [hbm4b:s1+s10], $0x80, s2, s10, $0xb8;
	[tilespmem:$0x15000] =	vst v63  }
0x62: {  	_ =	swait.ge [sflag:s14], $0x4000  }
0x63: {  	[sflag:s14] =	ssyncset.done $0x0  }
0x64: {  	s21 =	rddreg [dreg:$0x14];
	[sflag:s14] =	ssyncadd.s32 $0xFFFFC000  }
0x65: {  	[spmem:s3] =	stream.indirect.scatter.add.f32 [tilespmem:s11], [sflag:$0x4], $0x80, s21, s10, $0xb8;
	[tilespmem:$0x15000] =	vst v63  }
0x66: {  	_ =	swait.ge [sflag:s15], $0x4000  }
0x67: {  	[sflag:s15] =	ssyncset.done $0x0  }
0x68: {  	s22 =	rddreg [dreg:$0x15];
	[sflag:s15] =	ssyncadd.s32 $0xFFFFC000  }
0x69: {  	[tilespmem:s11], [sflag:$0x1] =	stream.indirect.gather [hbm4b:s1+s10], $0x80, s22, s10, $0xb8;
	[tilespmem:$0x15000] =	vst v63  }
0x6a: {  	_ =	swait.ge [sflag:s16], $0x4000  }
0x6b: {  	[sflag:s16] =	ssyncset.done $0x0  }
0x6c: {  	s23 =	rddreg [dreg:$0x16];
	[sflag:s16] =	ssyncadd.s32 $0xFFFFC000  }
0x6d: {  	[spmem:s3] =	stream.indirect.scatter.add.f32 [tilespmem:s12], [sflag:$0x5], $0x80, s23, s10, $0xb8;
	[tilespmem:$0x15000] =	vst v63  }
0x6e: {  	_ =	swait.ge [sflag:s17], $0x4000  }
0x6f: {  	[sflag:s17] =	ssyncset.done $0x0  }
0x70: {  	s24 =	rddreg [dreg:$0x17];
	[sflag:s17] =	ssyncadd.s32 $0xFFFFC000  }
0x71: {  	[tilespmem:s12], [sflag:$0x2] =	stream.indirect.gather [hbm4b:s1+s10], $0x80, s24, s10, $0xb8;
	[tilespmem:$0x15000] =	vst v63  }
0x72: {  	_ =	swait.ge [sflag:s18], $0x4000  }
0x73: {  	[sflag:s18] =	ssyncset.done $0x0  }
0x74: {  	s25 =	rddreg [dreg:$0x18];
	[sflag:s18] =	ssyncadd.s32 $0xFFFFC000  }
0x75: {  	[spmem:s3] =	stream.indirect.scatter.add.f32 [tilespmem:s13], [sflag:$0x6], $0x80, s25, s10, $0xb8;
	[tilespmem:$0x15000] =	vst v63  }
0x76: {  	_ =	swait.ge [sflag:s19], $0x4000  }
0x77: {  	[sflag:s19] =	ssyncset.done $0x0  }
0x78: {  	s26 =	rddreg [dreg:$0x19];
	[sflag:s19] =	ssyncadd.s32 $0xFFFFC000  }
0x79: {  	[tilespmem:s13], [sflag:$0x3] =	stream.indirect.gather [hbm4b:s1+s10], $0x80, s26, s10, $0xb8;
	[tilespmem:$0x15000] =	vst v63  }
0x7a: {  	_ =	swait.ge [sflag:s14], $0x4000  }
0x7b: {  	[sflag:s14] =	ssyncset.done $0x0  }
0x7c: {  	s20 =	simm.s32 $0xC80;
	[sflag:s14] =	ssyncadd.s32 $0xFFFFC000  }
0x7d: {  	[spmem:s3] =	stream.indirect.scatter.add.f32 [tilespmem:s11], [sflag:$0x4], $0x80, s20, s10, $0xb8;
	[tilespmem:$0x15000] =	vst v63  }
0x7e: {  	_ =	swait.ge [sflag:s15], $0x4000  }
0x7f: {  	[sflag:s15] =	ssyncset.done $0x0  }
0x80: {  	s21 =	simm.s32 $0x600;
	[sflag:s15] =	ssyncadd.s32 $0xFFFFC000  }
0x81: {  	[tilespmem:s11], [sflag:$0x1] =	stream.indirect.gather [hbm4b:s1+s10], $0x80, s21, s10, $0xb8;
	[tilespmem:$0x15000] =	vst v63  }
0x82: {  	_ =	swait.ge [sflag:s16], $0x4000  }
0x83: {  	[sflag:s16] =	ssyncset.done $0x0  }
0x84: {  	s22 =	simm.s32 $0xD00;
	[sflag:s16] =	ssyncadd.s32 $0xFFFFC000  }
0x85: {  	[spmem:s3] =	stream.indirect.scatter.add.f32 [tilespmem:s12], [sflag:$0x5], $0x80, s22, s10, $0xb8;
	[tilespmem:$0x15000] =	vst v63  }
0x86: {  	_ =	swait.ge [sflag:s17], $0x4000  }
0x87: {  	[sflag:s17] =	ssyncset.done $0x0  }
0x88: {  	s23 =	simm.s32 $0x680;
	[sflag:s17] =	ssyncadd.s32 $0xFFFFC000  }
0x89: {  	[tilespmem:s12], [sflag:$0x2] =	stream.indirect.gather [hbm4b:s1+s10], $0x80, s23, s10, $0xb8;
	[tilespmem:$0x15000] =	vst v63  }
0x8a: {  	_ =	swait.ge [sflag:s18], $0x4000  }
0x8b: {  	[sflag:s18] =	ssyncset.done $0x0  }
0x8c: {  	s24 =	simm.s32 $0xD80;
	[sflag:s18] =	ssyncadd.s32 $0xFFFFC000  }
0x8d: {  	[spmem:s3] =	stream.indirect.scatter.add.f32 [tilespmem:s13], [sflag:$0x6], $0x80, s24, s10, $0xb8;
	[tilespmem:$0x15000] =	vst v63  }
0x8e: {  	_ =	swait.ge [sflag:s19], $0x4000  }
0x8f: {  	[sflag:s19] =	ssyncset.done $0x0  }
0x90: {  	s25 =	simm.s32 $0x700;
	[sflag:s19] =	ssyncadd.s32 $0xFFFFC000  }
0x91: {  	[tilespmem:s13], [sflag:$0x3] =	stream.indirect.gather [hbm4b:s1+s10], $0x80, s25, s10, $0xb8;
	[tilespmem:$0x15000] =	vst v63  }
0x92: {  	_ =	swait.ge [sflag:s14], $0x4000  }
0x93: {  	[sflag:s14] =	ssyncset.done $0x0  }
0x94: {  	s26 =	simm.s32 $0xE00;
	[sflag:s14] =	ssyncadd.s32 $0xFFFFC000  }
0x95: {  	[spmem:s3] =	stream.indirect.scatter.add.f32 [tilespmem:s11], [sflag:$0x4], $0x80, s26, s10, $0xb8;
	[tilespmem:$0x15000] =	vst v63  }
0x96: {  	_ =	swait.ge [sflag:s15], $0x4000  }
0x97: {  	[sflag:s15] =	ssyncset.done $0x0  }
0x98: {  	s28 =	simm.s32 $0x780;
	[sflag:s15] =	ssyncadd.s32 $0xFFFFC000  }
0x99: {  	[tilespmem:s11], [sflag:$0x1] =	stream.indirect.gather [hbm4b:s1+s10], $0x80, s28, s10, $0xb8;
	[tilespmem:$0x15000] =	vst v63  }
0x9a: {  	_ =	swait.ge [sflag:s16], $0x4000  }
0x9b: {  	[sflag:s16] =	ssyncset.done $0x0  }
0x9c: {  	s29 =	simm.s32 $0xE80;
	[sflag:s16] =	ssyncadd.s32 $0xFFFFC000  }
0x9d: {  	[spmem:s3] =	stream.indirect.scatter.add.f32 [tilespmem:s12], [sflag:$0x5], $0x80, s29, s10, $0xb8;
	[tilespmem:$0x15000] =	vst v63  }
0x9e: {  	_ =	swait.ge [sflag:s18], $0x4000  }
0x9f: {  	[sflag:s18] =	ssyncset.done $0x0  }
0xa0: {  	s30 =	simm.s32 $0xF00;
	[sflag:s18] =	ssyncadd.s32 $0xFFFFC000  }
0xa1: {  	[spmem:s3] =	stream.indirect.scatter.add.f32 [tilespmem:s13], [sflag:$0x6], $0x80, s30, s10, $0xb8;
	[tilespmem:$0x15000] =	vst v63  }
0xa2: {  	_ =	swait.ge [sflag:s14], $0x4000  }
0xa3: {  	[sflag:s14] =	ssyncset.done $0x0  }
0xa4: {  	s31 =	simm.s32 $0xF80;
	[sflag:s14] =	ssyncadd.s32 $0xFFFFC000  }
0xa5: {  	[spmem:s3] =	stream.indirect.scatter.add.f32 [tilespmem:s11], [sflag:$0x4], $0x80, s31, s10, $0xb8;
	[tilespmem:$0x15000] =	vst v63  }
0xa6: {  	_ =	swait.ge [sflag:s17], $0x4000  }
0xa7: {  	[sflag:s17] =	ssyncset.done $0x0  }
0xa8: {  	[sflag:s17] =	ssyncadd.s32 $0xFFFFC000  }
0xa9: {  	_ =	swait.ge [sflag:s19], $0x4000  }
0xaa: {  	[sflag:s19] =	ssyncset.done $0x0  }
0xab: {  	[sflag:s19] =	ssyncadd.s32 $0xFFFFC000  }
0xac: {  	_ =	swait.ge [sflag:s15], $0x4000  }
0xad: {  	[sflag:s15] =	ssyncset.done $0x0  }
0xae: {  	[sflag:s15] =	ssyncadd.s32 $0xFFFFC000  }
0xaf: {  	[bflag:$0x0] =	sbarrier.arrive $0xFFFF  }
0xb0: {  	s0 =	ssub.s32 $0x2, s0;
	s2 =	rddreg [dreg:$0x6]  }
0xb1: {  	[dreg:$0x1a] =	wrdreg s2;
	s2 =	sshrl.u32 s0, $0x1  }
0xb2: {  	s0 =	ssub.s32 s0, s2  }
0xb3: {  	s0 =	smax.u32 s0, $0x1  }
0xb4: {  	p0 =	sne.s32 s0, $0x1  }
.Ltmp0:
0xb5: {  	_ = 	snop;
	(pc) =	sbr.rel @!p0 .LBB2_2-.Ltmp0, $4  }
0xb6: {  	s2 =	rddreg [dreg:$0x1a]  }
0xb7: {  	[hbm:s2], [sflag:s6] =	dma.local [spmem:s8], $0x1000  }
0xb8: {  	_ =	swait.ge [sflag:s7], $0x1000  }
0xb9: {  	s0 =	sadd.s32 $0xFFFFFFFF, s0;
	[sflag:s7] =	ssyncset.done $0x0  }
.LBB2_1:
0xba: {  	[sflag:s7] =	ssyncadd.s32 $0xFFFFF000  }
0xbb: {  	[spmem:s8], [sflag:s6] =	dma.local [hbm:s5], $0x800  }
0xbc: {  	_ =	swait.ge [sflag:s7], $0x800  }
0xbd: {  	[sflag:s7] =	ssyncset.done $0x0  }
0xbe: {  	s2 =	rddreg [dreg:$0x7];
	[sflag:s7] =	ssyncadd.s32 $0xFFFFF800  }
0xbf: {  	[spmem:s2], [sflag:s6] =	dma.local [hbm:s5], $0x800  }
0xc0: {  	_ =	swait.ge [sflag:s7], $0x800  }
0xc1: {  	[sflag:s7] =	ssyncset.done $0x0  }
0xc2: {  	s2 =	rddreg [dreg:$0x4];
	[sflag:s7] =	ssyncadd.s32 $0xFFFFF800  }
0xc3: {  	[tilespmem:s4], [sflag:$0x7] =	stream.linear.gather [hbm4b:s2+s4], $0x800, $0x38;
	[tilespmem:$0x15000] =	vst v63  }
0xc4: {  	_ =	swait.ge [sflag:s7], $0x800  }
0xc5: {  	[sflag:s7] =	ssyncset.done $0x0  }
0xc6: {  	s2 =	rddreg [dreg:$0x5];
	[sflag:s7] =	ssyncadd.s32 $0xFFFFF800  }
0xc7: {  	[tilespmem:s9], [sflag:$0x7] =	stream.linear.gather [hbm4b:s2+s4], $0x800, $0x38;
	[tilespmem:$0x15000] =	vst v63  }
0xc8: {  	_ =	swait.ge [sflag:s7], $0x800  }
0xc9: {  	[sflag:s7] =	ssyncset.done $0x0  }
0xca: {  	[sflag:s7] =	ssyncadd.s32 $0xFFFFF800  }
0xcb: {  	[bflag:$0x0] =	sbarrier.arrive $0xFFFF  }
0xcc: {  	[tilespmem:s11], [sflag:$0x1] =	stream.indirect.gather [hbm4b:s1+s10], $0x80, s4, s10, $0xb8;
	[tilespmem:$0x15000] =	vst v63  }
0xcd: {  	_ = 	snop  }
0xce: {  	[tilespmem:s12], [sflag:$0x2] =	stream.indirect.gather [hbm4b:s1+s10], $0x80, s10, s10, $0xb8;
	[tilespmem:$0x15000] =	vst v63  }
0xcf: {  	s2 =	rddreg [dreg:$0x8]  }
0xd0: {  	[tilespmem:s13], [sflag:$0x3] =	stream.indirect.gather [hbm4b:s1+s10], $0x80, s2, s10, $0xb8;
	[tilespmem:$0x15000] =	vst v63  }
0xd1: {  	_ =	swait.ge [sflag:s14], $0x4000  }
0xd2: {  	[sflag:s14] =	ssyncset.done $0x0  }
0xd3: {  	[sflag:s14] =	ssyncadd.s32 $0xFFFFC000  }
0xd4: {  	[spmem:s3] =	stream.indirect.scatter.add.f32 [tilespmem:s11], [sflag:$0x4], $0x80, s9, s10, $0xb8;
	[tilespmem:$0x15000] =	vst v63  }
0xd5: {  	_ =	swait.ge [sflag:s15], $0x4000  }
0xd6: {  	[sflag:s15] =	ssyncset.done $0x0  }
0xd7: {  	s2 =	rddreg [dreg:$0x9];
	[sflag:s15] =	ssyncadd.s32 $0xFFFFC000  }
0xd8: {  	[tilespmem:s11], [sflag:$0x1] =	stream.indirect.gather [hbm4b:s1+s10], $0x80, s2, s10, $0xb8;
	[tilespmem:$0x15000] =	vst v63  }
0xd9: {  	_ =	swait.ge [sflag:s16], $0x4000  }
0xda: {  	[sflag:s16] =	ssyncset.done $0x0  }
0xdb: {  	s2 =	rddreg [dreg:$0xa];
	[sflag:s16] =	ssyncadd.s32 $0xFFFFC000  }
0xdc: {  	[spmem:s3] =	stream.indirect.scatter.add.f32 [tilespmem:s12], [sflag:$0x5], $0x80, s2, s10, $0xb8;
	[tilespmem:$0x15000] =	vst v63  }
0xdd: {  	_ =	swait.ge [sflag:s17], $0x4000  }
0xde: {  	[sflag:s17] =	ssyncset.done $0x0  }
0xdf: {  	s2 =	rddreg [dreg:$0xb];
	[sflag:s17] =	ssyncadd.s32 $0xFFFFC000  }
0xe0: {  	[tilespmem:s12], [sflag:$0x2] =	stream.indirect.gather [hbm4b:s1+s10], $0x80, s2, s10, $0xb8;
	[tilespmem:$0x15000] =	vst v63  }
0xe1: {  	_ =	swait.ge [sflag:s18], $0x4000  }
0xe2: {  	[sflag:s18] =	ssyncset.done $0x0  }
0xe3: {  	s2 =	rddreg [dreg:$0xc];
	[sflag:s18] =	ssyncadd.s32 $0xFFFFC000  }
0xe4: {  	[spmem:s3] =	stream.indirect.scatter.add.f32 [tilespmem:s13], [sflag:$0x6], $0x80, s2, s10, $0xb8;
	[tilespmem:$0x15000] =	vst v63  }
0xe5: {  	_ =	swait.ge [sflag:s19], $0x4000  }
0xe6: {  	[sflag:s19] =	ssyncset.done $0x0  }
0xe7: {  	s2 =	rddreg [dreg:$0xd];
	[sflag:s19] =	ssyncadd.s32 $0xFFFFC000  }
0xe8: {  	[tilespmem:s13], [sflag:$0x3] =	stream.indirect.gather [hbm4b:s1+s10], $0x80, s2, s10, $0xb8;
	[tilespmem:$0x15000] =	vst v63  }
0xe9: {  	_ =	swait.ge [sflag:s14], $0x4000  }
0xea: {  	[sflag:s14] =	ssyncset.done $0x0  }
0xeb: {  	s2 =	rddreg [dreg:$0xe];
	[sflag:s14] =	ssyncadd.s32 $0xFFFFC000  }
0xec: {  	[spmem:s3] =	stream.indirect.scatter.add.f32 [tilespmem:s11], [sflag:$0x4], $0x80, s2, s10, $0xb8;
	[tilespmem:$0x15000] =	vst v63  }
0xed: {  	_ =	swait.ge [sflag:s15], $0x4000  }
0xee: {  	[sflag:s15] =	ssyncset.done $0x0  }
0xef: {  	s2 =	rddreg [dreg:$0xf];
	[sflag:s15] =	ssyncadd.s32 $0xFFFFC000  }
0xf0: {  	[tilespmem:s11], [sflag:$0x1] =	stream.indirect.gather [hbm4b:s1+s10], $0x80, s2, s10, $0xb8;
	[tilespmem:$0x15000] =	vst v63  }
0xf1: {  	_ =	swait.ge [sflag:s16], $0x4000  }
0xf2: {  	[sflag:s16] =	ssyncset.done $0x0  }
0xf3: {  	s2 =	rddreg [dreg:$0x10];
	[sflag:s16] =	ssyncadd.s32 $0xFFFFC000  }
0xf4: {  	[spmem:s3] =	stream.indirect.scatter.add.f32 [tilespmem:s12], [sflag:$0x5], $0x80, s2, s10, $0xb8;
	[tilespmem:$0x15000] =	vst v63  }
0xf5: {  	_ =	swait.ge [sflag:s17], $0x4000  }
0xf6: {  	[sflag:s17] =	ssyncset.done $0x0  }
0xf7: {  	s2 =	rddreg [dreg:$0x11];
	[sflag:s17] =	ssyncadd.s32 $0xFFFFC000  }
0xf8: {  	[tilespmem:s12], [sflag:$0x2] =	stream.indirect.gather [hbm4b:s1+s10], $0x80, s2, s10, $0xb8;
	[tilespmem:$0x15000] =	vst v63  }
0xf9: {  	_ =	swait.ge [sflag:s18], $0x4000  }
0xfa: {  	[sflag:s18] =	ssyncset.done $0x0  }
0xfb: {  	s2 =	rddreg [dreg:$0x12];
	[sflag:s18] =	ssyncadd.s32 $0xFFFFC000  }
0xfc: {  	[spmem:s3] =	stream.indirect.scatter.add.f32 [tilespmem:s13], [sflag:$0x6], $0x80, s2, s10, $0xb8;
	[tilespmem:$0x15000] =	vst v63  }
0xfd: {  	_ =	swait.ge [sflag:s19], $0x4000  }
0xfe: {  	[sflag:s19] =	ssyncset.done $0x0  }
0xff: {  	s2 =	rddreg [dreg:$0x13];
	[sflag:s19] =	ssyncadd.s32 $0xFFFFC000  }
0x100: {  	[tilespmem:s13], [sflag:$0x3] =	stream.indirect.gather [hbm4b:s1+s10], $0x80, s2, s10, $0xb8;
	[tilespmem:$0x15000] =	vst v63  }
0x101: {  	_ =	swait.ge [sflag:s14], $0x4000  }
0x102: {  	[sflag:s14] =	ssyncset.done $0x0  }
0x103: {  	s2 =	rddreg [dreg:$0x14];
	[sflag:s14] =	ssyncadd.s32 $0xFFFFC000  }
0x104: {  	[spmem:s3] =	stream.indirect.scatter.add.f32 [tilespmem:s11], [sflag:$0x4], $0x80, s2, s10, $0xb8;
	[tilespmem:$0x15000] =	vst v63  }
0x105: {  	_ =	swait.ge [sflag:s15], $0x4000  }
0x106: {  	[sflag:s15] =	ssyncset.done $0x0  }
0x107: {  	s2 =	rddreg [dreg:$0x15];
	[sflag:s15] =	ssyncadd.s32 $0xFFFFC000  }
0x108: {  	[tilespmem:s11], [sflag:$0x1] =	stream.indirect.gather [hbm4b:s1+s10], $0x80, s2, s10, $0xb8;
	[tilespmem:$0x15000] =	vst v63  }
0x109: {  	_ =	swait.ge [sflag:s16], $0x4000  }
0x10a: {  	[sflag:s16] =	ssyncset.done $0x0  }
0x10b: {  	s2 =	rddreg [dreg:$0x16];
	[sflag:s16] =	ssyncadd.s32 $0xFFFFC000  }
0x10c: {  	[spmem:s3] =	stream.indirect.scatter.add.f32 [tilespmem:s12], [sflag:$0x5], $0x80, s2, s10, $0xb8;
	[tilespmem:$0x15000] =	vst v63  }
0x10d: {  	_ =	swait.ge [sflag:s17], $0x4000  }
0x10e: {  	[sflag:s17] =	ssyncset.done $0x0  }
0x10f: {  	s2 =	rddreg [dreg:$0x17];
	[sflag:s17] =	ssyncadd.s32 $0xFFFFC000  }
0x110: {  	[tilespmem:s12], [sflag:$0x2] =	stream.indirect.gather [hbm4b:s1+s10], $0x80, s2, s10, $0xb8;
	[tilespmem:$0x15000] =	vst v63  }
0x111: {  	_ =	swait.ge [sflag:s18], $0x4000  }
0x112: {  	[sflag:s18] =	ssyncset.done $0x0  }
0x113: {  	s2 =	rddreg [dreg:$0x18];
	[sflag:s18] =	ssyncadd.s32 $0xFFFFC000  }
0x114: {  	[spmem:s3] =	stream.indirect.scatter.add.f32 [tilespmem:s13], [sflag:$0x6], $0x80, s2, s10, $0xb8;
	[tilespmem:$0x15000] =	vst v63  }
0x115: {  	_ =	swait.ge [sflag:s19], $0x4000  }
0x116: {  	[sflag:s19] =	ssyncset.done $0x0  }
0x117: {  	s2 =	rddreg [dreg:$0x19];
	[sflag:s19] =	ssyncadd.s32 $0xFFFFC000  }
0x118: {  	[tilespmem:s13], [sflag:$0x3] =	stream.indirect.gather [hbm4b:s1+s10], $0x80, s2, s10, $0xb8;
	[tilespmem:$0x15000] =	vst v63  }
0x119: {  	_ =	swait.ge [sflag:s14], $0x4000  }
0x11a: {  	[sflag:s14] =	ssyncset.done $0x0  }
0x11b: {  	[sflag:s14] =	ssyncadd.s32 $0xFFFFC000  }
0x11c: {  	[spmem:s3] =	stream.indirect.scatter.add.f32 [tilespmem:s11], [sflag:$0x4], $0x80, s20, s10, $0xb8;
	[tilespmem:$0x15000] =	vst v63  }
0x11d: {  	_ =	swait.ge [sflag:s15], $0x4000  }
0x11e: {  	[sflag:s15] =	ssyncset.done $0x0  }
0x11f: {  	[sflag:s15] =	ssyncadd.s32 $0xFFFFC000  }
0x120: {  	[tilespmem:s11], [sflag:$0x1] =	stream.indirect.gather [hbm4b:s1+s10], $0x80, s21, s10, $0xb8;
	[tilespmem:$0x15000] =	vst v63  }
0x121: {  	_ =	swait.ge [sflag:s16], $0x4000  }
0x122: {  	[sflag:s16] =	ssyncset.done $0x0  }
0x123: {  	[sflag:s16] =	ssyncadd.s32 $0xFFFFC000  }
0x124: {  	[spmem:s3] =	stream.indirect.scatter.add.f32 [tilespmem:s12], [sflag:$0x5], $0x80, s22, s10, $0xb8;
	[tilespmem:$0x15000] =	vst v63  }
0x125: {  	_ =	swait.ge [sflag:s17], $0x4000  }
0x126: {  	[sflag:s17] =	ssyncset.done $0x0  }
0x127: {  	[sflag:s17] =	ssyncadd.s32 $0xFFFFC000  }
0x128: {  	[tilespmem:s12], [sflag:$0x2] =	stream.indirect.gather [hbm4b:s1+s10], $0x80, s23, s10, $0xb8;
	[tilespmem:$0x15000] =	vst v63  }
0x129: {  	_ =	swait.ge [sflag:s18], $0x4000  }
0x12a: {  	[sflag:s18] =	ssyncset.done $0x0  }
0x12b: {  	[sflag:s18] =	ssyncadd.s32 $0xFFFFC000  }
0x12c: {  	[spmem:s3] =	stream.indirect.scatter.add.f32 [tilespmem:s13], [sflag:$0x6], $0x80, s24, s10, $0xb8;
	[tilespmem:$0x15000] =	vst v63  }
0x12d: {  	_ =	swait.ge [sflag:s19], $0x4000  }
0x12e: {  	[sflag:s19] =	ssyncset.done $0x0  }
0x12f: {  	[sflag:s19] =	ssyncadd.s32 $0xFFFFC000  }
0x130: {  	[tilespmem:s13], [sflag:$0x3] =	stream.indirect.gather [hbm4b:s1+s10], $0x80, s25, s10, $0xb8;
	[tilespmem:$0x15000] =	vst v63  }
0x131: {  	_ =	swait.ge [sflag:s14], $0x4000  }
0x132: {  	[sflag:s14] =	ssyncset.done $0x0  }
0x133: {  	[sflag:s14] =	ssyncadd.s32 $0xFFFFC000  }
0x134: {  	[spmem:s3] =	stream.indirect.scatter.add.f32 [tilespmem:s11], [sflag:$0x4], $0x80, s26, s10, $0xb8;
	[tilespmem:$0x15000] =	vst v63  }
0x135: {  	_ =	swait.ge [sflag:s15], $0x4000  }
0x136: {  	[sflag:s15] =	ssyncset.done $0x0  }
0x137: {  	[sflag:s15] =	ssyncadd.s32 $0xFFFFC000  }
0x138: {  	[tilespmem:s11], [sflag:$0x1] =	stream.indirect.gather [hbm4b:s1+s10], $0x80, s28, s10, $0xb8;
	[tilespmem:$0x15000] =	vst v63  }
0x139: {  	_ =	swait.ge [sflag:s16], $0x4000  }
0x13a: {  	[sflag:s16] =	ssyncset.done $0x0  }
0x13b: {  	[sflag:s16] =	ssyncadd.s32 $0xFFFFC000  }
0x13c: {  	[spmem:s3] =	stream.indirect.scatter.add.f32 [tilespmem:s12], [sflag:$0x5], $0x80, s29, s10, $0xb8;
	[tilespmem:$0x15000] =	vst v63  }
0x13d: {  	_ =	swait.ge [sflag:s18], $0x4000  }
0x13e: {  	[sflag:s18] =	ssyncset.done $0x0  }
0x13f: {  	[sflag:s18] =	ssyncadd.s32 $0xFFFFC000  }
0x140: {  	[spmem:s3] =	stream.indirect.scatter.add.f32 [tilespmem:s13], [sflag:$0x6], $0x80, s30, s10, $0xb8;
	[tilespmem:$0x15000] =	vst v63  }
0x141: {  	_ =	swait.ge [sflag:s14], $0x4000  }
0x142: {  	[sflag:s14] =	ssyncset.done $0x0  }
0x143: {  	[sflag:s14] =	ssyncadd.s32 $0xFFFFC000  }
0x144: {  	[spmem:s3] =	stream.indirect.scatter.add.f32 [tilespmem:s11], [sflag:$0x4], $0x80, s31, s10, $0xb8;
	[tilespmem:$0x15000] =	vst v63  }
0x145: {  	_ =	swait.ge [sflag:s17], $0x4000  }
0x146: {  	[sflag:s17] =	ssyncset.done $0x0  }
0x147: {  	[sflag:s17] =	ssyncadd.s32 $0xFFFFC000  }
0x148: {  	_ =	swait.ge [sflag:s19], $0x4000  }
0x149: {  	[sflag:s19] =	ssyncset.done $0x0  }
0x14a: {  	[sflag:s19] =	ssyncadd.s32 $0xFFFFC000  }
0x14b: {  	_ =	swait.ge [sflag:s15], $0x4000  }
0x14c: {  	[sflag:s15] =	ssyncset.done $0x0  }
0x14d: {  	p0 =	sne.s32 s0, $0x1;
	[sflag:s15] =	ssyncadd.s32 $0xFFFFC000  }
.Ltmp1:
0x14e: {  	[bflag:$0x0] =	sbarrier.arrive $0xFFFF;
	(pc) =	sbr.rel @p0 .LBB2_1-.Ltmp1, $4  }
0x14f: {  	s2 =	rddreg [dreg:$0x6]  }
0x150: {  	[hbm:s2], [sflag:s6] =	dma.local [spmem:s8], $0x1000  }
0x151: {  	_ =	swait.ge [sflag:s7], $0x1000  }
0x152: {  	s0 =	sadd.s32 $0xFFFFFFFF, s0;
	[sflag:s7] =	ssyncset.done $0x0  }
.LBB2_2:
0x153: {  	[sflag:s7] =	ssyncadd.s32 $0xFFFFF000  }
0x154: {  	_ =	sfence.sel $0x180000  }
0x155: {  	[bflag:$0x0] =	sbarrier.arrive $0xFFFF  }
0x156: {  	_ =	strace $0x90000047  }
0x157: {  	s0 =	stileid.u32;
	[bflag:$0x2] =	sbarrier.arrive $0xFFFF  }
0x158: {  	p0 =	sne.s32 s0, $0x0;
	s0 =	rddreg [dreg:$0x3]  }
0x159: {  	s0 =	sadd.s32 @!p0 $0x100000, s0  }
0x15a: {  	[sflag:s0] =	ssyncadd.tile.s32 @!p0 $0x1;
	_ =	shalt  }
.Lfunc_end2:
_tile_overlayer_lowered:
.L_overlay_start_2:
0x15b: {  	(tag) =	ssettag $0x2  }
0x15c: {  	s0 =	rddreg [dreg:$0x0];
	s2 =	stileid.u32  }
0x15d: {  	s1 =	rddreg [dreg:$0x1];
	p0 =	sne.s32 s2, $0x0  }
0x15e: {  	s3 =	rddreg [dreg:$0x2];
	[bflag:$0x3] =	sbarrier.arrive $0xFFFF;
	s2 =	simm.s32 @!p0 $0x1C07  }
0x15f: {  	[timem:s3], [sflag:s2] =	dma.local @!p0 [hbm:s0], s1  }
0x160: {  	s0 =	simm.s32 @!p0 $0x7  }
0x161: {  	_ =	swait.ge @!p0 [sflag:s0], s1  }
0x162: {  	s1 =	ssub.s32 @!p0 $0x0, s1;
	[sflag:s0] =	ssyncset.done @!p0 $0x0  }
0x163: {  	[sflag:s0] =	ssyncadd.s32 @!p0 s1  }
0x164: {  	[bflag:$0x3] =	sbarrier.arrive $0xFFFF  }
0x165: {  	_ =	shalt  }

// kernel: kernel.13.cloned.1.call-start
scs
__scs_entry_jumppad:
0x0: {  	(pc) =	sbr.rel $0x88, $3  }
0x1: {  	(tag) =	ssettag $0x0;
	lr =	simm.s32 $0x1  }
0x2: {  	[smem:$0x3F90] =	sst lr;
	_ =	strace $0xD0000000  }
0x3: {  	_ = 	snop  }
0x4: {  	_ = 	snop  }
0x5: {  	_ = 	snop  }
0x6: {  	_ = 	snop  }
0x7: {  	_ = 	snop  }
__scs_overlays_trampoline_lowered:
0x8: {  	[smem:$0x3F9F] =	sst s0  }
0x9: {  	[smem:$0x3FA0] =	sst s1  }
0xa: {  	[smem:$0x3FA1] =	sst s2  }
0xb: {  	[smem:$0x3FA2] =	sst s3  }
0xc: {  	[smem:$0x3FA3] =	sst s4  }
0xd: {  	[smem:$0x3FA4] =	sst s5  }
0xe: {  	[smem:$0x3FA5] =	sst s6  }
0xf: {  	[smem:$0x3FA6] =	sst s7  }
0x10: {  	[smem:$0x3FA7] =	sst s8  }
0x11: {  	[smem:$0x3FA8] =	sst s9;
	s0 =	simm.s32 @!p0 $0x0  }
0x12: {  	s1 =	sld [smem:$0x3F8E];
	s0 =	simm.s32 @p0 $0x1  }
0x13: {  	[smem:$0x3FA9] =	sst s0;
	s0 =	simm.s32 @!p1 $0x0  }
0x14: {  	s2 =	sld [smem:$0x3F8D];
	s0 =	simm.s32 @p1 $0x1  }
0x15: {  	[smem:$0x3FAA] =	sst s0;
	s0 =	simm.s32 @!p2 $0x0  }
0x16: {  	s3 =	sld [smem:$0x3FDB];
	s0 =	simm.s32 @p2 $0x1  }
0x17: {  	s4 =	simm.s32 $0x1BF5;
	[smem:$0x3FAC] =	sst s0  }
0x18: {  	s0 =	sld [smem:$0x3F8F];
	_ =	swait.ge [sflag:s4], $0x0  }
0x19: {  	s7 =	sld [smem:$0x3F90]  }
0x1a: {  	s8 =	sadd.s32 $0xFFFFE003, lr  }
0x1b: {  	s9 =	sadd.s32 $0xFFFFFEF7, lr;
	s5 =	simm.s32 $0xFFFFFFFF;
	p2 =	slt.u32 s8, $0xFFFFF086  }
0x1c: {  	p1 =	slt.u32 s9, $0xF7A;
	s5 =	simm.s32 @!p2 $0x0  }
0x1d: {  	s5 =	simm.s32 @p1 $0x1;
	p0 =	seq.s32 s7, s2  }
0x1e: {  	s7 =	smul.u32 @!p0 $0xF7A, s2;
	p2 =	seq.s32 @!p0 s5, $0x0  }
0x1f: {  	s9 =	smul.u32 $0xF7A, s1;
	s8 =	simm.s32 @!p0 $0x1BF5;
	p2 =	por !p2, p0  }
0x20: {  	[sflag:s8] =	ssyncset.s32 @!p0 $0xFFFFF086;
	s6 =	sadd.s32 @!p0 s3, s7;
	s7 =	simm.s32 @!p0 $0x108  }
0x21: {  	s3 =	sadd.s32 s3, s9;
	s6 =	sadd.s32 @!p0 $0x88, s6;
	s7 =	simm.s32 @p2 $0x1082  }
0x22: {  	[simem:s7], [sflag:s8] =	dma.local @!p0 [hbm:s6], $0xF7A  }
0x23: {  	s9 =	sor.u32 $0xD0000000, s2;
	s6 =	simm.s32 $0x108;
	_ =	swait.ge @!p0 [sflag:s8], $0x0  }
0x24: {  	s3 =	sadd.s32 $0x88, s3;
	s6 =	simm.s32 @!p1 $0x1082;
	[sflag:s4] =	ssyncset.s32 $0xFFFFF086  }
0x25: {  	[simem:s6], [sflag:s4] =	dma.local [hbm:s3], $0xF7A  }
0x26: {  	[smem:$0x3F90] =	sst s1;
	(tag) =	ssettag s2;
	_ =	strace s9  }
0x27: {  	s1 =	sld [smem:$0x3FA0]  }
0x28: {  	s2 =	sld [smem:$0x3FA1]  }
0x29: {  	s4 =	sld [smem:$0x3FA3]  }
0x2a: {  	p0 =	seq.s32 s5, $0x0;
	s5 =	sld [smem:$0x3FA4]  }
0x2b: {  	s6 =	sld [smem:$0x3FA5]  }
0x2c: {  	s7 =	sld [smem:$0x3FA6]  }
0x2d: {  	s3 =	simm.s32 $0x108;
	s8 =	sld [smem:$0x3FA7]  }
0x2e: {  	s3 =	simm.s32 @!p0 $0x1082;
	s9 =	sld [smem:$0x3FA8]  }
0x2f: {  	lr =	sadd.s32 s0, s3;
	s0 =	sld [smem:$0x3F9F]  }
0x30: {  	s3 =	sld [smem:$0x3FA2]  }
0x31: {  	[smem:$0x3FAB] =	sst s10  }
0x32: {  	s10 =	sld [smem:$0x3FA9];
	_ =	sdelay $0x3  }
0x33: {  	p0 =	seq.s32 s10, $0x1;
	s10 =	sld [smem:$0x3FAB];
	_ =	sdelay $0x3  }
0x34: {  	[smem:$0x3FAB] =	sst s10  }
0x35: {  	s10 =	sld [smem:$0x3FAA];
	_ =	sdelay $0x3  }
0x36: {  	p1 =	seq.s32 s10, $0x1;
	s10 =	sld [smem:$0x3FAB];
	_ =	sdelay $0x3  }
0x37: {  	[smem:$0x3FAB] =	sst s10  }
0x38: {  	s10 =	sld [smem:$0x3FAC]  }
0x39: {  	_ = 	snop;
	(pc) =	sbr.ind lr, $3  }
0x3a: {  	_ = 	snop  }
0x3b: {  	_ = 	snop  }
0x3c: {  	p2 =	seq.s32 s10, $0x1;
	s10 =	sld [smem:$0x3FAB]  }
0x3d: {  	_ =	shalt  }
0x3e: {  	_ =	shalt  }
0x3f: {  	_ =	shalt  }
0x40: {  	_ =	shalt  }
0x41: {  	_ =	shalt  }
0x42: {  	_ =	shalt  }
0x43: {  	_ =	shalt  }
0x44: {  	_ =	shalt  }
0x45: {  	_ =	shalt  }
0x46: {  	_ =	shalt  }
0x47: {  	_ =	shalt  }
0x48: {  	_ =	shalt  }
0x49: {  	_ =	shalt  }
0x4a: {  	_ =	shalt  }
0x4b: {  	_ =	shalt  }
0x4c: {  	_ =	shalt  }
0x4d: {  	_ =	shalt  }
0x4e: {  	_ =	shalt  }
0x4f: {  	_ =	shalt  }
0x50: {  	_ =	shalt  }
0x51: {  	_ =	shalt  }
0x52: {  	_ =	shalt  }
0x53: {  	_ =	shalt  }
0x54: {  	_ =	shalt  }
0x55: {  	_ =	shalt  }
0x56: {  	_ =	shalt  }
0x57: {  	_ =	shalt  }
0x58: {  	_ =	shalt  }
0x59: {  	_ =	shalt  }
0x5a: {  	_ =	shalt  }
0x5b: {  	_ =	shalt  }
0x5c: {  	_ =	shalt  }
0x5d: {  	_ =	shalt  }
0x5e: {  	_ =	shalt  }
0x5f: {  	_ =	shalt  }
0x60: {  	_ =	shalt  }
0x61: {  	_ =	shalt  }
0x62: {  	_ =	shalt  }
0x63: {  	_ =	shalt  }
0x64: {  	_ =	shalt  }
0x65: {  	_ =	shalt  }
0x66: {  	_ =	shalt  }
0x67: {  	_ =	shalt  }
0x68: {  	_ =	shalt  }
0x69: {  	_ =	shalt  }
0x6a: {  	_ =	shalt  }
0x6b: {  	_ =	shalt  }
0x6c: {  	_ =	shalt  }
0x6d: {  	_ =	shalt  }
0x6e: {  	_ =	shalt  }
0x6f: {  	_ =	shalt  }
0x70: {  	_ =	shalt  }
0x71: {  	_ =	shalt  }
0x72: {  	_ =	shalt  }
0x73: {  	_ =	shalt  }
0x74: {  	_ =	shalt  }
0x75: {  	_ =	shalt  }
0x76: {  	_ =	shalt  }
0x77: {  	_ =	shalt  }
0x78: {  	_ =	shalt  }
0x79: {  	_ =	shalt  }
0x7a: {  	_ =	shalt  }
0x7b: {  	_ =	shalt  }
0x7c: {  	_ =	shalt  }
0x7d: {  	_ =	shalt  }
0x7e: {  	_ =	shalt  }
0x7f: {  	_ =	shalt  }
0x80: {  	_ =	shalt  }
0x81: {  	_ =	shalt  }
0x82: {  	_ =	shalt  }
0x83: {  	_ =	shalt  }
0x84: {  	_ =	shalt  }
0x85: {  	_ =	shalt  }
0x86: {  	_ =	shalt  }
0x87: {  	_ =	shalt  }
.Lfunc_end0:
.L_simem_size_0:
called_computation.1_lowered:
.L_overlay_start_0:
0x88: {  	s2 =	sld [smem:$0x3FD9]  }
0x89: {  	s3 =	sld [smem:$0x3FFE];
	_ =	sdelay $0x1  }
0x8a: {  	s1 =	srdreg.scid  }
0x8b: {  	s0 =	sand.u32 $0x1, s1  }
0x8c: {  	s16 =	sshll.u32 s0, $0xA;
	s2 =	sadd.s32 s3, s2  }
0x8d: {  	s2 =	sadd.s32 s2, s16  }
0x8e: {  	[smem:$0x3FB7] =	sst s2  }
0x8f: {  	_ = 	snop  }
0x90: {  	(tm) =	ssettm $0x1  }
0x91: {  	s17 =	sld [smem:$0x3FFB];
	_ =	sdelay $0x3  }
0x92: {  	_ =	strace s17  }
0x93: {  	s2 =	sld [smem:$0x3FFC];
	_ =	sdelay $0x3  }
0x94: {  	_ =	strace s2  }
0x95: {  	s2 =	sld [smem:$0x3FFD];
	_ =	sdelay $0x3  }
0x96: {  	_ =	strace s2  }
0x97: {  	_ =	strace $0x8FFFFFFF  }
0x98: {  	s18 =	sld [smem:$0x3FDB];
	_ =	sdelay $0x1  }
0x99: {  	s19 =	simm.s32 $_scs_section_size  }
0x9a: {  	s4 =	simm.s32 $_size__tile_overlayer_lowered;
	s5 =	simm.s32 $_tile_overlayer_lowered  }
0x9b: {  	s22 =	simm.s32 $0x1BFF;
	s21 =	sshll.u32 s5, $0x1;
	s2 =	sadd.s32 s19, s18  }
0x9c: {  	s6 =	simm.s32 $0x0;
	s20 =	sshll.u32 s4, $0x1;
	s4 =	sadd.s32 s21, s2  }
0x9d: {  	[timem:s6], [sflag:s22] =	dma.local [hbm:s4], s20  }
0x9e: {  	_ =	swait.ge [sflag:s22], s20  }
0x9f: {  	s3 =	ssub.s32 $0x0, s20;
	[sflag:s22] =	ssyncset.done $0x0  }
0xa0: {  	[sflag:s22] =	ssyncadd.s32 s3;
	_ =	sdelay $0x1  }
0xa1: {  	s23 =	simm.s32 $0x1B8B  }
0xa2: {  	_ =	swait.ge [sflag:s23], $0x1  }
0xa3: {  	[sflag:s23] =	ssyncset.done $0x0  }
0xa4: {  	s25 =	simm.s32 $0x1B8E;
	s24 =	sld [smem:$0x3FFE];
	[sflag:s23] =	ssyncadd.s32 $0xFFFFFFFF  }
0xa5: {  	s26 =	simm.s32 $execute0_lowered;
	[smem:$0x3FD2] =	sst s25  }
0xa6: {  	s4 =	sshll.u32 s26, $0x1;
	_ =	strace $0x80000049;
	[dreg:$0x1] =	wrdreg $0xFFFFFFFF  }
0xa7: {  	s28 =	simm.s32 $_size_execute0_lowered;
	s2 =	sadd.s32 s2, s4;
	[dreg:$0x0] =	wrdreg $0x0  }
0xa8: {  	s4 =	sshll.u32 s28, $0x1;
	[dreg:$0x2] =	wrdreg s2  }
0xa9: {  	[dreg:$0x3] =	wrdreg s4  }
0xaa: {  	[dreg:$0x4] =	wrdreg $0xC0  }
0xab: {  	_ =	task [dreg:s6], $0x5FFFF  }
0xac: {  	[dreg:$0x1] =	wrdreg $0xFFFFFFFF  }
0xad: {  	[dreg:$0x0] =	wrdreg $0x60  }
0xae: {  	[dreg:$0x2] =	wrdreg s24  }
0xaf: {  	[dreg:$0x3] =	wrdreg $0xE0000  }
0xb0: {  	[dreg:$0x4] =	wrdreg $0x9  }
0xb1: {  	_ =	task.clear_ibuf [dreg:s6], $0x5FFFF;
	_ =	strace $0x90000049  }
0xb2: {  	s29 =	simm.s32 $0x9;
	_ =	strace $0x8000004B  }
0xb3: {  	_ =	swait.ge [sflag:s29], $0x1  }
0xb4: {  	[sflag:s29] =	ssyncadd.s32 $0xFFFFFFFF  }
0xb5: {  	_ =	strace $0x9000004B  }
0xb6: {  	_ =	sfence  }
0xb7: {  	s30 =	sld [smem:$0x0];
	_ =	sdelay $0x2  }
0xb8: {  	s31 =	sshll.u32 s1, $0xD;
	s1 =	sshrl.u32 s1, $0x2  }
0xb9: {  	s3 =	sand.u32 $0x4000, s31;
	s1 =	sadd.s32 s1, s30  }
0xba: {  	s0 =	sor.u32 s3, s0;
	s1 =	sshll.u32 s1, $0x11  }
0xbb: {  	s0 =	sor.u32 s1, s0  }
0xbc: {  	s0 =	sadd.s32 $0x8F2B, s0  }
0xbd: {  	[sflag:s0] =	ssyncadd.remote.s32 $0x1  }
0xbe: {  	_ =	sfence.sel $0xFFFF  }
0xbf: {  	[dreg:$0x0] =	wrdreg $0xFFFFFFFF;
	(pc) =	sbr.abs _section_cstart, $3  }
0xc0: {  	[dreg:$0x1] =	wrdreg $0xFFFFFFFF  }
0xc1: {  	_ =	task.clear_ibuf [dreg:s6], $0x2FFFF;
	_ =	strace $0x9FFFFFFF  }
0xc2: {  	(tm) =	ssettm $0x7FFFFFFF  }
0xc3: {  	_ =	shalt  }
tec
execute0_lowered:
.L_overlay_start_1:
0x0: {  	(tag) =	ssettag $0x1  }
0x1: {  	s11 =	rddreg [dreg:$0x0]  }
0x2: {  	s2 =	rddreg [dreg:$0x1];
	s3 =	simm.s32 $0x0  }
0x3: {  	s9 =	simm.s32 $0x880;
	[smem:$0x7FF] =	sst s3  }
0x4: {  	s10 =	simm.s32 $0x100;
	_ =	strace $0x8000004A;
	[dreg:$0xb] =	wrdreg s9  }
0x5: {  	s12 =	simm.s32 $0x1080;
	[dreg:$0xc] =	wrdreg s10  }
0x6: {  	s13 =	simm.s32 $0x900;
	[dreg:$0xd] =	wrdreg s12  }
0x7: {  	s14 =	simm.s32 $0x1880;
	[dreg:$0xe] =	wrdreg s13  }
0x8: {  	s15 =	simm.s32 $0x180;
	[dreg:$0xf] =	wrdreg s14  }
0x9: {  	s16 =	simm.s32 $0x1100;
	[dreg:$0x10] =	wrdreg s15  }
0xa: {  	s17 =	simm.s32 $0x980;
	[dreg:$0x11] =	wrdreg s16  }
0xb: {  	s18 =	simm.s32 $0x1900;
	[dreg:$0x12] =	wrdreg s17  }
0xc: {  	[dreg:$0x13] =	wrdreg s18;
	s9 =	simm.s32 $0x1A80  }
0xd: {  	s10 =	simm.s32 $0x380;
	[dreg:$0x1f] =	wrdreg s9  }
0xe: {  	s0 =	srdreg.scid;
	s12 =	simm.s32 $0x1300;
	[smem:$0x7E0] =	sst s10  }
0xf: {  	s1 =	stileid.u32;
	s13 =	simm.s32 $0xB80;
	[smem:$0x7E1] =	sst s12  }
0x10: {  	s0 =	sand.u32 $0x1, s0;
	s14 =	simm.s32 $0x1B00;
	[smem:$0x7E2] =	sst s13  }
0x11: {  	s5 =	sshll.u32 s1, $0x8;
	s15 =	simm.s32 $0x400;
	[smem:$0x7E3] =	sst s14  }
0x12: {  	s19 =	sshll.u32 s1, $0xD;
	s16 =	simm.s32 $0x1380;
	[smem:$0x7E4] =	sst s15  }
0x13: {  	s4 =	sshll.u32 s0, $0xC;
	s17 =	simm.s32 $0xC00;
	[smem:$0x7E5] =	sst s16  }
0x14: {  	s18 =	simm.s32 $0x1B80;
	s4 =	sor.u32 s5, s4;
	[smem:$0x7E6] =	sst s17  }
0x15: {  	s5 =	sadd.s32 s19, s11;
	s19 =	simm.s32 $0x200;
	[smem:$0x7E7] =	sst s18  }
0x16: {  	s9 =	simm.s32 $0x1D00;
	[dreg:$0x14] =	wrdreg s19  }
0x17: {  	s10 =	simm.s32 $0x600;
	[smem:$0x7F3] =	sst s9  }
0x18: {  	s12 =	simm.s32 $0x1580;
	[smem:$0x7F4] =	sst s10  }
0x19: {  	s13 =	simm.s32 $0xE00;
	[smem:$0x7F5] =	sst s12  }
0x1a: {  	s6 =	sshll.u32 s1, $0x10;
	s14 =	simm.s32 $0x1D80;
	[smem:$0x7F6] =	sst s13  }
0x1b: {  	s6 =	sadd.s32 s6, s2;
	s15 =	simm.s32 $0x680;
	[smem:$0x7F7] =	sst s14  }
0x1c: {  	s8 =	sshll.u32 s0, $0x11;
	s16 =	simm.s32 $0x1600;
	[smem:$0x7F8] =	sst s15  }
0x1d: {  	s22 =	sadd.s32 $0x4000, s6;
	s17 =	simm.s32 $0xE80;
	[smem:$0x7F9] =	sst s16  }
0x1e: {  	s26 =	sadd.s32 $0xC000, s6;
	s25 =	sshrl.u32 s22, $0x3;
	[smem:$0x7FA] =	sst s17  }
0x1f: {  	s5 =	sadd.s32 s8, s5;
	s8 =	sshrl.u32 s26, $0x3;
	[dreg:$0x8] =	wrdreg s25  }
0x20: {  	s22 =	simm.s32 $0x1980;
	[dreg:$0xa] =	wrdreg s8  }
0x21: {  	s26 =	simm.s32 $0x1A00;
	[dreg:$0x17] =	wrdreg s22  }
0x22: {  	s4 =	sadd.s32 s4, s11;
	s19 =	simm.s32 $0x480;
	[dreg:$0x1b] =	wrdreg s26  }
0x23: {  	s7 =	sadd.s32 $0x28600, s4;
	[smem:$0x7E8] =	sst s19  }
0x24: {  	s20 =	sadd.s32 $0x2A600, s4;
	[dreg:$0x3] =	wrdreg s7  }
0x25: {  	s21 =	sadd.s32 $0x5E00, s4;
	[dreg:$0x4] =	wrdreg s20  }
0x26: {  	s4 =	sadd.s32 $0x2C600, s4;
	[dreg:$0x5] =	wrdreg s21  }
0x27: {  	s24 =	sadd.s32 $0x8000, s6;
	s23 =	sadd.s32 $0xAE600, s5;
	[dreg:$0x6] =	wrdreg s4  }
0x28: {  	s5 =	sshrl.u32 s24, $0x3;
	[dreg:$0x7] =	wrdreg s23  }
0x29: {  	s24 =	simm.s32 $0x1200;
	[dreg:$0x9] =	wrdreg s5  }
0x2a: {  	s25 =	simm.s32 $0xA80;
	[dreg:$0x19] =	wrdreg s24  }
0x2b: {  	s8 =	simm.s32 $0xB00;
	[dreg:$0x1a] =	wrdreg s25  }
0x2c: {  	s22 =	simm.s32 $0x1C00;
	[dreg:$0x1e] =	wrdreg s8  }
0x2d: {  	s26 =	simm.s32 $0x1C80;
	[smem:$0x7EB] =	sst s22  }
0x2e: {  	s19 =	simm.s32 $0x1E00;
	[smem:$0x7EF] =	sst s26  }
0x2f: {  	s20 =	simm.s32 $0x1180;
	[smem:$0x7FB] =	sst s19  }
0x30: {  	s21 =	simm.s32 $0xA00;
	[dreg:$0x15] =	wrdreg s20  }
0x31: {  	s23 =	simm.s32 $0x280;
	[dreg:$0x16] =	wrdreg s21  }
0x32: {  	s5 =	simm.s32 $0x300;
	[dreg:$0x18] =	wrdreg s23  }
0x33: {  	s7 =	simm.s32 $0x1280;
	[dreg:$0x1c] =	wrdreg s5  }
0x34: {  	s24 =	simm.s32 $0x1480;
	[dreg:$0x1d] =	wrdreg s7  }
0x35: {  	s25 =	simm.s32 $0xD00;
	[smem:$0x7ED] =	sst s24  }
0x36: {  	s8 =	simm.s32 $0xD80;
	[smem:$0x7EE] =	sst s25  }
0x37: {  	s20 =	simm.s32 $0x1400;
	[smem:$0x7F2] =	sst s8  }
0x38: {  	s21 =	simm.s32 $0xC80;
	[smem:$0x7E9] =	sst s20  }
0x39: {  	s23 =	simm.s32 $0x500;
	[smem:$0x7EA] =	sst s21  }
0x3a: {  	s18 =	sshll.u32 s1, $0x6;
	s5 =	simm.s32 $0x580;
	[smem:$0x7EC] =	sst s23  }
0x3b: {  	s4 =	sadd.s32 $0x7E00, s11;
	s7 =	simm.s32 $0x1500;
	[smem:$0x7F0] =	sst s5  }
0x3c: {  	[smem:$0x7F1] =	sst s7;
	s5 =	sor.u32 $0x1C07, s18;
	s20 =	simm.s32 $0x700  }
0x3d: {  	s7 =	sshrl.u32 s6, $0x3;
	s6 =	simm.s32 $0x7;
	[smem:$0x7FC] =	sst s20  }
0x3e: {  	[spmem:s7], [sflag:s5] =	dma.local [hbm:s4], $0x800  }
0x3f: {  	_ =	swait.ge [sflag:s6], $0x800  }
0x40: {  	[sflag:s6] =	ssyncset.done $0x0  }
0x41: {  	s21 =	rddreg [dreg:$0x8];
	[sflag:s6] =	ssyncadd.s32 $0xFFFFF800  }
0x42: {  	[spmem:s21], [sflag:s5] =	dma.local [hbm:s4], $0x800  }
0x43: {  	_ =	swait.ge [sflag:s6], $0x800  }
0x44: {  	[sflag:s6] =	ssyncset.done $0x0  }
0x45: {  	s22 =	rddreg [dreg:$0x9];
	[sflag:s6] =	ssyncadd.s32 $0xFFFFF800  }
0x46: {  	[spmem:s22], [sflag:s5] =	dma.local [hbm:s4], $0x800  }
0x47: {  	_ =	swait.ge [sflag:s6], $0x800  }
0x48: {  	[sflag:s6] =	ssyncset.done $0x0  }
0x49: {  	s23 =	rddreg [dreg:$0xa];
	[sflag:s6] =	ssyncadd.s32 $0xFFFFF800  }
0x4a: {  	[spmem:s23], [sflag:s5] =	dma.local [hbm:s4], $0x800  }
0x4b: {  	_ =	swait.ge [sflag:s6], $0x800  }
0x4c: {  	[sflag:s6] =	ssyncset.done $0x0  }
0x4d: {  	s24 =	rddreg [dreg:$0x3];
	[sflag:s6] =	ssyncadd.s32 $0xFFFFF800  }
0x4e: {  	[tilespmem:s3], [sflag:$0x7] =	stream.linear.gather [hbm4b:s24+s3], $0x800, $0x38;
	[tilespmem:$0x1E000] =	vst v63  }
0x4f: {  	_ =	swait.ge [sflag:s6], $0x800  }
0x50: {  	[sflag:s6] =	ssyncset.done $0x0  }
0x51: {  	s8 =	simm.s32 $0x800;
	s9 =	rddreg [dreg:$0x4];
	[sflag:s6] =	ssyncadd.s32 $0xFFFFF800  }
0x52: {  	[tilespmem:s8], [sflag:$0x7] =	stream.linear.gather [hbm4b:s9+s3], $0x800, $0x38;
	[tilespmem:$0x1E000] =	vst v63  }
0x53: {  	_ =	swait.ge [sflag:s6], $0x800  }
0x54: {  	[sflag:s6] =	ssyncset.done $0x0  }
0x55: {  	s9 =	simm.s32 $0x1000;
	s10 =	rddreg [dreg:$0x5];
	[sflag:s6] =	ssyncadd.s32 $0xFFFFF800  }
0x56: {  	[tilespmem:s9], [sflag:$0x7] =	stream.linear.gather [hbm4b:s10+s3], $0x800, $0x38;
	[tilespmem:$0x1E000] =	vst v63  }
0x57: {  	_ =	swait.ge [sflag:s6], $0x800  }
0x58: {  	[sflag:s6] =	ssyncset.done $0x0  }
0x59: {  	s10 =	simm.s32 $0x1800;
	s12 =	rddreg [dreg:$0x6];
	[sflag:s6] =	ssyncadd.s32 $0xFFFFF800  }
0x5a: {  	[tilespmem:s10], [sflag:$0x7] =	stream.linear.gather [hbm4b:s12+s3], $0x800, $0x38;
	[tilespmem:$0x1E000] =	vst v63  }
0x5b: {  	_ =	swait.ge [sflag:s6], $0x800  }
0x5c: {  	[sflag:s6] =	ssyncset.done $0x0  }
0x5d: {  	s13 =	simm.s32 $0x2000;
	[sflag:s6] =	ssyncadd.s32 $0xFFFFF800  }
0x5e: {  	s11 =	sadd.s32 $0x2E600, s11;
	s12 =	simm.s32 $0x80;
	[bflag:$0x0] =	sbarrier.arrive $0xFFFF  }
0x5f: {  	[tilespmem:s13], [sflag:$0x1] =	stream.indirect.gather [hbm4b:s11+s12], $0x80, s3, s12, $0xb8;
	[tilespmem:$0x1E000] =	vst v63  }
0x60: {  	s14 =	simm.s32 $0x6000  }
0x61: {  	[tilespmem:s14], [sflag:$0x2] =	stream.indirect.gather [hbm4b:s11+s12], $0x80, s8, s12, $0xb8;
	[tilespmem:$0x1E000] =	vst v63  }
0x62: {  	s15 =	simm.s32 $0xA000;
	s16 =	simm.s32 $0x1  }
0x63: {  	[tilespmem:s15], [sflag:$0x3] =	stream.indirect.gather [hbm4b:s11+s12], $0x80, s12, s12, $0xb8;
	[tilespmem:$0x1E000] =	vst v63  }
0x64: {  	_ =	swait.ge [sflag:s16], $0x4000  }
0x65: {  	[sflag:s16] =	ssyncset.done $0x0  }
0x66: {  	s17 =	simm.s32 $0x4;
	[sflag:s16] =	ssyncadd.s32 $0xFFFFC000  }
0x67: {  	[spmem:s2] =	stream.indirect.scatter.add.f32 [tilespmem:s13], [sflag:$0x4], $0x80, s9, s12, $0xb8;
	[tilespmem:$0x1E000] =	vst v63  }
0x68: {  	_ =	swait.ge [sflag:s17], $0x4000  }
0x69: {  	[sflag:s17] =	ssyncset.done $0x0  }
0x6a: {  	s18 =	simm.s32 $0x2;
	s19 =	rddreg [dreg:$0xb];
	[sflag:s17] =	ssyncadd.s32 $0xFFFFC000  }
0x6b: {  	[tilespmem:s13], [sflag:$0x1] =	stream.indirect.gather [hbm4b:s11+s12], $0x80, s19, s12, $0xb8;
	[tilespmem:$0x1E000] =	vst v63  }
0x6c: {  	_ =	swait.ge [sflag:s18], $0x4000  }
0x6d: {  	[sflag:s18] =	ssyncset.done $0x0  }
0x6e: {  	s19 =	simm.s32 $0x5;
	[sflag:s18] =	ssyncadd.s32 $0xFFFFC000  }
0x6f: {  	[spmem:s2] =	stream.indirect.scatter.add.f32 [tilespmem:s14], [sflag:$0x5], $0x80, s10, s12, $0xb8;
	[tilespmem:$0x1E000] =	vst v63  }
0x70: {  	_ =	swait.ge [sflag:s19], $0x4000  }
0x71: {  	[sflag:s19] =	ssyncset.done $0x0  }
0x72: {  	s20 =	simm.s32 $0x3;
	s21 =	rddreg [dreg:$0xc];
	[sflag:s19] =	ssyncadd.s32 $0xFFFFC000  }
0x73: {  	[tilespmem:s14], [sflag:$0x2] =	stream.indirect.gather [hbm4b:s11+s12], $0x80, s21, s12, $0xb8;
	[tilespmem:$0x1E000] =	vst v63  }
0x74: {  	_ =	swait.ge [sflag:s20], $0x4000  }
0x75: {  	[sflag:s20] =	ssyncset.done $0x0  }
0x76: {  	s21 =	simm.s32 $0x6;
	s22 =	rddreg [dreg:$0xd];
	[sflag:s20] =	ssyncadd.s32 $0xFFFFC000  }
0x77: {  	[spmem:s2] =	stream.indirect.scatter.add.f32 [tilespmem:s15], [sflag:$0x6], $0x80, s22, s12, $0xb8;
	[tilespmem:$0x1E000] =	vst v63  }
0x78: {  	_ =	swait.ge [sflag:s21], $0x4000  }
0x79: {  	[sflag:s21] =	ssyncset.done $0x0  }
0x7a: {  	s25 =	rddreg [dreg:$0xe];
	[sflag:s21] =	ssyncadd.s32 $0xFFFFC000  }
0x7b: {  	[tilespmem:s15], [sflag:$0x3] =	stream.indirect.gather [hbm4b:s11+s12], $0x80, s25, s12, $0xb8;
	[tilespmem:$0x1E000] =	vst v63  }
0x7c: {  	_ =	swait.ge [sflag:s16], $0x4000  }
0x7d: {  	[sflag:s16] =	ssyncset.done $0x0  }
0x7e: {  	s26 =	rddreg [dreg:$0xf];
	[sflag:s16] =	ssyncadd.s32 $0xFFFFC000  }
0x7f: {  	[spmem:s2] =	stream.indirect.scatter.add.f32 [tilespmem:s13], [sflag:$0x4], $0x80, s26, s12, $0xb8;
	[tilespmem:$0x1E000] =	vst v63  }
0x80: {  	_ =	swait.ge [sflag:s17], $0x4000  }
0x81: {  	[sflag:s17] =	ssyncset.done $0x0  }
0x82: {  	s1 =	rddreg [dreg:$0x10];
	[sflag:s17] =	ssyncadd.s32 $0xFFFFC000  }
0x83: {  	[tilespmem:s13], [sflag:$0x1] =	stream.indirect.gather [hbm4b:s11+s12], $0x80, s1, s12, $0xb8;
	[tilespmem:$0x1E000] =	vst v63  }
0x84: {  	_ =	swait.ge [sflag:s18], $0x4000  }
0x85: {  	[sflag:s18] =	ssyncset.done $0x0  }
0x86: {  	s23 =	rddreg [dreg:$0x11];
	[sflag:s18] =	ssyncadd.s32 $0xFFFFC000  }
0x87: {  	[spmem:s2] =	stream.indirect.scatter.add.f32 [tilespmem:s14], [sflag:$0x5], $0x80, s23, s12, $0xb8;
	[tilespmem:$0x1E000] =	vst v63  }
0x88: {  	_ =	swait.ge [sflag:s19], $0x4000  }
0x89: {  	[sflag:s19] =	ssyncset.done $0x0  }
0x8a: {  	s24 =	rddreg [dreg:$0x12];
	[sflag:s19] =	ssyncadd.s32 $0xFFFFC000  }
0x8b: {  	[tilespmem:s14], [sflag:$0x2] =	stream.indirect.gather [hbm4b:s11+s12], $0x80, s24, s12, $0xb8;
	[tilespmem:$0x1E000] =	vst v63  }
0x8c: {  	_ =	swait.ge [sflag:s20], $0x4000  }
0x8d: {  	[sflag:s20] =	ssyncset.done $0x0  }
0x8e: {  	s25 =	rddreg [dreg:$0x13];
	[sflag:s20] =	ssyncadd.s32 $0xFFFFC000  }
0x8f: {  	[spmem:s2] =	stream.indirect.scatter.add.f32 [tilespmem:s15], [sflag:$0x6], $0x80, s25, s12, $0xb8;
	[tilespmem:$0x1E000] =	vst v63  }
0x90: {  	_ =	swait.ge [sflag:s21], $0x4000  }
0x91: {  	[sflag:s21] =	ssyncset.done $0x0  }
0x92: {  	s26 =	rddreg [dreg:$0x14];
	[sflag:s21] =	ssyncadd.s32 $0xFFFFC000  }
0x93: {  	[tilespmem:s15], [sflag:$0x3] =	stream.indirect.gather [hbm4b:s11+s12], $0x80, s26, s12, $0xb8;
	[tilespmem:$0x1E000] =	vst v63  }
0x94: {  	_ =	swait.ge [sflag:s16], $0x4000  }
0x95: {  	[sflag:s16] =	ssyncset.done $0x0  }
0x96: {  	s1 =	rddreg [dreg:$0x15];
	[sflag:s16] =	ssyncadd.s32 $0xFFFFC000  }
0x97: {  	[spmem:s2] =	stream.indirect.scatter.add.f32 [tilespmem:s13], [sflag:$0x4], $0x80, s1, s12, $0xb8;
	[tilespmem:$0x1E000] =	vst v63  }
0x98: {  	_ =	swait.ge [sflag:s17], $0x4000  }
0x99: {  	[sflag:s17] =	ssyncset.done $0x0  }
0x9a: {  	s23 =	rddreg [dreg:$0x16];
	[sflag:s17] =	ssyncadd.s32 $0xFFFFC000  }
0x9b: {  	[tilespmem:s13], [sflag:$0x1] =	stream.indirect.gather [hbm4b:s11+s12], $0x80, s23, s12, $0xb8;
	[tilespmem:$0x1E000] =	vst v63  }
0x9c: {  	_ =	swait.ge [sflag:s18], $0x4000  }
0x9d: {  	[sflag:s18] =	ssyncset.done $0x0  }
0x9e: {  	s24 =	rddreg [dreg:$0x17];
	[sflag:s18] =	ssyncadd.s32 $0xFFFFC000  }
0x9f: {  	[spmem:s2] =	stream.indirect.scatter.add.f32 [tilespmem:s14], [sflag:$0x5], $0x80, s24, s12, $0xb8;
	[tilespmem:$0x1E000] =	vst v63  }
0xa0: {  	_ =	swait.ge [sflag:s19], $0x4000  }
0xa1: {  	[sflag:s19] =	ssyncset.done $0x0  }
0xa2: {  	s25 =	rddreg [dreg:$0x18];
	[sflag:s19] =	ssyncadd.s32 $0xFFFFC000  }
0xa3: {  	[tilespmem:s14], [sflag:$0x2] =	stream.indirect.gather [hbm4b:s11+s12], $0x80, s25, s12, $0xb8;
	[tilespmem:$0x1E000] =	vst v63  }
0xa4: {  	_ =	swait.ge [sflag:s20], $0x4000  }
0xa5: {  	[sflag:s20] =	ssyncset.done $0x0  }
0xa6: {  	s26 =	rddreg [dreg:$0x19];
	[sflag:s20] =	ssyncadd.s32 $0xFFFFC000  }
0xa7: {  	[spmem:s2] =	stream.indirect.scatter.add.f32 [tilespmem:s15], [sflag:$0x6], $0x80, s26, s12, $0xb8;
	[tilespmem:$0x1E000] =	vst v63  }
0xa8: {  	_ =	swait.ge [sflag:s21], $0x4000  }
0xa9: {  	[sflag:s21] =	ssyncset.done $0x0  }
0xaa: {  	s1 =	rddreg [dreg:$0x1a];
	[sflag:s21] =	ssyncadd.s32 $0xFFFFC000  }
0xab: {  	[tilespmem:s15], [sflag:$0x3] =	stream.indirect.gather [hbm4b:s11+s12], $0x80, s1, s12, $0xb8;
	[tilespmem:$0x1E000] =	vst v63  }
0xac: {  	_ =	swait.ge [sflag:s16], $0x4000  }
0xad: {  	[sflag:s16] =	ssyncset.done $0x0  }
0xae: {  	s23 =	rddreg [dreg:$0x1b];
	[sflag:s16] =	ssyncadd.s32 $0xFFFFC000  }
0xaf: {  	[spmem:s2] =	stream.indirect.scatter.add.f32 [tilespmem:s13], [sflag:$0x4], $0x80, s23, s12, $0xb8;
	[tilespmem:$0x1E000] =	vst v63  }
0xb0: {  	_ =	swait.ge [sflag:s17], $0x4000  }
0xb1: {  	[sflag:s17] =	ssyncset.done $0x0  }
0xb2: {  	s24 =	rddreg [dreg:$0x1c];
	[sflag:s17] =	ssyncadd.s32 $0xFFFFC000  }
0xb3: {  	[tilespmem:s13], [sflag:$0x1] =	stream.indirect.gather [hbm4b:s11+s12], $0x80, s24, s12, $0xb8;
	[tilespmem:$0x1E000] =	vst v63  }
0xb4: {  	_ =	swait.ge [sflag:s18], $0x4000  }
0xb5: {  	[sflag:s18] =	ssyncset.done $0x0  }
0xb6: {  	s25 =	rddreg [dreg:$0x1d];
	[sflag:s18] =	ssyncadd.s32 $0xFFFFC000  }
0xb7: {  	[spmem:s2] =	stream.indirect.scatter.add.f32 [tilespmem:s14], [sflag:$0x5], $0x80, s25, s12, $0xb8;
	[tilespmem:$0x1E000] =	vst v63  }
0xb8: {  	_ =	swait.ge [sflag:s19], $0x4000  }
0xb9: {  	[sflag:s19] =	ssyncset.done $0x0  }
0xba: {  	s26 =	rddreg [dreg:$0x1e];
	[sflag:s19] =	ssyncadd.s32 $0xFFFFC000  }
0xbb: {  	[tilespmem:s14], [sflag:$0x2] =	stream.indirect.gather [hbm4b:s11+s12], $0x80, s26, s12, $0xb8;
	[tilespmem:$0x1E000] =	vst v63  }
0xbc: {  	_ =	swait.ge [sflag:s20], $0x4000  }
0xbd: {  	[sflag:s20] =	ssyncset.done $0x0  }
0xbe: {  	s1 =	rddreg [dreg:$0x1f];
	[sflag:s20] =	ssyncadd.s32 $0xFFFFC000  }
0xbf: {  	[spmem:s2] =	stream.indirect.scatter.add.f32 [tilespmem:s15], [sflag:$0x6], $0x80, s1, s12, $0xb8;
	[tilespmem:$0x1E000] =	vst v63  }
0xc0: {  	_ =	swait.ge [sflag:s21], $0x4000  }
0xc1: {  	s23 =	sld [smem:$0x7E0]  }
0xc2: {  	[sflag:s21] =	ssyncset.done $0x0  }
0xc3: {  	[sflag:s21] =	ssyncadd.s32 $0xFFFFC000  }
0xc4: {  	[tilespmem:s15], [sflag:$0x3] =	stream.indirect.gather [hbm4b:s11+s12], $0x80, s23, s12, $0xb8;
	[tilespmem:$0x1E000] =	vst v63  }
0xc5: {  	_ =	swait.ge [sflag:s16], $0x4000  }
0xc6: {  	s24 =	sld [smem:$0x7E1]  }
0xc7: {  	[sflag:s16] =	ssyncset.done $0x0  }
0xc8: {  	[sflag:s16] =	ssyncadd.s32 $0xFFFFC000  }
0xc9: {  	[spmem:s2] =	stream.indirect.scatter.add.f32 [tilespmem:s13], [sflag:$0x4], $0x80, s24, s12, $0xb8;
	[tilespmem:$0x1E000] =	vst v63  }
0xca: {  	_ =	swait.ge [sflag:s17], $0x4000  }
0xcb: {  	s25 =	sld [smem:$0x7E2]  }
0xcc: {  	[sflag:s17] =	ssyncset.done $0x0  }
0xcd: {  	[sflag:s17] =	ssyncadd.s32 $0xFFFFC000  }
0xce: {  	[tilespmem:s13], [sflag:$0x1] =	stream.indirect.gather [hbm4b:s11+s12], $0x80, s25, s12, $0xb8;
	[tilespmem:$0x1E000] =	vst v63  }
0xcf: {  	_ =	swait.ge [sflag:s18], $0x4000  }
0xd0: {  	s26 =	sld [smem:$0x7E3]  }
0xd1: {  	[sflag:s18] =	ssyncset.done $0x0  }
0xd2: {  	[sflag:s18] =	ssyncadd.s32 $0xFFFFC000  }
0xd3: {  	[spmem:s2] =	stream.indirect.scatter.add.f32 [tilespmem:s14], [sflag:$0x5], $0x80, s26, s12, $0xb8;
	[tilespmem:$0x1E000] =	vst v63  }
0xd4: {  	_ =	swait.ge [sflag:s19], $0x4000  }
0xd5: {  	s1 =	sld [smem:$0x7E4]  }
0xd6: {  	[sflag:s19] =	ssyncset.done $0x0  }
0xd7: {  	[sflag:s19] =	ssyncadd.s32 $0xFFFFC000  }
0xd8: {  	[tilespmem:s14], [sflag:$0x2] =	stream.indirect.gather [hbm4b:s11+s12], $0x80, s1, s12, $0xb8;
	[tilespmem:$0x1E000] =	vst v63  }
0xd9: {  	_ =	swait.ge [sflag:s20], $0x4000  }
0xda: {  	s23 =	sld [smem:$0x7E5]  }
0xdb: {  	[sflag:s20] =	ssyncset.done $0x0  }
0xdc: {  	[sflag:s20] =	ssyncadd.s32 $0xFFFFC000  }
0xdd: {  	[spmem:s2] =	stream.indirect.scatter.add.f32 [tilespmem:s15], [sflag:$0x6], $0x80, s23, s12, $0xb8;
	[tilespmem:$0x1E000] =	vst v63  }
0xde: {  	_ =	swait.ge [sflag:s21], $0x4000  }
0xdf: {  	s24 =	sld [smem:$0x7E6]  }
0xe0: {  	[sflag:s21] =	ssyncset.done $0x0  }
0xe1: {  	[sflag:s21] =	ssyncadd.s32 $0xFFFFC000  }
0xe2: {  	[tilespmem:s15], [sflag:$0x3] =	stream.indirect.gather [hbm4b:s11+s12], $0x80, s24, s12, $0xb8;
	[tilespmem:$0x1E000] =	vst v63  }
0xe3: {  	_ =	swait.ge [sflag:s16], $0x4000  }
0xe4: {  	s25 =	sld [smem:$0x7E7]  }
0xe5: {  	[sflag:s16] =	ssyncset.done $0x0  }
0xe6: {  	[sflag:s16] =	ssyncadd.s32 $0xFFFFC000  }
0xe7: {  	[spmem:s2] =	stream.indirect.scatter.add.f32 [tilespmem:s13], [sflag:$0x4], $0x80, s25, s12, $0xb8;
	[tilespmem:$0x1E000] =	vst v63  }
0xe8: {  	_ =	swait.ge [sflag:s17], $0x4000  }
0xe9: {  	s26 =	sld [smem:$0x7E8]  }
0xea: {  	[sflag:s17] =	ssyncset.done $0x0  }
0xeb: {  	[sflag:s17] =	ssyncadd.s32 $0xFFFFC000  }
0xec: {  	[tilespmem:s13], [sflag:$0x1] =	stream.indirect.gather [hbm4b:s11+s12], $0x80, s26, s12, $0xb8;
	[tilespmem:$0x1E000] =	vst v63  }
0xed: {  	_ =	swait.ge [sflag:s18], $0x4000  }
0xee: {  	s1 =	sld [smem:$0x7E9]  }
0xef: {  	[sflag:s18] =	ssyncset.done $0x0  }
0xf0: {  	[sflag:s18] =	ssyncadd.s32 $0xFFFFC000  }
0xf1: {  	[spmem:s2] =	stream.indirect.scatter.add.f32 [tilespmem:s14], [sflag:$0x5], $0x80, s1, s12, $0xb8;
	[tilespmem:$0x1E000] =	vst v63  }
0xf2: {  	_ =	swait.ge [sflag:s19], $0x4000  }
0xf3: {  	s23 =	sld [smem:$0x7EA]  }
0xf4: {  	[sflag:s19] =	ssyncset.done $0x0  }
0xf5: {  	[sflag:s19] =	ssyncadd.s32 $0xFFFFC000  }
0xf6: {  	[tilespmem:s14], [sflag:$0x2] =	stream.indirect.gather [hbm4b:s11+s12], $0x80, s23, s12, $0xb8;
	[tilespmem:$0x1E000] =	vst v63  }
0xf7: {  	_ =	swait.ge [sflag:s20], $0x4000  }
0xf8: {  	s24 =	sld [smem:$0x7EB]  }
0xf9: {  	[sflag:s20] =	ssyncset.done $0x0  }
0xfa: {  	[sflag:s20] =	ssyncadd.s32 $0xFFFFC000  }
0xfb: {  	[spmem:s2] =	stream.indirect.scatter.add.f32 [tilespmem:s15], [sflag:$0x6], $0x80, s24, s12, $0xb8;
	[tilespmem:$0x1E000] =	vst v63  }
0xfc: {  	_ =	swait.ge [sflag:s21], $0x4000  }
0xfd: {  	s25 =	sld [smem:$0x7EC]  }
0xfe: {  	[sflag:s21] =	ssyncset.done $0x0  }
0xff: {  	[sflag:s21] =	ssyncadd.s32 $0xFFFFC000  }
0x100: {  	[tilespmem:s15], [sflag:$0x3] =	stream.indirect.gather [hbm4b:s11+s12], $0x80, s25, s12, $0xb8;
	[tilespmem:$0x1E000] =	vst v63  }
0x101: {  	_ =	swait.ge [sflag:s16], $0x4000  }
0x102: {  	s26 =	sld [smem:$0x7ED]  }
0x103: {  	[sflag:s16] =	ssyncset.done $0x0  }
0x104: {  	[sflag:s16] =	ssyncadd.s32 $0xFFFFC000  }
0x105: {  	[spmem:s2] =	stream.indirect.scatter.add.f32 [tilespmem:s13], [sflag:$0x4], $0x80, s26, s12, $0xb8;
	[tilespmem:$0x1E000] =	vst v63  }
0x106: {  	_ =	swait.ge [sflag:s17], $0x4000  }
0x107: {  	s1 =	sld [smem:$0x7EE]  }
0x108: {  	[sflag:s17] =	ssyncset.done $0x0  }
0x109: {  	[sflag:s17] =	ssyncadd.s32 $0xFFFFC000  }
0x10a: {  	[tilespmem:s13], [sflag:$0x1] =	stream.indirect.gather [hbm4b:s11+s12], $0x80, s1, s12, $0xb8;
	[tilespmem:$0x1E000] =	vst v63  }
0x10b: {  	_ =	swait.ge [sflag:s18], $0x4000  }
0x10c: {  	s23 =	sld [smem:$0x7EF]  }
0x10d: {  	[sflag:s18] =	ssyncset.done $0x0  }
0x10e: {  	[sflag:s18] =	ssyncadd.s32 $0xFFFFC000  }
0x10f: {  	[spmem:s2] =	stream.indirect.scatter.add.f32 [tilespmem:s14], [sflag:$0x5], $0x80, s23, s12, $0xb8;
	[tilespmem:$0x1E000] =	vst v63  }
0x110: {  	_ =	swait.ge [sflag:s19], $0x4000  }
0x111: {  	s24 =	sld [smem:$0x7F0]  }
0x112: {  	[sflag:s19] =	ssyncset.done $0x0  }
0x113: {  	[sflag:s19] =	ssyncadd.s32 $0xFFFFC000  }
0x114: {  	[tilespmem:s14], [sflag:$0x2] =	stream.indirect.gather [hbm4b:s11+s12], $0x80, s24, s12, $0xb8;
	[tilespmem:$0x1E000] =	vst v63  }
0x115: {  	_ =	swait.ge [sflag:s20], $0x4000  }
0x116: {  	s25 =	sld [smem:$0x7F1]  }
0x117: {  	[sflag:s20] =	ssyncset.done $0x0  }
0x118: {  	[sflag:s20] =	ssyncadd.s32 $0xFFFFC000  }
0x119: {  	[spmem:s2] =	stream.indirect.scatter.add.f32 [tilespmem:s15], [sflag:$0x6], $0x80, s25, s12, $0xb8;
	[tilespmem:$0x1E000] =	vst v63  }
0x11a: {  	_ =	swait.ge [sflag:s21], $0x4000  }
0x11b: {  	s26 =	sld [smem:$0x7F2]  }
0x11c: {  	[sflag:s21] =	ssyncset.done $0x0  }
0x11d: {  	[sflag:s21] =	ssyncadd.s32 $0xFFFFC000  }
0x11e: {  	[tilespmem:s15], [sflag:$0x3] =	stream.indirect.gather [hbm4b:s11+s12], $0x80, s26, s12, $0xb8;
	[tilespmem:$0x1E000] =	vst v63  }
0x11f: {  	_ =	swait.ge [sflag:s16], $0x4000  }
0x120: {  	s1 =	sld [smem:$0x7F3]  }
0x121: {  	[sflag:s16] =	ssyncset.done $0x0  }
0x122: {  	[sflag:s16] =	ssyncadd.s32 $0xFFFFC000  }
0x123: {  	[spmem:s2] =	stream.indirect.scatter.add.f32 [tilespmem:s13], [sflag:$0x4], $0x80, s1, s12, $0xb8;
	[tilespmem:$0x1E000] =	vst v63  }
0x124: {  	_ =	swait.ge [sflag:s17], $0x4000  }
0x125: {  	s23 =	sld [smem:$0x7F4]  }
0x126: {  	[sflag:s17] =	ssyncset.done $0x0  }
0x127: {  	[sflag:s17] =	ssyncadd.s32 $0xFFFFC000  }
0x128: {  	[tilespmem:s13], [sflag:$0x1] =	stream.indirect.gather [hbm4b:s11+s12], $0x80, s23, s12, $0xb8;
	[tilespmem:$0x1E000] =	vst v63  }
0x129: {  	_ =	swait.ge [sflag:s18], $0x4000  }
0x12a: {  	s24 =	sld [smem:$0x7F5]  }
0x12b: {  	[sflag:s18] =	ssyncset.done $0x0  }
0x12c: {  	[sflag:s18] =	ssyncadd.s32 $0xFFFFC000  }
0x12d: {  	[spmem:s2] =	stream.indirect.scatter.add.f32 [tilespmem:s14], [sflag:$0x5], $0x80, s24, s12, $0xb8;
	[tilespmem:$0x1E000] =	vst v63  }
0x12e: {  	_ =	swait.ge [sflag:s19], $0x4000  }
0x12f: {  	s25 =	sld [smem:$0x7F6]  }
0x130: {  	[sflag:s19] =	ssyncset.done $0x0  }
0x131: {  	[sflag:s19] =	ssyncadd.s32 $0xFFFFC000  }
0x132: {  	[tilespmem:s14], [sflag:$0x2] =	stream.indirect.gather [hbm4b:s11+s12], $0x80, s25, s12, $0xb8;
	[tilespmem:$0x1E000] =	vst v63  }
0x133: {  	_ =	swait.ge [sflag:s20], $0x4000  }
0x134: {  	s26 =	sld [smem:$0x7F7]  }
0x135: {  	[sflag:s20] =	ssyncset.done $0x0  }
0x136: {  	[sflag:s20] =	ssyncadd.s32 $0xFFFFC000  }
0x137: {  	[spmem:s2] =	stream.indirect.scatter.add.f32 [tilespmem:s15], [sflag:$0x6], $0x80, s26, s12, $0xb8;
	[tilespmem:$0x1E000] =	vst v63  }
0x138: {  	_ =	swait.ge [sflag:s21], $0x4000  }
0x139: {  	s1 =	sld [smem:$0x7F8]  }
0x13a: {  	[sflag:s21] =	ssyncset.done $0x0  }
0x13b: {  	[sflag:s21] =	ssyncadd.s32 $0xFFFFC000  }
0x13c: {  	[tilespmem:s15], [sflag:$0x3] =	stream.indirect.gather [hbm4b:s11+s12], $0x80, s1, s12, $0xb8;
	[tilespmem:$0x1E000] =	vst v63  }
0x13d: {  	_ =	swait.ge [sflag:s16], $0x4000  }
0x13e: {  	s23 =	sld [smem:$0x7F9]  }
0x13f: {  	[sflag:s16] =	ssyncset.done $0x0  }
0x140: {  	[sflag:s16] =	ssyncadd.s32 $0xFFFFC000  }
0x141: {  	[spmem:s2] =	stream.indirect.scatter.add.f32 [tilespmem:s13], [sflag:$0x4], $0x80, s23, s12, $0xb8;
	[tilespmem:$0x1E000] =	vst v63  }
0x142: {  	_ =	swait.ge [sflag:s17], $0x4000  }
0x143: {  	s24 =	sld [smem:$0x7FA]  }
0x144: {  	[sflag:s17] =	ssyncset.done $0x0  }
0x145: {  	[sflag:s17] =	ssyncadd.s32 $0xFFFFC000  }
0x146: {  	[tilespmem:s13], [sflag:$0x1] =	stream.indirect.gather [hbm4b:s11+s12], $0x80, s24, s12, $0xb8;
	[tilespmem:$0x1E000] =	vst v63  }
0x147: {  	_ =	swait.ge [sflag:s18], $0x4000  }
0x148: {  	s25 =	sld [smem:$0x7FB]  }
0x149: {  	[sflag:s18] =	ssyncset.done $0x0  }
0x14a: {  	[sflag:s18] =	ssyncadd.s32 $0xFFFFC000  }
0x14b: {  	[spmem:s2] =	stream.indirect.scatter.add.f32 [tilespmem:s14], [sflag:$0x5], $0x80, s25, s12, $0xb8;
	[tilespmem:$0x1E000] =	vst v63  }
0x14c: {  	_ =	swait.ge [sflag:s19], $0x4000  }
0x14d: {  	s26 =	sld [smem:$0x7FC]  }
0x14e: {  	[sflag:s19] =	ssyncset.done $0x0  }
0x14f: {  	[sflag:s19] =	ssyncadd.s32 $0xFFFFC000  }
0x150: {  	[tilespmem:s14], [sflag:$0x2] =	stream.indirect.gather [hbm4b:s11+s12], $0x80, s26, s12, $0xb8;
	[tilespmem:$0x1E000] =	vst v63  }
0x151: {  	_ =	swait.ge [sflag:s20], $0x4000  }
0x152: {  	[sflag:s20] =	ssyncset.done $0x0  }
0x153: {  	s22 =	simm.s32 $0x1680;
	[sflag:s20] =	ssyncadd.s32 $0xFFFFC000  }
0x154: {  	[spmem:s2] =	stream.indirect.scatter.add.f32 [tilespmem:s15], [sflag:$0x6], $0x80, s22, s12, $0xb8;
	[tilespmem:$0x1E000] =	vst v63  }
0x155: {  	_ =	swait.ge [sflag:s21], $0x4000  }
0x156: {  	[sflag:s21] =	ssyncset.done $0x0  }
0x157: {  	s23 =	simm.s32 $0xF00;
	[sflag:s21] =	ssyncadd.s32 $0xFFFFC000  }
0x158: {  	[tilespmem:s15], [sflag:$0x3] =	stream.indirect.gather [hbm4b:s11+s12], $0x80, s23, s12, $0xb8;
	[tilespmem:$0x1E000] =	vst v63  }
0x159: {  	_ =	swait.ge [sflag:s16], $0x4000  }
0x15a: {  	[sflag:s16] =	ssyncset.done $0x0  }
0x15b: {  	s24 =	simm.s32 $0x1E80;
	[sflag:s16] =	ssyncadd.s32 $0xFFFFC000  }
0x15c: {  	[spmem:s2] =	stream.indirect.scatter.add.f32 [tilespmem:s13], [sflag:$0x4], $0x80, s24, s12, $0xb8;
	[tilespmem:$0x1E000] =	vst v63  }
0x15d: {  	_ =	swait.ge [sflag:s17], $0x4000  }
0x15e: {  	[sflag:s17] =	ssyncset.done $0x0  }
0x15f: {  	s25 =	simm.s32 $0x780;
	[sflag:s17] =	ssyncadd.s32 $0xFFFFC000  }
0x160: {  	[tilespmem:s13], [sflag:$0x1] =	stream.indirect.gather [hbm4b:s11+s12], $0x80, s25, s12, $0xb8;
	[tilespmem:$0x1E000] =	vst v63  }
0x161: {  	_ =	swait.ge [sflag:s18], $0x4000  }
0x162: {  	[sflag:s18] =	ssyncset.done $0x0  }
0x163: {  	s26 =	simm.s32 $0x1700;
	[sflag:s18] =	ssyncadd.s32 $0xFFFFC000  }
0x164: {  	[spmem:s2] =	stream.indirect.scatter.add.f32 [tilespmem:s14], [sflag:$0x5], $0x80, s26, s12, $0xb8;
	[tilespmem:$0x1E000] =	vst v63  }
0x165: {  	_ =	swait.ge [sflag:s19], $0x4000  }
0x166: {  	[sflag:s19] =	ssyncset.done $0x0  }
0x167: {  	s28 =	simm.s32 $0xF80;
	[sflag:s19] =	ssyncadd.s32 $0xFFFFC000  }
0x168: {  	[tilespmem:s14], [sflag:$0x2] =	stream.indirect.gather [hbm4b:s11+s12], $0x80, s28, s12, $0xb8;
	[tilespmem:$0x1E000] =	vst v63  }
0x169: {  	_ =	swait.ge [sflag:s20], $0x4000  }
0x16a: {  	[sflag:s20] =	ssyncset.done $0x0  }
0x16b: {  	s29 =	simm.s32 $0x1F00;
	[sflag:s20] =	ssyncadd.s32 $0xFFFFC000  }
0x16c: {  	[spmem:s2] =	stream.indirect.scatter.add.f32 [tilespmem:s15], [sflag:$0x6], $0x80, s29, s12, $0xb8;
	[tilespmem:$0x1E000] =	vst v63  }
0x16d: {  	_ =	swait.ge [sflag:s16], $0x4000  }
0x16e: {  	[sflag:s16] =	ssyncset.done $0x0  }
0x16f: {  	s30 =	simm.s32 $0x1780;
	[sflag:s16] =	ssyncadd.s32 $0xFFFFC000  }
0x170: {  	[spmem:s2] =	stream.indirect.scatter.add.f32 [tilespmem:s13], [sflag:$0x4], $0x80, s30, s12, $0xb8;
	[tilespmem:$0x1E000] =	vst v63  }
0x171: {  	_ =	swait.ge [sflag:s18], $0x4000  }
0x172: {  	[sflag:s18] =	ssyncset.done $0x0  }
0x173: {  	s31 =	simm.s32 $0x1F80;
	[sflag:s18] =	ssyncadd.s32 $0xFFFFC000  }
0x174: {  	[spmem:s2] =	stream.indirect.scatter.add.f32 [tilespmem:s14], [sflag:$0x5], $0x80, s31, s12, $0xb8;
	[tilespmem:$0x1E000] =	vst v63  }
0x175: {  	_ =	swait.ge [sflag:s21], $0x4000  }
0x176: {  	[sflag:s21] =	ssyncset.done $0x0  }
0x177: {  	[sflag:s21] =	ssyncadd.s32 $0xFFFFC000  }
0x178: {  	_ =	swait.ge [sflag:s17], $0x4000  }
0x179: {  	[sflag:s17] =	ssyncset.done $0x0  }
0x17a: {  	[sflag:s17] =	ssyncadd.s32 $0xFFFFC000  }
0x17b: {  	_ =	swait.ge [sflag:s19], $0x4000  }
0x17c: {  	[sflag:s19] =	ssyncset.done $0x0  }
0x17d: {  	[sflag:s19] =	ssyncadd.s32 $0xFFFFC000  }
0x17e: {  	[bflag:$0x0] =	sbarrier.arrive $0xFFFF  }
0x17f: {  	s0 =	ssub.s32 $0x2, s0;
	s1 =	rddreg [dreg:$0x7]  }
0x180: {  	[smem:$0x7FD] =	sst s1;
	s1 =	sshrl.u32 s0, $0x1  }
0x181: {  	s0 =	ssub.s32 s0, s1  }
0x182: {  	s0 =	smax.u32 s0, $0x1  }
0x183: {  	s1 =	sld [smem:$0x7FD];
	p0 =	sne.s32 s0, $0x1  }
.Ltmp0:
0x184: {  	_ = 	snop;
	(pc) =	sbr.rel @!p0 .LBB2_2-.Ltmp0, $4  }
0x185: {  	_ = 	snop  }
0x186: {  	[hbm:s1], [sflag:s5] =	dma.local [spmem:s7], $0x2000  }
0x187: {  	_ =	swait.ge [sflag:s6], $0x2000  }
0x188: {  	s0 =	sadd.s32 $0xFFFFFFFF, s0;
	[sflag:s6] =	ssyncset.done $0x0  }
.LBB2_1:
0x189: {  	[sflag:s6] =	ssyncadd.s32 $0xFFFFE000  }
0x18a: {  	[spmem:s7], [sflag:s5] =	dma.local [hbm:s4], $0x800  }
0x18b: {  	_ =	swait.ge [sflag:s6], $0x800  }
0x18c: {  	[sflag:s6] =	ssyncset.done $0x0  }
0x18d: {  	s1 =	rddreg [dreg:$0x8];
	[sflag:s6] =	ssyncadd.s32 $0xFFFFF800  }
0x18e: {  	[spmem:s1], [sflag:s5] =	dma.local [hbm:s4], $0x800  }
0x18f: {  	_ =	swait.ge [sflag:s6], $0x800  }
0x190: {  	[sflag:s6] =	ssyncset.done $0x0  }
0x191: {  	s1 =	rddreg [dreg:$0x9];
	[sflag:s6] =	ssyncadd.s32 $0xFFFFF800  }
0x192: {  	[spmem:s1], [sflag:s5] =	dma.local [hbm:s4], $0x800  }
0x193: {  	_ =	swait.ge [sflag:s6], $0x800  }
0x194: {  	[sflag:s6] =	ssyncset.done $0x0  }
0x195: {  	s1 =	rddreg [dreg:$0xa];
	[sflag:s6] =	ssyncadd.s32 $0xFFFFF800  }
0x196: {  	[spmem:s1], [sflag:s5] =	dma.local [hbm:s4], $0x800  }
0x197: {  	_ =	swait.ge [sflag:s6], $0x800  }
0x198: {  	[sflag:s6] =	ssyncset.done $0x0  }
0x199: {  	s1 =	rddreg [dreg:$0x3];
	[sflag:s6] =	ssyncadd.s32 $0xFFFFF800  }
0x19a: {  	[tilespmem:s3], [sflag:$0x7] =	stream.linear.gather [hbm4b:s1+s3], $0x800, $0x38;
	[tilespmem:$0x1E000] =	vst v63  }
0x19b: {  	_ =	swait.ge [sflag:s6], $0x800  }
0x19c: {  	[sflag:s6] =	ssyncset.done $0x0  }
0x19d: {  	s1 =	rddreg [dreg:$0x4];
	[sflag:s6] =	ssyncadd.s32 $0xFFFFF800  }
0x19e: {  	[tilespmem:s8], [sflag:$0x7] =	stream.linear.gather [hbm4b:s1+s3], $0x800, $0x38;
	[tilespmem:$0x1E000] =	vst v63  }
0x19f: {  	_ =	swait.ge [sflag:s6], $0x800  }
0x1a0: {  	[sflag:s6] =	ssyncset.done $0x0  }
0x1a1: {  	s1 =	rddreg [dreg:$0x5];
	[sflag:s6] =	ssyncadd.s32 $0xFFFFF800  }
0x1a2: {  	[tilespmem:s9], [sflag:$0x7] =	stream.linear.gather [hbm4b:s1+s3], $0x800, $0x38;
	[tilespmem:$0x1E000] =	vst v63  }
0x1a3: {  	_ =	swait.ge [sflag:s6], $0x800  }
0x1a4: {  	[sflag:s6] =	ssyncset.done $0x0  }
0x1a5: {  	s1 =	rddreg [dreg:$0x6];
	[sflag:s6] =	ssyncadd.s32 $0xFFFFF800  }
0x1a6: {  	[tilespmem:s10], [sflag:$0x7] =	stream.linear.gather [hbm4b:s1+s3], $0x800, $0x38;
	[tilespmem:$0x1E000] =	vst v63  }
0x1a7: {  	_ =	swait.ge [sflag:s6], $0x800  }
0x1a8: {  	[sflag:s6] =	ssyncset.done $0x0  }
0x1a9: {  	[sflag:s6] =	ssyncadd.s32 $0xFFFFF800  }
0x1aa: {  	[bflag:$0x0] =	sbarrier.arrive $0xFFFF  }
0x1ab: {  	[tilespmem:s13], [sflag:$0x1] =	stream.indirect.gather [hbm4b:s11+s12], $0x80, s3, s12, $0xb8;
	[tilespmem:$0x1E000] =	vst v63  }
0x1ac: {  	_ = 	snop  }
0x1ad: {  	[tilespmem:s14], [sflag:$0x2] =	stream.indirect.gather [hbm4b:s11+s12], $0x80, s8, s12, $0xb8;
	[tilespmem:$0x1E000] =	vst v63  }
0x1ae: {  	_ = 	snop  }
0x1af: {  	[tilespmem:s15], [sflag:$0x3] =	stream.indirect.gather [hbm4b:s11+s12], $0x80, s12, s12, $0xb8;
	[tilespmem:$0x1E000] =	vst v63  }
0x1b0: {  	_ =	swait.ge [sflag:s16], $0x4000  }
0x1b1: {  	[sflag:s16] =	ssyncset.done $0x0  }
0x1b2: {  	[sflag:s16] =	ssyncadd.s32 $0xFFFFC000  }
0x1b3: {  	[spmem:s2] =	stream.indirect.scatter.add.f32 [tilespmem:s13], [sflag:$0x4], $0x80, s9, s12, $0xb8;
	[tilespmem:$0x1E000] =	vst v63  }
0x1b4: {  	_ =	swait.ge [sflag:s17], $0x4000  }
0x1b5: {  	[sflag:s17] =	ssyncset.done $0x0  }
0x1b6: {  	s1 =	rddreg [dreg:$0xb];
	[sflag:s17] =	ssyncadd.s32 $0xFFFFC000  }
0x1b7: {  	[tilespmem:s13], [sflag:$0x1] =	stream.indirect.gather [hbm4b:s11+s12], $0x80, s1, s12, $0xb8;
	[tilespmem:$0x1E000] =	vst v63  }
0x1b8: {  	_ =	swait.ge [sflag:s18], $0x4000  }
0x1b9: {  	[sflag:s18] =	ssyncset.done $0x0  }
0x1ba: {  	[sflag:s18] =	ssyncadd.s32 $0xFFFFC000  }
0x1bb: {  	[spmem:s2] =	stream.indirect.scatter.add.f32 [tilespmem:s14], [sflag:$0x5], $0x80, s10, s12, $0xb8;
	[tilespmem:$0x1E000] =	vst v63  }
0x1bc: {  	_ =	swait.ge [sflag:s19], $0x4000  }
0x1bd: {  	[sflag:s19] =	ssyncset.done $0x0  }
0x1be: {  	s1 =	rddreg [dreg:$0xc];
	[sflag:s19] =	ssyncadd.s32 $0xFFFFC000  }
0x1bf: {  	[tilespmem:s14], [sflag:$0x2] =	stream.indirect.gather [hbm4b:s11+s12], $0x80, s1, s12, $0xb8;
	[tilespmem:$0x1E000] =	vst v63  }
0x1c0: {  	_ =	swait.ge [sflag:s20], $0x4000  }
0x1c1: {  	[sflag:s20] =	ssyncset.done $0x0  }
0x1c2: {  	s1 =	rddreg [dreg:$0xd];
	[sflag:s20] =	ssyncadd.s32 $0xFFFFC000  }
0x1c3: {  	[spmem:s2] =	stream.indirect.scatter.add.f32 [tilespmem:s15], [sflag:$0x6], $0x80, s1, s12, $0xb8;
	[tilespmem:$0x1E000] =	vst v63  }
0x1c4: {  	_ =	swait.ge [sflag:s21], $0x4000  }
0x1c5: {  	[sflag:s21] =	ssyncset.done $0x0  }
0x1c6: {  	s1 =	rddreg [dreg:$0xe];
	[sflag:s21] =	ssyncadd.s32 $0xFFFFC000  }
0x1c7: {  	[tilespmem:s15], [sflag:$0x3] =	stream.indirect.gather [hbm4b:s11+s12], $0x80, s1, s12, $0xb8;
	[tilespmem:$0x1E000] =	vst v63  }
0x1c8: {  	_ =	swait.ge [sflag:s16], $0x4000  }
0x1c9: {  	[sflag:s16] =	ssyncset.done $0x0  }
0x1ca: {  	s1 =	rddreg [dreg:$0xf];
	[sflag:s16] =	ssyncadd.s32 $0xFFFFC000  }
0x1cb: {  	[spmem:s2] =	stream.indirect.scatter.add.f32 [tilespmem:s13], [sflag:$0x4], $0x80, s1, s12, $0xb8;
	[tilespmem:$0x1E000] =	vst v63  }
0x1cc: {  	_ =	swait.ge [sflag:s17], $0x4000  }
0x1cd: {  	[sflag:s17] =	ssyncset.done $0x0  }
0x1ce: {  	s1 =	rddreg [dreg:$0x10];
	[sflag:s17] =	ssyncadd.s32 $0xFFFFC000  }
0x1cf: {  	[tilespmem:s13], [sflag:$0x1] =	stream.indirect.gather [hbm4b:s11+s12], $0x80, s1, s12, $0xb8;
	[tilespmem:$0x1E000] =	vst v63  }
0x1d0: {  	_ =	swait.ge [sflag:s18], $0x4000  }
0x1d1: {  	[sflag:s18] =	ssyncset.done $0x0  }
0x1d2: {  	s1 =	rddreg [dreg:$0x11];
	[sflag:s18] =	ssyncadd.s32 $0xFFFFC000  }
0x1d3: {  	[spmem:s2] =	stream.indirect.scatter.add.f32 [tilespmem:s14], [sflag:$0x5], $0x80, s1, s12, $0xb8;
	[tilespmem:$0x1E000] =	vst v63  }
0x1d4: {  	_ =	swait.ge [sflag:s19], $0x4000  }
0x1d5: {  	[sflag:s19] =	ssyncset.done $0x0  }
0x1d6: {  	s1 =	rddreg [dreg:$0x12];
	[sflag:s19] =	ssyncadd.s32 $0xFFFFC000  }
0x1d7: {  	[tilespmem:s14], [sflag:$0x2] =	stream.indirect.gather [hbm4b:s11+s12], $0x80, s1, s12, $0xb8;
	[tilespmem:$0x1E000] =	vst v63  }
0x1d8: {  	_ =	swait.ge [sflag:s20], $0x4000  }
0x1d9: {  	[sflag:s20] =	ssyncset.done $0x0  }
0x1da: {  	s1 =	rddreg [dreg:$0x13];
	[sflag:s20] =	ssyncadd.s32 $0xFFFFC000  }
0x1db: {  	[spmem:s2] =	stream.indirect.scatter.add.f32 [tilespmem:s15], [sflag:$0x6], $0x80, s1, s12, $0xb8;
	[tilespmem:$0x1E000] =	vst v63  }
0x1dc: {  	_ =	swait.ge [sflag:s21], $0x4000  }
0x1dd: {  	[sflag:s21] =	ssyncset.done $0x0  }
0x1de: {  	s1 =	rddreg [dreg:$0x14];
	[sflag:s21] =	ssyncadd.s32 $0xFFFFC000  }
0x1df: {  	[tilespmem:s15], [sflag:$0x3] =	stream.indirect.gather [hbm4b:s11+s12], $0x80, s1, s12, $0xb8;
	[tilespmem:$0x1E000] =	vst v63  }
0x1e0: {  	_ =	swait.ge [sflag:s16], $0x4000  }
0x1e1: {  	[sflag:s16] =	ssyncset.done $0x0  }
0x1e2: {  	s1 =	rddreg [dreg:$0x15];
	[sflag:s16] =	ssyncadd.s32 $0xFFFFC000  }
0x1e3: {  	[spmem:s2] =	stream.indirect.scatter.add.f32 [tilespmem:s13], [sflag:$0x4], $0x80, s1, s12, $0xb8;
	[tilespmem:$0x1E000] =	vst v63  }
0x1e4: {  	_ =	swait.ge [sflag:s17], $0x4000  }
0x1e5: {  	[sflag:s17] =	ssyncset.done $0x0  }
0x1e6: {  	s1 =	rddreg [dreg:$0x16];
	[sflag:s17] =	ssyncadd.s32 $0xFFFFC000  }
0x1e7: {  	[tilespmem:s13], [sflag:$0x1] =	stream.indirect.gather [hbm4b:s11+s12], $0x80, s1, s12, $0xb8;
	[tilespmem:$0x1E000] =	vst v63  }
0x1e8: {  	_ =	swait.ge [sflag:s18], $0x4000  }
0x1e9: {  	[sflag:s18] =	ssyncset.done $0x0  }
0x1ea: {  	s1 =	rddreg [dreg:$0x17];
	[sflag:s18] =	ssyncadd.s32 $0xFFFFC000  }
0x1eb: {  	[spmem:s2] =	stream.indirect.scatter.add.f32 [tilespmem:s14], [sflag:$0x5], $0x80, s1, s12, $0xb8;
	[tilespmem:$0x1E000] =	vst v63  }
0x1ec: {  	_ =	swait.ge [sflag:s19], $0x4000  }
0x1ed: {  	[sflag:s19] =	ssyncset.done $0x0  }
0x1ee: {  	s1 =	rddreg [dreg:$0x18];
	[sflag:s19] =	ssyncadd.s32 $0xFFFFC000  }
0x1ef: {  	[tilespmem:s14], [sflag:$0x2] =	stream.indirect.gather [hbm4b:s11+s12], $0x80, s1, s12, $0xb8;
	[tilespmem:$0x1E000] =	vst v63  }
0x1f0: {  	_ =	swait.ge [sflag:s20], $0x4000  }
0x1f1: {  	[sflag:s20] =	ssyncset.done $0x0  }
0x1f2: {  	s1 =	rddreg [dreg:$0x19];
	[sflag:s20] =	ssyncadd.s32 $0xFFFFC000  }
0x1f3: {  	[spmem:s2] =	stream.indirect.scatter.add.f32 [tilespmem:s15], [sflag:$0x6], $0x80, s1, s12, $0xb8;
	[tilespmem:$0x1E000] =	vst v63  }
0x1f4: {  	_ =	swait.ge [sflag:s21], $0x4000  }
0x1f5: {  	[sflag:s21] =	ssyncset.done $0x0  }
0x1f6: {  	s1 =	rddreg [dreg:$0x1a];
	[sflag:s21] =	ssyncadd.s32 $0xFFFFC000  }
0x1f7: {  	[tilespmem:s15], [sflag:$0x3] =	stream.indirect.gather [hbm4b:s11+s12], $0x80, s1, s12, $0xb8;
	[tilespmem:$0x1E000] =	vst v63  }
0x1f8: {  	_ =	swait.ge [sflag:s16], $0x4000  }
0x1f9: {  	[sflag:s16] =	ssyncset.done $0x0  }
0x1fa: {  	s1 =	rddreg [dreg:$0x1b];
	[sflag:s16] =	ssyncadd.s32 $0xFFFFC000  }
0x1fb: {  	[spmem:s2] =	stream.indirect.scatter.add.f32 [tilespmem:s13], [sflag:$0x4], $0x80, s1, s12, $0xb8;
	[tilespmem:$0x1E000] =	vst v63  }
0x1fc: {  	_ =	swait.ge [sflag:s17], $0x4000  }
0x1fd: {  	[sflag:s17] =	ssyncset.done $0x0  }
0x1fe: {  	s1 =	rddreg [dreg:$0x1c];
	[sflag:s17] =	ssyncadd.s32 $0xFFFFC000  }
0x1ff: {  	[tilespmem:s13], [sflag:$0x1] =	stream.indirect.gather [hbm4b:s11+s12], $0x80, s1, s12, $0xb8;
	[tilespmem:$0x1E000] =	vst v63  }
0x200: {  	_ =	swait.ge [sflag:s18], $0x4000  }
0x201: {  	[sflag:s18] =	ssyncset.done $0x0  }
0x202: {  	s1 =	rddreg [dreg:$0x1d];
	[sflag:s18] =	ssyncadd.s32 $0xFFFFC000  }
0x203: {  	[spmem:s2] =	stream.indirect.scatter.add.f32 [tilespmem:s14], [sflag:$0x5], $0x80, s1, s12, $0xb8;
	[tilespmem:$0x1E000] =	vst v63  }
0x204: {  	_ =	swait.ge [sflag:s19], $0x4000  }
0x205: {  	[sflag:s19] =	ssyncset.done $0x0  }
0x206: {  	s1 =	rddreg [dreg:$0x1e];
	[sflag:s19] =	ssyncadd.s32 $0xFFFFC000  }
0x207: {  	[tilespmem:s14], [sflag:$0x2] =	stream.indirect.gather [hbm4b:s11+s12], $0x80, s1, s12, $0xb8;
	[tilespmem:$0x1E000] =	vst v63  }
0x208: {  	_ =	swait.ge [sflag:s20], $0x4000  }
0x209: {  	[sflag:s20] =	ssyncset.done $0x0  }
0x20a: {  	s1 =	rddreg [dreg:$0x1f];
	[sflag:s20] =	ssyncadd.s32 $0xFFFFC000  }
0x20b: {  	[spmem:s2] =	stream.indirect.scatter.add.f32 [tilespmem:s15], [sflag:$0x6], $0x80, s1, s12, $0xb8;
	[tilespmem:$0x1E000] =	vst v63  }
0x20c: {  	_ =	swait.ge [sflag:s21], $0x4000  }
0x20d: {  	s1 =	sld [smem:$0x7E0]  }
0x20e: {  	[sflag:s21] =	ssyncset.done $0x0  }
0x20f: {  	[sflag:s21] =	ssyncadd.s32 $0xFFFFC000  }
0x210: {  	[tilespmem:s15], [sflag:$0x3] =	stream.indirect.gather [hbm4b:s11+s12], $0x80, s1, s12, $0xb8;
	[tilespmem:$0x1E000] =	vst v63  }
0x211: {  	_ =	swait.ge [sflag:s16], $0x4000  }
0x212: {  	s1 =	sld [smem:$0x7E1]  }
0x213: {  	[sflag:s16] =	ssyncset.done $0x0  }
0x214: {  	[sflag:s16] =	ssyncadd.s32 $0xFFFFC000  }
0x215: {  	[spmem:s2] =	stream.indirect.scatter.add.f32 [tilespmem:s13], [sflag:$0x4], $0x80, s1, s12, $0xb8;
	[tilespmem:$0x1E000] =	vst v63  }
0x216: {  	_ =	swait.ge [sflag:s17], $0x4000  }
0x217: {  	s1 =	sld [smem:$0x7E2]  }
0x218: {  	[sflag:s17] =	ssyncset.done $0x0  }
0x219: {  	[sflag:s17] =	ssyncadd.s32 $0xFFFFC000  }
0x21a: {  	[tilespmem:s13], [sflag:$0x1] =	stream.indirect.gather [hbm4b:s11+s12], $0x80, s1, s12, $0xb8;
	[tilespmem:$0x1E000] =	vst v63  }
0x21b: {  	_ =	swait.ge [sflag:s18], $0x4000  }
0x21c: {  	s1 =	sld [smem:$0x7E3]  }
0x21d: {  	[sflag:s18] =	ssyncset.done $0x0  }
0x21e: {  	[sflag:s18] =	ssyncadd.s32 $0xFFFFC000  }
0x21f: {  	[spmem:s2] =	stream.indirect.scatter.add.f32 [tilespmem:s14], [sflag:$0x5], $0x80, s1, s12, $0xb8;
	[tilespmem:$0x1E000] =	vst v63  }
0x220: {  	_ =	swait.ge [sflag:s19], $0x4000  }
0x221: {  	s1 =	sld [smem:$0x7E4]  }
0x222: {  	[sflag:s19] =	ssyncset.done $0x0  }
0x223: {  	[sflag:s19] =	ssyncadd.s32 $0xFFFFC000  }
0x224: {  	[tilespmem:s14], [sflag:$0x2] =	stream.indirect.gather [hbm4b:s11+s12], $0x80, s1, s12, $0xb8;
	[tilespmem:$0x1E000] =	vst v63  }
0x225: {  	_ =	swait.ge [sflag:s20], $0x4000  }
0x226: {  	s1 =	sld [smem:$0x7E5]  }
0x227: {  	[sflag:s20] =	ssyncset.done $0x0  }
0x228: {  	[sflag:s20] =	ssyncadd.s32 $0xFFFFC000  }
0x229: {  	[spmem:s2] =	stream.indirect.scatter.add.f32 [tilespmem:s15], [sflag:$0x6], $0x80, s1, s12, $0xb8;
	[tilespmem:$0x1E000] =	vst v63  }
0x22a: {  	_ =	swait.ge [sflag:s21], $0x4000  }
0x22b: {  	s1 =	sld [smem:$0x7E6]  }
0x22c: {  	[sflag:s21] =	ssyncset.done $0x0  }
0x22d: {  	[sflag:s21] =	ssyncadd.s32 $0xFFFFC000  }
0x22e: {  	[tilespmem:s15], [sflag:$0x3] =	stream.indirect.gather [hbm4b:s11+s12], $0x80, s1, s12, $0xb8;
	[tilespmem:$0x1E000] =	vst v63  }
0x22f: {  	_ =	swait.ge [sflag:s16], $0x4000  }
0x230: {  	s1 =	sld [smem:$0x7E7]  }
0x231: {  	[sflag:s16] =	ssyncset.done $0x0  }
0x232: {  	[sflag:s16] =	ssyncadd.s32 $0xFFFFC000  }
0x233: {  	[spmem:s2] =	stream.indirect.scatter.add.f32 [tilespmem:s13], [sflag:$0x4], $0x80, s1, s12, $0xb8;
	[tilespmem:$0x1E000] =	vst v63  }
0x234: {  	_ =	swait.ge [sflag:s17], $0x4000  }
0x235: {  	s1 =	sld [smem:$0x7E8]  }
0x236: {  	[sflag:s17] =	ssyncset.done $0x0  }
0x237: {  	[sflag:s17] =	ssyncadd.s32 $0xFFFFC000  }
0x238: {  	[tilespmem:s13], [sflag:$0x1] =	stream.indirect.gather [hbm4b:s11+s12], $0x80, s1, s12, $0xb8;
	[tilespmem:$0x1E000] =	vst v63  }
0x239: {  	_ =	swait.ge [sflag:s18], $0x4000  }
0x23a: {  	s1 =	sld [smem:$0x7E9]  }
0x23b: {  	[sflag:s18] =	ssyncset.done $0x0  }
0x23c: {  	[sflag:s18] =	ssyncadd.s32 $0xFFFFC000  }
0x23d: {  	[spmem:s2] =	stream.indirect.scatter.add.f32 [tilespmem:s14], [sflag:$0x5], $0x80, s1, s12, $0xb8;
	[tilespmem:$0x1E000] =	vst v63  }
0x23e: {  	_ =	swait.ge [sflag:s19], $0x4000  }
0x23f: {  	s1 =	sld [smem:$0x7EA]  }
0x240: {  	[sflag:s19] =	ssyncset.done $0x0  }
0x241: {  	[sflag:s19] =	ssyncadd.s32 $0xFFFFC000  }
0x242: {  	[tilespmem:s14], [sflag:$0x2] =	stream.indirect.gather [hbm4b:s11+s12], $0x80, s1, s12, $0xb8;
	[tilespmem:$0x1E000] =	vst v63  }
0x243: {  	_ =	swait.ge [sflag:s20], $0x4000  }
0x244: {  	s1 =	sld [smem:$0x7EB]  }
0x245: {  	[sflag:s20] =	ssyncset.done $0x0  }
0x246: {  	[sflag:s20] =	ssyncadd.s32 $0xFFFFC000  }
0x247: {  	[spmem:s2] =	stream.indirect.scatter.add.f32 [tilespmem:s15], [sflag:$0x6], $0x80, s1, s12, $0xb8;
	[tilespmem:$0x1E000] =	vst v63  }
0x248: {  	_ =	swait.ge [sflag:s21], $0x4000  }
0x249: {  	s1 =	sld [smem:$0x7EC]  }
0x24a: {  	[sflag:s21] =	ssyncset.done $0x0  }
0x24b: {  	[sflag:s21] =	ssyncadd.s32 $0xFFFFC000  }
0x24c: {  	[tilespmem:s15], [sflag:$0x3] =	stream.indirect.gather [hbm4b:s11+s12], $0x80, s1, s12, $0xb8;
	[tilespmem:$0x1E000] =	vst v63  }
0x24d: {  	_ =	swait.ge [sflag:s16], $0x4000  }
0x24e: {  	s1 =	sld [smem:$0x7ED]  }
0x24f: {  	[sflag:s16] =	ssyncset.done $0x0  }
0x250: {  	[sflag:s16] =	ssyncadd.s32 $0xFFFFC000  }
0x251: {  	[spmem:s2] =	stream.indirect.scatter.add.f32 [tilespmem:s13], [sflag:$0x4], $0x80, s1, s12, $0xb8;
	[tilespmem:$0x1E000] =	vst v63  }
0x252: {  	_ =	swait.ge [sflag:s17], $0x4000  }
0x253: {  	s1 =	sld [smem:$0x7EE]  }
0x254: {  	[sflag:s17] =	ssyncset.done $0x0  }
0x255: {  	[sflag:s17] =	ssyncadd.s32 $0xFFFFC000  }
0x256: {  	[tilespmem:s13], [sflag:$0x1] =	stream.indirect.gather [hbm4b:s11+s12], $0x80, s1, s12, $0xb8;
	[tilespmem:$0x1E000] =	vst v63  }
0x257: {  	_ =	swait.ge [sflag:s18], $0x4000  }
0x258: {  	s1 =	sld [smem:$0x7EF]  }
0x259: {  	[sflag:s18] =	ssyncset.done $0x0  }
0x25a: {  	[sflag:s18] =	ssyncadd.s32 $0xFFFFC000  }
0x25b: {  	[spmem:s2] =	stream.indirect.scatter.add.f32 [tilespmem:s14], [sflag:$0x5], $0x80, s1, s12, $0xb8;
	[tilespmem:$0x1E000] =	vst v63  }
0x25c: {  	_ =	swait.ge [sflag:s19], $0x4000  }
0x25d: {  	s1 =	sld [smem:$0x7F0]  }
0x25e: {  	[sflag:s19] =	ssyncset.done $0x0  }
0x25f: {  	[sflag:s19] =	ssyncadd.s32 $0xFFFFC000  }
0x260: {  	[tilespmem:s14], [sflag:$0x2] =	stream.indirect.gather [hbm4b:s11+s12], $0x80, s1, s12, $0xb8;
	[tilespmem:$0x1E000] =	vst v63  }
0x261: {  	_ =	swait.ge [sflag:s20], $0x4000  }
0x262: {  	s1 =	sld [smem:$0x7F1]  }
0x263: {  	[sflag:s20] =	ssyncset.done $0x0  }
0x264: {  	[sflag:s20] =	ssyncadd.s32 $0xFFFFC000  }
0x265: {  	[spmem:s2] =	stream.indirect.scatter.add.f32 [tilespmem:s15], [sflag:$0x6], $0x80, s1, s12, $0xb8;
	[tilespmem:$0x1E000] =	vst v63  }
0x266: {  	_ =	swait.ge [sflag:s21], $0x4000  }
0x267: {  	s1 =	sld [smem:$0x7F2]  }
0x268: {  	[sflag:s21] =	ssyncset.done $0x0  }
0x269: {  	[sflag:s21] =	ssyncadd.s32 $0xFFFFC000  }
0x26a: {  	[tilespmem:s15], [sflag:$0x3] =	stream.indirect.gather [hbm4b:s11+s12], $0x80, s1, s12, $0xb8;
	[tilespmem:$0x1E000] =	vst v63  }
0x26b: {  	_ =	swait.ge [sflag:s16], $0x4000  }
0x26c: {  	s1 =	sld [smem:$0x7F3]  }
0x26d: {  	[sflag:s16] =	ssyncset.done $0x0  }
0x26e: {  	[sflag:s16] =	ssyncadd.s32 $0xFFFFC000  }
0x26f: {  	[spmem:s2] =	stream.indirect.scatter.add.f32 [tilespmem:s13], [sflag:$0x4], $0x80, s1, s12, $0xb8;
	[tilespmem:$0x1E000] =	vst v63  }
0x270: {  	_ =	swait.ge [sflag:s17], $0x4000  }
0x271: {  	s1 =	sld [smem:$0x7F4]  }
0x272: {  	[sflag:s17] =	ssyncset.done $0x0  }
0x273: {  	[sflag:s17] =	ssyncadd.s32 $0xFFFFC000  }
0x274: {  	[tilespmem:s13], [sflag:$0x1] =	stream.indirect.gather [hbm4b:s11+s12], $0x80, s1, s12, $0xb8;
	[tilespmem:$0x1E000] =	vst v63  }
0x275: {  	_ =	swait.ge [sflag:s18], $0x4000  }
0x276: {  	s1 =	sld [smem:$0x7F5]  }
0x277: {  	[sflag:s18] =	ssyncset.done $0x0  }
0x278: {  	[sflag:s18] =	ssyncadd.s32 $0xFFFFC000  }
0x279: {  	[spmem:s2] =	stream.indirect.scatter.add.f32 [tilespmem:s14], [sflag:$0x5], $0x80, s1, s12, $0xb8;
	[tilespmem:$0x1E000] =	vst v63  }
0x27a: {  	_ =	swait.ge [sflag:s19], $0x4000  }
0x27b: {  	s1 =	sld [smem:$0x7F6]  }
0x27c: {  	[sflag:s19] =	ssyncset.done $0x0  }
0x27d: {  	[sflag:s19] =	ssyncadd.s32 $0xFFFFC000  }
0x27e: {  	[tilespmem:s14], [sflag:$0x2] =	stream.indirect.gather [hbm4b:s11+s12], $0x80, s1, s12, $0xb8;
	[tilespmem:$0x1E000] =	vst v63  }
0x27f: {  	_ =	swait.ge [sflag:s20], $0x4000  }
0x280: {  	s1 =	sld [smem:$0x7F7]  }
0x281: {  	[sflag:s20] =	ssyncset.done $0x0  }
0x282: {  	[sflag:s20] =	ssyncadd.s32 $0xFFFFC000  }
0x283: {  	[spmem:s2] =	stream.indirect.scatter.add.f32 [tilespmem:s15], [sflag:$0x6], $0x80, s1, s12, $0xb8;
	[tilespmem:$0x1E000] =	vst v63  }
0x284: {  	_ =	swait.ge [sflag:s21], $0x4000  }
0x285: {  	s1 =	sld [smem:$0x7F8]  }
0x286: {  	[sflag:s21] =	ssyncset.done $0x0  }
0x287: {  	[sflag:s21] =	ssyncadd.s32 $0xFFFFC000  }
0x288: {  	[tilespmem:s15], [sflag:$0x3] =	stream.indirect.gather [hbm4b:s11+s12], $0x80, s1, s12, $0xb8;
	[tilespmem:$0x1E000] =	vst v63  }
0x289: {  	_ =	swait.ge [sflag:s16], $0x4000  }
0x28a: {  	s1 =	sld [smem:$0x7F9]  }
0x28b: {  	[sflag:s16] =	ssyncset.done $0x0  }
0x28c: {  	[sflag:s16] =	ssyncadd.s32 $0xFFFFC000  }
0x28d: {  	[spmem:s2] =	stream.indirect.scatter.add.f32 [tilespmem:s13], [sflag:$0x4], $0x80, s1, s12, $0xb8;
	[tilespmem:$0x1E000] =	vst v63  }
0x28e: {  	_ =	swait.ge [sflag:s17], $0x4000  }
0x28f: {  	s1 =	sld [smem:$0x7FA]  }
0x290: {  	[sflag:s17] =	ssyncset.done $0x0  }
0x291: {  	[sflag:s17] =	ssyncadd.s32 $0xFFFFC000  }
0x292: {  	[tilespmem:s13], [sflag:$0x1] =	stream.indirect.gather [hbm4b:s11+s12], $0x80, s1, s12, $0xb8;
	[tilespmem:$0x1E000] =	vst v63  }
0x293: {  	_ =	swait.ge [sflag:s18], $0x4000  }
0x294: {  	s1 =	sld [smem:$0x7FB]  }
0x295: {  	[sflag:s18] =	ssyncset.done $0x0  }
0x296: {  	[sflag:s18] =	ssyncadd.s32 $0xFFFFC000  }
0x297: {  	[spmem:s2] =	stream.indirect.scatter.add.f32 [tilespmem:s14], [sflag:$0x5], $0x80, s1, s12, $0xb8;
	[tilespmem:$0x1E000] =	vst v63  }
0x298: {  	_ =	swait.ge [sflag:s19], $0x4000  }
0x299: {  	s1 =	sld [smem:$0x7FC]  }
0x29a: {  	[sflag:s19] =	ssyncset.done $0x0  }
0x29b: {  	[sflag:s19] =	ssyncadd.s32 $0xFFFFC000  }
0x29c: {  	[tilespmem:s14], [sflag:$0x2] =	stream.indirect.gather [hbm4b:s11+s12], $0x80, s1, s12, $0xb8;
	[tilespmem:$0x1E000] =	vst v63  }
0x29d: {  	_ =	swait.ge [sflag:s20], $0x4000  }
0x29e: {  	[sflag:s20] =	ssyncset.done $0x0  }
0x29f: {  	[sflag:s20] =	ssyncadd.s32 $0xFFFFC000  }
0x2a0: {  	[spmem:s2] =	stream.indirect.scatter.add.f32 [tilespmem:s15], [sflag:$0x6], $0x80, s22, s12, $0xb8;
	[tilespmem:$0x1E000] =	vst v63  }
0x2a1: {  	_ =	swait.ge [sflag:s21], $0x4000  }
0x2a2: {  	[sflag:s21] =	ssyncset.done $0x0  }
0x2a3: {  	[sflag:s21] =	ssyncadd.s32 $0xFFFFC000  }
0x2a4: {  	[tilespmem:s15], [sflag:$0x3] =	stream.indirect.gather [hbm4b:s11+s12], $0x80, s23, s12, $0xb8;
	[tilespmem:$0x1E000] =	vst v63  }
0x2a5: {  	_ =	swait.ge [sflag:s16], $0x4000  }
0x2a6: {  	[sflag:s16] =	ssyncset.done $0x0  }
0x2a7: {  	[sflag:s16] =	ssyncadd.s32 $0xFFFFC000  }
0x2a8: {  	[spmem:s2] =	stream.indirect.scatter.add.f32 [tilespmem:s13], [sflag:$0x4], $0x80, s24, s12, $0xb8;
	[tilespmem:$0x1E000] =	vst v63  }
0x2a9: {  	_ =	swait.ge [sflag:s17], $0x4000  }
0x2aa: {  	[sflag:s17] =	ssyncset.done $0x0  }
0x2ab: {  	[sflag:s17] =	ssyncadd.s32 $0xFFFFC000  }
0x2ac: {  	[tilespmem:s13], [sflag:$0x1] =	stream.indirect.gather [hbm4b:s11+s12], $0x80, s25, s12, $0xb8;
	[tilespmem:$0x1E000] =	vst v63  }
0x2ad: {  	_ =	swait.ge [sflag:s18], $0x4000  }
0x2ae: {  	[sflag:s18] =	ssyncset.done $0x0  }
0x2af: {  	[sflag:s18] =	ssyncadd.s32 $0xFFFFC000  }
0x2b0: {  	[spmem:s2] =	stream.indirect.scatter.add.f32 [tilespmem:s14], [sflag:$0x5], $0x80, s26, s12, $0xb8;
	[tilespmem:$0x1E000] =	vst v63  }
0x2b1: {  	_ =	swait.ge [sflag:s19], $0x4000  }
0x2b2: {  	[sflag:s19] =	ssyncset.done $0x0  }
0x2b3: {  	[sflag:s19] =	ssyncadd.s32 $0xFFFFC000  }
0x2b4: {  	[tilespmem:s14], [sflag:$0x2] =	stream.indirect.gather [hbm4b:s11+s12], $0x80, s28, s12, $0xb8;
	[tilespmem:$0x1E000] =	vst v63  }
0x2b5: {  	_ =	swait.ge [sflag:s20], $0x4000  }
0x2b6: {  	[sflag:s20] =	ssyncset.done $0x0  }
0x2b7: {  	[sflag:s20] =	ssyncadd.s32 $0xFFFFC000  }
0x2b8: {  	[spmem:s2] =	stream.indirect.scatter.add.f32 [tilespmem:s15], [sflag:$0x6], $0x80, s29, s12, $0xb8;
	[tilespmem:$0x1E000] =	vst v63  }
0x2b9: {  	_ =	swait.ge [sflag:s16], $0x4000  }
0x2ba: {  	[sflag:s16] =	ssyncset.done $0x0  }
0x2bb: {  	[sflag:s16] =	ssyncadd.s32 $0xFFFFC000  }
0x2bc: {  	[spmem:s2] =	stream.indirect.scatter.add.f32 [tilespmem:s13], [sflag:$0x4], $0x80, s30, s12, $0xb8;
	[tilespmem:$0x1E000] =	vst v63  }
0x2bd: {  	_ =	swait.ge [sflag:s18], $0x4000  }
0x2be: {  	[sflag:s18] =	ssyncset.done $0x0  }
0x2bf: {  	[sflag:s18] =	ssyncadd.s32 $0xFFFFC000  }
0x2c0: {  	[spmem:s2] =	stream.indirect.scatter.add.f32 [tilespmem:s14], [sflag:$0x5], $0x80, s31, s12, $0xb8;
	[tilespmem:$0x1E000] =	vst v63  }
0x2c1: {  	_ =	swait.ge [sflag:s21], $0x4000  }
0x2c2: {  	[sflag:s21] =	ssyncset.done $0x0  }
0x2c3: {  	[sflag:s21] =	ssyncadd.s32 $0xFFFFC000  }
0x2c4: {  	_ =	swait.ge [sflag:s17], $0x4000  }
0x2c5: {  	[sflag:s17] =	ssyncset.done $0x0  }
0x2c6: {  	[sflag:s17] =	ssyncadd.s32 $0xFFFFC000  }
0x2c7: {  	_ =	swait.ge [sflag:s19], $0x4000  }
0x2c8: {  	[sflag:s19] =	ssyncset.done $0x0  }
0x2c9: {  	p0 =	sne.s32 s0, $0x1;
	[sflag:s19] =	ssyncadd.s32 $0xFFFFC000  }
.Ltmp1:
0x2ca: {  	[bflag:$0x0] =	sbarrier.arrive $0xFFFF;
	(pc) =	sbr.rel @p0 .LBB2_1-.Ltmp1, $4  }
0x2cb: {  	s1 =	rddreg [dreg:$0x7]  }
0x2cc: {  	[hbm:s1], [sflag:s5] =	dma.local [spmem:s7], $0x2000  }
0x2cd: {  	_ =	swait.ge [sflag:s6], $0x2000  }
0x2ce: {  	s0 =	sadd.s32 $0xFFFFFFFF, s0;
	[sflag:s6] =	ssyncset.done $0x0  }
.LBB2_2:
0x2cf: {  	[sflag:s6] =	ssyncadd.s32 $0xFFFFE000  }
0x2d0: {  	_ =	sfence.sel $0x180000  }
0x2d1: {  	[bflag:$0x0] =	sbarrier.arrive $0xFFFF  }
0x2d2: {  	_ =	strace $0x9000004A  }
0x2d3: {  	s0 =	stileid.u32;
	[bflag:$0x2] =	sbarrier.arrive $0xFFFF  }
0x2d4: {  	p0 =	sne.s32 s0, $0x0;
	s0 =	rddreg [dreg:$0x2]  }
0x2d5: {  	s0 =	sadd.s32 @!p0 $0x100000, s0  }
0x2d6: {  	[sflag:s0] =	ssyncadd.tile.s32 @!p0 $0x1;
	_ =	shalt  }
.Lfunc_end2:
_tile_overlayer_lowered:
.L_overlay_start_2:
0x2d7: {  	(tag) =	ssettag $0x2  }
0x2d8: {  	s0 =	rddreg [dreg:$0x0];
	s2 =	stileid.u32  }
0x2d9: {  	s1 =	rddreg [dreg:$0x1];
	p0 =	sne.s32 s2, $0x0  }
0x2da: {  	s3 =	rddreg [dreg:$0x2];
	[bflag:$0x3] =	sbarrier.arrive $0xFFFF;
	s2 =	simm.s32 @!p0 $0x1C07  }
0x2db: {  	[timem:s3], [sflag:s2] =	dma.local @!p0 [hbm:s0], s1  }
0x2dc: {  	s0 =	simm.s32 @!p0 $0x7  }
0x2dd: {  	_ =	swait.ge @!p0 [sflag:s0], s1  }
0x2de: {  	s1 =	ssub.s32 @!p0 $0x0, s1;
	[sflag:s0] =	ssyncset.done @!p0 $0x0  }
0x2df: {  	[sflag:s0] =	ssyncadd.s32 @!p0 s1  }
0x2e0: {  	[bflag:$0x3] =	sbarrier.arrive $0xFFFF  }
0x2e1: {  	_ =	shalt  }

</sc_bundles>
